<compile_context>
chip_gen: v7x
topology: tpu7x:2x2x1
jax: 0.10.2.dev20260603
libtpu: 0.0.44.dev20260713+nightly
codegen_flags: <defaults>
</compile_context>

<pallas_src>
import functools

import jax
import jax.numpy as jnp
from jax import lax
from jax.experimental import pallas as pl
from jax.experimental.pallas import tpu as pltpu
from jax.experimental.pallas import tpu_sc as plsc

_N = 10000
_E = 20000
_H = 64
_EH = 32
_EHP = _EH + 1
_G = 256
_NCLS = 100
_STEPS = 3

_SC_CORES = 2
_SC_SUBCORES = 16
_NW = _SC_CORES * _SC_SUBCORES
_NP = 10240
_EP = 20480
_EPW = _EP // _NW
_ECH = _EPW // 128
_NPW = _NP // _SC_SUBCORES


def _sc_gather_body(h_hbm, src_hbm, out_hbm, idx_v, rows_v, sem):
    wid = lax.axis_index("s") * _SC_CORES + lax.axis_index("c")
    pltpu.sync_copy(src_hbm.at[pl.ds(wid * 8, 8)], idx_v)
    cps = [
        pltpu.async_copy(h_hbm.at[idx_v.at[j]],
                         rows_v.at[pl.ds(j * 128, 128)], sem)
        for j in range(_ECH)
    ]
    for cp in cps:
        cp.wait()
    pltpu.sync_copy(rows_v, out_hbm.at[pl.ds(wid * _EPW, _EPW)])


def _sc_scatter_body(m_hbm, dst_hbm, zero_hbm, out_hbm, idx_v, vals_v, acc_sh,
                     sem):
    cid = lax.axis_index("c")
    sid = lax.axis_index("s")
    wid = sid * _SC_CORES + cid
    ebase = wid * _EPW
    pltpu.sync_copy(zero_hbm.at[pl.ds(sid * _NPW, _NPW)],
                    acc_sh.at[pl.ds(sid * _NPW, _NPW)])
    pltpu.sync_copy(m_hbm.at[pl.ds(ebase, _EPW)], vals_v)
    pltpu.sync_copy(dst_hbm.at[pl.ds(wid * 8, 8)], idx_v)
    plsc.subcore_barrier()
    cps = [
        pltpu.async_copy(vals_v.at[pl.ds(j * 128, 128)],
                         acc_sh.at[idx_v.at[j]], sem, add=True)
        for j in range(_ECH)
    ]
    for cp in cps:
        cp.wait()
    plsc.subcore_barrier()
    pltpu.sync_copy(acc_sh.at[pl.ds(sid * _NPW, _NPW)],
                    out_hbm.at[pl.ds(cid * _NP + sid * _NPW, _NPW)])


_GP = 272
_NPT = _NP // _NW


def _sc_readout_body(h_hbm, hw_hbm, idsb_hbm, zz_hbm, ni_hbm,
                     osum_hbm, omax_hbm, h_v, hw_v, ids_v, sacc, macc):
    wid = lax.axis_index("s") * _SC_CORES + lax.axis_index("c")
    base = wid * _NPT
    pltpu.sync_copy(h_hbm.at[pl.ds(base, _NPT)], h_v)
    pltpu.sync_copy(hw_hbm.at[pl.ds(base, _NPT)], hw_v)
    pltpu.sync_copy(idsb_hbm.at[pl.ds(base, _NPT)], ids_v)
    pltpu.sync_copy(zz_hbm, sacc)
    pltpu.sync_copy(ni_hbm, macc)

    def body(i, carry):
        r = (i % 8) * (_NPT // 8) + i // 8
        gid = ids_v[r]
        for c in range(_H // 16):
            col = lax.iota(jnp.int32, 16) + (16 * c)
            hv = h_v[r, pl.ds(16 * c, 16)]
            cm = plsc.load_gather(macc, [gid, col])
            plsc.store_scatter(macc, [gid, col], jnp.maximum(cm, hv))
            wv = hw_v[r, pl.ds(16 * c, 16)]
            cs = plsc.load_gather(sacc, [gid, col])
            plsc.store_scatter(sacc, [gid, col], cs + wv)
        return carry

    lax.fori_loop(0, _NPT, body, 0)
    pltpu.sync_copy(sacc, osum_hbm.at[wid])
    pltpu.sync_copy(macc, omax_hbm.at[wid])


@functools.lru_cache(maxsize=None)
def _sc_kernels():
    mesh = plsc.VectorSubcoreMesh(core_axis_name="c", subcore_axis_name="s")
    params = pltpu.CompilerParams(use_tc_tiling_on_sc=False)
    gather = pl.kernel(
        _sc_gather_body,
        out_type=jax.ShapeDtypeStruct((_EP, _H), jnp.float32),
        mesh=mesh,
        compiler_params=params,
        scratch_types=[
            pltpu.VMEM((8, 128), jnp.int32),
            pltpu.VMEM((_EPW, _H), jnp.float32),
            pltpu.SemaphoreType.DMA,
        ],
    )
    scatter = pl.kernel(
        _sc_scatter_body,
        out_type=jax.ShapeDtypeStruct((_SC_CORES * _NP, _H), jnp.float32),
        mesh=mesh,
        compiler_params=params,
        scratch_types=[
            pltpu.VMEM((8, 128), jnp.int32),
            pltpu.VMEM((_EPW, _H), jnp.float32),
            pltpu.VMEM_SHARED((_NP, _H), jnp.float32),
            pltpu.SemaphoreType.DMA,
        ],
    )
    readout = pl.kernel(
        _sc_readout_body,
        out_type=[jax.ShapeDtypeStruct((_NW, _GP, _H), jnp.float32),
                  jax.ShapeDtypeStruct((_NW, _GP, _H), jnp.float32)],
        mesh=mesh,
        compiler_params=pltpu.CompilerParams(use_tc_tiling_on_sc=False,
                                             needs_layout_passes=False),
        scratch_types=[
            pltpu.VMEM((_NPT, _H), jnp.float32),
            pltpu.VMEM((_NPT, _H), jnp.float32),
            pltpu.VMEM((_NPT, 16), jnp.int32),
            pltpu.VMEM((_GP, _H), jnp.float32),
            pltpu.VMEM((_GP, _H), jnp.float32),
        ],
    )
    return gather, scatter, readout



def _prep_body(nf_ref, ef_ref, wp_ref, bp_ref, we_ref, be_ref, h_ref, re_ref):
    i = pl.program_id(0)
    r = jnp.maximum(ef_ref[...] @ we_ref[...] + be_ref[...], 0.0)
    ci = lax.broadcasted_iota(jnp.int32, r.shape, 1)
    re_ref[...] = jnp.where(ci < _EH, r, 1.0)

    @pl.when(i < _NP // 1024)
    def _():
        h_ref[...] = jnp.maximum(nf_ref[...] @ wp_ref[...] + bp_ref[...], 0.0)


def _msg_body(hs_ref, re_ref, w2_ref, m_ref):
    hs_b = hs_ref[...].astype(jnp.bfloat16)
    re_b = re_ref[...].astype(jnp.bfloat16)
    hs_t = jnp.concatenate([hs_b] * _EHP, axis=1)
    re_x = jnp.concatenate(
        [jnp.broadcast_to(re_b[:, k:k + 1], re_b.shape[:1] + (_H,))
         for k in range(_EHP)], axis=1)
    m_ref[...] = jax.lax.dot(hs_t * re_x, w2_ref[...],
                             preferred_element_type=jnp.float32)


def _gru_body(aa_ref, ab_ref, h_ref, bc_ref, wih_ref, whh_ref, bih_ref,
              bhh_ref, ww_ref, bw_ref, o_ref, hw_ref):
    x = jnp.maximum(aa_ref[...] + ab_ref[...] + bc_ref[...], 0.0)
    h = h_ref[...]
    gi = x @ wih_ref[...] + bih_ref[...]
    gh = h @ whh_ref[...] + bhh_ref[...]
    r = jax.nn.sigmoid(gi[:, 0:_H] + gh[:, 0:_H])
    z = jax.nn.sigmoid(gi[:, _H:2 * _H] + gh[:, _H:2 * _H])
    n = jnp.tanh(gi[:, 2 * _H:] + r * gh[:, 2 * _H:])
    hn = (1.0 - z) * n + z * h
    o_ref[...] = hn
    w = jax.nn.sigmoid(
        jnp.sum(hn * ww_ref[...], axis=1, keepdims=True) + bw_ref[...])
    hw_ref[...] = hn * w


def _fin_body(sp_ref, mp_ref, wff_ref, bff_ref, o_ref):
    s = jnp.sum(sp_ref[...], axis=0)
    mx = jnp.max(mp_ref[...], axis=0)
    hg = jnp.concatenate([s[:_G], mx[:_G]], axis=1)
    o_ref[...] = hg @ wff_ref[...] + bff_ref[...]


def _full(a):
    return pl.BlockSpec(a.shape, lambda i: tuple(0 for _ in a.shape))


def _prep_call(nf, ef, wp, bp, we, be):
    nblk = _NP // 1024
    return pl.pallas_call(
        _prep_body,
        grid=(_EP // 1024,),
        in_specs=[
            pl.BlockSpec((1024, nf.shape[1]),
                         lambda i: (jnp.minimum(i, nblk - 1), 0)),
            pl.BlockSpec((1024, ef.shape[1]), lambda i: (i, 0)),
            _full(wp), _full(bp), _full(we), _full(be),
        ],
        out_specs=[
            pl.BlockSpec((1024, _H), lambda i: (jnp.minimum(i, nblk - 1), 0)),
            pl.BlockSpec((1024, _EHP), lambda i: (i, 0)),
        ],
        out_shape=[jax.ShapeDtypeStruct((_NP, _H), jnp.float32),
                   jax.ShapeDtypeStruct((_EP, _EHP), jnp.float32)],
    )(nf, ef, wp, bp, we, be)


def _msg_call(hs, re33, w2f, blk):
    n = hs.shape[0]
    return pl.pallas_call(
        _msg_body,
        grid=(n // blk,),
        in_specs=[
            pl.BlockSpec((blk, _H), lambda i: (i, 0)),
            pl.BlockSpec((blk, _EHP), lambda i: (i, 0)),
            _full(w2f),
        ],
        out_specs=pl.BlockSpec((blk, _H), lambda i: (i, 0)),
        out_shape=jax.ShapeDtypeStruct((n, _H), jnp.float32),
    )(hs, re33, w2f)


def _gru_call(agg_a, agg_b, h, bc, wih, whh, bih, bhh, ww, bw, blk):
    n = h.shape[0]
    rowspec = pl.BlockSpec((blk, _H), lambda i: (i, 0))
    return pl.pallas_call(
        _gru_body,
        grid=(n // blk,),
        in_specs=[rowspec, rowspec, rowspec, _full(bc), _full(wih),
                  _full(whh), _full(bih), _full(bhh), _full(ww), _full(bw)],
        out_specs=[rowspec, rowspec],
        out_shape=[jax.ShapeDtypeStruct((n, _H), jnp.float32),
                   jax.ShapeDtypeStruct((n, _H), jnp.float32)],
    )(agg_a, agg_b, h, bc, wih, whh, bih, bhh, ww, bw)


def _fin_call(spart, mpart, wff, bff):
    return pl.pallas_call(
        _fin_body,
        grid=(1,),
        in_specs=[_full(spart), _full(mpart), _full(wff), _full(bff)],
        out_specs=pl.BlockSpec((_G, _NCLS), lambda i: (0, 0)),
        out_shape=jax.ShapeDtypeStruct((_G, _NCLS), jnp.float32),
    )(spart, mpart, wff, bff)



def kernel(node_feats, edge_feats, edge_index, graph_ids, W_proj, b_proj,
           W_e1, b_e1, W_e2, b_e2, b_conv, W_ih, W_hh, b_ih, b_hh, W_w, b_w,
           W_ff, b_ff):
    nf = jnp.pad(node_feats, ((0, _NP - _N), (0, 0)))
    ef = jnp.pad(edge_feats, ((0, _EP - _E), (0, 0)))
    src = jnp.pad(edge_index[0], (0, _EP - _E))
    dump = _N + (jnp.arange(_EP - _E, dtype=jnp.int32) % (_NP - _N))
    dst = jnp.concatenate([edge_index[1], dump])
    src2 = jnp.pad(src.reshape(_NW, _ECH, 128),
                   ((0, 0), (0, 8 - _ECH), (0, 0))).reshape(_NW * 8, 128)
    dst2 = jnp.pad(dst.reshape(_NW, _ECH, 128),
                   ((0, 0), (0, 8 - _ECH), (0, 0))).reshape(_NW * 8, 128)
    gids = jnp.pad(graph_ids, (0, _NP - _N), constant_values=_G)
    idsb = jnp.broadcast_to(gids[:, None], (_NP, 16))
    zeros_n = jnp.zeros((_NP, _H), jnp.float32)
    zeros_g = jnp.zeros((_GP, _H), jnp.float32)
    ninf_g = jnp.full((_GP, _H), -jnp.inf, jnp.float32)

    w_e1p = jnp.pad(W_e1, ((0, 0), (0, 1)))
    b_e1p = jnp.pad(b_e1, (0, 1)).reshape(1, _EHP)
    w2all = jnp.concatenate(
        [W_e2.reshape(_EH, _H, _H), b_e2.reshape(1, _H, _H)], axis=0)
    w2f = w2all.reshape(_EHP * _H, _H).astype(jnp.bfloat16)
    wih_t = W_ih.T
    whh_t = W_hh.T

    h0, re33 = _prep_call(nf, ef, W_proj, b_proj.reshape(1, _H), w_e1p, b_e1p)

    sc_gather, sc_scatter, sc_readout = _sc_kernels()
    h = h0
    hw = h0
    for _ in range(_STEPS):
        hs = sc_gather(h, src2)
        m = _msg_call(hs, re33, w2f, 2048)
        agg2 = sc_scatter(m, dst2, zeros_n)
        h, hw = _gru_call(agg2[:_NP], agg2[_NP:], h,
                          b_conv.reshape(1, _H), wih_t, whh_t,
                          b_ih.reshape(1, 3 * _H), b_hh.reshape(1, 3 * _H),
                          W_w.reshape(1, _H), b_w.reshape(1, 1), 2048)

    spart, mpart = sc_readout(h, hw, idsb, zeros_g, ninf_g)
    return _fin_call(spart, mpart, W_ff, b_ff.reshape(1, _NCLS))

# --- scband reference (transcript-rebuilt; emitter-appended) ---
"""Pipeline reference for scband-my-gnn-23751169147066 (READ-ONLY COPY).

The authoritative reference and input builder live on the scoring server;
editing this copy changes nothing except your own understanding.
"""

import jax, jax.numpy as jnp
import numpy as np

N_NODES = 10000
N_EDGES = 20000
N_GRAPHS = 256
NODE_IN = 74
EDGE_IN = 12
H = 64
EH = 32
STEPS = 3
N_CLASSES = 100


def setup_inputs(seed: int = 0):
    key = jax.random.key(seed)
    ks = jax.random.split(key, 16)
    s = 0.1
    inp = {}
    inp['node_feats'] = jax.random.normal(ks[0], (N_NODES, NODE_IN), dtype=jnp.float32)
    inp['edge_feats'] = jax.random.normal(ks[1], (N_EDGES, EDGE_IN), dtype=jnp.float32)
    inp['edge_index'] = jax.random.randint(ks[2], (2, N_EDGES), 0, N_NODES, dtype=jnp.int32)
    inp['graph_ids'] = jnp.sort(jax.random.randint(ks[3], (N_NODES,), 0, N_GRAPHS, dtype=jnp.int32))
    inp['W_proj'] = jax.random.normal(ks[4], (NODE_IN, H), dtype=jnp.float32) * s
    inp['b_proj'] = jnp.zeros((H,), dtype=jnp.float32)
    inp['W_e1'] = jax.random.normal(ks[5], (EDGE_IN, EH), dtype=jnp.float32) * s
    inp['b_e1'] = jnp.zeros((EH,), dtype=jnp.float32)
    inp['W_e2'] = jax.random.normal(ks[6], (EH, H * H), dtype=jnp.float32) * s
    inp['b_e2'] = jnp.zeros((H * H,), dtype=jnp.float32)
    inp['b_conv'] = jnp.zeros((H,), dtype=jnp.float32)
    inp['W_ih'] = jax.random.normal(ks[7], (3 * H, H), dtype=jnp.float32) * s
    inp['W_hh'] = jax.random.normal(ks[8], (3 * H, H), dtype=jnp.float32) * s
    inp['b_ih'] = jnp.zeros((3 * H,), dtype=jnp.float32)
    inp['b_hh'] = jnp.zeros((3 * H,), dtype=jnp.float32)
    inp['W_w'] = jax.random.normal(ks[9], (H, 1), dtype=jnp.float32) * s
    inp['b_w'] = jnp.zeros((1,), dtype=jnp.float32)
    inp['W_ff'] = jax.random.normal(ks[10], (2 * H, N_CLASSES), dtype=jnp.float32) * s
    inp['b_ff'] = jnp.zeros((N_CLASSES,), dtype=jnp.float32)
    return inp


def _gru_cell(x, h, W_ih, W_hh, b_ih, b_hh):
    gi = x @ W_ih.T + b_ih
    gh = h @ W_hh.T + b_hh
    i_r, i_z, i_n = jnp.split(gi, 3, axis=-1)
    h_r, h_z, h_n = jnp.split(gh, 3, axis=-1)
    r = jax.nn.sigmoid(i_r + h_r)
    z = jax.nn.sigmoid(i_z + h_z)
    n = jnp.tanh(i_n + r * h_n)
    return (1.0 - z) * n + z * h


def reference(node_feats, edge_feats, edge_index, graph_ids, W_proj, b_proj, W_e1, b_e1, W_e2, b_e2, b_conv, W_ih, W_hh, b_ih, b_hh, W_w, b_w, W_ff, b_ff):
    src = edge_index[0]
    dst = edge_index[1]
    # MPNNGNN: project node feats
    h = jax.nn.relu(node_feats @ W_proj + b_proj)
    hidden = h
    # NNConv edge network: edge_feats -> [E, H, H] per-edge weight matrices
    ew = (jax.nn.relu(edge_feats @ W_e1 + b_e1) @ W_e2 + b_e2).reshape(N_EDGES, H, H)
    for _ in range(STEPS):
        # message: h_src @ W_e  (u_mul_e then sum over in-dim)
        m = jnp.einsum('ei,eio->eo', h[src], ew)
        agg = jax.ops.segment_sum(m, dst, num_segments=N_NODES) + b_conv
        x = jax.nn.relu(agg)
        hidden = _gru_cell(x, hidden, W_ih, W_hh, b_ih, b_hh)
        h = hidden
    # WeightedSumAndMax readout over batched graphs
    w = jax.nn.sigmoid(h @ W_w + b_w)
    h_sum = jax.ops.segment_sum(h * w, graph_ids, num_segments=N_GRAPHS)
    h_max = jax.ops.segment_max(h, graph_ids, num_segments=N_GRAPHS)
    hg = jnp.concatenate([h_sum, h_max], axis=1)
    return hg @ W_ff + b_ff

if __name__ == "__main__":
    import jax
    _d = setup_inputs()
    print(jax.jit(kernel)(*tuple(_d.values())))

</pallas_src>

<mosaic_0001>
#map = affine_map<(d0, d1) -> (0, 0)>
module attributes {stable_mosaic.version = 14 : i64} {
  func.func @_sc_gather_body(%arg0: i32, %arg1: i32, %arg2: memref<10240x64xf32, #tpu.memory_space<hbm>>, %arg3: memref<256x128xi32, #tpu.memory_space<hbm>>, %arg4: memref<20480x64xf32, #tpu.memory_space<hbm>>, %arg5: memref<8x128xi32, #tpu.memory_space<vmem>>, %arg6: memref<640x64xf32, #tpu.memory_space<vmem>>, %arg7: memref<!tpu.dma_semaphore, #tpu.memory_space<semaphore_mem>>) attributes {dimension_semantics = [#tpu.dimension_semantics<core_parallel>, #tpu.dimension_semantics<subcore_parallel>], iteration_bounds = array<i64: 2, 16>, scalar_prefetch = 0 : i64, scratch_operands = 3 : i64, tpu.core_type = #tpu.core_type<sc_vector_subcore>, window_params = [{transform_indices = #map}, {transform_indices = #map}, {transform_indices = #map}]} {
    %mul3A = arith.constant 2 : i32
    %mul3A_0 = arith.muli %arg1, %mul3A : i32
    %add3A = arith.addi %mul3A_0, %arg0 : i32
    %mul3A_1 = arith.constant 8 : i32
    %mul3A_2 = arith.muli %add3A, %mul3A_1 : i32
    "tpu.region"() ({
      %run_scoped3A = tpu.sem_alloc : memref<!tpu.dma_semaphore, #tpu.memory_space<semaphore_mem>>
      %dma_start3A_103 = arith.constant 0 : i32
      %dma_start3A_104 = tpu.memref_slice %arg3[%mul3A_2, %dma_start3A_103] : memref<256x128xi32, #tpu.memory_space<hbm>> -> memref<8x128xi32, #tpu.memory_space<hbm>>
      %dma_start3A_105 = arith.constant 0 : i32
      %dma_start3A_106 = tpu.memref_slice %arg3[%mul3A_2, %dma_start3A_105] : memref<256x128xi32, #tpu.memory_space<hbm>> -> memref<8x128xi32, #tpu.memory_space<hbm>>
      tpu.enqueue_dma source(%dma_start3A_106 : memref<8x128xi32, #tpu.memory_space<hbm>>) target(%arg5 : memref<8x128xi32, #tpu.memory_space<vmem>>) target_semaphore(%run_scoped3A : memref<!tpu.dma_semaphore, #tpu.memory_space<semaphore_mem>>)
      %dma_wait3A_107 = arith.constant 0 : i32
      %dma_wait3A_108 = tpu.memref_slice %arg3[%mul3A_2, %dma_wait3A_107] : memref<256x128xi32, #tpu.memory_space<hbm>> -> memref<8x128xi32, #tpu.memory_space<hbm>>
      %dma_wait3A_109 = arith.constant 0 : i32
      %dma_wait3A_110 = tpu.memref_slice %arg3[%mul3A_2, %dma_wait3A_109] : memref<256x128xi32, #tpu.memory_space<hbm>> -> memref<8x128xi32, #tpu.memory_space<hbm>>
      tpu.wait_dma2 semaphore(%run_scoped3A : memref<!tpu.dma_semaphore, #tpu.memory_space<semaphore_mem>>) src(%dma_wait3A_110 : memref<8x128xi32, #tpu.memory_space<hbm>>) dst(%arg5 : memref<8x128xi32, #tpu.memory_space<vmem>>)
      tpu.yield
    }) : () -> ()
    %dma_start3A = arith.constant 0 : i32
    %dma_start3A_3 = arith.constant 0 : i32
    %dma_start3A_4 = arith.constant 0 : i32
    %dma_start3A_5 = tpu.memref_slice %arg6[%dma_start3A_3, %dma_start3A_4] : memref<640x64xf32, #tpu.memory_space<vmem>> -> memref<128x64xf32, #tpu.memory_space<vmem>>
    %dma_start3A_6 = arith.constant 0 : i32
    %dma_start3A_7 = tpu.memref_slice %arg5[%dma_start3A, %dma_start3A_6] : memref<8x128xi32, #tpu.memory_space<vmem>> -> memref<1x128xi32, #tpu.memory_space<vmem>>
    %dma_start3A_8 = tpu.memref_squeeze %dma_start3A_7 : memref<1x128xi32, #tpu.memory_space<vmem>> -> memref<128xi32, #tpu.memory_space<vmem>>
    %dma_start3A_9 = arith.constant 0 : i32
    %dma_start3A_10 = arith.constant 0 : i32
    %dma_start3A_11 = tpu.memref_slice %arg2[%dma_start3A_9, %dma_start3A_10] : memref<10240x64xf32, #tpu.memory_space<hbm>> -> memref<10240x64xf32, #tpu.memory_space<hbm>>
    tpu.enqueue_indirect_dma source(%dma_start3A_11 : memref<10240x64xf32, #tpu.memory_space<hbm>>) target(%dma_start3A_5 : memref<128x64xf32, #tpu.memory_space<vmem>>) offsets(%dma_start3A_8 : memref<128xi32, #tpu.memory_space<vmem>>) semaphore(%arg7 : memref<!tpu.dma_semaphore, #tpu.memory_space<semaphore_mem>>)
    %dma_start3A_12 = arith.constant 1 : i32
    %dma_start3A_13 = arith.constant 128 : i32
    %dma_start3A_14 = arith.constant 0 : i32
    %dma_start3A_15 = tpu.memref_slice %arg6[%dma_start3A_13, %dma_start3A_14] : memref<640x64xf32, #tpu.memory_space<vmem>> -> memref<128x64xf32, #tpu.memory_space<vmem>>
    %dma_start3A_16 = arith.constant 0 : i32
    %dma_start3A_17 = tpu.memref_slice %arg5[%dma_start3A_12, %dma_start3A_16] : memref<8x128xi32, #tpu.memory_space<vmem>> -> memref<1x128xi32, #tpu.memory_space<vmem>>
    %dma_start3A_18 = tpu.memref_squeeze %dma_start3A_17 : memref<1x128xi32, #tpu.memory_space<vmem>> -> memref<128xi32, #tpu.memory_space<vmem>>
    %dma_start3A_19 = arith.constant 0 : i32
    %dma_start3A_20 = arith.constant 0 : i32
    %dma_start3A_21 = tpu.memref_slice %arg2[%dma_start3A_19, %dma_start3A_20] : memref<10240x64xf32, #tpu.memory_space<hbm>> -> memref<10240x64xf32, #tpu.memory_space<hbm>>
    tpu.enqueue_indirect_dma source(%dma_start3A_21 : memref<10240x64xf32, #tpu.memory_space<hbm>>) target(%dma_start3A_15 : memref<128x64xf32, #tpu.memory_space<vmem>>) offsets(%dma_start3A_18 : memref<128xi32, #tpu.memory_space<vmem>>) semaphore(%arg7 : memref<!tpu.dma_semaphore, #tpu.memory_space<semaphore_mem>>)
    %dma_start3A_22 = arith.constant 2 : i32
    %dma_start3A_23 = arith.constant 256 : i32
    %dma_start3A_24 = arith.constant 0 : i32
    %dma_start3A_25 = tpu.memref_slice %arg6[%dma_start3A_23, %dma_start3A_24] : memref<640x64xf32, #tpu.memory_space<vmem>> -> memref<128x64xf32, #tpu.memory_space<vmem>>
    %dma_start3A_26 = arith.constant 0 : i32
    %dma_start3A_27 = tpu.memref_slice %arg5[%dma_start3A_22, %dma_start3A_26] : memref<8x128xi32, #tpu.memory_space<vmem>> -> memref<1x128xi32, #tpu.memory_space<vmem>>
    %dma_start3A_28 = tpu.memref_squeeze %dma_start3A_27 : memref<1x128xi32, #tpu.memory_space<vmem>> -> memref<128xi32, #tpu.memory_space<vmem>>
    %dma_start3A_29 = arith.constant 0 : i32
    %dma_start3A_30 = arith.constant 0 : i32
    %dma_start3A_31 = tpu.memref_slice %arg2[%dma_start3A_29, %dma_start3A_30] : memref<10240x64xf32, #tpu.memory_space<hbm>> -> memref<10240x64xf32, #tpu.memory_space<hbm>>
    tpu.enqueue_indirect_dma source(%dma_start3A_31 : memref<10240x64xf32, #tpu.memory_space<hbm>>) target(%dma_start3A_25 : memref<128x64xf32, #tpu.memory_space<vmem>>) offsets(%dma_start3A_28 : memref<128xi32, #tpu.memory_space<vmem>>) semaphore(%arg7 : memref<!tpu.dma_semaphore, #tpu.memory_space<semaphore_mem>>)
    %dma_start3A_32 = arith.constant 3 : i32
    %dma_start3A_33 = arith.constant 384 : i32
    %dma_start3A_34 = arith.constant 0 : i32
    %dma_start3A_35 = tpu.memref_slice %arg6[%dma_start3A_33, %dma_start3A_34] : memref<640x64xf32, #tpu.memory_space<vmem>> -> memref<128x64xf32, #tpu.memory_space<vmem>>
    %dma_start3A_36 = arith.constant 0 : i32
    %dma_start3A_37 = tpu.memref_slice %arg5[%dma_start3A_32, %dma_start3A_36] : memref<8x128xi32, #tpu.memory_space<vmem>> -> memref<1x128xi32, #tpu.memory_space<vmem>>
    %dma_start3A_38 = tpu.memref_squeeze %dma_start3A_37 : memref<1x128xi32, #tpu.memory_space<vmem>> -> memref<128xi32, #tpu.memory_space<vmem>>
    %dma_start3A_39 = arith.constant 0 : i32
    %dma_start3A_40 = arith.constant 0 : i32
    %dma_start3A_41 = tpu.memref_slice %arg2[%dma_start3A_39, %dma_start3A_40] : memref<10240x64xf32, #tpu.memory_space<hbm>> -> memref<10240x64xf32, #tpu.memory_space<hbm>>
    tpu.enqueue_indirect_dma source(%dma_start3A_41 : memref<10240x64xf32, #tpu.memory_space<hbm>>) target(%dma_start3A_35 : memref<128x64xf32, #tpu.memory_space<vmem>>) offsets(%dma_start3A_38 : memref<128xi32, #tpu.memory_space<vmem>>) semaphore(%arg7 : memref<!tpu.dma_semaphore, #tpu.memory_space<semaphore_mem>>)
    %dma_start3A_42 = arith.constant 4 : i32
    %dma_start3A_43 = arith.constant 512 : i32
    %dma_start3A_44 = arith.constant 0 : i32
    %dma_start3A_45 = tpu.memref_slice %arg6[%dma_start3A_43, %dma_start3A_44] : memref<640x64xf32, #tpu.memory_space<vmem>> -> memref<128x64xf32, #tpu.memory_space<vmem>>
    %dma_start3A_46 = arith.constant 0 : i32
    %dma_start3A_47 = tpu.memref_slice %arg5[%dma_start3A_42, %dma_start3A_46] : memref<8x128xi32, #tpu.memory_space<vmem>> -> memref<1x128xi32, #tpu.memory_space<vmem>>
    %dma_start3A_48 = tpu.memref_squeeze %dma_start3A_47 : memref<1x128xi32, #tpu.memory_space<vmem>> -> memref<128xi32, #tpu.memory_space<vmem>>
    %dma_start3A_49 = arith.constant 0 : i32
    %dma_start3A_50 = arith.constant 0 : i32
    %dma_start3A_51 = tpu.memref_slice %arg2[%dma_start3A_49, %dma_start3A_50] : memref<10240x64xf32, #tpu.memory_space<hbm>> -> memref<10240x64xf32, #tpu.memory_space<hbm>>
    tpu.enqueue_indirect_dma source(%dma_start3A_51 : memref<10240x64xf32, #tpu.memory_space<hbm>>) target(%dma_start3A_45 : memref<128x64xf32, #tpu.memory_space<vmem>>) offsets(%dma_start3A_48 : memref<128xi32, #tpu.memory_space<vmem>>) semaphore(%arg7 : memref<!tpu.dma_semaphore, #tpu.memory_space<semaphore_mem>>)
    %dma_wait3A = arith.constant 0 : i32
    %dma_wait3A_52 = arith.constant 0 : i32
    %dma_wait3A_53 = arith.constant 0 : i32
    %dma_wait3A_54 = tpu.memref_slice %arg6[%dma_wait3A_52, %dma_wait3A_53] : memref<640x64xf32, #tpu.memory_space<vmem>> -> memref<128x64xf32, #tpu.memory_space<vmem>>
    %dma_wait3A_55 = arith.constant 0 : i32
    %dma_wait3A_56 = tpu.memref_slice %arg5[%dma_wait3A, %dma_wait3A_55] : memref<8x128xi32, #tpu.memory_space<vmem>> -> memref<1x128xi32, #tpu.memory_space<vmem>>
    %dma_wait3A_57 = tpu.memref_squeeze %dma_wait3A_56 : memref<1x128xi32, #tpu.memory_space<vmem>> -> memref<128xi32, #tpu.memory_space<vmem>>
    %dma_wait3A_58 = arith.constant 0 : i32
    %dma_wait3A_59 = arith.constant 0 : i32
    %dma_wait3A_60 = tpu.memref_slice %arg2[%dma_wait3A_58, %dma_wait3A_59] : memref<10240x64xf32, #tpu.memory_space<hbm>> -> memref<10240x64xf32, #tpu.memory_space<hbm>>
    tpu.wait_indirect_dma semaphore(%arg7 : memref<!tpu.dma_semaphore, #tpu.memory_space<semaphore_mem>>) src(%dma_wait3A_60 : memref<10240x64xf32, #tpu.memory_space<hbm>>) dst(%dma_wait3A_54 : memref<128x64xf32, #tpu.memory_space<vmem>>)
    %dma_wait3A_61 = arith.constant 1 : i32
    %dma_wait3A_62 = arith.constant 128 : i32
    %dma_wait3A_63 = arith.constant 0 : i32
    %dma_wait3A_64 = tpu.memref_slice %arg6[%dma_wait3A_62, %dma_wait3A_63] : memref<640x64xf32, #tpu.memory_space<vmem>> -> memref<128x64xf32, #tpu.memory_space<vmem>>
    %dma_wait3A_65 = arith.constant 0 : i32
    %dma_wait3A_66 = tpu.memref_slice %arg5[%dma_wait3A_61, %dma_wait3A_65] : memref<8x128xi32, #tpu.memory_space<vmem>> -> memref<1x128xi32, #tpu.memory_space<vmem>>
    %dma_wait3A_67 = tpu.memref_squeeze %dma_wait3A_66 : memref<1x128xi32, #tpu.memory_space<vmem>> -> memref<128xi32, #tpu.memory_space<vmem>>
    %dma_wait3A_68 = arith.constant 0 : i32
    %dma_wait3A_69 = arith.constant 0 : i32
    %dma_wait3A_70 = tpu.memref_slice %arg2[%dma_wait3A_68, %dma_wait3A_69] : memref<10240x64xf32, #tpu.memory_space<hbm>> -> memref<10240x64xf32, #tpu.memory_space<hbm>>
    tpu.wait_indirect_dma semaphore(%arg7 : memref<!tpu.dma_semaphore, #tpu.memory_space<semaphore_mem>>) src(%dma_wait3A_70 : memref<10240x64xf32, #tpu.memory_space<hbm>>) dst(%dma_wait3A_64 : memref<128x64xf32, #tpu.memory_space<vmem>>)
    %dma_wait3A_71 = arith.constant 2 : i32
    %dma_wait3A_72 = arith.constant 256 : i32
    %dma_wait3A_73 = arith.constant 0 : i32
    %dma_wait3A_74 = tpu.memref_slice %arg6[%dma_wait3A_72, %dma_wait3A_73] : memref<640x64xf32, #tpu.memory_space<vmem>> -> memref<128x64xf32, #tpu.memory_space<vmem>>
    %dma_wait3A_75 = arith.constant 0 : i32
    %dma_wait3A_76 = tpu.memref_slice %arg5[%dma_wait3A_71, %dma_wait3A_75] : memref<8x128xi32, #tpu.memory_space<vmem>> -> memref<1x128xi32, #tpu.memory_space<vmem>>
    %dma_wait3A_77 = tpu.memref_squeeze %dma_wait3A_76 : memref<1x128xi32, #tpu.memory_space<vmem>> -> memref<128xi32, #tpu.memory_space<vmem>>
    %dma_wait3A_78 = arith.constant 0 : i32
    %dma_wait3A_79 = arith.constant 0 : i32
    %dma_wait3A_80 = tpu.memref_slice %arg2[%dma_wait3A_78, %dma_wait3A_79] : memref<10240x64xf32, #tpu.memory_space<hbm>> -> memref<10240x64xf32, #tpu.memory_space<hbm>>
    tpu.wait_indirect_dma semaphore(%arg7 : memref<!tpu.dma_semaphore, #tpu.memory_space<semaphore_mem>>) src(%dma_wait3A_80 : memref<10240x64xf32, #tpu.memory_space<hbm>>) dst(%dma_wait3A_74 : memref<128x64xf32, #tpu.memory_space<vmem>>)
    %dma_wait3A_81 = arith.constant 3 : i32
    %dma_wait3A_82 = arith.constant 384 : i32
    %dma_wait3A_83 = arith.constant 0 : i32
    %dma_wait3A_84 = tpu.memref_slice %arg6[%dma_wait3A_82, %dma_wait3A_83] : memref<640x64xf32, #tpu.memory_space<vmem>> -> memref<128x64xf32, #tpu.memory_space<vmem>>
    %dma_wait3A_85 = arith.constant 0 : i32
    %dma_wait3A_86 = tpu.memref_slice %arg5[%dma_wait3A_81, %dma_wait3A_85] : memref<8x128xi32, #tpu.memory_space<vmem>> -> memref<1x128xi32, #tpu.memory_space<vmem>>
    %dma_wait3A_87 = tpu.memref_squeeze %dma_wait3A_86 : memref<1x128xi32, #tpu.memory_space<vmem>> -> memref<128xi32, #tpu.memory_space<vmem>>
    %dma_wait3A_88 = arith.constant 0 : i32
    %dma_wait3A_89 = arith.constant 0 : i32
    %dma_wait3A_90 = tpu.memref_slice %arg2[%dma_wait3A_88, %dma_wait3A_89] : memref<10240x64xf32, #tpu.memory_space<hbm>> -> memref<10240x64xf32, #tpu.memory_space<hbm>>
    tpu.wait_indirect_dma semaphore(%arg7 : memref<!tpu.dma_semaphore, #tpu.memory_space<semaphore_mem>>) src(%dma_wait3A_90 : memref<10240x64xf32, #tpu.memory_space<hbm>>) dst(%dma_wait3A_84 : memref<128x64xf32, #tpu.memory_space<vmem>>)
    %dma_wait3A_91 = arith.constant 4 : i32
    %dma_wait3A_92 = arith.constant 512 : i32
    %dma_wait3A_93 = arith.constant 0 : i32
    %dma_wait3A_94 = tpu.memref_slice %arg6[%dma_wait3A_92, %dma_wait3A_93] : memref<640x64xf32, #tpu.memory_space<vmem>> -> memref<128x64xf32, #tpu.memory_space<vmem>>
    %dma_wait3A_95 = arith.constant 0 : i32
    %dma_wait3A_96 = tpu.memref_slice %arg5[%dma_wait3A_91, %dma_wait3A_95] : memref<8x128xi32, #tpu.memory_space<vmem>> -> memref<1x128xi32, #tpu.memory_space<vmem>>
    %dma_wait3A_97 = tpu.memref_squeeze %dma_wait3A_96 : memref<1x128xi32, #tpu.memory_space<vmem>> -> memref<128xi32, #tpu.memory_space<vmem>>
    %dma_wait3A_98 = arith.constant 0 : i32
    %dma_wait3A_99 = arith.constant 0 : i32
    %dma_wait3A_100 = tpu.memref_slice %arg2[%dma_wait3A_98, %dma_wait3A_99] : memref<10240x64xf32, #tpu.memory_space<hbm>> -> memref<10240x64xf32, #tpu.memory_space<hbm>>
    tpu.wait_indirect_dma semaphore(%arg7 : memref<!tpu.dma_semaphore, #tpu.memory_space<semaphore_mem>>) src(%dma_wait3A_100 : memref<10240x64xf32, #tpu.memory_space<hbm>>) dst(%dma_wait3A_94 : memref<128x64xf32, #tpu.memory_space<vmem>>)
    %mul3A_101 = arith.constant 640 : i32
    %mul3A_102 = arith.muli %add3A, %mul3A_101 : i32
    "tpu.region"() ({
      %run_scoped3A = tpu.sem_alloc : memref<!tpu.dma_semaphore, #tpu.memory_space<semaphore_mem>>
      %dma_start3A_103 = arith.constant 0 : i32
      %dma_start3A_104 = tpu.memref_slice %arg4[%mul3A_102, %dma_start3A_103] : memref<20480x64xf32, #tpu.memory_space<hbm>> -> memref<640x64xf32, #tpu.memory_space<hbm>>
      %dma_start3A_105 = arith.constant 0 : i32
      %dma_start3A_106 = tpu.memref_slice %arg4[%mul3A_102, %dma_start3A_105] : memref<20480x64xf32, #tpu.memory_space<hbm>> -> memref<640x64xf32, #tpu.memory_space<hbm>>
      tpu.enqueue_dma source(%arg6 : memref<640x64xf32, #tpu.memory_space<vmem>>) target(%dma_start3A_106 : memref<640x64xf32, #tpu.memory_space<hbm>>) target_semaphore(%run_scoped3A : memref<!tpu.dma_semaphore, #tpu.memory_space<semaphore_mem>>)
      %dma_wait3A_107 = arith.constant 0 : i32
      %dma_wait3A_108 = tpu.memref_slice %arg4[%mul3A_102, %dma_wait3A_107] : memref<20480x64xf32, #tpu.memory_space<hbm>> -> memref<640x64xf32, #tpu.memory_space<hbm>>
      %dma_wait3A_109 = arith.constant 0 : i32
      %dma_wait3A_110 = tpu.memref_slice %arg4[%mul3A_102, %dma_wait3A_109] : memref<20480x64xf32, #tpu.memory_space<hbm>> -> memref<640x64xf32, #tpu.memory_space<hbm>>
      tpu.wait_dma2 semaphore(%run_scoped3A : memref<!tpu.dma_semaphore, #tpu.memory_space<semaphore_mem>>) src(%arg6 : memref<640x64xf32, #tpu.memory_space<vmem>>) dst(%dma_wait3A_110 : memref<640x64xf32, #tpu.memory_space<hbm>>)
      tpu.yield
    }) : () -> ()
    return
  }
}

#map = affine_map<(d0, d1) -> (0, 0)>
module attributes {stable_mosaic.version = 14 : i64} {
  func.func @_sc_gather_body(%arg0: i32, %arg1: i32, %arg2: memref<10240x64xf32, #tpu.memory_space<hbm>>, %arg3: memref<256x128xi32, #tpu.memory_space<hbm>>, %arg4: memref<20480x64xf32, #tpu.memory_space<hbm>>, %arg5: memref<8x128xi32, #tpu.memory_space<vmem>>, %arg6: memref<640x64xf32, #tpu.memory_space<vmem>>, %arg7: memref<!tpu.dma_semaphore, #tpu.memory_space<semaphore_mem>>) attributes {dimension_semantics = [#tpu.dimension_semantics<core_parallel>, #tpu.dimension_semantics<subcore_parallel>], iteration_bounds = array<i64: 2, 16>, scalar_prefetch = 0 : i64, scratch_operands = 3 : i64, tpu.core_type = #tpu.core_type<sc_vector_subcore>, window_params = [{transform_indices = #map}, {transform_indices = #map}, {transform_indices = #map}]} {
    %mul3A = arith.constant 2 : i32
    %mul3A_0 = arith.muli %arg1, %mul3A : i32
    %add3A = arith.addi %mul3A_0, %arg0 : i32
    %mul3A_1 = arith.constant 8 : i32
    %mul3A_2 = arith.muli %add3A, %mul3A_1 : i32
    "tpu.region"() ({
      %run_scoped3A = tpu.sem_alloc : memref<!tpu.dma_semaphore, #tpu.memory_space<semaphore_mem>>
      %dma_start3A_103 = arith.constant 0 : i32
      %dma_start3A_104 = tpu.memref_slice %arg3[%mul3A_2, %dma_start3A_103] : memref<256x128xi32, #tpu.memory_space<hbm>> -> memref<8x128xi32, #tpu.memory_space<hbm>>
      %dma_start3A_105 = arith.constant 0 : i32
      %dma_start3A_106 = tpu.memref_slice %arg3[%mul3A_2, %dma_start3A_105] : memref<256x128xi32, #tpu.memory_space<hbm>> -> memref<8x128xi32, #tpu.memory_space<hbm>>
      tpu.enqueue_dma source(%dma_start3A_106 : memref<8x128xi32, #tpu.memory_space<hbm>>) target(%arg5 : memref<8x128xi32, #tpu.memory_space<vmem>>) target_semaphore(%run_scoped3A : memref<!tpu.dma_semaphore, #tpu.memory_space<semaphore_mem>>)
      %dma_wait3A_107 = arith.constant 0 : i32
      %dma_wait3A_108 = tpu.memref_slice %arg3[%mul3A_2, %dma_wait3A_107] : memref<256x128xi32, #tpu.memory_space<hbm>> -> memref<8x128xi32, #tpu.memory_space<hbm>>
      %dma_wait3A_109 = arith.constant 0 : i32
      %dma_wait3A_110 = tpu.memref_slice %arg3[%mul3A_2, %dma_wait3A_109] : memref<256x128xi32, #tpu.memory_space<hbm>> -> memref<8x128xi32, #tpu.memory_space<hbm>>
      tpu.wait_dma2 semaphore(%run_scoped3A : memref<!tpu.dma_semaphore, #tpu.memory_space<semaphore_mem>>) src(%dma_wait3A_110 : memref<8x128xi32, #tpu.memory_space<hbm>>) dst(%arg5 : memref<8x128xi32, #tpu.memory_space<vmem>>)
      tpu.yield
    }) : () -> ()
    %dma_start3A = arith.constant 0 : i32
    %dma_start3A_3 = arith.constant 0 : i32
    %dma_start3A_4 = arith.constant 0 : i32
    %dma_start3A_5 = tpu.memref_slice %arg6[%dma_start3A_3, %dma_start3A_4] : memref<640x64xf32, #tpu.memory_space<vmem>> -> memref<128x64xf32, #tpu.memory_space<vmem>>
    %dma_start3A_6 = arith.constant 0 : i32
    %dma_start3A_7 = tpu.memref_slice %arg5[%dma_start3A, %dma_start3A_6] : memref<8x128xi32, #tpu.memory_space<vmem>> -> memref<1x128xi32, #tpu.memory_space<vmem>>
    %dma_start3A_8 = tpu.memref_squeeze %dma_start3A_7 : memref<1x128xi32, #tpu.memory_space<vmem>> -> memref<128xi32, #tpu.memory_space<vmem>>
    %dma_start3A_9 = arith.constant 0 : i32
    %dma_start3A_10 = arith.constant 0 : i32
    %dma_start3A_11 = tpu.memref_slice %arg2[%dma_start3A_9, %dma_start3A_10] : memref<10240x64xf32, #tpu.memory_space<hbm>> -> memref<10240x64xf32, #tpu.memory_space<hbm>>
    tpu.enqueue_indirect_dma source(%dma_start3A_11 : memref<10240x64xf32, #tpu.memory_space<hbm>>) target(%dma_start3A_5 : memref<128x64xf32, #tpu.memory_space<vmem>>) offsets(%dma_start3A_8 : memref<128xi32, #tpu.memory_space<vmem>>) semaphore(%arg7 : memref<!tpu.dma_semaphore, #tpu.memory_space<semaphore_mem>>)
    %dma_start3A_12 = arith.constant 1 : i32
    %dma_start3A_13 = arith.constant 128 : i32
    %dma_start3A_14 = arith.constant 0 : i32
    %dma_start3A_15 = tpu.memref_slice %arg6[%dma_start3A_13, %dma_start3A_14] : memref<640x64xf32, #tpu.memory_space<vmem>> -> memref<128x64xf32, #tpu.memory_space<vmem>>
    %dma_start3A_16 = arith.constant 0 : i32
    %dma_start3A_17 = tpu.memref_slice %arg5[%dma_start3A_12, %dma_start3A_16] : memref<8x128xi32, #tpu.memory_space<vmem>> -> memref<1x128xi32, #tpu.memory_space<vmem>>
    %dma_start3A_18 = tpu.memref_squeeze %dma_start3A_17 : memref<1x128xi32, #tpu.memory_space<vmem>> -> memref<128xi32, #tpu.memory_space<vmem>>
    %dma_start3A_19 = arith.constant 0 : i32
    %dma_start3A_20 = arith.constant 0 : i32
    %dma_start3A_21 = tpu.memref_slice %arg2[%dma_start3A_19, %dma_start3A_20] : memref<10240x64xf32, #tpu.memory_space<hbm>> -> memref<10240x64xf32, #tpu.memory_space<hbm>>
    tpu.enqueue_indirect_dma source(%dma_start3A_21 : memref<10240x64xf32, #tpu.memory_space<hbm>>) target(%dma_start3A_15 : memref<128x64xf32, #tpu.memory_space<vmem>>) offsets(%dma_start3A_18 : memref<128xi32, #tpu.memory_space<vmem>>) semaphore(%arg7 : memref<!tpu.dma_semaphore, #tpu.memory_space<semaphore_mem>>)
    %dma_start3A_22 = arith.constant 2 : i32
    %dma_start3A_23 = arith.constant 256 : i32
    %dma_start3A_24 = arith.constant 0 : i32
    %dma_start3A_25 = tpu.memref_slice %arg6[%dma_start3A_23, %dma_start3A_24] : memref<640x64xf32, #tpu.memory_space<vmem>> -> memref<128x64xf32, #tpu.memory_space<vmem>>
    %dma_start3A_26 = arith.constant 0 : i32
    %dma_start3A_27 = tpu.memref_slice %arg5[%dma_start3A_22, %dma_start3A_26] : memref<8x128xi32, #tpu.memory_space<vmem>> -> memref<1x128xi32, #tpu.memory_space<vmem>>
    %dma_start3A_28 = tpu.memref_squeeze %dma_start3A_27 : memref<1x128xi32, #tpu.memory_space<vmem>> -> memref<128xi32, #tpu.memory_space<vmem>>
    %dma_start3A_29 = arith.constant 0 : i32
    %dma_start3A_30 = arith.constant 0 : i32
    %dma_start3A_31 = tpu.memref_slice %arg2[%dma_start3A_29, %dma_start3A_30] : memref<10240x64xf32, #tpu.memory_space<hbm>> -> memref<10240x64xf32, #tpu.memory_space<hbm>>
    tpu.enqueue_indirect_dma source(%dma_start3A_31 : memref<10240x64xf32, #tpu.memory_space<hbm>>) target(%dma_start3A_25 : memref<128x64xf32, #tpu.memory_space<vmem>>) offsets(%dma_start3A_28 : memref<128xi32, #tpu.memory_space<vmem>>) semaphore(%arg7 : memref<!tpu.dma_semaphore, #tpu.memory_space<semaphore_mem>>)
    %dma_start3A_32 = arith.constant 3 : i32
    %dma_start3A_33 = arith.constant 384 : i32
    %dma_start3A_34 = arith.constant 0 : i32
    %dma_start3A_35 = tpu.memref_slice %arg6[%dma_start3A_33, %dma_start3A_34] : memref<640x64xf32, #tpu.memory_space<vmem>> -> memref<128x64xf32, #tpu.memory_space<vmem>>
    %dma_start3A_36 = arith.constant 0 : i32
    %dma_start3A_37 = tpu.memref_slice %arg5[%dma_start3A_32, %dma_start3A_36] : memref<8x128xi32, #tpu.memory_space<vmem>> -> memref<1x128xi32, #tpu.memory_space<vmem>>
    %dma_start3A_38 = tpu.memref_squeeze %dma_start3A_37 : memref<1x128xi32, #tpu.memory_space<vmem>> -> memref<128xi32, #tpu.memory_space<vmem>>
    %dma_start3A_39 = arith.constant 0 : i32
    %dma_start3A_40 = arith.constant 0 : i32
    %dma_start3A_41 = tpu.memref_slice %arg2[%dma_start3A_39, %dma_start3A_40] : memref<10240x64xf32, #tpu.memory_space<hbm>> -> memref<10240x64xf32, #tpu.memory_space<hbm>>
    tpu.enqueue_indirect_dma source(%dma_start3A_41 : memref<10240x64xf32, #tpu.memory_space<hbm>>) target(%dma_start3A_35 : memref<128x64xf32, #tpu.memory_space<vmem>>) offsets(%dma_start3A_38 : memref<128xi32, #tpu.memory_space<vmem>>) semaphore(%arg7 : memref<!tpu.dma_semaphore, #tpu.memory_space<semaphore_mem>>)
    %dma_start3A_42 = arith.constant 4 : i32
    %dma_start3A_43 = arith.constant 512 : i32
    %dma_start3A_44 = arith.constant 0 : i32
    %dma_start3A_45 = tpu.memref_slice %arg6[%dma_start3A_43, %dma_start3A_44] : memref<640x64xf32, #tpu.memory_space<vmem>> -> memref<128x64xf32, #tpu.memory_space<vmem>>
    %dma_start3A_46 = arith.constant 0 : i32
    %dma_start3A_47 = tpu.memref_slice %arg5[%dma_start3A_42, %dma_start3A_46] : memref<8x128xi32, #tpu.memory_space<vmem>> -> memref<1x128xi32, #tpu.memory_space<vmem>>
    %dma_start3A_48 = tpu.memref_squeeze %dma_start3A_47 : memref<1x128xi32, #tpu.memory_space<vmem>> -> memref<128xi32, #tpu.memory_space<vmem>>
    %dma_start3A_49 = arith.constant 0 : i32
    %dma_start3A_50 = arith.constant 0 : i32
    %dma_start3A_51 = tpu.memref_slice %arg2[%dma_start3A_49, %dma_start3A_50] : memref<10240x64xf32, #tpu.memory_space<hbm>> -> memref<10240x64xf32, #tpu.memory_space<hbm>>
    tpu.enqueue_indirect_dma source(%dma_start3A_51 : memref<10240x64xf32, #tpu.memory_space<hbm>>) target(%dma_start3A_45 : memref<128x64xf32, #tpu.memory_space<vmem>>) offsets(%dma_start3A_48 : memref<128xi32, #tpu.memory_space<vmem>>) semaphore(%arg7 : memref<!tpu.dma_semaphore, #tpu.memory_space<semaphore_mem>>)
    %dma_wait3A = arith.constant 0 : i32
    %dma_wait3A_52 = arith.constant 0 : i32
    %dma_wait3A_53 = arith.constant 0 : i32
    %dma_wait3A_54 = tpu.memref_slice %arg6[%dma_wait3A_52, %dma_wait3A_53] : memref<640x64xf32, #tpu.memory_space<vmem>> -> memref<128x64xf32, #tpu.memory_space<vmem>>
    %dma_wait3A_55 = arith.constant 0 : i32
    %dma_wait3A_56 = tpu.memref_slice %arg5[%dma_wait3A, %dma_wait3A_55] : memref<8x128xi32, #tpu.memory_space<vmem>> -> memref<1x128xi32, #tpu.memory_space<vmem>>
    %dma_wait3A_57 = tpu.memref_squeeze %dma_wait3A_56 : memref<1x128xi32, #tpu.memory_space<vmem>> -> memref<128xi32, #tpu.memory_space<vmem>>
    %dma_wait3A_58 = arith.constant 0 : i32
    %dma_wait3A_59 = arith.constant 0 : i32
    %dma_wait3A_60 = tpu.memref_slice %arg2[%dma_wait3A_58, %dma_wait3A_59] : memref<10240x64xf32, #tpu.memory_space<hbm>> -> memref<10240x64xf32, #tpu.memory_space<hbm>>
    tpu.wait_indirect_dma semaphore(%arg7 : memref<!tpu.dma_semaphore, #tpu.memory_space<semaphore_mem>>) src(%dma_wait3A_60 : memref<10240x64xf32, #tpu.memory_space<hbm>>) dst(%dma_wait3A_54 : memref<128x64xf32, #tpu.memory_space<vmem>>)
    %dma_wait3A_61 = arith.constant 1 : i32
    %dma_wait3A_62 = arith.constant 128 : i32
    %dma_wait3A_63 = arith.constant 0 : i32
    %dma_wait3A_64 = tpu.memref_slice %arg6[%dma_wait3A_62, %dma_wait3A_63] : memref<640x64xf32, #tpu.memory_space<vmem>> -> memref<128x64xf32, #tpu.memory_space<vmem>>
    %dma_wait3A_65 = arith.constant 0 : i32
    %dma_wait3A_66 = tpu.memref_slice %arg5[%dma_wait3A_61, %dma_wait3A_65] : memref<8x128xi32, #tpu.memory_space<vmem>> -> memref<1x128xi32, #tpu.memory_space<vmem>>
    %dma_wait3A_67 = tpu.memref_squeeze %dma_wait3A_66 : memref<1x128xi32, #tpu.memory_space<vmem>> -> memref<128xi32, #tpu.memory_space<vmem>>
    %dma_wait3A_68 = arith.constant 0 : i32
    %dma_wait3A_69 = arith.constant 0 : i32
    %dma_wait3A_70 = tpu.memref_slice %arg2[%dma_wait3A_68, %dma_wait3A_69] : memref<10240x64xf32, #tpu.memory_space<hbm>> -> memref<10240x64xf32, #tpu.memory_space<hbm>>
    tpu.wait_indirect_dma semaphore(%arg7 : memref<!tpu.dma_semaphore, #tpu.memory_space<semaphore_mem>>) src(%dma_wait3A_70 : memref<10240x64xf32, #tpu.memory_space<hbm>>) dst(%dma_wait3A_64 : memref<128x64xf32, #tpu.memory_space<vmem>>)
    %dma_wait3A_71 = arith.constant 2 : i32
    %dma_wait3A_72 = arith.constant 256 : i32
    %dma_wait3A_73 = arith.constant 0 : i32
    %dma_wait3A_74 = tpu.memref_slice %arg6[%dma_wait3A_72, %dma_wait3A_73] : memref<640x64xf32, #tpu.memory_space<vmem>> -> memref<128x64xf32, #tpu.memory_space<vmem>>
    %dma_wait3A_75 = arith.constant 0 : i32
    %dma_wait3A_76 = tpu.memref_slice %arg5[%dma_wait3A_71, %dma_wait3A_75] : memref<8x128xi32, #tpu.memory_space<vmem>> -> memref<1x128xi32, #tpu.memory_space<vmem>>
    %dma_wait3A_77 = tpu.memref_squeeze %dma_wait3A_76 : memref<1x128xi32, #tpu.memory_space<vmem>> -> memref<128xi32, #tpu.memory_space<vmem>>
    %dma_wait3A_78 = arith.constant 0 : i32
    %dma_wait3A_79 = arith.constant 0 : i32
    %dma_wait3A_80 = tpu.memref_slice %arg2[%dma_wait3A_78, %dma_wait3A_79] : memref<10240x64xf32, #tpu.memory_space<hbm>> -> memref<10240x64xf32, #tpu.memory_space<hbm>>
    tpu.wait_indirect_dma semaphore(%arg7 : memref<!tpu.dma_semaphore, #tpu.memory_space<semaphore_mem>>) src(%dma_wait3A_80 : memref<10240x64xf32, #tpu.memory_space<hbm>>) dst(%dma_wait3A_74 : memref<128x64xf32, #tpu.memory_space<vmem>>)
    %dma_wait3A_81 = arith.constant 3 : i32
    %dma_wait3A_82 = arith.constant 384 : i32
    %dma_wait3A_83 = arith.constant 0 : i32
    %dma_wait3A_84 = tpu.memref_slice %arg6[%dma_wait3A_82, %dma_wait3A_83] : memref<640x64xf32, #tpu.memory_space<vmem>> -> memref<128x64xf32, #tpu.memory_space<vmem>>
    %dma_wait3A_85 = arith.constant 0 : i32
    %dma_wait3A_86 = tpu.memref_slice %arg5[%dma_wait3A_81, %dma_wait3A_85] : memref<8x128xi32, #tpu.memory_space<vmem>> -> memref<1x128xi32, #tpu.memory_space<vmem>>
    %dma_wait3A_87 = tpu.memref_squeeze %dma_wait3A_86 : memref<1x128xi32, #tpu.memory_space<vmem>> -> memref<128xi32, #tpu.memory_space<vmem>>
    %dma_wait3A_88 = arith.constant 0 : i32
    %dma_wait3A_89 = arith.constant 0 : i32
    %dma_wait3A_90 = tpu.memref_slice %arg2[%dma_wait3A_88, %dma_wait3A_89] : memref<10240x64xf32, #tpu.memory_space<hbm>> -> memref<10240x64xf32, #tpu.memory_space<hbm>>
    tpu.wait_indirect_dma semaphore(%arg7 : memref<!tpu.dma_semaphore, #tpu.memory_space<semaphore_mem>>) src(%dma_wait3A_90 : memref<10240x64xf32, #tpu.memory_space<hbm>>) dst(%dma_wait3A_84 : memref<128x64xf32, #tpu.memory_space<vmem>>)
    %dma_wait3A_91 = arith.constant 4 : i32
    %dma_wait3A_92 = arith.constant 512 : i32
    %dma_wait3A_93 = arith.constant 0 : i32
    %dma_wait3A_94 = tpu.memref_slice %arg6[%dma_wait3A_92, %dma_wait3A_93] : memref<640x64xf32, #tpu.memory_space<vmem>> -> memref<128x64xf32, #tpu.memory_space<vmem>>
    %dma_wait3A_95 = arith.constant 0 : i32
    %dma_wait3A_96 = tpu.memref_slice %arg5[%dma_wait3A_91, %dma_wait3A_95] : memref<8x128xi32, #tpu.memory_space<vmem>> -> memref<1x128xi32, #tpu.memory_space<vmem>>
    %dma_wait3A_97 = tpu.memref_squeeze %dma_wait3A_96 : memref<1x128xi32, #tpu.memory_space<vmem>> -> memref<128xi32, #tpu.memory_space<vmem>>
    %dma_wait3A_98 = arith.constant 0 : i32
    %dma_wait3A_99 = arith.constant 0 : i32
    %dma_wait3A_100 = tpu.memref_slice %arg2[%dma_wait3A_98, %dma_wait3A_99] : memref<10240x64xf32, #tpu.memory_space<hbm>> -> memref<10240x64xf32, #tpu.memory_space<hbm>>
    tpu.wait_indirect_dma semaphore(%arg7 : memref<!tpu.dma_semaphore, #tpu.memory_space<semaphore_mem>>) src(%dma_wait3A_100 : memref<10240x64xf32, #tpu.memory_space<hbm>>) dst(%dma_wait3A_94 : memref<128x64xf32, #tpu.memory_space<vmem>>)
    %mul3A_101 = arith.constant 640 : i32
    %mul3A_102 = arith.muli %add3A, %mul3A_101 : i32
    "tpu.region"() ({
      %run_scoped3A = tpu.sem_alloc : memref<!tpu.dma_semaphore, #tpu.memory_space<semaphore_mem>>
      %dma_start3A_103 = arith.constant 0 : i32
      %dma_start3A_104 = tpu.memref_slice %arg4[%mul3A_102, %dma_start3A_103] : memref<20480x64xf32, #tpu.memory_space<hbm>> -> memref<640x64xf32, #tpu.memory_space<hbm>>
      %dma_start3A_105 = arith.constant 0 : i32
      %dma_start3A_106 = tpu.memref_slice %arg4[%mul3A_102, %dma_start3A_105] : memref<20480x64xf32, #tpu.memory_space<hbm>> -> memref<640x64xf32, #tpu.memory_space<hbm>>
      tpu.enqueue_dma source(%arg6 : memref<640x64xf32, #tpu.memory_space<vmem>>) target(%dma_start3A_106 : memref<640x64xf32, #tpu.memory_space<hbm>>) target_semaphore(%run_scoped3A : memref<!tpu.dma_semaphore, #tpu.memory_space<semaphore_mem>>)
      %dma_wait3A_107 = arith.constant 0 : i32
      %dma_wait3A_108 = tpu.memref_slice %arg4[%mul3A_102, %dma_wait3A_107] : memref<20480x64xf32, #tpu.memory_space<hbm>> -> memref<640x64xf32, #tpu.memory_space<hbm>>
      %dma_wait3A_109 = arith.constant 0 : i32
      %dma_wait3A_110 = tpu.memref_slice %arg4[%mul3A_102, %dma_wait3A_109] : memref<20480x64xf32, #tpu.memory_space<hbm>> -> memref<640x64xf32, #tpu.memory_space<hbm>>
      tpu.wait_dma2 semaphore(%run_scoped3A : memref<!tpu.dma_semaphore, #tpu.memory_space<semaphore_mem>>) src(%arg6 : memref<640x64xf32, #tpu.memory_space<vmem>>) dst(%dma_wait3A_110 : memref<640x64xf32, #tpu.memory_space<hbm>>)
      tpu.yield
    }) : () -> ()
    return
  }
}

#map = affine_map<(d0, d1) -> (0, 0)>
module attributes {stable_mosaic.version = 14 : i64} {
  func.func @_sc_scatter_body(%arg0: i32, %arg1: i32, %arg2: memref<20480x64xf32, #tpu.memory_space<hbm>>, %arg3: memref<256x128xi32, #tpu.memory_space<hbm>>, %arg4: memref<10240x64xf32, #tpu.memory_space<hbm>>, %arg5: memref<20480x64xf32, #tpu.memory_space<hbm>>, %arg6: memref<8x128xi32, #tpu.memory_space<vmem>>, %arg7: memref<640x64xf32, #tpu.memory_space<vmem>>, %arg8: memref<10240x64xf32, #tpu.memory_space<vmem_shared>>, %arg9: memref<!tpu.dma_semaphore, #tpu.memory_space<semaphore_mem>>) attributes {dimension_semantics = [#tpu.dimension_semantics<core_parallel>, #tpu.dimension_semantics<subcore_parallel>], iteration_bounds = array<i64: 2, 16>, scalar_prefetch = 0 : i64, scratch_operands = 4 : i64, tpu.core_type = #tpu.core_type<sc_vector_subcore>, window_params = [{transform_indices = #map}, {transform_indices = #map}, {transform_indices = #map}, {transform_indices = #map}]} {
    %mul3A = arith.constant 2 : i32
    %mul3A_0 = arith.muli %arg1, %mul3A : i32
    %add3A = arith.addi %mul3A_0, %arg0 : i32
    %mul3A_1 = arith.constant 640 : i32
    %mul3A_2 = arith.muli %add3A, %mul3A_1 : i32
    %mul3A_3 = arith.constant 640 : i32
    %mul3A_4 = arith.muli %arg1, %mul3A_3 : i32
    %mul3A_5 = arith.constant 640 : i32
    %mul3A_6 = arith.muli %arg1, %mul3A_5 : i32
    "tpu.region"() ({
      %run_scoped3A = tpu.sem_alloc : memref<!tpu.dma_semaphore, #tpu.memory_space<semaphore_mem>>
      %dma_start3A_115 = arith.constant 0 : i32
      %dma_start3A_116 = tpu.memref_slice %arg8[%mul3A_6, %dma_start3A_115] : memref<10240x64xf32, #tpu.memory_space<vmem_shared>> -> memref<640x64xf32, #tpu.memory_space<vmem_shared>>
      %dma_start3A_117 = arith.constant 0 : i32
      %dma_start3A_118 = tpu.memref_slice %arg4[%mul3A_4, %dma_start3A_117] : memref<10240x64xf32, #tpu.memory_space<hbm>> -> memref<640x64xf32, #tpu.memory_space<hbm>>
      tpu.enqueue_dma source(%dma_start3A_118 : memref<640x64xf32, #tpu.memory_space<hbm>>) target(%dma_start3A_116 : memref<640x64xf32, #tpu.memory_space<vmem_shared>>) target_semaphore(%run_scoped3A : memref<!tpu.dma_semaphore, #tpu.memory_space<semaphore_mem>>)
      %dma_wait3A_119 = arith.constant 0 : i32
      %dma_wait3A_120 = tpu.memref_slice %arg8[%mul3A_6, %dma_wait3A_119] : memref<10240x64xf32, #tpu.memory_space<vmem_shared>> -> memref<640x64xf32, #tpu.memory_space<vmem_shared>>
      %dma_wait3A_121 = arith.constant 0 : i32
      %dma_wait3A_122 = tpu.memref_slice %arg4[%mul3A_4, %dma_wait3A_121] : memref<10240x64xf32, #tpu.memory_space<hbm>> -> memref<640x64xf32, #tpu.memory_space<hbm>>
      tpu.wait_dma2 semaphore(%run_scoped3A : memref<!tpu.dma_semaphore, #tpu.memory_space<semaphore_mem>>) src(%dma_wait3A_122 : memref<640x64xf32, #tpu.memory_space<hbm>>) dst(%dma_wait3A_120 : memref<640x64xf32, #tpu.memory_space<vmem_shared>>)
      tpu.yield
    }) : () -> ()
    "tpu.region"() ({
      %run_scoped3A = tpu.sem_alloc : memref<!tpu.dma_semaphore, #tpu.memory_space<semaphore_mem>>
      %dma_start3A_115 = arith.constant 0 : i32
      %dma_start3A_116 = tpu.memref_slice %arg2[%mul3A_2, %dma_start3A_115] : memref<20480x64xf32, #tpu.memory_space<hbm>> -> memref<640x64xf32, #tpu.memory_space<hbm>>
      %dma_start3A_117 = arith.constant 0 : i32
      %dma_start3A_118 = tpu.memref_slice %arg2[%mul3A_2, %dma_start3A_117] : memref<20480x64xf32, #tpu.memory_space<hbm>> -> memref<640x64xf32, #tpu.memory_space<hbm>>
      tpu.enqueue_dma source(%dma_start3A_118 : memref<640x64xf32, #tpu.memory_space<hbm>>) target(%arg7 : memref<640x64xf32, #tpu.memory_space<vmem>>) target_semaphore(%run_scoped3A : memref<!tpu.dma_semaphore, #tpu.memory_space<semaphore_mem>>)
      %dma_wait3A_119 = arith.constant 0 : i32
      %dma_wait3A_120 = tpu.memref_slice %arg2[%mul3A_2, %dma_wait3A_119] : memref<20480x64xf32, #tpu.memory_space<hbm>> -> memref<640x64xf32, #tpu.memory_space<hbm>>
      %dma_wait3A_121 = arith.constant 0 : i32
      %dma_wait3A_122 = tpu.memref_slice %arg2[%mul3A_2, %dma_wait3A_121] : memref<20480x64xf32, #tpu.memory_space<hbm>> -> memref<640x64xf32, #tpu.memory_space<hbm>>
      tpu.wait_dma2 semaphore(%run_scoped3A : memref<!tpu.dma_semaphore, #tpu.memory_space<semaphore_mem>>) src(%dma_wait3A_122 : memref<640x64xf32, #tpu.memory_space<hbm>>) dst(%arg7 : memref<640x64xf32, #tpu.memory_space<vmem>>)
      tpu.yield
    }) : () -> ()
    %mul3A_7 = arith.constant 8 : i32
    %mul3A_8 = arith.muli %add3A, %mul3A_7 : i32
    "tpu.region"() ({
      %run_scoped3A = tpu.sem_alloc : memref<!tpu.dma_semaphore, #tpu.memory_space<semaphore_mem>>
      %dma_start3A_115 = arith.constant 0 : i32
      %dma_start3A_116 = tpu.memref_slice %arg3[%mul3A_8, %dma_start3A_115] : memref<256x128xi32, #tpu.memory_space<hbm>> -> memref<8x128xi32, #tpu.memory_space<hbm>>
      %dma_start3A_117 = arith.constant 0 : i32
      %dma_start3A_118 = tpu.memref_slice %arg3[%mul3A_8, %dma_start3A_117] : memref<256x128xi32, #tpu.memory_space<hbm>> -> memref<8x128xi32, #tpu.memory_space<hbm>>
      tpu.enqueue_dma source(%dma_start3A_118 : memref<8x128xi32, #tpu.memory_space<hbm>>) target(%arg6 : memref<8x128xi32, #tpu.memory_space<vmem>>) target_semaphore(%run_scoped3A : memref<!tpu.dma_semaphore, #tpu.memory_space<semaphore_mem>>)
      %dma_wait3A_119 = arith.constant 0 : i32
      %dma_wait3A_120 = tpu.memref_slice %arg3[%mul3A_8, %dma_wait3A_119] : memref<256x128xi32, #tpu.memory_space<hbm>> -> memref<8x128xi32, #tpu.memory_space<hbm>>
      %dma_wait3A_121 = arith.constant 0 : i32
      %dma_wait3A_122 = tpu.memref_slice %arg3[%mul3A_8, %dma_wait3A_121] : memref<256x128xi32, #tpu.memory_space<hbm>> -> memref<8x128xi32, #tpu.memory_space<hbm>>
      tpu.wait_dma2 semaphore(%run_scoped3A : memref<!tpu.dma_semaphore, #tpu.memory_space<semaphore_mem>>) src(%dma_wait3A_122 : memref<8x128xi32, #tpu.memory_space<hbm>>) dst(%arg6 : memref<8x128xi32, #tpu.memory_space<vmem>>)
      tpu.yield
    }) : () -> ()
    %barrier3A = arith.constant 0 : index
    tpu.barrier barrier_id(%barrier3A)
    %dma_start3A = arith.constant 0 : i32
    %dma_start3A_9 = arith.constant 0 : i32
    %dma_start3A_10 = arith.constant 0 : i32
    %dma_start3A_11 = tpu.memref_slice %arg7[%dma_start3A_9, %dma_start3A_10] : memref<640x64xf32, #tpu.memory_space<vmem>> -> memref<128x64xf32, #tpu.memory_space<vmem>>
    %dma_start3A_12 = arith.constant 0 : i32
    %dma_start3A_13 = tpu.memref_slice %arg6[%dma_start3A, %dma_start3A_12] : memref<8x128xi32, #tpu.memory_space<vmem>> -> memref<1x128xi32, #tpu.memory_space<vmem>>
    %dma_start3A_14 = tpu.memref_squeeze %dma_start3A_13 : memref<1x128xi32, #tpu.memory_space<vmem>> -> memref<128xi32, #tpu.memory_space<vmem>>
    %dma_start3A_15 = arith.constant 0 : i32
    %dma_start3A_16 = arith.constant 0 : i32
    %dma_start3A_17 = tpu.memref_slice %arg8[%dma_start3A_15, %dma_start3A_16] : memref<10240x64xf32, #tpu.memory_space<vmem_shared>> -> memref<10240x64xf32, #tpu.memory_space<vmem_shared>>
    tpu.enqueue_indirect_dma source(%dma_start3A_11 : memref<128x64xf32, #tpu.memory_space<vmem>>) target(%dma_start3A_17 : memref<10240x64xf32, #tpu.memory_space<vmem_shared>>) offsets(%dma_start3A_14 : memref<128xi32, #tpu.memory_space<vmem>>) semaphore(%arg9 : memref<!tpu.dma_semaphore, #tpu.memory_space<semaphore_mem>>) {add = true}
    %dma_start3A_18 = arith.constant 1 : i32
    %dma_start3A_19 = arith.constant 128 : i32
    %dma_start3A_20 = arith.constant 0 : i32
    %dma_start3A_21 = tpu.memref_slice %arg7[%dma_start3A_19, %dma_start3A_20] : memref<640x64xf32, #tpu.memory_space<vmem>> -> memref<128x64xf32, #tpu.memory_space<vmem>>
    %dma_start3A_22 = arith.constant 0 : i32
    %dma_start3A_23 = tpu.memref_slice %arg6[%dma_start3A_18, %dma_start3A_22] : memref<8x128xi32, #tpu.memory_space<vmem>> -> memref<1x128xi32, #tpu.memory_space<vmem>>
    %dma_start3A_24 = tpu.memref_squeeze %dma_start3A_23 : memref<1x128xi32, #tpu.memory_space<vmem>> -> memref<128xi32, #tpu.memory_space<vmem>>
    %dma_start3A_25 = arith.constant 0 : i32
    %dma_start3A_26 = arith.constant 0 : i32
    %dma_start3A_27 = tpu.memref_slice %arg8[%dma_start3A_25, %dma_start3A_26] : memref<10240x64xf32, #tpu.memory_space<vmem_shared>> -> memref<10240x64xf32, #tpu.memory_space<vmem_shared>>
    tpu.enqueue_indirect_dma source(%dma_start3A_21 : memref<128x64xf32, #tpu.memory_space<vmem>>) target(%dma_start3A_27 : memref<10240x64xf32, #tpu.memory_space<vmem_shared>>) offsets(%dma_start3A_24 : memref<128xi32, #tpu.memory_space<vmem>>) semaphore(%arg9 : memref<!tpu.dma_semaphore, #tpu.memory_space<semaphore_mem>>) {add = true}
    %dma_start3A_28 = arith.constant 2 : i32
    %dma_start3A_29 = arith.constant 256 : i32
    %dma_start3A_30 = arith.constant 0 : i32
    %dma_start3A_31 = tpu.memref_slice %arg7[%dma_start3A_29, %dma_start3A_30] : memref<640x64xf32, #tpu.memory_space<vmem>> -> memref<128x64xf32, #tpu.memory_space<vmem>>
    %dma_start3A_32 = arith.constant 0 : i32
    %dma_start3A_33 = tpu.memref_slice %arg6[%dma_start3A_28, %dma_start3A_32] : memref<8x128xi32, #tpu.memory_space<vmem>> -> memref<1x128xi32, #tpu.memory_space<vmem>>
    %dma_start3A_34 = tpu.memref_squeeze %dma_start3A_33 : memref<1x128xi32, #tpu.memory_space<vmem>> -> memref<128xi32, #tpu.memory_space<vmem>>
    %dma_start3A_35 = arith.constant 0 : i32
    %dma_start3A_36 = arith.constant 0 : i32
    %dma_start3A_37 = tpu.memref_slice %arg8[%dma_start3A_35, %dma_start3A_36] : memref<10240x64xf32, #tpu.memory_space<vmem_shared>> -> memref<10240x64xf32, #tpu.memory_space<vmem_shared>>
    tpu.enqueue_indirect_dma source(%dma_start3A_31 : memref<128x64xf32, #tpu.memory_space<vmem>>) target(%dma_start3A_37 : memref<10240x64xf32, #tpu.memory_space<vmem_shared>>) offsets(%dma_start3A_34 : memref<128xi32, #tpu.memory_space<vmem>>) semaphore(%arg9 : memref<!tpu.dma_semaphore, #tpu.memory_space<semaphore_mem>>) {add = true}
    %dma_start3A_38 = arith.constant 3 : i32
    %dma_start3A_39 = arith.constant 384 : i32
    %dma_start3A_40 = arith.constant 0 : i32
    %dma_start3A_41 = tpu.memref_slice %arg7[%dma_start3A_39, %dma_start3A_40] : memref<640x64xf32, #tpu.memory_space<vmem>> -> memref<128x64xf32, #tpu.memory_space<vmem>>
    %dma_start3A_42 = arith.constant 0 : i32
    %dma_start3A_43 = tpu.memref_slice %arg6[%dma_start3A_38, %dma_start3A_42] : memref<8x128xi32, #tpu.memory_space<vmem>> -> memref<1x128xi32, #tpu.memory_space<vmem>>
    %dma_start3A_44 = tpu.memref_squeeze %dma_start3A_43 : memref<1x128xi32, #tpu.memory_space<vmem>> -> memref<128xi32, #tpu.memory_space<vmem>>
    %dma_start3A_45 = arith.constant 0 : i32
    %dma_start3A_46 = arith.constant 0 : i32
    %dma_start3A_47 = tpu.memref_slice %arg8[%dma_start3A_45, %dma_start3A_46] : memref<10240x64xf32, #tpu.memory_space<vmem_shared>> -> memref<10240x64xf32, #tpu.memory_space<vmem_shared>>
    tpu.enqueue_indirect_dma source(%dma_start3A_41 : memref<128x64xf32, #tpu.memory_space<vmem>>) target(%dma_start3A_47 : memref<10240x64xf32, #tpu.memory_space<vmem_shared>>) offsets(%dma_start3A_44 : memref<128xi32, #tpu.memory_space<vmem>>) semaphore(%arg9 : memref<!tpu.dma_semaphore, #tpu.memory_space<semaphore_mem>>) {add = true}
    %dma_start3A_48 = arith.constant 4 : i32
    %dma_start3A_49 = arith.constant 512 : i32
    %dma_start3A_50 = arith.constant 0 : i32
    %dma_start3A_51 = tpu.memref_slice %arg7[%dma_start3A_49, %dma_start3A_50] : memref<640x64xf32, #tpu.memory_space<vmem>> -> memref<128x64xf32, #tpu.memory_space<vmem>>
    %dma_start3A_52 = arith.constant 0 : i32
    %dma_start3A_53 = tpu.memref_slice %arg6[%dma_start3A_48, %dma_start3A_52] : memref<8x128xi32, #tpu.memory_space<vmem>> -> memref<1x128xi32, #tpu.memory_space<vmem>>
    %dma_start3A_54 = tpu.memref_squeeze %dma_start3A_53 : memref<1x128xi32, #tpu.memory_space<vmem>> -> memref<128xi32, #tpu.memory_space<vmem>>
    %dma_start3A_55 = arith.constant 0 : i32
    %dma_start3A_56 = arith.constant 0 : i32
    %dma_start3A_57 = tpu.memref_slice %arg8[%dma_start3A_55, %dma_start3A_56] : memref<10240x64xf32, #tpu.memory_space<vmem_shared>> -> memref<10240x64xf32, #tpu.memory_space<vmem_shared>>
    tpu.enqueue_indirect_dma source(%dma_start3A_51 : memref<128x64xf32, #tpu.memory_space<vmem>>) target(%dma_start3A_57 : memref<10240x64xf32, #tpu.memory_space<vmem_shared>>) offsets(%dma_start3A_54 : memref<128xi32, #tpu.memory_space<vmem>>) semaphore(%arg9 : memref<!tpu.dma_semaphore, #tpu.memory_space<semaphore_mem>>) {add = true}
    %dma_wait3A = arith.constant 0 : i32
    %dma_wait3A_58 = arith.constant 0 : i32
    %dma_wait3A_59 = arith.constant 0 : i32
    %dma_wait3A_60 = tpu.memref_slice %arg7[%dma_wait3A_58, %dma_wait3A_59] : memref<640x64xf32, #tpu.memory_space<vmem>> -> memref<128x64xf32, #tpu.memory_space<vmem>>
    %dma_wait3A_61 = arith.constant 0 : i32
    %dma_wait3A_62 = tpu.memref_slice %arg6[%dma_wait3A, %dma_wait3A_61] : memref<8x128xi32, #tpu.memory_space<vmem>> -> memref<1x128xi32, #tpu.memory_space<vmem>>
    %dma_wait3A_63 = tpu.memref_squeeze %dma_wait3A_62 : memref<1x128xi32, #tpu.memory_space<vmem>> -> memref<128xi32, #tpu.memory_space<vmem>>
    %dma_wait3A_64 = arith.constant 0 : i32
    %dma_wait3A_65 = arith.constant 0 : i32
    %dma_wait3A_66 = tpu.memref_slice %arg8[%dma_wait3A_64, %dma_wait3A_65] : memref<10240x64xf32, #tpu.memory_space<vmem_shared>> -> memref<10240x64xf32, #tpu.memory_space<vmem_shared>>
    tpu.wait_indirect_dma semaphore(%arg9 : memref<!tpu.dma_semaphore, #tpu.memory_space<semaphore_mem>>) src(%dma_wait3A_60 : memref<128x64xf32, #tpu.memory_space<vmem>>) dst(%dma_wait3A_66 : memref<10240x64xf32, #tpu.memory_space<vmem_shared>>)
    %dma_wait3A_67 = arith.constant 1 : i32
    %dma_wait3A_68 = arith.constant 128 : i32
    %dma_wait3A_69 = arith.constant 0 : i32
    %dma_wait3A_70 = tpu.memref_slice %arg7[%dma_wait3A_68, %dma_wait3A_69] : memref<640x64xf32, #tpu.memory_space<vmem>> -> memref<128x64xf32, #tpu.memory_space<vmem>>
    %dma_wait3A_71 = arith.constant 0 : i32
    %dma_wait3A_72 = tpu.memref_slice %arg6[%dma_wait3A_67, %dma_wait3A_71] : memref<8x128xi32, #tpu.memory_space<vmem>> -> memref<1x128xi32, #tpu.memory_space<vmem>>
    %dma_wait3A_73 = tpu.memref_squeeze %dma_wait3A_72 : memref<1x128xi32, #tpu.memory_space<vmem>> -> memref<128xi32, #tpu.memory_space<vmem>>
    %dma_wait3A_74 = arith.constant 0 : i32
    %dma_wait3A_75 = arith.constant 0 : i32
    %dma_wait3A_76 = tpu.memref_slice %arg8[%dma_wait3A_74, %dma_wait3A_75] : memref<10240x64xf32, #tpu.memory_space<vmem_shared>> -> memref<10240x64xf32, #tpu.memory_space<vmem_shared>>
    tpu.wait_indirect_dma semaphore(%arg9 : memref<!tpu.dma_semaphore, #tpu.memory_space<semaphore_mem>>) src(%dma_wait3A_70 : memref<128x64xf32, #tpu.memory_space<vmem>>) dst(%dma_wait3A_76 : memref<10240x64xf32, #tpu.memory_space<vmem_shared>>)
    %dma_wait3A_77 = arith.constant 2 : i32
    %dma_wait3A_78 = arith.constant 256 : i32
    %dma_wait3A_79 = arith.constant 0 : i32
    %dma_wait3A_80 = tpu.memref_slice %arg7[%dma_wait3A_78, %dma_wait3A_79] : memref<640x64xf32, #tpu.memory_space<vmem>> -> memref<128x64xf32, #tpu.memory_space<vmem>>
    %dma_wait3A_81 = arith.constant 0 : i32
    %dma_wait3A_82 = tpu.memref_slice %arg6[%dma_wait3A_77, %dma_wait3A_81] : memref<8x128xi32, #tpu.memory_space<vmem>> -> memref<1x128xi32, #tpu.memory_space<vmem>>
    %dma_wait3A_83 = tpu.memref_squeeze %dma_wait3A_82 : memref<1x128xi32, #tpu.memory_space<vmem>> -> memref<128xi32, #tpu.memory_space<vmem>>
    %dma_wait3A_84 = arith.constant 0 : i32
    %dma_wait3A_85 = arith.constant 0 : i32
    %dma_wait3A_86 = tpu.memref_slice %arg8[%dma_wait3A_84, %dma_wait3A_85] : memref<10240x64xf32, #tpu.memory_space<vmem_shared>> -> memref<10240x64xf32, #tpu.memory_space<vmem_shared>>
    tpu.wait_indirect_dma semaphore(%arg9 : memref<!tpu.dma_semaphore, #tpu.memory_space<semaphore_mem>>) src(%dma_wait3A_80 : memref<128x64xf32, #tpu.memory_space<vmem>>) dst(%dma_wait3A_86 : memref<10240x64xf32, #tpu.memory_space<vmem_shared>>)
    %dma_wait3A_87 = arith.constant 3 : i32
    %dma_wait3A_88 = arith.constant 384 : i32
    %dma_wait3A_89 = arith.constant 0 : i32
    %dma_wait3A_90 = tpu.memref_slice %arg7[%dma_wait3A_88, %dma_wait3A_89] : memref<640x64xf32, #tpu.memory_space<vmem>> -> memref<128x64xf32, #tpu.memory_space<vmem>>
    %dma_wait3A_91 = arith.constant 0 : i32
    %dma_wait3A_92 = tpu.memref_slice %arg6[%dma_wait3A_87, %dma_wait3A_91] : memref<8x128xi32, #tpu.memory_space<vmem>> -> memref<1x128xi32, #tpu.memory_space<vmem>>
    %dma_wait3A_93 = tpu.memref_squeeze %dma_wait3A_92 : memref<1x128xi32, #tpu.memory_space<vmem>> -> memref<128xi32, #tpu.memory_space<vmem>>
    %dma_wait3A_94 = arith.constant 0 : i32
    %dma_wait3A_95 = arith.constant 0 : i32
    %dma_wait3A_96 = tpu.memref_slice %arg8[%dma_wait3A_94, %dma_wait3A_95] : memref<10240x64xf32, #tpu.memory_space<vmem_shared>> -> memref<10240x64xf32, #tpu.memory_space<vmem_shared>>
    tpu.wait_indirect_dma semaphore(%arg9 : memref<!tpu.dma_semaphore, #tpu.memory_space<semaphore_mem>>) src(%dma_wait3A_90 : memref<128x64xf32, #tpu.memory_space<vmem>>) dst(%dma_wait3A_96 : memref<10240x64xf32, #tpu.memory_space<vmem_shared>>)
    %dma_wait3A_97 = arith.constant 4 : i32
    %dma_wait3A_98 = arith.constant 512 : i32
    %dma_wait3A_99 = arith.constant 0 : i32
    %dma_wait3A_100 = tpu.memref_slice %arg7[%dma_wait3A_98, %dma_wait3A_99] : memref<640x64xf32, #tpu.memory_space<vmem>> -> memref<128x64xf32, #tpu.memory_space<vmem>>
    %dma_wait3A_101 = arith.constant 0 : i32
    %dma_wait3A_102 = tpu.memref_slice %arg6[%dma_wait3A_97, %dma_wait3A_101] : memref<8x128xi32, #tpu.memory_space<vmem>> -> memref<1x128xi32, #tpu.memory_space<vmem>>
    %dma_wait3A_103 = tpu.memref_squeeze %dma_wait3A_102 : memref<1x128xi32, #tpu.memory_space<vmem>> -> memref<128xi32, #tpu.memory_space<vmem>>
    %dma_wait3A_104 = arith.constant 0 : i32
    %dma_wait3A_105 = arith.constant 0 : i32
    %dma_wait3A_106 = tpu.memref_slice %arg8[%dma_wait3A_104, %dma_wait3A_105] : memref<10240x64xf32, #tpu.memory_space<vmem_shared>> -> memref<10240x64xf32, #tpu.memory_space<vmem_shared>>
    tpu.wait_indirect_dma semaphore(%arg9 : memref<!tpu.dma_semaphore, #tpu.memory_space<semaphore_mem>>) src(%dma_wait3A_100 : memref<128x64xf32, #tpu.memory_space<vmem>>) dst(%dma_wait3A_106 : memref<10240x64xf32, #tpu.memory_space<vmem_shared>>)
    %barrier3A_107 = arith.constant 0 : index
    tpu.barrier barrier_id(%barrier3A_107)
    %mul3A_108 = arith.constant 640 : i32
    %mul3A_109 = arith.muli %arg1, %mul3A_108 : i32
    %mul3A_110 = arith.constant 10240 : i32
    %mul3A_111 = arith.muli %arg0, %mul3A_110 : i32
    %mul3A_112 = arith.constant 640 : i32
    %mul3A_113 = arith.muli %arg1, %mul3A_112 : i32
    %add3A_114 = arith.addi %mul3A_111, %mul3A_113 : i32
    "tpu.region"() ({
      %run_scoped3A = tpu.sem_alloc : memref<!tpu.dma_semaphore, #tpu.memory_space<semaphore_mem>>
      %dma_start3A_115 = arith.constant 0 : i32
      %dma_start3A_116 = tpu.memref_slice %arg5[%add3A_114, %dma_start3A_115] : memref<20480x64xf32, #tpu.memory_space<hbm>> -> memref<640x64xf32, #tpu.memory_space<hbm>>
      %dma_start3A_117 = arith.constant 0 : i32
      %dma_start3A_118 = tpu.memref_slice %arg8[%mul3A_109, %dma_start3A_117] : memref<10240x64xf32, #tpu.memory_space<vmem_shared>> -> memref<640x64xf32, #tpu.memory_space<vmem_shared>>
      tpu.enqueue_dma source(%dma_start3A_118 : memref<640x64xf32, #tpu.memory_space<vmem_shared>>) target(%dma_start3A_116 : memref<640x64xf32, #tpu.memory_space<hbm>>) target_semaphore(%run_scoped3A : memref<!tpu.dma_semaphore, #tpu.memory_space<semaphore_mem>>)
      %dma_wait3A_119 = arith.constant 0 : i32
      %dma_wait3A_120 = tpu.memref_slice %arg5[%add3A_114, %dma_wait3A_119] : memref<20480x64xf32, #tpu.memory_space<hbm>> -> memref<640x64xf32, #tpu.memory_space<hbm>>
      %dma_wait3A_121 = arith.constant 0 : i32
      %dma_wait3A_122 = tpu.memref_slice %arg8[%mul3A_109, %dma_wait3A_121] : memref<10240x64xf32, #tpu.memory_space<vmem_shared>> -> memref<640x64xf32, #tpu.memory_space<vmem_shared>>
      tpu.wait_dma2 semaphore(%run_scoped3A : memref<!tpu.dma_semaphore, #tpu.memory_space<semaphore_mem>>) src(%dma_wait3A_122 : memref<640x64xf32, #tpu.memory_space<vmem_shared>>) dst(%dma_wait3A_120 : memref<640x64xf32, #tpu.memory_space<hbm>>)
      tpu.yield
    }) : () -> ()
    return
  }
}

#map = affine_map<(d0, d1) -> (0, 0)>
module attributes {stable_mosaic.version = 14 : i64} {
  func.func @_sc_scatter_body(%arg0: i32, %arg1: i32, %arg2: memref<20480x64xf32, #tpu.memory_space<hbm>>, %arg3: memref<256x128xi32, #tpu.memory_space<hbm>>, %arg4: memref<10240x64xf32, #tpu.memory_space<hbm>>, %arg5: memref<20480x64xf32, #tpu.memory_space<hbm>>, %arg6: memref<8x128xi32, #tpu.memory_space<vmem>>, %arg7: memref<640x64xf32, #tpu.memory_space<vmem>>, %arg8: memref<10240x64xf32, #tpu.memory_space<vmem_shared>>, %arg9: memref<!tpu.dma_semaphore, #tpu.memory_space<semaphore_mem>>) attributes {dimension_semantics = [#tpu.dimension_semantics<core_parallel>, #tpu.dimension_semantics<subcore_parallel>], iteration_bounds = array<i64: 2, 16>, scalar_prefetch = 0 : i64, scratch_operands = 4 : i64, tpu.core_type = #tpu.core_type<sc_vector_subcore>, window_params = [{transform_indices = #map}, {transform_indices = #map}, {transform_indices = #map}, {transform_indices = #map}]} {
    %mul3A = arith.constant 2 : i32
    %mul3A_0 = arith.muli %arg1, %mul3A : i32
    %add3A = arith.addi %mul3A_0, %arg0 : i32
    %mul3A_1 = arith.constant 640 : i32
    %mul3A_2 = arith.muli %add3A, %mul3A_1 : i32
    %mul3A_3 = arith.constant 640 : i32
    %mul3A_4 = arith.muli %arg1, %mul3A_3 : i32
    %mul3A_5 = arith.constant 640 : i32
    %mul3A_6 = arith.muli %arg1, %mul3A_5 : i32
    "tpu.region"() ({
      %run_scoped3A = tpu.sem_alloc : memref<!tpu.dma_semaphore, #tpu.memory_space<semaphore_mem>>
      %dma_start3A_115 = arith.constant 0 : i32
      %dma_start3A_116 = tpu.memref_slice %arg8[%mul3A_6, %dma_start3A_115] : memref<10240x64xf32, #tpu.memory_space<vmem_shared>> -> memref<640x64xf32, #tpu.memory_space<vmem_shared>>
      %dma_start3A_117 = arith.constant 0 : i32
      %dma_start3A_118 = tpu.memref_slice %arg4[%mul3A_4, %dma_start3A_117] : memref<10240x64xf32, #tpu.memory_space<hbm>> -> memref<640x64xf32, #tpu.memory_space<hbm>>
      tpu.enqueue_dma source(%dma_start3A_118 : memref<640x64xf32, #tpu.memory_space<hbm>>) target(%dma_start3A_116 : memref<640x64xf32, #tpu.memory_space<vmem_shared>>) target_semaphore(%run_scoped3A : memref<!tpu.dma_semaphore, #tpu.memory_space<semaphore_mem>>)
      %dma_wait3A_119 = arith.constant 0 : i32
      %dma_wait3A_120 = tpu.memref_slice %arg8[%mul3A_6, %dma_wait3A_119] : memref<10240x64xf32, #tpu.memory_space<vmem_shared>> -> memref<640x64xf32, #tpu.memory_space<vmem_shared>>
      %dma_wait3A_121 = arith.constant 0 : i32
      %dma_wait3A_122 = tpu.memref_slice %arg4[%mul3A_4, %dma_wait3A_121] : memref<10240x64xf32, #tpu.memory_space<hbm>> -> memref<640x64xf32, #tpu.memory_space<hbm>>
      tpu.wait_dma2 semaphore(%run_scoped3A : memref<!tpu.dma_semaphore, #tpu.memory_space<semaphore_mem>>) src(%dma_wait3A_122 : memref<640x64xf32, #tpu.memory_space<hbm>>) dst(%dma_wait3A_120 : memref<640x64xf32, #tpu.memory_space<vmem_shared>>)
      tpu.yield
    }) : () -> ()
    "tpu.region"() ({
      %run_scoped3A = tpu.sem_alloc : memref<!tpu.dma_semaphore, #tpu.memory_space<semaphore_mem>>
      %dma_start3A_115 = arith.constant 0 : i32
      %dma_start3A_116 = tpu.memref_slice %arg2[%mul3A_2, %dma_start3A_115] : memref<20480x64xf32, #tpu.memory_space<hbm>> -> memref<640x64xf32, #tpu.memory_space<hbm>>
      %dma_start3A_117 = arith.constant 0 : i32
      %dma_start3A_118 = tpu.memref_slice %arg2[%mul3A_2, %dma_start3A_117] : memref<20480x64xf32, #tpu.memory_space<hbm>> -> memref<640x64xf32, #tpu.memory_space<hbm>>
      tpu.enqueue_dma source(%dma_start3A_118 : memref<640x64xf32, #tpu.memory_space<hbm>>) target(%arg7 : memref<640x64xf32, #tpu.memory_space<vmem>>) target_semaphore(%run_scoped3A : memref<!tpu.dma_semaphore, #tpu.memory_space<semaphore_mem>>)
      %dma_wait3A_119 = arith.constant 0 : i32
      %dma_wait3A_120 = tpu.memref_slice %arg2[%mul3A_2, %dma_wait3A_119] : memref<20480x64xf32, #tpu.memory_space<hbm>> -> memref<640x64xf32, #tpu.memory_space<hbm>>
      %dma_wait3A_121 = arith.constant 0 : i32
      %dma_wait3A_122 = tpu.memref_slice %arg2[%mul3A_2, %dma_wait3A_121] : memref<20480x64xf32, #tpu.memory_space<hbm>> -> memref<640x64xf32, #tpu.memory_space<hbm>>
      tpu.wait_dma2 semaphore(%run_scoped3A : memref<!tpu.dma_semaphore, #tpu.memory_space<semaphore_mem>>) src(%dma_wait3A_122 : memref<640x64xf32, #tpu.memory_space<hbm>>) dst(%arg7 : memref<640x64xf32, #tpu.memory_space<vmem>>)
      tpu.yield
    }) : () -> ()
    %mul3A_7 = arith.constant 8 : i32
    %mul3A_8 = arith.muli %add3A, %mul3A_7 : i32
    "tpu.region"() ({
      %run_scoped3A = tpu.sem_alloc : memref<!tpu.dma_semaphore, #tpu.memory_space<semaphore_mem>>
      %dma_start3A_115 = arith.constant 0 : i32
      %dma_start3A_116 = tpu.memref_slice %arg3[%mul3A_8, %dma_start3A_115] : memref<256x128xi32, #tpu.memory_space<hbm>> -> memref<8x128xi32, #tpu.memory_space<hbm>>
      %dma_start3A_117 = arith.constant 0 : i32
      %dma_start3A_118 = tpu.memref_slice %arg3[%mul3A_8, %dma_start3A_117] : memref<256x128xi32, #tpu.memory_space<hbm>> -> memref<8x128xi32, #tpu.memory_space<hbm>>
      tpu.enqueue_dma source(%dma_start3A_118 : memref<8x128xi32, #tpu.memory_space<hbm>>) target(%arg6 : memref<8x128xi32, #tpu.memory_space<vmem>>) target_semaphore(%run_scoped3A : memref<!tpu.dma_semaphore, #tpu.memory_space<semaphore_mem>>)
      %dma_wait3A_119 = arith.constant 0 : i32
      %dma_wait3A_120 = tpu.memref_slice %arg3[%mul3A_8, %dma_wait3A_119] : memref<256x128xi32, #tpu.memory_space<hbm>> -> memref<8x128xi32, #tpu.memory_space<hbm>>
      %dma_wait3A_121 = arith.constant 0 : i32
      %dma_wait3A_122 = tpu.memref_slice %arg3[%mul3A_8, %dma_wait3A_121] : memref<256x128xi32, #tpu.memory_space<hbm>> -> memref<8x128xi32, #tpu.memory_space<hbm>>
      tpu.wait_dma2 semaphore(%run_scoped3A : memref<!tpu.dma_semaphore, #tpu.memory_space<semaphore_mem>>) src(%dma_wait3A_122 : memref<8x128xi32, #tpu.memory_space<hbm>>) dst(%arg6 : memref<8x128xi32, #tpu.memory_space<vmem>>)
      tpu.yield
    }) : () -> ()
    %barrier3A = arith.constant 0 : index
    tpu.barrier barrier_id(%barrier3A)
    %dma_start3A = arith.constant 0 : i32
    %dma_start3A_9 = arith.constant 0 : i32
    %dma_start3A_10 = arith.constant 0 : i32
    %dma_start3A_11 = tpu.memref_slice %arg7[%dma_start3A_9, %dma_start3A_10] : memref<640x64xf32, #tpu.memory_space<vmem>> -> memref<128x64xf32, #tpu.memory_space<vmem>>
    %dma_start3A_12 = arith.constant 0 : i32
    %dma_start3A_13 = tpu.memref_slice %arg6[%dma_start3A, %dma_start3A_12] : memref<8x128xi32, #tpu.memory_space<vmem>> -> memref<1x128xi32, #tpu.memory_space<vmem>>
    %dma_start3A_14 = tpu.memref_squeeze %dma_start3A_13 : memref<1x128xi32, #tpu.memory_space<vmem>> -> memref<128xi32, #tpu.memory_space<vmem>>
    %dma_start3A_15 = arith.constant 0 : i32
    %dma_start3A_16 = arith.constant 0 : i32
    %dma_start3A_17 = tpu.memref_slice %arg8[%dma_start3A_15, %dma_start3A_16] : memref<10240x64xf32, #tpu.memory_space<vmem_shared>> -> memref<10240x64xf32, #tpu.memory_space<vmem_shared>>
    tpu.enqueue_indirect_dma source(%dma_start3A_11 : memref<128x64xf32, #tpu.memory_space<vmem>>) target(%dma_start3A_17 : memref<10240x64xf32, #tpu.memory_space<vmem_shared>>) offsets(%dma_start3A_14 : memref<128xi32, #tpu.memory_space<vmem>>) semaphore(%arg9 : memref<!tpu.dma_semaphore, #tpu.memory_space<semaphore_mem>>) {add = true}
    %dma_start3A_18 = arith.constant 1 : i32
    %dma_start3A_19 = arith.constant 128 : i32
    %dma_start3A_20 = arith.constant 0 : i32
    %dma_start3A_21 = tpu.memref_slice %arg7[%dma_start3A_19, %dma_start3A_20] : memref<640x64xf32, #tpu.memory_space<vmem>> -> memref<128x64xf32, #tpu.memory_space<vmem>>
    %dma_start3A_22 = arith.constant 0 : i32
    %dma_start3A_23 = tpu.memref_slice %arg6[%dma_start3A_18, %dma_start3A_22] : memref<8x128xi32, #tpu.memory_space<vmem>> -> memref<1x128xi32, #tpu.memory_space<vmem>>
    %dma_start3A_24 = tpu.memref_squeeze %dma_start3A_23 : memref<1x128xi32, #tpu.memory_space<vmem>> -> memref<128xi32, #tpu.memory_space<vmem>>
    %dma_start3A_25 = arith.constant 0 : i32
    %dma_start3A_26 = arith.constant 0 : i32
    %dma_start3A_27 = tpu.memref_slice %arg8[%dma_start3A_25, %dma_start3A_26] : memref<10240x64xf32, #tpu.memory_space<vmem_shared>> -> memref<10240x64xf32, #tpu.memory_space<vmem_shared>>
    tpu.enqueue_indirect_dma source(%dma_start3A_21 : memref<128x64xf32, #tpu.memory_space<vmem>>) target(%dma_start3A_27 : memref<10240x64xf32, #tpu.memory_space<vmem_shared>>) offsets(%dma_start3A_24 : memref<128xi32, #tpu.memory_space<vmem>>) semaphore(%arg9 : memref<!tpu.dma_semaphore, #tpu.memory_space<semaphore_mem>>) {add = true}
    %dma_start3A_28 = arith.constant 2 : i32
    %dma_start3A_29 = arith.constant 256 : i32
    %dma_start3A_30 = arith.constant 0 : i32
    %dma_start3A_31 = tpu.memref_slice %arg7[%dma_start3A_29, %dma_start3A_30] : memref<640x64xf32, #tpu.memory_space<vmem>> -> memref<128x64xf32, #tpu.memory_space<vmem>>
    %dma_start3A_32 = arith.constant 0 : i32
    %dma_start3A_33 = tpu.memref_slice %arg6[%dma_start3A_28, %dma_start3A_32] : memref<8x128xi32, #tpu.memory_space<vmem>> -> memref<1x128xi32, #tpu.memory_space<vmem>>
    %dma_start3A_34 = tpu.memref_squeeze %dma_start3A_33 : memref<1x128xi32, #tpu.memory_space<vmem>> -> memref<128xi32, #tpu.memory_space<vmem>>
    %dma_start3A_35 = arith.constant 0 : i32
    %dma_start3A_36 = arith.constant 0 : i32
    %dma_start3A_37 = tpu.memref_slice %arg8[%dma_start3A_35, %dma_start3A_36] : memref<10240x64xf32, #tpu.memory_space<vmem_shared>> -> memref<10240x64xf32, #tpu.memory_space<vmem_shared>>
    tpu.enqueue_indirect_dma source(%dma_start3A_31 : memref<128x64xf32, #tpu.memory_space<vmem>>) target(%dma_start3A_37 : memref<10240x64xf32, #tpu.memory_space<vmem_shared>>) offsets(%dma_start3A_34 : memref<128xi32, #tpu.memory_space<vmem>>) semaphore(%arg9 : memref<!tpu.dma_semaphore, #tpu.memory_space<semaphore_mem>>) {add = true}
    %dma_start3A_38 = arith.constant 3 : i32
    %dma_start3A_39 = arith.constant 384 : i32
    %dma_start3A_40 = arith.constant 0 : i32
    %dma_start3A_41 = tpu.memref_slice %arg7[%dma_start3A_39, %dma_start3A_40] : memref<640x64xf32, #tpu.memory_space<vmem>> -> memref<128x64xf32, #tpu.memory_space<vmem>>
    %dma_start3A_42 = arith.constant 0 : i32
    %dma_start3A_43 = tpu.memref_slice %arg6[%dma_start3A_38, %dma_start3A_42] : memref<8x128xi32, #tpu.memory_space<vmem>> -> memref<1x128xi32, #tpu.memory_space<vmem>>
    %dma_start3A_44 = tpu.memref_squeeze %dma_start3A_43 : memref<1x128xi32, #tpu.memory_space<vmem>> -> memref<128xi32, #tpu.memory_space<vmem>>
    %dma_start3A_45 = arith.constant 0 : i32
    %dma_start3A_46 = arith.constant 0 : i32
    %dma_start3A_47 = tpu.memref_slice %arg8[%dma_start3A_45, %dma_start3A_46] : memref<10240x64xf32, #tpu.memory_space<vmem_shared>> -> memref<10240x64xf32, #tpu.memory_space<vmem_shared>>
    tpu.enqueue_indirect_dma source(%dma_start3A_41 : memref<128x64xf32, #tpu.memory_space<vmem>>) target(%dma_start3A_47 : memref<10240x64xf32, #tpu.memory_space<vmem_shared>>) offsets(%dma_start3A_44 : memref<128xi32, #tpu.memory_space<vmem>>) semaphore(%arg9 : memref<!tpu.dma_semaphore, #tpu.memory_space<semaphore_mem>>) {add = true}
    %dma_start3A_48 = arith.constant 4 : i32
    %dma_start3A_49 = arith.constant 512 : i32
    %dma_start3A_50 = arith.constant 0 : i32
    %dma_start3A_51 = tpu.memref_slice %arg7[%dma_start3A_49, %dma_start3A_50] : memref<640x64xf32, #tpu.memory_space<vmem>> -> memref<128x64xf32, #tpu.memory_space<vmem>>
    %dma_start3A_52 = arith.constant 0 : i32
    %dma_start3A_53 = tpu.memref_slice %arg6[%dma_start3A_48, %dma_start3A_52] : memref<8x128xi32, #tpu.memory_space<vmem>> -> memref<1x128xi32, #tpu.memory_space<vmem>>
    %dma_start3A_54 = tpu.memref_squeeze %dma_start3A_53 : memref<1x128xi32, #tpu.memory_space<vmem>> -> memref<128xi32, #tpu.memory_space<vmem>>
    %dma_start3A_55 = arith.constant 0 : i32
    %dma_start3A_56 = arith.constant 0 : i32
    %dma_start3A_57 = tpu.memref_slice %arg8[%dma_start3A_55, %dma_start3A_56] : memref<10240x64xf32, #tpu.memory_space<vmem_shared>> -> memref<10240x64xf32, #tpu.memory_space<vmem_shared>>
    tpu.enqueue_indirect_dma source(%dma_start3A_51 : memref<128x64xf32, #tpu.memory_space<vmem>>) target(%dma_start3A_57 : memref<10240x64xf32, #tpu.memory_space<vmem_shared>>) offsets(%dma_start3A_54 : memref<128xi32, #tpu.memory_space<vmem>>) semaphore(%arg9 : memref<!tpu.dma_semaphore, #tpu.memory_space<semaphore_mem>>) {add = true}
    %dma_wait3A = arith.constant 0 : i32
    %dma_wait3A_58 = arith.constant 0 : i32
    %dma_wait3A_59 = arith.constant 0 : i32
    %dma_wait3A_60 = tpu.memref_slice %arg7[%dma_wait3A_58, %dma_wait3A_59] : memref<640x64xf32, #tpu.memory_space<vmem>> -> memref<128x64xf32, #tpu.memory_space<vmem>>
    %dma_wait3A_61 = arith.constant 0 : i32
    %dma_wait3A_62 = tpu.memref_slice %arg6[%dma_wait3A, %dma_wait3A_61] : memref<8x128xi32, #tpu.memory_space<vmem>> -> memref<1x128xi32, #tpu.memory_space<vmem>>
    %dma_wait3A_63 = tpu.memref_squeeze %dma_wait3A_62 : memref<1x128xi32, #tpu.memory_space<vmem>> -> memref<128xi32, #tpu.memory_space<vmem>>
    %dma_wait3A_64 = arith.constant 0 : i32
    %dma_wait3A_65 = arith.constant 0 : i32
    %dma_wait3A_66 = tpu.memref_slice %arg8[%dma_wait3A_64, %dma_wait3A_65] : memref<10240x64xf32, #tpu.memory_space<vmem_shared>> -> memref<10240x64xf32, #tpu.memory_space<vmem_shared>>
    tpu.wait_indirect_dma semaphore(%arg9 : memref<!tpu.dma_semaphore, #tpu.memory_space<semaphore_mem>>) src(%dma_wait3A_60 : memref<128x64xf32, #tpu.memory_space<vmem>>) dst(%dma_wait3A_66 : memref<10240x64xf32, #tpu.memory_space<vmem_shared>>)
    %dma_wait3A_67 = arith.constant 1 : i32
    %dma_wait3A_68 = arith.constant 128 : i32
    %dma_wait3A_69 = arith.constant 0 : i32
    %dma_wait3A_70 = tpu.memref_slice %arg7[%dma_wait3A_68, %dma_wait3A_69] : memref<640x64xf32, #tpu.memory_space<vmem>> -> memref<128x64xf32, #tpu.memory_space<vmem>>
    %dma_wait3A_71 = arith.constant 0 : i32
    %dma_wait3A_72 = tpu.memref_slice %arg6[%dma_wait3A_67, %dma_wait3A_71] : memref<8x128xi32, #tpu.memory_space<vmem>> -> memref<1x128xi32, #tpu.memory_space<vmem>>
    %dma_wait3A_73 = tpu.memref_squeeze %dma_wait3A_72 : memref<1x128xi32, #tpu.memory_space<vmem>> -> memref<128xi32, #tpu.memory_space<vmem>>
    %dma_wait3A_74 = arith.constant 0 : i32
    %dma_wait3A_75 = arith.constant 0 : i32
    %dma_wait3A_76 = tpu.memref_slice %arg8[%dma_wait3A_74, %dma_wait3A_75] : memref<10240x64xf32, #tpu.memory_space<vmem_shared>> -> memref<10240x64xf32, #tpu.memory_space<vmem_shared>>
    tpu.wait_indirect_dma semaphore(%arg9 : memref<!tpu.dma_semaphore, #tpu.memory_space<semaphore_mem>>) src(%dma_wait3A_70 : memref<128x64xf32, #tpu.memory_space<vmem>>) dst(%dma_wait3A_76 : memref<10240x64xf32, #tpu.memory_space<vmem_shared>>)
    %dma_wait3A_77 = arith.constant 2 : i32
    %dma_wait3A_78 = arith.constant 256 : i32
    %dma_wait3A_79 = arith.constant 0 : i32
    %dma_wait3A_80 = tpu.memref_slice %arg7[%dma_wait3A_78, %dma_wait3A_79] : memref<640x64xf32, #tpu.memory_space<vmem>> -> memref<128x64xf32, #tpu.memory_space<vmem>>
    %dma_wait3A_81 = arith.constant 0 : i32
    %dma_wait3A_82 = tpu.memref_slice %arg6[%dma_wait3A_77, %dma_wait3A_81] : memref<8x128xi32, #tpu.memory_space<vmem>> -> memref<1x128xi32, #tpu.memory_space<vmem>>
    %dma_wait3A_83 = tpu.memref_squeeze %dma_wait3A_82 : memref<1x128xi32, #tpu.memory_space<vmem>> -> memref<128xi32, #tpu.memory_space<vmem>>
    %dma_wait3A_84 = arith.constant 0 : i32
    %dma_wait3A_85 = arith.constant 0 : i32
    %dma_wait3A_86 = tpu.memref_slice %arg8[%dma_wait3A_84, %dma_wait3A_85] : memref<10240x64xf32, #tpu.memory_space<vmem_shared>> -> memref<10240x64xf32, #tpu.memory_space<vmem_shared>>
    tpu.wait_indirect_dma semaphore(%arg9 : memref<!tpu.dma_semaphore, #tpu.memory_space<semaphore_mem>>) src(%dma_wait3A_80 : memref<128x64xf32, #tpu.memory_space<vmem>>) dst(%dma_wait3A_86 : memref<10240x64xf32, #tpu.memory_space<vmem_shared>>)
    %dma_wait3A_87 = arith.constant 3 : i32
    %dma_wait3A_88 = arith.constant 384 : i32
    %dma_wait3A_89 = arith.constant 0 : i32
    %dma_wait3A_90 = tpu.memref_slice %arg7[%dma_wait3A_88, %dma_wait3A_89] : memref<640x64xf32, #tpu.memory_space<vmem>> -> memref<128x64xf32, #tpu.memory_space<vmem>>
    %dma_wait3A_91 = arith.constant 0 : i32
    %dma_wait3A_92 = tpu.memref_slice %arg6[%dma_wait3A_87, %dma_wait3A_91] : memref<8x128xi32, #tpu.memory_space<vmem>> -> memref<1x128xi32, #tpu.memory_space<vmem>>
    %dma_wait3A_93 = tpu.memref_squeeze %dma_wait3A_92 : memref<1x128xi32, #tpu.memory_space<vmem>> -> memref<128xi32, #tpu.memory_space<vmem>>
    %dma_wait3A_94 = arith.constant 0 : i32
    %dma_wait3A_95 = arith.constant 0 : i32
    %dma_wait3A_96 = tpu.memref_slice %arg8[%dma_wait3A_94, %dma_wait3A_95] : memref<10240x64xf32, #tpu.memory_space<vmem_shared>> -> memref<10240x64xf32, #tpu.memory_space<vmem_shared>>
    tpu.wait_indirect_dma semaphore(%arg9 : memref<!tpu.dma_semaphore, #tpu.memory_space<semaphore_mem>>) src(%dma_wait3A_90 : memref<128x64xf32, #tpu.memory_space<vmem>>) dst(%dma_wait3A_96 : memref<10240x64xf32, #tpu.memory_space<vmem_shared>>)
    %dma_wait3A_97 = arith.constant 4 : i32
    %dma_wait3A_98 = arith.constant 512 : i32
    %dma_wait3A_99 = arith.constant 0 : i32
    %dma_wait3A_100 = tpu.memref_slice %arg7[%dma_wait3A_98, %dma_wait3A_99] : memref<640x64xf32, #tpu.memory_space<vmem>> -> memref<128x64xf32, #tpu.memory_space<vmem>>
    %dma_wait3A_101 = arith.constant 0 : i32
    %dma_wait3A_102 = tpu.memref_slice %arg6[%dma_wait3A_97, %dma_wait3A_101] : memref<8x128xi32, #tpu.memory_space<vmem>> -> memref<1x128xi32, #tpu.memory_space<vmem>>
    %dma_wait3A_103 = tpu.memref_squeeze %dma_wait3A_102 : memref<1x128xi32, #tpu.memory_space<vmem>> -> memref<128xi32, #tpu.memory_space<vmem>>
    %dma_wait3A_104 = arith.constant 0 : i32
    %dma_wait3A_105 = arith.constant 0 : i32
    %dma_wait3A_106 = tpu.memref_slice %arg8[%dma_wait3A_104, %dma_wait3A_105] : memref<10240x64xf32, #tpu.memory_space<vmem_shared>> -> memref<10240x64xf32, #tpu.memory_space<vmem_shared>>
    tpu.wait_indirect_dma semaphore(%arg9 : memref<!tpu.dma_semaphore, #tpu.memory_space<semaphore_mem>>) src(%dma_wait3A_100 : memref<128x64xf32, #tpu.memory_space<vmem>>) dst(%dma_wait3A_106 : memref<10240x64xf32, #tpu.memory_space<vmem_shared>>)
    %barrier3A_107 = arith.constant 0 : index
    tpu.barrier barrier_id(%barrier3A_107)
    %mul3A_108 = arith.constant 640 : i32
    %mul3A_109 = arith.muli %arg1, %mul3A_108 : i32
    %mul3A_110 = arith.constant 10240 : i32
    %mul3A_111 = arith.muli %arg0, %mul3A_110 : i32
    %mul3A_112 = arith.constant 640 : i32
    %mul3A_113 = arith.muli %arg1, %mul3A_112 : i32
    %add3A_114 = arith.addi %mul3A_111, %mul3A_113 : i32
    "tpu.region"() ({
      %run_scoped3A = tpu.sem_alloc : memref<!tpu.dma_semaphore, #tpu.memory_space<semaphore_mem>>
      %dma_start3A_115 = arith.constant 0 : i32
      %dma_start3A_116 = tpu.memref_slice %arg5[%add3A_114, %dma_start3A_115] : memref<20480x64xf32, #tpu.memory_space<hbm>> -> memref<640x64xf32, #tpu.memory_space<hbm>>
      %dma_start3A_117 = arith.constant 0 : i32
      %dma_start3A_118 = tpu.memref_slice %arg8[%mul3A_109, %dma_start3A_117] : memref<10240x64xf32, #tpu.memory_space<vmem_shared>> -> memref<640x64xf32, #tpu.memory_space<vmem_shared>>
      tpu.enqueue_dma source(%dma_start3A_118 : memref<640x64xf32, #tpu.memory_space<vmem_shared>>) target(%dma_start3A_116 : memref<640x64xf32, #tpu.memory_space<hbm>>) target_semaphore(%run_scoped3A : memref<!tpu.dma_semaphore, #tpu.memory_space<semaphore_mem>>)
      %dma_wait3A_119 = arith.constant 0 : i32
      %dma_wait3A_120 = tpu.memref_slice %arg5[%add3A_114, %dma_wait3A_119] : memref<20480x64xf32, #tpu.memory_space<hbm>> -> memref<640x64xf32, #tpu.memory_space<hbm>>
      %dma_wait3A_121 = arith.constant 0 : i32
      %dma_wait3A_122 = tpu.memref_slice %arg8[%mul3A_109, %dma_wait3A_121] : memref<10240x64xf32, #tpu.memory_space<vmem_shared>> -> memref<640x64xf32, #tpu.memory_space<vmem_shared>>
      tpu.wait_dma2 semaphore(%run_scoped3A : memref<!tpu.dma_semaphore, #tpu.memory_space<semaphore_mem>>) src(%dma_wait3A_122 : memref<640x64xf32, #tpu.memory_space<vmem_shared>>) dst(%dma_wait3A_120 : memref<640x64xf32, #tpu.memory_space<hbm>>)
      tpu.yield
    }) : () -> ()
    return
  }
}

#map = affine_map<(d0, d1) -> (0, 0)>
module attributes {stable_mosaic.version = 14 : i64} {
  func.func @_sc_gather_body(%arg0: i32, %arg1: i32, %arg2: memref<10240x64xf32, #tpu.memory_space<hbm>>, %arg3: memref<256x128xi32, #tpu.memory_space<hbm>>, %arg4: memref<20480x64xf32, #tpu.memory_space<hbm>>, %arg5: memref<8x128xi32, #tpu.memory_space<vmem>>, %arg6: memref<640x64xf32, #tpu.memory_space<vmem>>, %arg7: memref<!tpu.dma_semaphore, #tpu.memory_space<semaphore_mem>>) attributes {dimension_semantics = [#tpu.dimension_semantics<core_parallel>, #tpu.dimension_semantics<subcore_parallel>], iteration_bounds = array<i64: 2, 16>, scalar_prefetch = 0 : i64, scratch_operands = 3 : i64, tpu.core_type = #tpu.core_type<sc_vector_subcore>, window_params = [{transform_indices = #map}, {transform_indices = #map}, {transform_indices = #map}]} {
    %mul3A = arith.constant 2 : i32
    %mul3A_0 = arith.muli %arg1, %mul3A : i32
    %add3A = arith.addi %mul3A_0, %arg0 : i32
    %mul3A_1 = arith.constant 8 : i32
    %mul3A_2 = arith.muli %add3A, %mul3A_1 : i32
    "tpu.region"() ({
      %run_scoped3A = tpu.sem_alloc : memref<!tpu.dma_semaphore, #tpu.memory_space<semaphore_mem>>
      %dma_start3A_103 = arith.constant 0 : i32
      %dma_start3A_104 = tpu.memref_slice %arg3[%mul3A_2, %dma_start3A_103] : memref<256x128xi32, #tpu.memory_space<hbm>> -> memref<8x128xi32, #tpu.memory_space<hbm>>
      %dma_start3A_105 = arith.constant 0 : i32
      %dma_start3A_106 = tpu.memref_slice %arg3[%mul3A_2, %dma_start3A_105] : memref<256x128xi32, #tpu.memory_space<hbm>> -> memref<8x128xi32, #tpu.memory_space<hbm>>
      tpu.enqueue_dma source(%dma_start3A_106 : memref<8x128xi32, #tpu.memory_space<hbm>>) target(%arg5 : memref<8x128xi32, #tpu.memory_space<vmem>>) target_semaphore(%run_scoped3A : memref<!tpu.dma_semaphore, #tpu.memory_space<semaphore_mem>>)
      %dma_wait3A_107 = arith.constant 0 : i32
      %dma_wait3A_108 = tpu.memref_slice %arg3[%mul3A_2, %dma_wait3A_107] : memref<256x128xi32, #tpu.memory_space<hbm>> -> memref<8x128xi32, #tpu.memory_space<hbm>>
      %dma_wait3A_109 = arith.constant 0 : i32
      %dma_wait3A_110 = tpu.memref_slice %arg3[%mul3A_2, %dma_wait3A_109] : memref<256x128xi32, #tpu.memory_space<hbm>> -> memref<8x128xi32, #tpu.memory_space<hbm>>
      tpu.wait_dma2 semaphore(%run_scoped3A : memref<!tpu.dma_semaphore, #tpu.memory_space<semaphore_mem>>) src(%dma_wait3A_110 : memref<8x128xi32, #tpu.memory_space<hbm>>) dst(%arg5 : memref<8x128xi32, #tpu.memory_space<vmem>>)
      tpu.yield
    }) : () -> ()
    %dma_start3A = arith.constant 0 : i32
    %dma_start3A_3 = arith.constant 0 : i32
    %dma_start3A_4 = arith.constant 0 : i32
    %dma_start3A_5 = tpu.memref_slice %arg6[%dma_start3A_3, %dma_start3A_4] : memref<640x64xf32, #tpu.memory_space<vmem>> -> memref<128x64xf32, #tpu.memory_space<vmem>>
    %dma_start3A_6 = arith.constant 0 : i32
    %dma_start3A_7 = tpu.memref_slice %arg5[%dma_start3A, %dma_start3A_6] : memref<8x128xi32, #tpu.memory_space<vmem>> -> memref<1x128xi32, #tpu.memory_space<vmem>>
    %dma_start3A_8 = tpu.memref_squeeze %dma_start3A_7 : memref<1x128xi32, #tpu.memory_space<vmem>> -> memref<128xi32, #tpu.memory_space<vmem>>
    %dma_start3A_9 = arith.constant 0 : i32
    %dma_start3A_10 = arith.constant 0 : i32
    %dma_start3A_11 = tpu.memref_slice %arg2[%dma_start3A_9, %dma_start3A_10] : memref<10240x64xf32, #tpu.memory_space<hbm>> -> memref<10240x64xf32, #tpu.memory_space<hbm>>
    tpu.enqueue_indirect_dma source(%dma_start3A_11 : memref<10240x64xf32, #tpu.memory_space<hbm>>) target(%dma_start3A_5 : memref<128x64xf32, #tpu.memory_space<vmem>>) offsets(%dma_start3A_8 : memref<128xi32, #tpu.memory_space<vmem>>) semaphore(%arg7 : memref<!tpu.dma_semaphore, #tpu.memory_space<semaphore_mem>>)
    %dma_start3A_12 = arith.constant 1 : i32
    %dma_start3A_13 = arith.constant 128 : i32
    %dma_start3A_14 = arith.constant 0 : i32
    %dma_start3A_15 = tpu.memref_slice %arg6[%dma_start3A_13, %dma_start3A_14] : memref<640x64xf32, #tpu.memory_space<vmem>> -> memref<128x64xf32, #tpu.memory_space<vmem>>
    %dma_start3A_16 = arith.constant 0 : i32
    %dma_start3A_17 = tpu.memref_slice %arg5[%dma_start3A_12, %dma_start3A_16] : memref<8x128xi32, #tpu.memory_space<vmem>> -> memref<1x128xi32, #tpu.memory_space<vmem>>
    %dma_start3A_18 = tpu.memref_squeeze %dma_start3A_17 : memref<1x128xi32, #tpu.memory_space<vmem>> -> memref<128xi32, #tpu.memory_space<vmem>>
    %dma_start3A_19 = arith.constant 0 : i32
    %dma_start3A_20 = arith.constant 0 : i32
    %dma_start3A_21 = tpu.memref_slice %arg2[%dma_start3A_19, %dma_start3A_20] : memref<10240x64xf32, #tpu.memory_space<hbm>> -> memref<10240x64xf32, #tpu.memory_space<hbm>>
    tpu.enqueue_indirect_dma source(%dma_start3A_21 : memref<10240x64xf32, #tpu.memory_space<hbm>>) target(%dma_start3A_15 : memref<128x64xf32, #tpu.memory_space<vmem>>) offsets(%dma_start3A_18 : memref<128xi32, #tpu.memory_space<vmem>>) semaphore(%arg7 : memref<!tpu.dma_semaphore, #tpu.memory_space<semaphore_mem>>)
    %dma_start3A_22 = arith.constant 2 : i32
    %dma_start3A_23 = arith.constant 256 : i32
    %dma_start3A_24 = arith.constant 0 : i32
    %dma_start3A_25 = tpu.memref_slice %arg6[%dma_start3A_23, %dma_start3A_24] : memref<640x64xf32, #tpu.memory_space<vmem>> -> memref<128x64xf32, #tpu.memory_space<vmem>>
    %dma_start3A_26 = arith.constant 0 : i32
    %dma_start3A_27 = tpu.memref_slice %arg5[%dma_start3A_22, %dma_start3A_26] : memref<8x128xi32, #tpu.memory_space<vmem>> -> memref<1x128xi32, #tpu.memory_space<vmem>>
    %dma_start3A_28 = tpu.memref_squeeze %dma_start3A_27 : memref<1x128xi32, #tpu.memory_space<vmem>> -> memref<128xi32, #tpu.memory_space<vmem>>
    %dma_start3A_29 = arith.constant 0 : i32
    %dma_start3A_30 = arith.constant 0 : i32
    %dma_start3A_31 = tpu.memref_slice %arg2[%dma_start3A_29, %dma_start3A_30] : memref<10240x64xf32, #tpu.memory_space<hbm>> -> memref<10240x64xf32, #tpu.memory_space<hbm>>
    tpu.enqueue_indirect_dma source(%dma_start3A_31 : memref<10240x64xf32, #tpu.memory_space<hbm>>) target(%dma_start3A_25 : memref<128x64xf32, #tpu.memory_space<vmem>>) offsets(%dma_start3A_28 : memref<128xi32, #tpu.memory_space<vmem>>) semaphore(%arg7 : memref<!tpu.dma_semaphore, #tpu.memory_space<semaphore_mem>>)
    %dma_start3A_32 = arith.constant 3 : i32
    %dma_start3A_33 = arith.constant 384 : i32
    %dma_start3A_34 = arith.constant 0 : i32
    %dma_start3A_35 = tpu.memref_slice %arg6[%dma_start3A_33, %dma_start3A_34] : memref<640x64xf32, #tpu.memory_space<vmem>> -> memref<128x64xf32, #tpu.memory_space<vmem>>
    %dma_start3A_36 = arith.constant 0 : i32
    %dma_start3A_37 = tpu.memref_slice %arg5[%dma_start3A_32, %dma_start3A_36] : memref<8x128xi32, #tpu.memory_space<vmem>> -> memref<1x128xi32, #tpu.memory_space<vmem>>
    %dma_start3A_38 = tpu.memref_squeeze %dma_start3A_37 : memref<1x128xi32, #tpu.memory_space<vmem>> -> memref<128xi32, #tpu.memory_space<vmem>>
    %dma_start3A_39 = arith.constant 0 : i32
    %dma_start3A_40 = arith.constant 0 : i32
    %dma_start3A_41 = tpu.memref_slice %arg2[%dma_start3A_39, %dma_start3A_40] : memref<10240x64xf32, #tpu.memory_space<hbm>> -> memref<10240x64xf32, #tpu.memory_space<hbm>>
    tpu.enqueue_indirect_dma source(%dma_start3A_41 : memref<10240x64xf32, #tpu.memory_space<hbm>>) target(%dma_start3A_35 : memref<128x64xf32, #tpu.memory_space<vmem>>) offsets(%dma_start3A_38 : memref<128xi32, #tpu.memory_space<vmem>>) semaphore(%arg7 : memref<!tpu.dma_semaphore, #tpu.memory_space<semaphore_mem>>)
    %dma_start3A_42 = arith.constant 4 : i32
    %dma_start3A_43 = arith.constant 512 : i32
    %dma_start3A_44 = arith.constant 0 : i32
    %dma_start3A_45 = tpu.memref_slice %arg6[%dma_start3A_43, %dma_start3A_44] : memref<640x64xf32, #tpu.memory_space<vmem>> -> memref<128x64xf32, #tpu.memory_space<vmem>>
    %dma_start3A_46 = arith.constant 0 : i32
    %dma_start3A_47 = tpu.memref_slice %arg5[%dma_start3A_42, %dma_start3A_46] : memref<8x128xi32, #tpu.memory_space<vmem>> -> memref<1x128xi32, #tpu.memory_space<vmem>>
    %dma_start3A_48 = tpu.memref_squeeze %dma_start3A_47 : memref<1x128xi32, #tpu.memory_space<vmem>> -> memref<128xi32, #tpu.memory_space<vmem>>
    %dma_start3A_49 = arith.constant 0 : i32
    %dma_start3A_50 = arith.constant 0 : i32
    %dma_start3A_51 = tpu.memref_slice %arg2[%dma_start3A_49, %dma_start3A_50] : memref<10240x64xf32, #tpu.memory_space<hbm>> -> memref<10240x64xf32, #tpu.memory_space<hbm>>
    tpu.enqueue_indirect_dma source(%dma_start3A_51 : memref<10240x64xf32, #tpu.memory_space<hbm>>) target(%dma_start3A_45 : memref<128x64xf32, #tpu.memory_space<vmem>>) offsets(%dma_start3A_48 : memref<128xi32, #tpu.memory_space<vmem>>) semaphore(%arg7 : memref<!tpu.dma_semaphore, #tpu.memory_space<semaphore_mem>>)
    %dma_wait3A = arith.constant 0 : i32
    %dma_wait3A_52 = arith.constant 0 : i32
    %dma_wait3A_53 = arith.constant 0 : i32
    %dma_wait3A_54 = tpu.memref_slice %arg6[%dma_wait3A_52, %dma_wait3A_53] : memref<640x64xf32, #tpu.memory_space<vmem>> -> memref<128x64xf32, #tpu.memory_space<vmem>>
    %dma_wait3A_55 = arith.constant 0 : i32
    %dma_wait3A_56 = tpu.memref_slice %arg5[%dma_wait3A, %dma_wait3A_55] : memref<8x128xi32, #tpu.memory_space<vmem>> -> memref<1x128xi32, #tpu.memory_space<vmem>>
    %dma_wait3A_57 = tpu.memref_squeeze %dma_wait3A_56 : memref<1x128xi32, #tpu.memory_space<vmem>> -> memref<128xi32, #tpu.memory_space<vmem>>
    %dma_wait3A_58 = arith.constant 0 : i32
    %dma_wait3A_59 = arith.constant 0 : i32
    %dma_wait3A_60 = tpu.memref_slice %arg2[%dma_wait3A_58, %dma_wait3A_59] : memref<10240x64xf32, #tpu.memory_space<hbm>> -> memref<10240x64xf32, #tpu.memory_space<hbm>>
    tpu.wait_indirect_dma semaphore(%arg7 : memref<!tpu.dma_semaphore, #tpu.memory_space<semaphore_mem>>) src(%dma_wait3A_60 : memref<10240x64xf32, #tpu.memory_space<hbm>>) dst(%dma_wait3A_54 : memref<128x64xf32, #tpu.memory_space<vmem>>)
    %dma_wait3A_61 = arith.constant 1 : i32
    %dma_wait3A_62 = arith.constant 128 : i32
    %dma_wait3A_63 = arith.constant 0 : i32
    %dma_wait3A_64 = tpu.memref_slice %arg6[%dma_wait3A_62, %dma_wait3A_63] : memref<640x64xf32, #tpu.memory_space<vmem>> -> memref<128x64xf32, #tpu.memory_space<vmem>>
    %dma_wait3A_65 = arith.constant 0 : i32
    %dma_wait3A_66 = tpu.memref_slice %arg5[%dma_wait3A_61, %dma_wait3A_65] : memref<8x128xi32, #tpu.memory_space<vmem>> -> memref<1x128xi32, #tpu.memory_space<vmem>>
    %dma_wait3A_67 = tpu.memref_squeeze %dma_wait3A_66 : memref<1x128xi32, #tpu.memory_space<vmem>> -> memref<128xi32, #tpu.memory_space<vmem>>
    %dma_wait3A_68 = arith.constant 0 : i32
    %dma_wait3A_69 = arith.constant 0 : i32
    %dma_wait3A_70 = tpu.memref_slice %arg2[%dma_wait3A_68, %dma_wait3A_69] : memref<10240x64xf32, #tpu.memory_space<hbm>> -> memref<10240x64xf32, #tpu.memory_space<hbm>>
    tpu.wait_indirect_dma semaphore(%arg7 : memref<!tpu.dma_semaphore, #tpu.memory_space<semaphore_mem>>) src(%dma_wait3A_70 : memref<10240x64xf32, #tpu.memory_space<hbm>>) dst(%dma_wait3A_64 : memref<128x64xf32, #tpu.memory_space<vmem>>)
    %dma_wait3A_71 = arith.constant 2 : i32
    %dma_wait3A_72 = arith.constant 256 : i32
    %dma_wait3A_73 = arith.constant 0 : i32
    %dma_wait3A_74 = tpu.memref_slice %arg6[%dma_wait3A_72, %dma_wait3A_73] : memref<640x64xf32, #tpu.memory_space<vmem>> -> memref<128x64xf32, #tpu.memory_space<vmem>>
    %dma_wait3A_75 = arith.constant 0 : i32
    %dma_wait3A_76 = tpu.memref_slice %arg5[%dma_wait3A_71, %dma_wait3A_75] : memref<8x128xi32, #tpu.memory_space<vmem>> -> memref<1x128xi32, #tpu.memory_space<vmem>>
    %dma_wait3A_77 = tpu.memref_squeeze %dma_wait3A_76 : memref<1x128xi32, #tpu.memory_space<vmem>> -> memref<128xi32, #tpu.memory_space<vmem>>
    %dma_wait3A_78 = arith.constant 0 : i32
    %dma_wait3A_79 = arith.constant 0 : i32
    %dma_wait3A_80 = tpu.memref_slice %arg2[%dma_wait3A_78, %dma_wait3A_79] : memref<10240x64xf32, #tpu.memory_space<hbm>> -> memref<10240x64xf32, #tpu.memory_space<hbm>>
    tpu.wait_indirect_dma semaphore(%arg7 : memref<!tpu.dma_semaphore, #tpu.memory_space<semaphore_mem>>) src(%dma_wait3A_80 : memref<10240x64xf32, #tpu.memory_space<hbm>>) dst(%dma_wait3A_74 : memref<128x64xf32, #tpu.memory_space<vmem>>)
    %dma_wait3A_81 = arith.constant 3 : i32
    %dma_wait3A_82 = arith.constant 384 : i32
    %dma_wait3A_83 = arith.constant 0 : i32
    %dma_wait3A_84 = tpu.memref_slice %arg6[%dma_wait3A_82, %dma_wait3A_83] : memref<640x64xf32, #tpu.memory_space<vmem>> -> memref<128x64xf32, #tpu.memory_space<vmem>>
    %dma_wait3A_85 = arith.constant 0 : i32
    %dma_wait3A_86 = tpu.memref_slice %arg5[%dma_wait3A_81, %dma_wait3A_85] : memref<8x128xi32, #tpu.memory_space<vmem>> -> memref<1x128xi32, #tpu.memory_space<vmem>>
    %dma_wait3A_87 = tpu.memref_squeeze %dma_wait3A_86 : memref<1x128xi32, #tpu.memory_space<vmem>> -> memref<128xi32, #tpu.memory_space<vmem>>
    %dma_wait3A_88 = arith.constant 0 : i32
    %dma_wait3A_89 = arith.constant 0 : i32
    %dma_wait3A_90 = tpu.memref_slice %arg2[%dma_wait3A_88, %dma_wait3A_89] : memref<10240x64xf32, #tpu.memory_space<hbm>> -> memref<10240x64xf32, #tpu.memory_space<hbm>>
    tpu.wait_indirect_dma semaphore(%arg7 : memref<!tpu.dma_semaphore, #tpu.memory_space<semaphore_mem>>) src(%dma_wait3A_90 : memref<10240x64xf32, #tpu.memory_space<hbm>>) dst(%dma_wait3A_84 : memref<128x64xf32, #tpu.memory_space<vmem>>)
    %dma_wait3A_91 = arith.constant 4 : i32
    %dma_wait3A_92 = arith.constant 512 : i32
    %dma_wait3A_93 = arith.constant 0 : i32
    %dma_wait3A_94 = tpu.memref_slice %arg6[%dma_wait3A_92, %dma_wait3A_93] : memref<640x64xf32, #tpu.memory_space<vmem>> -> memref<128x64xf32, #tpu.memory_space<vmem>>
    %dma_wait3A_95 = arith.constant 0 : i32
    %dma_wait3A_96 = tpu.memref_slice %arg5[%dma_wait3A_91, %dma_wait3A_95] : memref<8x128xi32, #tpu.memory_space<vmem>> -> memref<1x128xi32, #tpu.memory_space<vmem>>
    %dma_wait3A_97 = tpu.memref_squeeze %dma_wait3A_96 : memref<1x128xi32, #tpu.memory_space<vmem>> -> memref<128xi32, #tpu.memory_space<vmem>>
    %dma_wait3A_98 = arith.constant 0 : i32
    %dma_wait3A_99 = arith.constant 0 : i32
    %dma_wait3A_100 = tpu.memref_slice %arg2[%dma_wait3A_98, %dma_wait3A_99] : memref<10240x64xf32, #tpu.memory_space<hbm>> -> memref<10240x64xf32, #tpu.memory_space<hbm>>
    tpu.wait_indirect_dma semaphore(%arg7 : memref<!tpu.dma_semaphore, #tpu.memory_space<semaphore_mem>>) src(%dma_wait3A_100 : memref<10240x64xf32, #tpu.memory_space<hbm>>) dst(%dma_wait3A_94 : memref<128x64xf32, #tpu.memory_space<vmem>>)
    %mul3A_101 = arith.constant 640 : i32
    %mul3A_102 = arith.muli %add3A, %mul3A_101 : i32
    "tpu.region"() ({
      %run_scoped3A = tpu.sem_alloc : memref<!tpu.dma_semaphore, #tpu.memory_space<semaphore_mem>>
      %dma_start3A_103 = arith.constant 0 : i32
      %dma_start3A_104 = tpu.memref_slice %arg4[%mul3A_102, %dma_start3A_103] : memref<20480x64xf32, #tpu.memory_space<hbm>> -> memref<640x64xf32, #tpu.memory_space<hbm>>
      %dma_start3A_105 = arith.constant 0 : i32
      %dma_start3A_106 = tpu.memref_slice %arg4[%mul3A_102, %dma_start3A_105] : memref<20480x64xf32, #tpu.memory_space<hbm>> -> memref<640x64xf32, #tpu.memory_space<hbm>>
      tpu.enqueue_dma source(%arg6 : memref<640x64xf32, #tpu.memory_space<vmem>>) target(%dma_start3A_106 : memref<640x64xf32, #tpu.memory_space<hbm>>) target_semaphore(%run_scoped3A : memref<!tpu.dma_semaphore, #tpu.memory_space<semaphore_mem>>)
      %dma_wait3A_107 = arith.constant 0 : i32
      %dma_wait3A_108 = tpu.memref_slice %arg4[%mul3A_102, %dma_wait3A_107] : memref<20480x64xf32, #tpu.memory_space<hbm>> -> memref<640x64xf32, #tpu.memory_space<hbm>>
      %dma_wait3A_109 = arith.constant 0 : i32
      %dma_wait3A_110 = tpu.memref_slice %arg4[%mul3A_102, %dma_wait3A_109] : memref<20480x64xf32, #tpu.memory_space<hbm>> -> memref<640x64xf32, #tpu.memory_space<hbm>>
      tpu.wait_dma2 semaphore(%run_scoped3A : memref<!tpu.dma_semaphore, #tpu.memory_space<semaphore_mem>>) src(%arg6 : memref<640x64xf32, #tpu.memory_space<vmem>>) dst(%dma_wait3A_110 : memref<640x64xf32, #tpu.memory_space<hbm>>)
      tpu.yield
    }) : () -> ()
    return
  }
}

#map = affine_map<(d0, d1) -> (0, 0)>
module attributes {stable_mosaic.version = 14 : i64} {
  func.func @_sc_scatter_body(%arg0: i32, %arg1: i32, %arg2: memref<20480x64xf32, #tpu.memory_space<hbm>>, %arg3: memref<256x128xi32, #tpu.memory_space<hbm>>, %arg4: memref<10240x64xf32, #tpu.memory_space<hbm>>, %arg5: memref<20480x64xf32, #tpu.memory_space<hbm>>, %arg6: memref<8x128xi32, #tpu.memory_space<vmem>>, %arg7: memref<640x64xf32, #tpu.memory_space<vmem>>, %arg8: memref<10240x64xf32, #tpu.memory_space<vmem_shared>>, %arg9: memref<!tpu.dma_semaphore, #tpu.memory_space<semaphore_mem>>) attributes {dimension_semantics = [#tpu.dimension_semantics<core_parallel>, #tpu.dimension_semantics<subcore_parallel>], iteration_bounds = array<i64: 2, 16>, scalar_prefetch = 0 : i64, scratch_operands = 4 : i64, tpu.core_type = #tpu.core_type<sc_vector_subcore>, window_params = [{transform_indices = #map}, {transform_indices = #map}, {transform_indices = #map}, {transform_indices = #map}]} {
    %mul3A = arith.constant 2 : i32
    %mul3A_0 = arith.muli %arg1, %mul3A : i32
    %add3A = arith.addi %mul3A_0, %arg0 : i32
    %mul3A_1 = arith.constant 640 : i32
    %mul3A_2 = arith.muli %add3A, %mul3A_1 : i32
    %mul3A_3 = arith.constant 640 : i32
    %mul3A_4 = arith.muli %arg1, %mul3A_3 : i32
    %mul3A_5 = arith.constant 640 : i32
    %mul3A_6 = arith.muli %arg1, %mul3A_5 : i32
    "tpu.region"() ({
      %run_scoped3A = tpu.sem_alloc : memref<!tpu.dma_semaphore, #tpu.memory_space<semaphore_mem>>
      %dma_start3A_115 = arith.constant 0 : i32
      %dma_start3A_116 = tpu.memref_slice %arg8[%mul3A_6, %dma_start3A_115] : memref<10240x64xf32, #tpu.memory_space<vmem_shared>> -> memref<640x64xf32, #tpu.memory_space<vmem_shared>>
      %dma_start3A_117 = arith.constant 0 : i32
      %dma_start3A_118 = tpu.memref_slice %arg4[%mul3A_4, %dma_start3A_117] : memref<10240x64xf32, #tpu.memory_space<hbm>> -> memref<640x64xf32, #tpu.memory_space<hbm>>
      tpu.enqueue_dma source(%dma_start3A_118 : memref<640x64xf32, #tpu.memory_space<hbm>>) target(%dma_start3A_116 : memref<640x64xf32, #tpu.memory_space<vmem_shared>>) target_semaphore(%run_scoped3A : memref<!tpu.dma_semaphore, #tpu.memory_space<semaphore_mem>>)
      %dma_wait3A_119 = arith.constant 0 : i32
      %dma_wait3A_120 = tpu.memref_slice %arg8[%mul3A_6, %dma_wait3A_119] : memref<10240x64xf32, #tpu.memory_space<vmem_shared>> -> memref<640x64xf32, #tpu.memory_space<vmem_shared>>
      %dma_wait3A_121 = arith.constant 0 : i32
      %dma_wait3A_122 = tpu.memref_slice %arg4[%mul3A_4, %dma_wait3A_121] : memref<10240x64xf32, #tpu.memory_space<hbm>> -> memref<640x64xf32, #tpu.memory_space<hbm>>
      tpu.wait_dma2 semaphore(%run_scoped3A : memref<!tpu.dma_semaphore, #tpu.memory_space<semaphore_mem>>) src(%dma_wait3A_122 : memref<640x64xf32, #tpu.memory_space<hbm>>) dst(%dma_wait3A_120 : memref<640x64xf32, #tpu.memory_space<vmem_shared>>)
      tpu.yield
    }) : () -> ()
    "tpu.region"() ({
      %run_scoped3A = tpu.sem_alloc : memref<!tpu.dma_semaphore, #tpu.memory_space<semaphore_mem>>
      %dma_start3A_115 = arith.constant 0 : i32
      %dma_start3A_116 = tpu.memref_slice %arg2[%mul3A_2, %dma_start3A_115] : memref<20480x64xf32, #tpu.memory_space<hbm>> -> memref<640x64xf32, #tpu.memory_space<hbm>>
      %dma_start3A_117 = arith.constant 0 : i32
      %dma_start3A_118 = tpu.memref_slice %arg2[%mul3A_2, %dma_start3A_117] : memref<20480x64xf32, #tpu.memory_space<hbm>> -> memref<640x64xf32, #tpu.memory_space<hbm>>
      tpu.enqueue_dma source(%dma_start3A_118 : memref<640x64xf32, #tpu.memory_space<hbm>>) target(%arg7 : memref<640x64xf32, #tpu.memory_space<vmem>>) target_semaphore(%run_scoped3A : memref<!tpu.dma_semaphore, #tpu.memory_space<semaphore_mem>>)
      %dma_wait3A_119 = arith.constant 0 : i32
      %dma_wait3A_120 = tpu.memref_slice %arg2[%mul3A_2, %dma_wait3A_119] : memref<20480x64xf32, #tpu.memory_space<hbm>> -> memref<640x64xf32, #tpu.memory_space<hbm>>
      %dma_wait3A_121 = arith.constant 0 : i32
      %dma_wait3A_122 = tpu.memref_slice %arg2[%mul3A_2, %dma_wait3A_121] : memref<20480x64xf32, #tpu.memory_space<hbm>> -> memref<640x64xf32, #tpu.memory_space<hbm>>
      tpu.wait_dma2 semaphore(%run_scoped3A : memref<!tpu.dma_semaphore, #tpu.memory_space<semaphore_mem>>) src(%dma_wait3A_122 : memref<640x64xf32, #tpu.memory_space<hbm>>) dst(%arg7 : memref<640x64xf32, #tpu.memory_space<vmem>>)
      tpu.yield
    }) : () -> ()
    %mul3A_7 = arith.constant 8 : i32
    %mul3A_8 = arith.muli %add3A, %mul3A_7 : i32
    "tpu.region"() ({
      %run_scoped3A = tpu.sem_alloc : memref<!tpu.dma_semaphore, #tpu.memory_space<semaphore_mem>>
      %dma_start3A_115 = arith.constant 0 : i32
      %dma_start3A_116 = tpu.memref_slice %arg3[%mul3A_8, %dma_start3A_115] : memref<256x128xi32, #tpu.memory_space<hbm>> -> memref<8x128xi32, #tpu.memory_space<hbm>>
      %dma_start3A_117 = arith.constant 0 : i32
      %dma_start3A_118 = tpu.memref_slice %arg3[%mul3A_8, %dma_start3A_117] : memref<256x128xi32, #tpu.memory_space<hbm>> -> memref<8x128xi32, #tpu.memory_space<hbm>>
      tpu.enqueue_dma source(%dma_start3A_118 : memref<8x128xi32, #tpu.memory_space<hbm>>) target(%arg6 : memref<8x128xi32, #tpu.memory_space<vmem>>) target_semaphore(%run_scoped3A : memref<!tpu.dma_semaphore, #tpu.memory_space<semaphore_mem>>)
      %dma_wait3A_119 = arith.constant 0 : i32
      %dma_wait3A_120 = tpu.memref_slice %arg3[%mul3A_8, %dma_wait3A_119] : memref<256x128xi32, #tpu.memory_space<hbm>> -> memref<8x128xi32, #tpu.memory_space<hbm>>
      %dma_wait3A_121 = arith.constant 0 : i32
      %dma_wait3A_122 = tpu.memref_slice %arg3[%mul3A_8, %dma_wait3A_121] : memref<256x128xi32, #tpu.memory_space<hbm>> -> memref<8x128xi32, #tpu.memory_space<hbm>>
      tpu.wait_dma2 semaphore(%run_scoped3A : memref<!tpu.dma_semaphore, #tpu.memory_space<semaphore_mem>>) src(%dma_wait3A_122 : memref<8x128xi32, #tpu.memory_space<hbm>>) dst(%arg6 : memref<8x128xi32, #tpu.memory_space<vmem>>)
      tpu.yield
    }) : () -> ()
    %barrier3A = arith.constant 0 : index
    tpu.barrier barrier_id(%barrier3A)
    %dma_start3A = arith.constant 0 : i32
    %dma_start3A_9 = arith.constant 0 : i32
    %dma_start3A_10 = arith.constant 0 : i32
    %dma_start3A_11 = tpu.memref_slice %arg7[%dma_start3A_9, %dma_start3A_10] : memref<640x64xf32, #tpu.memory_space<vmem>> -> memref<128x64xf32, #tpu.memory_space<vmem>>
    %dma_start3A_12 = arith.constant 0 : i32
    %dma_start3A_13 = tpu.memref_slice %arg6[%dma_start3A, %dma_start3A_12] : memref<8x128xi32, #tpu.memory_space<vmem>> -> memref<1x128xi32, #tpu.memory_space<vmem>>
    %dma_start3A_14 = tpu.memref_squeeze %dma_start3A_13 : memref<1x128xi32, #tpu.memory_space<vmem>> -> memref<128xi32, #tpu.memory_space<vmem>>
    %dma_start3A_15 = arith.constant 0 : i32
    %dma_start3A_16 = arith.constant 0 : i32
    %dma_start3A_17 = tpu.memref_slice %arg8[%dma_start3A_15, %dma_start3A_16] : memref<10240x64xf32, #tpu.memory_space<vmem_shared>> -> memref<10240x64xf32, #tpu.memory_space<vmem_shared>>
    tpu.enqueue_indirect_dma source(%dma_start3A_11 : memref<128x64xf32, #tpu.memory_space<vmem>>) target(%dma_start3A_17 : memref<10240x64xf32, #tpu.memory_space<vmem_shared>>) offsets(%dma_start3A_14 : memref<128xi32, #tpu.memory_space<vmem>>) semaphore(%arg9 : memref<!tpu.dma_semaphore, #tpu.memory_space<semaphore_mem>>) {add = true}
    %dma_start3A_18 = arith.constant 1 : i32
    %dma_start3A_19 = arith.constant 128 : i32
    %dma_start3A_20 = arith.constant 0 : i32
    %dma_start3A_21 = tpu.memref_slice %arg7[%dma_start3A_19, %dma_start3A_20] : memref<640x64xf32, #tpu.memory_space<vmem>> -> memref<128x64xf32, #tpu.memory_space<vmem>>
    %dma_start3A_22 = arith.constant 0 : i32
    %dma_start3A_23 = tpu.memref_slice %arg6[%dma_start3A_18, %dma_start3A_22] : memref<8x128xi32, #tpu.memory_space<vmem>> -> memref<1x128xi32, #tpu.memory_space<vmem>>
    %dma_start3A_24 = tpu.memref_squeeze %dma_start3A_23 : memref<1x128xi32, #tpu.memory_space<vmem>> -> memref<128xi32, #tpu.memory_space<vmem>>
    %dma_start3A_25 = arith.constant 0 : i32
    %dma_start3A_26 = arith.constant 0 : i32
    %dma_start3A_27 = tpu.memref_slice %arg8[%dma_start3A_25, %dma_start3A_26] : memref<10240x64xf32, #tpu.memory_space<vmem_shared>> -> memref<10240x64xf32, #tpu.memory_space<vmem_shared>>
    tpu.enqueue_indirect_dma source(%dma_start3A_21 : memref<128x64xf32, #tpu.memory_space<vmem>>) target(%dma_start3A_27 : memref<10240x64xf32, #tpu.memory_space<vmem_shared>>) offsets(%dma_start3A_24 : memref<128xi32, #tpu.memory_space<vmem>>) semaphore(%arg9 : memref<!tpu.dma_semaphore, #tpu.memory_space<semaphore_mem>>) {add = true}
    %dma_start3A_28 = arith.constant 2 : i32
    %dma_start3A_29 = arith.constant 256 : i32
    %dma_start3A_30 = arith.constant 0 : i32
    %dma_start3A_31 = tpu.memref_slice %arg7[%dma_start3A_29, %dma_start3A_30] : memref<640x64xf32, #tpu.memory_space<vmem>> -> memref<128x64xf32, #tpu.memory_space<vmem>>
    %dma_start3A_32 = arith.constant 0 : i32
    %dma_start3A_33 = tpu.memref_slice %arg6[%dma_start3A_28, %dma_start3A_32] : memref<8x128xi32, #tpu.memory_space<vmem>> -> memref<1x128xi32, #tpu.memory_space<vmem>>
    %dma_start3A_34 = tpu.memref_squeeze %dma_start3A_33 : memref<1x128xi32, #tpu.memory_space<vmem>> -> memref<128xi32, #tpu.memory_space<vmem>>
    %dma_start3A_35 = arith.constant 0 : i32
    %dma_start3A_36 = arith.constant 0 : i32
    %dma_start3A_37 = tpu.memref_slice %arg8[%dma_start3A_35, %dma_start3A_36] : memref<10240x64xf32, #tpu.memory_space<vmem_shared>> -> memref<10240x64xf32, #tpu.memory_space<vmem_shared>>
    tpu.enqueue_indirect_dma source(%dma_start3A_31 : memref<128x64xf32, #tpu.memory_space<vmem>>) target(%dma_start3A_37 : memref<10240x64xf32, #tpu.memory_space<vmem_shared>>) offsets(%dma_start3A_34 : memref<128xi32, #tpu.memory_space<vmem>>) semaphore(%arg9 : memref<!tpu.dma_semaphore, #tpu.memory_space<semaphore_mem>>) {add = true}
    %dma_start3A_38 = arith.constant 3 : i32
    %dma_start3A_39 = arith.constant 384 : i32
    %dma_start3A_40 = arith.constant 0 : i32
    %dma_start3A_41 = tpu.memref_slice %arg7[%dma_start3A_39, %dma_start3A_40] : memref<640x64xf32, #tpu.memory_space<vmem>> -> memref<128x64xf32, #tpu.memory_space<vmem>>
    %dma_start3A_42 = arith.constant 0 : i32
    %dma_start3A_43 = tpu.memref_slice %arg6[%dma_start3A_38, %dma_start3A_42] : memref<8x128xi32, #tpu.memory_space<vmem>> -> memref<1x128xi32, #tpu.memory_space<vmem>>
    %dma_start3A_44 = tpu.memref_squeeze %dma_start3A_43 : memref<1x128xi32, #tpu.memory_space<vmem>> -> memref<128xi32, #tpu.memory_space<vmem>>
    %dma_start3A_45 = arith.constant 0 : i32
    %dma_start3A_46 = arith.constant 0 : i32
    %dma_start3A_47 = tpu.memref_slice %arg8[%dma_start3A_45, %dma_start3A_46] : memref<10240x64xf32, #tpu.memory_space<vmem_shared>> -> memref<10240x64xf32, #tpu.memory_space<vmem_shared>>
    tpu.enqueue_indirect_dma source(%dma_start3A_41 : memref<128x64xf32, #tpu.memory_space<vmem>>) target(%dma_start3A_47 : memref<10240x64xf32, #tpu.memory_space<vmem_shared>>) offsets(%dma_start3A_44 : memref<128xi32, #tpu.memory_space<vmem>>) semaphore(%arg9 : memref<!tpu.dma_semaphore, #tpu.memory_space<semaphore_mem>>) {add = true}
    %dma_start3A_48 = arith.constant 4 : i32
    %dma_start3A_49 = arith.constant 512 : i32
    %dma_start3A_50 = arith.constant 0 : i32
    %dma_start3A_51 = tpu.memref_slice %arg7[%dma_start3A_49, %dma_start3A_50] : memref<640x64xf32, #tpu.memory_space<vmem>> -> memref<128x64xf32, #tpu.memory_space<vmem>>
    %dma_start3A_52 = arith.constant 0 : i32
    %dma_start3A_53 = tpu.memref_slice %arg6[%dma_start3A_48, %dma_start3A_52] : memref<8x128xi32, #tpu.memory_space<vmem>> -> memref<1x128xi32, #tpu.memory_space<vmem>>
    %dma_start3A_54 = tpu.memref_squeeze %dma_start3A_53 : memref<1x128xi32, #tpu.memory_space<vmem>> -> memref<128xi32, #tpu.memory_space<vmem>>
    %dma_start3A_55 = arith.constant 0 : i32
    %dma_start3A_56 = arith.constant 0 : i32
    %dma_start3A_57 = tpu.memref_slice %arg8[%dma_start3A_55, %dma_start3A_56] : memref<10240x64xf32, #tpu.memory_space<vmem_shared>> -> memref<10240x64xf32, #tpu.memory_space<vmem_shared>>
    tpu.enqueue_indirect_dma source(%dma_start3A_51 : memref<128x64xf32, #tpu.memory_space<vmem>>) target(%dma_start3A_57 : memref<10240x64xf32, #tpu.memory_space<vmem_shared>>) offsets(%dma_start3A_54 : memref<128xi32, #tpu.memory_space<vmem>>) semaphore(%arg9 : memref<!tpu.dma_semaphore, #tpu.memory_space<semaphore_mem>>) {add = true}
    %dma_wait3A = arith.constant 0 : i32
    %dma_wait3A_58 = arith.constant 0 : i32
    %dma_wait3A_59 = arith.constant 0 : i32
    %dma_wait3A_60 = tpu.memref_slice %arg7[%dma_wait3A_58, %dma_wait3A_59] : memref<640x64xf32, #tpu.memory_space<vmem>> -> memref<128x64xf32, #tpu.memory_space<vmem>>
    %dma_wait3A_61 = arith.constant 0 : i32
    %dma_wait3A_62 = tpu.memref_slice %arg6[%dma_wait3A, %dma_wait3A_61] : memref<8x128xi32, #tpu.memory_space<vmem>> -> memref<1x128xi32, #tpu.memory_space<vmem>>
    %dma_wait3A_63 = tpu.memref_squeeze %dma_wait3A_62 : memref<1x128xi32, #tpu.memory_space<vmem>> -> memref<128xi32, #tpu.memory_space<vmem>>
    %dma_wait3A_64 = arith.constant 0 : i32
    %dma_wait3A_65 = arith.constant 0 : i32
    %dma_wait3A_66 = tpu.memref_slice %arg8[%dma_wait3A_64, %dma_wait3A_65] : memref<10240x64xf32, #tpu.memory_space<vmem_shared>> -> memref<10240x64xf32, #tpu.memory_space<vmem_shared>>
    tpu.wait_indirect_dma semaphore(%arg9 : memref<!tpu.dma_semaphore, #tpu.memory_space<semaphore_mem>>) src(%dma_wait3A_60 : memref<128x64xf32, #tpu.memory_space<vmem>>) dst(%dma_wait3A_66 : memref<10240x64xf32, #tpu.memory_space<vmem_shared>>)
    %dma_wait3A_67 = arith.constant 1 : i32
    %dma_wait3A_68 = arith.constant 128 : i32
    %dma_wait3A_69 = arith.constant 0 : i32
    %dma_wait3A_70 = tpu.memref_slice %arg7[%dma_wait3A_68, %dma_wait3A_69] : memref<640x64xf32, #tpu.memory_space<vmem>> -> memref<128x64xf32, #tpu.memory_space<vmem>>
    %dma_wait3A_71 = arith.constant 0 : i32
    %dma_wait3A_72 = tpu.memref_slice %arg6[%dma_wait3A_67, %dma_wait3A_71] : memref<8x128xi32, #tpu.memory_space<vmem>> -> memref<1x128xi32, #tpu.memory_space<vmem>>
    %dma_wait3A_73 = tpu.memref_squeeze %dma_wait3A_72 : memref<1x128xi32, #tpu.memory_space<vmem>> -> memref<128xi32, #tpu.memory_space<vmem>>
    %dma_wait3A_74 = arith.constant 0 : i32
    %dma_wait3A_75 = arith.constant 0 : i32
    %dma_wait3A_76 = tpu.memref_slice %arg8[%dma_wait3A_74, %dma_wait3A_75] : memref<10240x64xf32, #tpu.memory_space<vmem_shared>> -> memref<10240x64xf32, #tpu.memory_space<vmem_shared>>
    tpu.wait_indirect_dma semaphore(%arg9 : memref<!tpu.dma_semaphore, #tpu.memory_space<semaphore_mem>>) src(%dma_wait3A_70 : memref<128x64xf32, #tpu.memory_space<vmem>>) dst(%dma_wait3A_76 : memref<10240x64xf32, #tpu.memory_space<vmem_shared>>)
    %dma_wait3A_77 = arith.constant 2 : i32
    %dma_wait3A_78 = arith.constant 256 : i32
    %dma_wait3A_79 = arith.constant 0 : i32
    %dma_wait3A_80 = tpu.memref_slice %arg7[%dma_wait3A_78, %dma_wait3A_79] : memref<640x64xf32, #tpu.memory_space<vmem>> -> memref<128x64xf32, #tpu.memory_space<vmem>>
    %dma_wait3A_81 = arith.constant 0 : i32
    %dma_wait3A_82 = tpu.memref_slice %arg6[%dma_wait3A_77, %dma_wait3A_81] : memref<8x128xi32, #tpu.memory_space<vmem>> -> memref<1x128xi32, #tpu.memory_space<vmem>>
    %dma_wait3A_83 = tpu.memref_squeeze %dma_wait3A_82 : memref<1x128xi32, #tpu.memory_space<vmem>> -> memref<128xi32, #tpu.memory_space<vmem>>
    %dma_wait3A_84 = arith.constant 0 : i32
    %dma_wait3A_85 = arith.constant 0 : i32
    %dma_wait3A_86 = tpu.memref_slice %arg8[%dma_wait3A_84, %dma_wait3A_85] : memref<10240x64xf32, #tpu.memory_space<vmem_shared>> -> memref<10240x64xf32, #tpu.memory_space<vmem_shared>>
    tpu.wait_indirect_dma semaphore(%arg9 : memref<!tpu.dma_semaphore, #tpu.memory_space<semaphore_mem>>) src(%dma_wait3A_80 : memref<128x64xf32, #tpu.memory_space<vmem>>) dst(%dma_wait3A_86 : memref<10240x64xf32, #tpu.memory_space<vmem_shared>>)
    %dma_wait3A_87 = arith.constant 3 : i32
    %dma_wait3A_88 = arith.constant 384 : i32
    %dma_wait3A_89 = arith.constant 0 : i32
    %dma_wait3A_90 = tpu.memref_slice %arg7[%dma_wait3A_88, %dma_wait3A_89] : memref<640x64xf32, #tpu.memory_space<vmem>> -> memref<128x64xf32, #tpu.memory_space<vmem>>
    %dma_wait3A_91 = arith.constant 0 : i32
    %dma_wait3A_92 = tpu.memref_slice %arg6[%dma_wait3A_87, %dma_wait3A_91] : memref<8x128xi32, #tpu.memory_space<vmem>> -> memref<1x128xi32, #tpu.memory_space<vmem>>
    %dma_wait3A_93 = tpu.memref_squeeze %dma_wait3A_92 : memref<1x128xi32, #tpu.memory_space<vmem>> -> memref<128xi32, #tpu.memory_space<vmem>>
    %dma_wait3A_94 = arith.constant 0 : i32
    %dma_wait3A_95 = arith.constant 0 : i32
    %dma_wait3A_96 = tpu.memref_slice %arg8[%dma_wait3A_94, %dma_wait3A_95] : memref<10240x64xf32, #tpu.memory_space<vmem_shared>> -> memref<10240x64xf32, #tpu.memory_space<vmem_shared>>
    tpu.wait_indirect_dma semaphore(%arg9 : memref<!tpu.dma_semaphore, #tpu.memory_space<semaphore_mem>>) src(%dma_wait3A_90 : memref<128x64xf32, #tpu.memory_space<vmem>>) dst(%dma_wait3A_96 : memref<10240x64xf32, #tpu.memory_space<vmem_shared>>)
    %dma_wait3A_97 = arith.constant 4 : i32
    %dma_wait3A_98 = arith.constant 512 : i32
    %dma_wait3A_99 = arith.constant 0 : i32
    %dma_wait3A_100 = tpu.memref_slice %arg7[%dma_wait3A_98, %dma_wait3A_99] : memref<640x64xf32, #tpu.memory_space<vmem>> -> memref<128x64xf32, #tpu.memory_space<vmem>>
    %dma_wait3A_101 = arith.constant 0 : i32
    %dma_wait3A_102 = tpu.memref_slice %arg6[%dma_wait3A_97, %dma_wait3A_101] : memref<8x128xi32, #tpu.memory_space<vmem>> -> memref<1x128xi32, #tpu.memory_space<vmem>>
    %dma_wait3A_103 = tpu.memref_squeeze %dma_wait3A_102 : memref<1x128xi32, #tpu.memory_space<vmem>> -> memref<128xi32, #tpu.memory_space<vmem>>
    %dma_wait3A_104 = arith.constant 0 : i32
    %dma_wait3A_105 = arith.constant 0 : i32
    %dma_wait3A_106 = tpu.memref_slice %arg8[%dma_wait3A_104, %dma_wait3A_105] : memref<10240x64xf32, #tpu.memory_space<vmem_shared>> -> memref<10240x64xf32, #tpu.memory_space<vmem_shared>>
    tpu.wait_indirect_dma semaphore(%arg9 : memref<!tpu.dma_semaphore, #tpu.memory_space<semaphore_mem>>) src(%dma_wait3A_100 : memref<128x64xf32, #tpu.memory_space<vmem>>) dst(%dma_wait3A_106 : memref<10240x64xf32, #tpu.memory_space<vmem_shared>>)
    %barrier3A_107 = arith.constant 0 : index
    tpu.barrier barrier_id(%barrier3A_107)
    %mul3A_108 = arith.constant 640 : i32
    %mul3A_109 = arith.muli %arg1, %mul3A_108 : i32
    %mul3A_110 = arith.constant 10240 : i32
    %mul3A_111 = arith.muli %arg0, %mul3A_110 : i32
    %mul3A_112 = arith.constant 640 : i32
    %mul3A_113 = arith.muli %arg1, %mul3A_112 : i32
    %add3A_114 = arith.addi %mul3A_111, %mul3A_113 : i32
    "tpu.region"() ({
      %run_scoped3A = tpu.sem_alloc : memref<!tpu.dma_semaphore, #tpu.memory_space<semaphore_mem>>
      %dma_start3A_115 = arith.constant 0 : i32
      %dma_start3A_116 = tpu.memref_slice %arg5[%add3A_114, %dma_start3A_115] : memref<20480x64xf32, #tpu.memory_space<hbm>> -> memref<640x64xf32, #tpu.memory_space<hbm>>
      %dma_start3A_117 = arith.constant 0 : i32
      %dma_start3A_118 = tpu.memref_slice %arg8[%mul3A_109, %dma_start3A_117] : memref<10240x64xf32, #tpu.memory_space<vmem_shared>> -> memref<640x64xf32, #tpu.memory_space<vmem_shared>>
      tpu.enqueue_dma source(%dma_start3A_118 : memref<640x64xf32, #tpu.memory_space<vmem_shared>>) target(%dma_start3A_116 : memref<640x64xf32, #tpu.memory_space<hbm>>) target_semaphore(%run_scoped3A : memref<!tpu.dma_semaphore, #tpu.memory_space<semaphore_mem>>)
      %dma_wait3A_119 = arith.constant 0 : i32
      %dma_wait3A_120 = tpu.memref_slice %arg5[%add3A_114, %dma_wait3A_119] : memref<20480x64xf32, #tpu.memory_space<hbm>> -> memref<640x64xf32, #tpu.memory_space<hbm>>
      %dma_wait3A_121 = arith.constant 0 : i32
      %dma_wait3A_122 = tpu.memref_slice %arg8[%mul3A_109, %dma_wait3A_121] : memref<10240x64xf32, #tpu.memory_space<vmem_shared>> -> memref<640x64xf32, #tpu.memory_space<vmem_shared>>
      tpu.wait_dma2 semaphore(%run_scoped3A : memref<!tpu.dma_semaphore, #tpu.memory_space<semaphore_mem>>) src(%dma_wait3A_122 : memref<640x64xf32, #tpu.memory_space<vmem_shared>>) dst(%dma_wait3A_120 : memref<640x64xf32, #tpu.memory_space<hbm>>)
      tpu.yield
    }) : () -> ()
    return
  }
}

#map = affine_map<(d0, d1) -> (0, 0)>
#map1 = affine_map<(d0, d1) -> (0, 0, 0)>
module attributes {stable_mosaic.version = 14 : i64} {
  func.func @_sc_readout_body(%arg0: i32, %arg1: i32, %arg2: memref<10240x64xf32, #tpu.memory_space<hbm>>, %arg3: memref<10240x64xf32, #tpu.memory_space<hbm>>, %arg4: memref<10240x16xi32, #tpu.memory_space<hbm>>, %arg5: memref<272x64xf32, #tpu.memory_space<hbm>>, %arg6: memref<272x64xf32, #tpu.memory_space<hbm>>, %arg7: memref<32x272x64xf32, #tpu.memory_space<hbm>>, %arg8: memref<32x272x64xf32, #tpu.memory_space<hbm>>, %arg9: memref<320x64xf32, #tpu.memory_space<vmem>>, %arg10: memref<320x64xf32, #tpu.memory_space<vmem>>, %arg11: memref<320x16xi32, #tpu.memory_space<vmem>>, %arg12: memref<272x64xf32, #tpu.memory_space<vmem>>, %arg13: memref<272x64xf32, #tpu.memory_space<vmem>>) attributes {dimension_semantics = [#tpu.dimension_semantics<core_parallel>, #tpu.dimension_semantics<subcore_parallel>], iteration_bounds = array<i64: 2, 16>, scalar_prefetch = 0 : i64, scratch_operands = 5 : i64, tpu.core_type = #tpu.core_type<sc_vector_subcore>, window_params = [{transform_indices = #map}, {transform_indices = #map}, {transform_indices = #map}, {transform_indices = #map}, {transform_indices = #map}, {transform_indices = #map1}, {transform_indices = #map1}]} {
    %mul3A = arith.constant 2 : i32
    %mul3A_0 = arith.muli %arg1, %mul3A : i32
    %add3A = arith.addi %mul3A_0, %arg0 : i32
    %mul3A_1 = arith.constant 320 : i32
    %mul3A_2 = arith.muli %add3A, %mul3A_1 : i32
    "tpu.region"() ({
      %run_scoped3A = tpu.sem_alloc : memref<!tpu.dma_semaphore, #tpu.memory_space<semaphore_mem>>
      %dma_start3A = arith.constant 0 : i32
      %dma_start3A_8 = tpu.memref_slice %arg2[%mul3A_2, %dma_start3A] : memref<10240x64xf32, #tpu.memory_space<hbm>> -> memref<320x64xf32, #tpu.memory_space<hbm>>
      %dma_start3A_9 = arith.constant 0 : i32
      %dma_start3A_10 = tpu.memref_slice %arg2[%mul3A_2, %dma_start3A_9] : memref<10240x64xf32, #tpu.memory_space<hbm>> -> memref<320x64xf32, #tpu.memory_space<hbm>>
      tpu.enqueue_dma source(%dma_start3A_10 : memref<320x64xf32, #tpu.memory_space<hbm>>) target(%arg9 : memref<320x64xf32, #tpu.memory_space<vmem>>) target_semaphore(%run_scoped3A : memref<!tpu.dma_semaphore, #tpu.memory_space<semaphore_mem>>)
      %dma_wait3A = arith.constant 0 : i32
      %dma_wait3A_11 = tpu.memref_slice %arg2[%mul3A_2, %dma_wait3A] : memref<10240x64xf32, #tpu.memory_space<hbm>> -> memref<320x64xf32, #tpu.memory_space<hbm>>
      %dma_wait3A_12 = arith.constant 0 : i32
      %dma_wait3A_13 = tpu.memref_slice %arg2[%mul3A_2, %dma_wait3A_12] : memref<10240x64xf32, #tpu.memory_space<hbm>> -> memref<320x64xf32, #tpu.memory_space<hbm>>
      tpu.wait_dma2 semaphore(%run_scoped3A : memref<!tpu.dma_semaphore, #tpu.memory_space<semaphore_mem>>) src(%dma_wait3A_13 : memref<320x64xf32, #tpu.memory_space<hbm>>) dst(%arg9 : memref<320x64xf32, #tpu.memory_space<vmem>>)
      tpu.yield
    }) : () -> ()
    "tpu.region"() ({
      %run_scoped3A = tpu.sem_alloc : memref<!tpu.dma_semaphore, #tpu.memory_space<semaphore_mem>>
      %dma_start3A = arith.constant 0 : i32
      %dma_start3A_8 = tpu.memref_slice %arg3[%mul3A_2, %dma_start3A] : memref<10240x64xf32, #tpu.memory_space<hbm>> -> memref<320x64xf32, #tpu.memory_space<hbm>>
      %dma_start3A_9 = arith.constant 0 : i32
      %dma_start3A_10 = tpu.memref_slice %arg3[%mul3A_2, %dma_start3A_9] : memref<10240x64xf32, #tpu.memory_space<hbm>> -> memref<320x64xf32, #tpu.memory_space<hbm>>
      tpu.enqueue_dma source(%dma_start3A_10 : memref<320x64xf32, #tpu.memory_space<hbm>>) target(%arg10 : memref<320x64xf32, #tpu.memory_space<vmem>>) target_semaphore(%run_scoped3A : memref<!tpu.dma_semaphore, #tpu.memory_space<semaphore_mem>>)
      %dma_wait3A = arith.constant 0 : i32
      %dma_wait3A_11 = tpu.memref_slice %arg3[%mul3A_2, %dma_wait3A] : memref<10240x64xf32, #tpu.memory_space<hbm>> -> memref<320x64xf32, #tpu.memory_space<hbm>>
      %dma_wait3A_12 = arith.constant 0 : i32
      %dma_wait3A_13 = tpu.memref_slice %arg3[%mul3A_2, %dma_wait3A_12] : memref<10240x64xf32, #tpu.memory_space<hbm>> -> memref<320x64xf32, #tpu.memory_space<hbm>>
      tpu.wait_dma2 semaphore(%run_scoped3A : memref<!tpu.dma_semaphore, #tpu.memory_space<semaphore_mem>>) src(%dma_wait3A_13 : memref<320x64xf32, #tpu.memory_space<hbm>>) dst(%arg10 : memref<320x64xf32, #tpu.memory_space<vmem>>)
      tpu.yield
    }) : () -> ()
    "tpu.region"() ({
      %run_scoped3A = tpu.sem_alloc : memref<!tpu.dma_semaphore, #tpu.memory_space<semaphore_mem>>
      %dma_start3A = arith.constant 0 : i32
      %dma_start3A_8 = tpu.memref_slice %arg4[%mul3A_2, %dma_start3A] : memref<10240x16xi32, #tpu.memory_space<hbm>> -> memref<320x16xi32, #tpu.memory_space<hbm>>
      %dma_start3A_9 = arith.constant 0 : i32
      %dma_start3A_10 = tpu.memref_slice %arg4[%mul3A_2, %dma_start3A_9] : memref<10240x16xi32, #tpu.memory_space<hbm>> -> memref<320x16xi32, #tpu.memory_space<hbm>>
      tpu.enqueue_dma source(%dma_start3A_10 : memref<320x16xi32, #tpu.memory_space<hbm>>) target(%arg11 : memref<320x16xi32, #tpu.memory_space<vmem>>) target_semaphore(%run_scoped3A : memref<!tpu.dma_semaphore, #tpu.memory_space<semaphore_mem>>)
      %dma_wait3A = arith.constant 0 : i32
      %dma_wait3A_11 = tpu.memref_slice %arg4[%mul3A_2, %dma_wait3A] : memref<10240x16xi32, #tpu.memory_space<hbm>> -> memref<320x16xi32, #tpu.memory_space<hbm>>
      %dma_wait3A_12 = arith.constant 0 : i32
      %dma_wait3A_13 = tpu.memref_slice %arg4[%mul3A_2, %dma_wait3A_12] : memref<10240x16xi32, #tpu.memory_space<hbm>> -> memref<320x16xi32, #tpu.memory_space<hbm>>
      tpu.wait_dma2 semaphore(%run_scoped3A : memref<!tpu.dma_semaphore, #tpu.memory_space<semaphore_mem>>) src(%dma_wait3A_13 : memref<320x16xi32, #tpu.memory_space<hbm>>) dst(%arg11 : memref<320x16xi32, #tpu.memory_space<vmem>>)
      tpu.yield
    }) : () -> ()
    "tpu.region"() ({
      %run_scoped3A = tpu.sem_alloc : memref<!tpu.dma_semaphore, #tpu.memory_space<semaphore_mem>>
      tpu.enqueue_dma source(%arg5 : memref<272x64xf32, #tpu.memory_space<hbm>>) target(%arg12 : memref<272x64xf32, #tpu.memory_space<vmem>>) target_semaphore(%run_scoped3A : memref<!tpu.dma_semaphore, #tpu.memory_space<semaphore_mem>>)
      tpu.wait_dma2 semaphore(%run_scoped3A : memref<!tpu.dma_semaphore, #tpu.memory_space<semaphore_mem>>) src(%arg5 : memref<272x64xf32, #tpu.memory_space<hbm>>) dst(%arg12 : memref<272x64xf32, #tpu.memory_space<vmem>>)
      tpu.yield
    }) : () -> ()
    "tpu.region"() ({
      %run_scoped3A = tpu.sem_alloc : memref<!tpu.dma_semaphore, #tpu.memory_space<semaphore_mem>>
      tpu.enqueue_dma source(%arg6 : memref<272x64xf32, #tpu.memory_space<hbm>>) target(%arg13 : memref<272x64xf32, #tpu.memory_space<vmem>>) target_semaphore(%run_scoped3A : memref<!tpu.dma_semaphore, #tpu.memory_space<semaphore_mem>>)
      tpu.wait_dma2 semaphore(%run_scoped3A : memref<!tpu.dma_semaphore, #tpu.memory_space<semaphore_mem>>) src(%arg6 : memref<272x64xf32, #tpu.memory_space<hbm>>) dst(%arg13 : memref<272x64xf32, #tpu.memory_space<vmem>>)
      tpu.yield
    }) : () -> ()
    %scan3A = arith.constant 0 : i32
    %scan3A_3 = arith.constant 0 : i32
    %scan3A_4 = arith.constant 320 : i32
    %scan3A_5 = arith.addi %scan3A_3, %scan3A_4 : i32
    %scan3A_6 = arith.constant 1 : i32
    scf.for %scan3A_8 = %scan3A_3 to %scan3A_5 step %scan3A_6  : i32 {
      %jit3A = arith.constant 8 : i32
      %eq3A = arith.constant 0 : i32
      %eq3A_9 = arith.cmpi eq, %jit3A, %eq3A : i32
      %jit3A_10 = arith.constant 1 : i32
      %select_n3A = arith.select %eq3A_9, %jit3A_10, %jit3A : i32
      %rem3A = arith.remsi %scan3A_8, %select_n3A : i32
      %ne3A = arith.constant 0 : i32
      %ne3A_11 = arith.cmpi ne, %rem3A, %ne3A : i32
      %lt3A = arith.constant 0 : i32
      %lt3A_12 = arith.cmpi slt, %rem3A, %lt3A : i32
      %lt3A_13 = arith.constant 0 : i32
      %lt3A_14 = arith.cmpi slt, %select_n3A, %lt3A_13 : i32
      %ne3A_15 = arith.xori %lt3A_12, %lt3A_14 : i1
      %and3A = arith.andi %ne3A_15, %ne3A_11 : i1
      %add3A_16 = arith.addi %rem3A, %select_n3A : i32
      %select_n3A_17 = arith.select %and3A, %add3A_16, %rem3A : i32
      %mul3A_18 = arith.constant 40 : i32
      %mul3A_19 = arith.muli %select_n3A_17, %mul3A_18 : i32
      %jit3A_20 = arith.constant 8 : i32
      %div3A = arith.divsi %scan3A_8, %jit3A_20 : i32
      %sign3A = arith.constant 0 : i32
      %sign3A_21 = arith.cmpi sgt, %scan3A_8, %sign3A : i32
      %sign3A_22 = arith.extui %sign3A_21 : i1 to i32
      %sign3A_23 = arith.constant 0 : i32
      %sign3A_24 = arith.cmpi slt, %scan3A_8, %sign3A_23 : i32
      %sign3A_25 = arith.extui %sign3A_24 : i1 to i32
      %sign3A_26 = arith.subi %sign3A_22, %sign3A_25 : i32
      %sign3A_27 = arith.constant 0 : i32
      %sign3A_28 = arith.cmpi sgt, %jit3A_20, %sign3A_27 : i32
      %sign3A_29 = arith.extui %sign3A_28 : i1 to i32
      %sign3A_30 = arith.constant 0 : i32
      %sign3A_31 = arith.cmpi slt, %jit3A_20, %sign3A_30 : i32
      %sign3A_32 = arith.extui %sign3A_31 : i1 to i32
      %sign3A_33 = arith.subi %sign3A_29, %sign3A_32 : i32
      %ne3A_34 = arith.cmpi ne, %sign3A_26, %sign3A_33 : i32
      %rem3A_35 = arith.remsi %scan3A_8, %jit3A_20 : i32
      %ne3A_36 = arith.constant 0 : i32
      %ne3A_37 = arith.cmpi ne, %rem3A_35, %ne3A_36 : i32
      %and3A_38 = arith.andi %ne3A_34, %ne3A_37 : i1
      %sub3A = arith.constant 1 : i32
      %sub3A_39 = arith.subi %div3A, %sub3A : i32
      %select_n3A_40 = arith.select %and3A_38, %sub3A_39, %div3A : i32
      %add3A_41 = arith.addi %mul3A_19, %select_n3A_40 : i32
      %get3A = arith.index_cast %add3A_41 : i32 to index
      %get3A_42 = arith.constant 0 : index
      %get3A_43 = tpu.vector_load %arg11[%get3A, %get3A_42] {strides = array<i32>} : memref<320x16xi32, #tpu.memory_space<vmem>>, vector<16xi32>,
      %iota3A = tpu.iota {dimensions = array<i32: 0>} : vector<16xi32>
      %add3A_44 = arith.constant 0 : i32
      %add3A_45 = vector.broadcast %add3A_44 : i32 to vector<16xi32>
      %add3A_46 = arith.addi %iota3A, %add3A_45 : vector<16xi32>
      %get3A_47 = arith.index_cast %add3A_41 : i32 to index
      %get3A_48 = arith.constant 0 : index
      %get3A_49 = tpu.vector_load %arg9[%get3A_47, %get3A_48] {strides = array<i32>} : memref<320x64xf32, #tpu.memory_space<vmem>>, vector<16xf32>,
      %gather3A = tpu.vector_load_idx %arg13[%get3A_43, %add3A_46] : memref<272x64xf32, #tpu.memory_space<vmem>>[vector<16xi32>, vector<16xi32>], vector<16xf32>,
      %max3A = arith.maximumf %gather3A, %get3A_49 : vector<16xf32>
      tpu.vector_store_idx %arg13[%get3A_43, %add3A_46], %max3A : memref<272x64xf32, #tpu.memory_space<vmem>>[vector<16xi32>, vector<16xi32>], vector<16xf32>,
      %get3A_50 = arith.index_cast %add3A_41 : i32 to index
      %get3A_51 = arith.constant 0 : index
      %get3A_52 = tpu.vector_load %arg10[%get3A_50, %get3A_51] {strides = array<i32>} : memref<320x64xf32, #tpu.memory_space<vmem>>, vector<16xf32>,
      %gather3A_53 = tpu.vector_load_idx %arg12[%get3A_43, %add3A_46] : memref<272x64xf32, #tpu.memory_space<vmem>>[vector<16xi32>, vector<16xi32>], vector<16xf32>,
      %add3A_54 = arith.addf %gather3A_53, %get3A_52 : vector<16xf32>
      tpu.vector_store_idx %arg12[%get3A_43, %add3A_46], %add3A_54 : memref<272x64xf32, #tpu.memory_space<vmem>>[vector<16xi32>, vector<16xi32>], vector<16xf32>,
      %iota3A_55 = tpu.iota {dimensions = array<i32: 0>} : vector<16xi32>
      %add3A_56 = arith.constant 16 : i32
      %add3A_57 = vector.broadcast %add3A_56 : i32 to vector<16xi32>
      %add3A_58 = arith.addi %iota3A_55, %add3A_57 : vector<16xi32>
      %get3A_59 = arith.index_cast %add3A_41 : i32 to index
      %get3A_60 = arith.constant 16 : index
      %get3A_61 = tpu.vector_load %arg9[%get3A_59, %get3A_60] {strides = array<i32>} : memref<320x64xf32, #tpu.memory_space<vmem>>, vector<16xf32>,
      %gather3A_62 = tpu.vector_load_idx %arg13[%get3A_43, %add3A_58] : memref<272x64xf32, #tpu.memory_space<vmem>>[vector<16xi32>, vector<16xi32>], vector<16xf32>,
      %max3A_63 = arith.maximumf %gather3A_62, %get3A_61 : vector<16xf32>
      tpu.vector_store_idx %arg13[%get3A_43, %add3A_58], %max3A_63 : memref<272x64xf32, #tpu.memory_space<vmem>>[vector<16xi32>, vector<16xi32>], vector<16xf32>,
      %get3A_64 = arith.index_cast %add3A_41 : i32 to index
      %get3A_65 = arith.constant 16 : index
      %get3A_66 = tpu.vector_load %arg10[%get3A_64, %get3A_65] {strides = array<i32>} : memref<320x64xf32, #tpu.memory_space<vmem>>, vector<16xf32>,
      %gather3A_67 = tpu.vector_load_idx %arg12[%get3A_43, %add3A_58] : memref<272x64xf32, #tpu.memory_space<vmem>>[vector<16xi32>, vector<16xi32>], vector<16xf32>,
      %add3A_68 = arith.addf %gather3A_67, %get3A_66 : vector<16xf32>
      tpu.vector_store_idx %arg12[%get3A_43, %add3A_58], %add3A_68 : memref<272x64xf32, #tpu.memory_space<vmem>>[vector<16xi32>, vector<16xi32>], vector<16xf32>,
      %iota3A_69 = tpu.iota {dimensions = array<i32: 0>} : vector<16xi32>
      %add3A_70 = arith.constant 32 : i32
      %add3A_71 = vector.broadcast %add3A_70 : i32 to vector<16xi32>
      %add3A_72 = arith.addi %iota3A_69, %add3A_71 : vector<16xi32>
      %get3A_73 = arith.index_cast %add3A_41 : i32 to index
      %get3A_74 = arith.constant 32 : index
      %get3A_75 = tpu.vector_load %arg9[%get3A_73, %get3A_74] {strides = array<i32>} : memref<320x64xf32, #tpu.memory_space<vmem>>, vector<16xf32>,
      %gather3A_76 = tpu.vector_load_idx %arg13[%get3A_43, %add3A_72] : memref<272x64xf32, #tpu.memory_space<vmem>>[vector<16xi32>, vector<16xi32>], vector<16xf32>,
      %max3A_77 = arith.maximumf %gather3A_76, %get3A_75 : vector<16xf32>
      tpu.vector_store_idx %arg13[%get3A_43, %add3A_72], %max3A_77 : memref<272x64xf32, #tpu.memory_space<vmem>>[vector<16xi32>, vector<16xi32>], vector<16xf32>,
      %get3A_78 = arith.index_cast %add3A_41 : i32 to index
      %get3A_79 = arith.constant 32 : index
      %get3A_80 = tpu.vector_load %arg10[%get3A_78, %get3A_79] {strides = array<i32>} : memref<320x64xf32, #tpu.memory_space<vmem>>, vector<16xf32>,
      %gather3A_81 = tpu.vector_load_idx %arg12[%get3A_43, %add3A_72] : memref<272x64xf32, #tpu.memory_space<vmem>>[vector<16xi32>, vector<16xi32>], vector<16xf32>,
      %add3A_82 = arith.addf %gather3A_81, %get3A_80 : vector<16xf32>
      tpu.vector_store_idx %arg12[%get3A_43, %add3A_72], %add3A_82 : memref<272x64xf32, #tpu.memory_space<vmem>>[vector<16xi32>, vector<16xi32>], vector<16xf32>,
      %iota3A_83 = tpu.iota {dimensions = array<i32: 0>} : vector<16xi32>
      %add3A_84 = arith.constant 48 : i32
      %add3A_85 = vector.broadcast %add3A_84 : i32 to vector<16xi32>
      %add3A_86 = arith.addi %iota3A_83, %add3A_85 : vector<16xi32>
      %get3A_87 = arith.index_cast %add3A_41 : i32 to index
      %get3A_88 = arith.constant 48 : index
      %get3A_89 = tpu.vector_load %arg9[%get3A_87, %get3A_88] {strides = array<i32>} : memref<320x64xf32, #tpu.memory_space<vmem>>, vector<16xf32>,
      %gather3A_90 = tpu.vector_load_idx %arg13[%get3A_43, %add3A_86] : memref<272x64xf32, #tpu.memory_space<vmem>>[vector<16xi32>, vector<16xi32>], vector<16xf32>,
      %max3A_91 = arith.maximumf %gather3A_90, %get3A_89 : vector<16xf32>
      tpu.vector_store_idx %arg13[%get3A_43, %add3A_86], %max3A_91 : memref<272x64xf32, #tpu.memory_space<vmem>>[vector<16xi32>, vector<16xi32>], vector<16xf32>,
      %get3A_92 = arith.index_cast %add3A_41 : i32 to index
      %get3A_93 = arith.constant 48 : index
      %get3A_94 = tpu.vector_load %arg10[%get3A_92, %get3A_93] {strides = array<i32>} : memref<320x64xf32, #tpu.memory_space<vmem>>, vector<16xf32>,
      %gather3A_95 = tpu.vector_load_idx %arg12[%get3A_43, %add3A_86] : memref<272x64xf32, #tpu.memory_space<vmem>>[vector<16xi32>, vector<16xi32>], vector<16xf32>,
      %add3A_96 = arith.addf %gather3A_95, %get3A_94 : vector<16xf32>
      tpu.vector_store_idx %arg12[%get3A_43, %add3A_86], %add3A_96 : memref<272x64xf32, #tpu.memory_space<vmem>>[vector<16xi32>, vector<16xi32>], vector<16xf32>,
    }
    %scan3A_7 = arith.constant 320 : i32
    "tpu.region"() ({
      %run_scoped3A = tpu.sem_alloc : memref<!tpu.dma_semaphore, #tpu.memory_space<semaphore_mem>>
      %dma_start3A = arith.constant 0 : i32
      %dma_start3A_8 = arith.constant 0 : i32
      %dma_start3A_9 = tpu.memref_slice %arg7[%add3A, %dma_start3A, %dma_start3A_8] : memref<32x272x64xf32, #tpu.memory_space<hbm>> -> memref<1x272x64xf32, #tpu.memory_space<hbm>>
      %dma_start3A_10 = tpu.memref_squeeze %dma_start3A_9 : memref<1x272x64xf32, #tpu.memory_space<hbm>> -> memref<272x64xf32, #tpu.memory_space<hbm>>
      %dma_start3A_11 = arith.constant 0 : i32
      %dma_start3A_12 = arith.constant 0 : i32
      %dma_start3A_13 = tpu.memref_slice %arg7[%add3A, %dma_start3A_11, %dma_start3A_12] : memref<32x272x64xf32, #tpu.memory_space<hbm>> -> memref<1x272x64xf32, #tpu.memory_space<hbm>>
      %dma_start3A_14 = tpu.memref_squeeze %dma_start3A_13 : memref<1x272x64xf32, #tpu.memory_space<hbm>> -> memref<272x64xf32, #tpu.memory_space<hbm>>
      tpu.enqueue_dma source(%arg12 : memref<272x64xf32, #tpu.memory_space<vmem>>) target(%dma_start3A_14 : memref<272x64xf32, #tpu.memory_space<hbm>>) target_semaphore(%run_scoped3A : memref<!tpu.dma_semaphore, #tpu.memory_space<semaphore_mem>>)
      %dma_wait3A = arith.constant 0 : i32
      %dma_wait3A_15 = arith.constant 0 : i32
      %dma_wait3A_16 = tpu.memref_slice %arg7[%add3A, %dma_wait3A, %dma_wait3A_15] : memref<32x272x64xf32, #tpu.memory_space<hbm>> -> memref<1x272x64xf32, #tpu.memory_space<hbm>>
      %dma_wait3A_17 = tpu.memref_squeeze %dma_wait3A_16 : memref<1x272x64xf32, #tpu.memory_space<hbm>> -> memref<272x64xf32, #tpu.memory_space<hbm>>
      %dma_wait3A_18 = arith.constant 0 : i32
      %dma_wait3A_19 = arith.constant 0 : i32
      %dma_wait3A_20 = tpu.memref_slice %arg7[%add3A, %dma_wait3A_18, %dma_wait3A_19] : memref<32x272x64xf32, #tpu.memory_space<hbm>> -> memref<1x272x64xf32, #tpu.memory_space<hbm>>
      %dma_wait3A_21 = tpu.memref_squeeze %dma_wait3A_20 : memref<1x272x64xf32, #tpu.memory_space<hbm>> -> memref<272x64xf32, #tpu.memory_space<hbm>>
      tpu.wait_dma2 semaphore(%run_scoped3A : memref<!tpu.dma_semaphore, #tpu.memory_space<semaphore_mem>>) src(%arg12 : memref<272x64xf32, #tpu.memory_space<vmem>>) dst(%dma_wait3A_21 : memref<272x64xf32, #tpu.memory_space<hbm>>)
      tpu.yield
    }) : () -> ()
    "tpu.region"() ({
      %run_scoped3A = tpu.sem_alloc : memref<!tpu.dma_semaphore, #tpu.memory_space<semaphore_mem>>
      %dma_start3A = arith.constant 0 : i32
      %dma_start3A_8 = arith.constant 0 : i32
      %dma_start3A_9 = tpu.memref_slice %arg8[%add3A, %dma_start3A, %dma_start3A_8] : memref<32x272x64xf32, #tpu.memory_space<hbm>> -> memref<1x272x64xf32, #tpu.memory_space<hbm>>
      %dma_start3A_10 = tpu.memref_squeeze %dma_start3A_9 : memref<1x272x64xf32, #tpu.memory_space<hbm>> -> memref<272x64xf32, #tpu.memory_space<hbm>>
      %dma_start3A_11 = arith.constant 0 : i32
      %dma_start3A_12 = arith.constant 0 : i32
      %dma_start3A_13 = tpu.memref_slice %arg8[%add3A, %dma_start3A_11, %dma_start3A_12] : memref<32x272x64xf32, #tpu.memory_space<hbm>> -> memref<1x272x64xf32, #tpu.memory_space<hbm>>
      %dma_start3A_14 = tpu.memref_squeeze %dma_start3A_13 : memref<1x272x64xf32, #tpu.memory_space<hbm>> -> memref<272x64xf32, #tpu.memory_space<hbm>>
      tpu.enqueue_dma source(%arg13 : memref<272x64xf32, #tpu.memory_space<vmem>>) target(%dma_start3A_14 : memref<272x64xf32, #tpu.memory_space<hbm>>) target_semaphore(%run_scoped3A : memref<!tpu.dma_semaphore, #tpu.memory_space<semaphore_mem>>)
      %dma_wait3A = arith.constant 0 : i32
      %dma_wait3A_15 = arith.constant 0 : i32
      %dma_wait3A_16 = tpu.memref_slice %arg8[%add3A, %dma_wait3A, %dma_wait3A_15] : memref<32x272x64xf32, #tpu.memory_space<hbm>> -> memref<1x272x64xf32, #tpu.memory_space<hbm>>
      %dma_wait3A_17 = tpu.memref_squeeze %dma_wait3A_16 : memref<1x272x64xf32, #tpu.memory_space<hbm>> -> memref<272x64xf32, #tpu.memory_space<hbm>>
      %dma_wait3A_18 = arith.constant 0 : i32
      %dma_wait3A_19 = arith.constant 0 : i32
      %dma_wait3A_20 = tpu.memref_slice %arg8[%add3A, %dma_wait3A_18, %dma_wait3A_19] : memref<32x272x64xf32, #tpu.memory_space<hbm>> -> memref<1x272x64xf32, #tpu.memory_space<hbm>>
      %dma_wait3A_21 = tpu.memref_squeeze %dma_wait3A_20 : memref<1x272x64xf32, #tpu.memory_space<hbm>> -> memref<272x64xf32, #tpu.memory_space<hbm>>
      tpu.wait_dma2 semaphore(%run_scoped3A : memref<!tpu.dma_semaphore, #tpu.memory_space<semaphore_mem>>) src(%arg13 : memref<272x64xf32, #tpu.memory_space<vmem>>) dst(%dma_wait3A_21 : memref<272x64xf32, #tpu.memory_space<hbm>>)
      tpu.yield
    }) : () -> ()
    return
  }
}

module attributes {stable_mosaic.version = 14 : i64} {
  func.func @_prep_body(%arg0: i32, %arg1: memref<1024x74xf32, #tpu.memory_space<vmem>>, %arg2: memref<1024x12xf32, #tpu.memory_space<vmem>>, %arg3: memref<74x64xf32, #tpu.memory_space<vmem>>, %arg4: memref<1x64xf32, #tpu.memory_space<vmem>>, %arg5: memref<12x33xf32, #tpu.memory_space<vmem>>, %arg6: memref<1x33xf32, #tpu.memory_space<vmem>>, %arg7: memref<1024x64xf32, #tpu.memory_space<vmem>>, %arg8: memref<1024x33xf32, #tpu.memory_space<vmem>>) attributes {dimension_semantics = [#tpu.dimension_semantics<arbitrary>], iteration_bounds = array<i64: 20>, scalar_prefetch = 0 : i64, scratch_operands = 0 : i64, tpu.core_type = #tpu.core_type<tc>, window_params = [{transform_indices = @transform_0, window_bounds = array<i64: 1024, 74>}, {transform_indices = @transform_1, window_bounds = array<i64: 1024, 12>}, {pipeline_mode = #tpu.pipeline_mode<synchronous>, transform_indices = @transform_2, window_bounds = array<i64: 74, 64>}, {pipeline_mode = #tpu.pipeline_mode<synchronous>, transform_indices = @transform_3, window_bounds = array<i64: 1, 64>}, {pipeline_mode = #tpu.pipeline_mode<synchronous>, transform_indices = @transform_4, window_bounds = array<i64: 12, 33>}, {pipeline_mode = #tpu.pipeline_mode<synchronous>, transform_indices = @transform_5, window_bounds = array<i64: 1, 33>}, {transform_indices = @transform_6, window_bounds = array<i64: 1024, 64>}, {transform_indices = @transform_7, window_bounds = array<i64: 1024, 33>}]} {
    %get3A = arith.constant 0 : index
    %get3A_0 = arith.constant 0 : index
    %get3A_1 = vector.load %arg2[%get3A, %get3A_0] : memref<1024x12xf32, #tpu.memory_space<vmem>>, vector<1024x12xf32>
    %get3A_2 = arith.constant 0 : index
    %get3A_3 = arith.constant 0 : index
    %get3A_4 = vector.load %arg5[%get3A_2, %get3A_3] : memref<12x33xf32, #tpu.memory_space<vmem>>, vector<12x33xf32>
    %dot_general3A = arith.constant dense<0.000000e+00> : vector<1024x33xf32>
    %dot_general3A_5 = tpu.matmul %get3A_1, %get3A_4, %dot_general3A {dimension_numbers = #tpu.dot_dimension_numbers<[1], [0], [0], [1], [0, 0, 1, 1], [], []>, transpose_lhs_hint = false} : vector<1024x12xf32>, vector<12x33xf32>, vector<1024x33xf32> -> vector<1024x33xf32>
    %get3A_6 = arith.constant 0 : index
    %get3A_7 = arith.constant 0 : index
    %get3A_8 = vector.load %arg6[%get3A_6, %get3A_7] : memref<1x33xf32, #tpu.memory_space<vmem>>, vector<1x33xf32>
    %add3A = vector.broadcast %get3A_8 : vector<1x33xf32> to vector<1024x33xf32>
    %add3A_9 = arith.addf %dot_general3A_5, %add3A : vector<1024x33xf32>
    %max3A = arith.constant 0.000000e+00 : f32
    %max3A_10 = vector.broadcast %max3A : f32 to vector<1024x33xf32>
    %max3A_11 = arith.maximumf %add3A_9, %max3A_10 : vector<1024x33xf32>
    %iota3A = tpu.iota {dimensions = array<i32: 1>} : vector<1024x33xi32>
    %lt3A = arith.constant 32 : i32
    %lt3A_12 = vector.broadcast %lt3A : i32 to vector<1024x33xi32>
    %lt3A_13 = arith.cmpi slt, %iota3A, %lt3A_12 : vector<1024x33xi32>
    %jit3A = arith.constant 1.000000e+00 : f32
    %broadcast_in_dim3A = vector.broadcast %jit3A : f32 to vector<1024x33xf32>
    %select_n3A = arith.select %lt3A_13, %max3A_11, %broadcast_in_dim3A : vector<1024x33xi1>, vector<1024x33xf32>
    %swap3A = arith.constant 0 : index
    %swap3A_14 = arith.constant 0 : index
    %swap3A_15 = vector.load %arg8[%swap3A, %swap3A_14] : memref<1024x33xf32, #tpu.memory_space<vmem>>, vector<1024x33xf32>
    tpu.vector_store %arg8[%swap3A, %swap3A_14], %select_n3A {strides = array<i32>} : memref<1024x33xf32, #tpu.memory_space<vmem>>, vector<1024x33xf32>,
    %lt3A_16 = arith.constant 10 : i32
    %lt3A_17 = arith.cmpi slt, %arg0, %lt3A_16 : i32
    %convert_element_type3A = arith.extui %lt3A_17 : i1 to i32
    %cond3A = arith.constant 0 : i32
    %cond3A_18 = arith.cmpi ne, %convert_element_type3A, %cond3A : i32
    scf.if %cond3A_18 {
      %get3A_19 = arith.constant 0 : index
      %get3A_20 = arith.constant 0 : index
      %get3A_21 = vector.load %arg1[%get3A_19, %get3A_20] : memref<1024x74xf32, #tpu.memory_space<vmem>>, vector<1024x74xf32>
      %get3A_22 = arith.constant 0 : index
      %get3A_23 = arith.constant 0 : index
      %get3A_24 = vector.load %arg3[%get3A_22, %get3A_23] : memref<74x64xf32, #tpu.memory_space<vmem>>, vector<74x64xf32>
      %dot_general3A_25 = arith.constant dense<0.000000e+00> : vector<1024x64xf32>
      %dot_general3A_26 = tpu.matmul %get3A_21, %get3A_24, %dot_general3A_25 {dimension_numbers = #tpu.dot_dimension_numbers<[1], [0], [0], [1], [0, 0, 1, 1], [], []>, transpose_lhs_hint = false} : vector<1024x74xf32>, vector<74x64xf32>, vector<1024x64xf32> -> vector<1024x64xf32>
      %get3A_27 = arith.constant 0 : index
      %get3A_28 = arith.constant 0 : index
      %get3A_29 = vector.load %arg4[%get3A_27, %get3A_28] : memref<1x64xf32, #tpu.memory_space<vmem>>, vector<1x64xf32>
      %add3A_30 = vector.broadcast %get3A_29 : vector<1x64xf32> to vector<1024x64xf32>
      %add3A_31 = arith.addf %dot_general3A_26, %add3A_30 : vector<1024x64xf32>
      %max3A_32 = arith.constant 0.000000e+00 : f32
      %max3A_33 = vector.broadcast %max3A_32 : f32 to vector<1024x64xf32>
      %max3A_34 = arith.maximumf %add3A_31, %max3A_33 : vector<1024x64xf32>
      %swap3A_35 = arith.constant 0 : index
      %swap3A_36 = arith.constant 0 : index
      %swap3A_37 = vector.load %arg7[%swap3A_35, %swap3A_36] : memref<1024x64xf32, #tpu.memory_space<vmem>>, vector<1024x64xf32>
      tpu.vector_store %arg7[%swap3A_35, %swap3A_36], %max3A_34 {strides = array<i32>} : memref<1024x64xf32, #tpu.memory_space<vmem>>, vector<1024x64xf32>,
    } else {
    }
    return
  }
  func.func @transform_0(%arg0: i32) -> (i32, i32) {
    %min3A = arith.constant 9 : i32
    %min3A_0 = arith.minsi %arg0, %min3A : i32
    %c0_i32 = arith.constant 0 : i32
    %c0_i32_1 = arith.constant 0 : i32
    return %min3A_0, %c0_i32 : i32, i32
  }
  func.func @transform_1(%arg0: i32) -> (i32, i32) {
    %c0_i32 = arith.constant 0 : i32
    %c0_i32_0 = arith.constant 0 : i32
    return %arg0, %c0_i32 : i32, i32
  }
  func.func @transform_2(%arg0: i32) -> (i32, i32) {
    %c0_i32 = arith.constant 0 : i32
    %c0_i32_0 = arith.constant 0 : i32
    %c0_i32_1 = arith.constant 0 : i32
    return %c0_i32, %c0_i32_0 : i32, i32
  }
  func.func @transform_3(%arg0: i32) -> (i32, i32) {
    %c0_i32 = arith.constant 0 : i32
    %c0_i32_0 = arith.constant 0 : i32
    %c0_i32_1 = arith.constant 0 : i32
    return %c0_i32, %c0_i32_0 : i32, i32
  }
  func.func @transform_4(%arg0: i32) -> (i32, i32) {
    %c0_i32 = arith.constant 0 : i32
    %c0_i32_0 = arith.constant 0 : i32
    %c0_i32_1 = arith.constant 0 : i32
    return %c0_i32, %c0_i32_0 : i32, i32
  }
  func.func @transform_5(%arg0: i32) -> (i32, i32) {
    %c0_i32 = arith.constant 0 : i32
    %c0_i32_0 = arith.constant 0 : i32
    %c0_i32_1 = arith.constant 0 : i32
    return %c0_i32, %c0_i32_0 : i32, i32
  }
  func.func @transform_6(%arg0: i32) -> (i32, i32) {
    %min3A = arith.constant 9 : i32
    %min3A_0 = arith.minsi %arg0, %min3A : i32
    %c0_i32 = arith.constant 0 : i32
    %c0_i32_1 = arith.constant 0 : i32
    return %min3A_0, %c0_i32 : i32, i32
  }
  func.func @transform_7(%arg0: i32) -> (i32, i32) {
    %c0_i32 = arith.constant 0 : i32
    %c0_i32_0 = arith.constant 0 : i32
    return %arg0, %c0_i32 : i32, i32
  }
}

module attributes {stable_mosaic.version = 14 : i64} {
  func.func @_msg_body(%arg0: i32, %arg1: memref<2048x64xf32, #tpu.memory_space<vmem>>, %arg2: memref<2048x33xf32, #tpu.memory_space<vmem>>, %arg3: memref<2112x64xbf16, #tpu.memory_space<vmem>>, %arg4: memref<2048x64xf32, #tpu.memory_space<vmem>>) attributes {dimension_semantics = [#tpu.dimension_semantics<arbitrary>], iteration_bounds = array<i64: 10>, scalar_prefetch = 0 : i64, scratch_operands = 0 : i64, tpu.core_type = #tpu.core_type<tc>, window_params = [{transform_indices = @transform_0, window_bounds = array<i64: 2048, 64>}, {transform_indices = @transform_1, window_bounds = array<i64: 2048, 33>}, {pipeline_mode = #tpu.pipeline_mode<synchronous>, transform_indices = @transform_2, window_bounds = array<i64: 2112, 64>}, {transform_indices = @transform_3, window_bounds = array<i64: 2048, 64>}]} {
    %get3A = arith.constant 0 : index
    %get3A_0 = arith.constant 0 : index
    %get3A_1 = vector.load %arg1[%get3A, %get3A_0] : memref<2048x64xf32, #tpu.memory_space<vmem>>, vector<2048x64xf32>
    %convert_element_type3A = arith.truncf %get3A_1 : vector<2048x64xf32> to vector<2048x64xbf16>
    %get3A_2 = arith.constant 0 : index
    %get3A_3 = arith.constant 0 : index
    %get3A_4 = vector.load %arg2[%get3A_2, %get3A_3] : memref<2048x33xf32, #tpu.memory_space<vmem>>, vector<2048x33xf32>
    %convert_element_type3A_5 = arith.truncf %get3A_4 : vector<2048x33xf32> to vector<2048x33xbf16>
    %concatenate3A = tpu.concatenate %convert_element_type3A, %convert_element_type3A, %convert_element_type3A, %convert_element_type3A, %convert_element_type3A, %convert_element_type3A, %convert_element_type3A, %convert_element_type3A, %convert_element_type3A, %convert_element_type3A, %convert_element_type3A, %convert_element_type3A, %convert_element_type3A, %convert_element_type3A, %convert_element_type3A, %convert_element_type3A, %convert_element_type3A, %convert_element_type3A, %convert_element_type3A, %convert_element_type3A, %convert_element_type3A, %convert_element_type3A, %convert_element_type3A, %convert_element_type3A, %convert_element_type3A, %convert_element_type3A, %convert_element_type3A, %convert_element_type3A, %convert_element_type3A, %convert_element_type3A, %convert_element_type3A, %convert_element_type3A, %convert_element_type3A in 1 : vector<2048x64xbf16>, vector<2048x64xbf16>, vector<2048x64xbf16>, vector<2048x64xbf16>, vector<2048x64xbf16>, vector<2048x64xbf16>, vector<2048x64xbf16>, vector<2048x64xbf16>, vector<2048x64xbf16>, vector<2048x64xbf16>, vector<2048x64xbf16>, vector<2048x64xbf16>, vector<2048x64xbf16>, vector<2048x64xbf16>, vector<2048x64xbf16>, vector<2048x64xbf16>, vector<2048x64xbf16>, vector<2048x64xbf16>, vector<2048x64xbf16>, vector<2048x64xbf16>, vector<2048x64xbf16>, vector<2048x64xbf16>, vector<2048x64xbf16>, vector<2048x64xbf16>, vector<2048x64xbf16>, vector<2048x64xbf16>, vector<2048x64xbf16>, vector<2048x64xbf16>, vector<2048x64xbf16>, vector<2048x64xbf16>, vector<2048x64xbf16>, vector<2048x64xbf16>, vector<2048x64xbf16> -> vector<2048x2112xbf16>
    %slice3A = vector.extract_strided_slice %convert_element_type3A_5 {offsets = [0, 0], sizes = [2048, 1], strides = [1, 1]} : vector<2048x33xbf16> to vector<2048x1xbf16>
    %broadcast_in_dim3A = vector.shape_cast %slice3A : vector<2048x1xbf16> to vector<2048x1xbf16>
    %broadcast_in_dim3A_6 = vector.broadcast %broadcast_in_dim3A : vector<2048x1xbf16> to vector<2048x64xbf16>
    %slice3A_7 = vector.extract_strided_slice %convert_element_type3A_5 {offsets = [0, 1], sizes = [2048, 1], strides = [1, 1]} : vector<2048x33xbf16> to vector<2048x1xbf16>
    %broadcast_in_dim3A_8 = vector.shape_cast %slice3A_7 : vector<2048x1xbf16> to vector<2048x1xbf16>
    %broadcast_in_dim3A_9 = vector.broadcast %broadcast_in_dim3A_8 : vector<2048x1xbf16> to vector<2048x64xbf16>
    %slice3A_10 = vector.extract_strided_slice %convert_element_type3A_5 {offsets = [0, 2], sizes = [2048, 1], strides = [1, 1]} : vector<2048x33xbf16> to vector<2048x1xbf16>
    %broadcast_in_dim3A_11 = vector.shape_cast %slice3A_10 : vector<2048x1xbf16> to vector<2048x1xbf16>
    %broadcast_in_dim3A_12 = vector.broadcast %broadcast_in_dim3A_11 : vector<2048x1xbf16> to vector<2048x64xbf16>
    %slice3A_13 = vector.extract_strided_slice %convert_element_type3A_5 {offsets = [0, 3], sizes = [2048, 1], strides = [1, 1]} : vector<2048x33xbf16> to vector<2048x1xbf16>
    %broadcast_in_dim3A_14 = vector.shape_cast %slice3A_13 : vector<2048x1xbf16> to vector<2048x1xbf16>
    %broadcast_in_dim3A_15 = vector.broadcast %broadcast_in_dim3A_14 : vector<2048x1xbf16> to vector<2048x64xbf16>
    %slice3A_16 = vector.extract_strided_slice %convert_element_type3A_5 {offsets = [0, 4], sizes = [2048, 1], strides = [1, 1]} : vector<2048x33xbf16> to vector<2048x1xbf16>
    %broadcast_in_dim3A_17 = vector.shape_cast %slice3A_16 : vector<2048x1xbf16> to vector<2048x1xbf16>
    %broadcast_in_dim3A_18 = vector.broadcast %broadcast_in_dim3A_17 : vector<2048x1xbf16> to vector<2048x64xbf16>
    %slice3A_19 = vector.extract_strided_slice %convert_element_type3A_5 {offsets = [0, 5], sizes = [2048, 1], strides = [1, 1]} : vector<2048x33xbf16> to vector<2048x1xbf16>
    %broadcast_in_dim3A_20 = vector.shape_cast %slice3A_19 : vector<2048x1xbf16> to vector<2048x1xbf16>
    %broadcast_in_dim3A_21 = vector.broadcast %broadcast_in_dim3A_20 : vector<2048x1xbf16> to vector<2048x64xbf16>
    %slice3A_22 = vector.extract_strided_slice %convert_element_type3A_5 {offsets = [0, 6], sizes = [2048, 1], strides = [1, 1]} : vector<2048x33xbf16> to vector<2048x1xbf16>
    %broadcast_in_dim3A_23 = vector.shape_cast %slice3A_22 : vector<2048x1xbf16> to vector<2048x1xbf16>
    %broadcast_in_dim3A_24 = vector.broadcast %broadcast_in_dim3A_23 : vector<2048x1xbf16> to vector<2048x64xbf16>
    %slice3A_25 = vector.extract_strided_slice %convert_element_type3A_5 {offsets = [0, 7], sizes = [2048, 1], strides = [1, 1]} : vector<2048x33xbf16> to vector<2048x1xbf16>
    %broadcast_in_dim3A_26 = vector.shape_cast %slice3A_25 : vector<2048x1xbf16> to vector<2048x1xbf16>
    %broadcast_in_dim3A_27 = vector.broadcast %broadcast_in_dim3A_26 : vector<2048x1xbf16> to vector<2048x64xbf16>
    %slice3A_28 = vector.extract_strided_slice %convert_element_type3A_5 {offsets = [0, 8], sizes = [2048, 1], strides = [1, 1]} : vector<2048x33xbf16> to vector<2048x1xbf16>
    %broadcast_in_dim3A_29 = vector.shape_cast %slice3A_28 : vector<2048x1xbf16> to vector<2048x1xbf16>
    %broadcast_in_dim3A_30 = vector.broadcast %broadcast_in_dim3A_29 : vector<2048x1xbf16> to vector<2048x64xbf16>
    %slice3A_31 = vector.extract_strided_slice %convert_element_type3A_5 {offsets = [0, 9], sizes = [2048, 1], strides = [1, 1]} : vector<2048x33xbf16> to vector<2048x1xbf16>
    %broadcast_in_dim3A_32 = vector.shape_cast %slice3A_31 : vector<2048x1xbf16> to vector<2048x1xbf16>
    %broadcast_in_dim3A_33 = vector.broadcast %broadcast_in_dim3A_32 : vector<2048x1xbf16> to vector<2048x64xbf16>
    %slice3A_34 = vector.extract_strided_slice %convert_element_type3A_5 {offsets = [0, 10], sizes = [2048, 1], strides = [1, 1]} : vector<2048x33xbf16> to vector<2048x1xbf16>
    %broadcast_in_dim3A_35 = vector.shape_cast %slice3A_34 : vector<2048x1xbf16> to vector<2048x1xbf16>
    %broadcast_in_dim3A_36 = vector.broadcast %broadcast_in_dim3A_35 : vector<2048x1xbf16> to vector<2048x64xbf16>
    %slice3A_37 = vector.extract_strided_slice %convert_element_type3A_5 {offsets = [0, 11], sizes = [2048, 1], strides = [1, 1]} : vector<2048x33xbf16> to vector<2048x1xbf16>
    %broadcast_in_dim3A_38 = vector.shape_cast %slice3A_37 : vector<2048x1xbf16> to vector<2048x1xbf16>
    %broadcast_in_dim3A_39 = vector.broadcast %broadcast_in_dim3A_38 : vector<2048x1xbf16> to vector<2048x64xbf16>
    %slice3A_40 = vector.extract_strided_slice %convert_element_type3A_5 {offsets = [0, 12], sizes = [2048, 1], strides = [1, 1]} : vector<2048x33xbf16> to vector<2048x1xbf16>
    %broadcast_in_dim3A_41 = vector.shape_cast %slice3A_40 : vector<2048x1xbf16> to vector<2048x1xbf16>
    %broadcast_in_dim3A_42 = vector.broadcast %broadcast_in_dim3A_41 : vector<2048x1xbf16> to vector<2048x64xbf16>
    %slice3A_43 = vector.extract_strided_slice %convert_element_type3A_5 {offsets = [0, 13], sizes = [2048, 1], strides = [1, 1]} : vector<2048x33xbf16> to vector<2048x1xbf16>
    %broadcast_in_dim3A_44 = vector.shape_cast %slice3A_43 : vector<2048x1xbf16> to vector<2048x1xbf16>
    %broadcast_in_dim3A_45 = vector.broadcast %broadcast_in_dim3A_44 : vector<2048x1xbf16> to vector<2048x64xbf16>
    %slice3A_46 = vector.extract_strided_slice %convert_element_type3A_5 {offsets = [0, 14], sizes = [2048, 1], strides = [1, 1]} : vector<2048x33xbf16> to vector<2048x1xbf16>
    %broadcast_in_dim3A_47 = vector.shape_cast %slice3A_46 : vector<2048x1xbf16> to vector<2048x1xbf16>
    %broadcast_in_dim3A_48 = vector.broadcast %broadcast_in_dim3A_47 : vector<2048x1xbf16> to vector<2048x64xbf16>
    %slice3A_49 = vector.extract_strided_slice %convert_element_type3A_5 {offsets = [0, 15], sizes = [2048, 1], strides = [1, 1]} : vector<2048x33xbf16> to vector<2048x1xbf16>
    %broadcast_in_dim3A_50 = vector.shape_cast %slice3A_49 : vector<2048x1xbf16> to vector<2048x1xbf16>
    %broadcast_in_dim3A_51 = vector.broadcast %broadcast_in_dim3A_50 : vector<2048x1xbf16> to vector<2048x64xbf16>
    %slice3A_52 = vector.extract_strided_slice %convert_element_type3A_5 {offsets = [0, 16], sizes = [2048, 1], strides = [1, 1]} : vector<2048x33xbf16> to vector<2048x1xbf16>
    %broadcast_in_dim3A_53 = vector.shape_cast %slice3A_52 : vector<2048x1xbf16> to vector<2048x1xbf16>
    %broadcast_in_dim3A_54 = vector.broadcast %broadcast_in_dim3A_53 : vector<2048x1xbf16> to vector<2048x64xbf16>
    %slice3A_55 = vector.extract_strided_slice %convert_element_type3A_5 {offsets = [0, 17], sizes = [2048, 1], strides = [1, 1]} : vector<2048x33xbf16> to vector<2048x1xbf16>
    %broadcast_in_dim3A_56 = vector.shape_cast %slice3A_55 : vector<2048x1xbf16> to vector<2048x1xbf16>
    %broadcast_in_dim3A_57 = vector.broadcast %broadcast_in_dim3A_56 : vector<2048x1xbf16> to vector<2048x64xbf16>
    %slice3A_58 = vector.extract_strided_slice %convert_element_type3A_5 {offsets = [0, 18], sizes = [2048, 1], strides = [1, 1]} : vector<2048x33xbf16> to vector<2048x1xbf16>
    %broadcast_in_dim3A_59 = vector.shape_cast %slice3A_58 : vector<2048x1xbf16> to vector<2048x1xbf16>
    %broadcast_in_dim3A_60 = vector.broadcast %broadcast_in_dim3A_59 : vector<2048x1xbf16> to vector<2048x64xbf16>
    %slice3A_61 = vector.extract_strided_slice %convert_element_type3A_5 {offsets = [0, 19], sizes = [2048, 1], strides = [1, 1]} : vector<2048x33xbf16> to vector<2048x1xbf16>
    %broadcast_in_dim3A_62 = vector.shape_cast %slice3A_61 : vector<2048x1xbf16> to vector<2048x1xbf16>
    %broadcast_in_dim3A_63 = vector.broadcast %broadcast_in_dim3A_62 : vector<2048x1xbf16> to vector<2048x64xbf16>
    %slice3A_64 = vector.extract_strided_slice %convert_element_type3A_5 {offsets = [0, 20], sizes = [2048, 1], strides = [1, 1]} : vector<2048x33xbf16> to vector<2048x1xbf16>
    %broadcast_in_dim3A_65 = vector.shape_cast %slice3A_64 : vector<2048x1xbf16> to vector<2048x1xbf16>
    %broadcast_in_dim3A_66 = vector.broadcast %broadcast_in_dim3A_65 : vector<2048x1xbf16> to vector<2048x64xbf16>
    %slice3A_67 = vector.extract_strided_slice %convert_element_type3A_5 {offsets = [0, 21], sizes = [2048, 1], strides = [1, 1]} : vector<2048x33xbf16> to vector<2048x1xbf16>
    %broadcast_in_dim3A_68 = vector.shape_cast %slice3A_67 : vector<2048x1xbf16> to vector<2048x1xbf16>
    %broadcast_in_dim3A_69 = vector.broadcast %broadcast_in_dim3A_68 : vector<2048x1xbf16> to vector<2048x64xbf16>
    %slice3A_70 = vector.extract_strided_slice %convert_element_type3A_5 {offsets = [0, 22], sizes = [2048, 1], strides = [1, 1]} : vector<2048x33xbf16> to vector<2048x1xbf16>
    %broadcast_in_dim3A_71 = vector.shape_cast %slice3A_70 : vector<2048x1xbf16> to vector<2048x1xbf16>
    %broadcast_in_dim3A_72 = vector.broadcast %broadcast_in_dim3A_71 : vector<2048x1xbf16> to vector<2048x64xbf16>
    %slice3A_73 = vector.extract_strided_slice %convert_element_type3A_5 {offsets = [0, 23], sizes = [2048, 1], strides = [1, 1]} : vector<2048x33xbf16> to vector<2048x1xbf16>
    %broadcast_in_dim3A_74 = vector.shape_cast %slice3A_73 : vector<2048x1xbf16> to vector<2048x1xbf16>
    %broadcast_in_dim3A_75 = vector.broadcast %broadcast_in_dim3A_74 : vector<2048x1xbf16> to vector<2048x64xbf16>
    %slice3A_76 = vector.extract_strided_slice %convert_element_type3A_5 {offsets = [0, 24], sizes = [2048, 1], strides = [1, 1]} : vector<2048x33xbf16> to vector<2048x1xbf16>
    %broadcast_in_dim3A_77 = vector.shape_cast %slice3A_76 : vector<2048x1xbf16> to vector<2048x1xbf16>
    %broadcast_in_dim3A_78 = vector.broadcast %broadcast_in_dim3A_77 : vector<2048x1xbf16> to vector<2048x64xbf16>
    %slice3A_79 = vector.extract_strided_slice %convert_element_type3A_5 {offsets = [0, 25], sizes = [2048, 1], strides = [1, 1]} : vector<2048x33xbf16> to vector<2048x1xbf16>
    %broadcast_in_dim3A_80 = vector.shape_cast %slice3A_79 : vector<2048x1xbf16> to vector<2048x1xbf16>
    %broadcast_in_dim3A_81 = vector.broadcast %broadcast_in_dim3A_80 : vector<2048x1xbf16> to vector<2048x64xbf16>
    %slice3A_82 = vector.extract_strided_slice %convert_element_type3A_5 {offsets = [0, 26], sizes = [2048, 1], strides = [1, 1]} : vector<2048x33xbf16> to vector<2048x1xbf16>
    %broadcast_in_dim3A_83 = vector.shape_cast %slice3A_82 : vector<2048x1xbf16> to vector<2048x1xbf16>
    %broadcast_in_dim3A_84 = vector.broadcast %broadcast_in_dim3A_83 : vector<2048x1xbf16> to vector<2048x64xbf16>
    %slice3A_85 = vector.extract_strided_slice %convert_element_type3A_5 {offsets = [0, 27], sizes = [2048, 1], strides = [1, 1]} : vector<2048x33xbf16> to vector<2048x1xbf16>
    %broadcast_in_dim3A_86 = vector.shape_cast %slice3A_85 : vector<2048x1xbf16> to vector<2048x1xbf16>
    %broadcast_in_dim3A_87 = vector.broadcast %broadcast_in_dim3A_86 : vector<2048x1xbf16> to vector<2048x64xbf16>
    %slice3A_88 = vector.extract_strided_slice %convert_element_type3A_5 {offsets = [0, 28], sizes = [2048, 1], strides = [1, 1]} : vector<2048x33xbf16> to vector<2048x1xbf16>
    %broadcast_in_dim3A_89 = vector.shape_cast %slice3A_88 : vector<2048x1xbf16> to vector<2048x1xbf16>
    %broadcast_in_dim3A_90 = vector.broadcast %broadcast_in_dim3A_89 : vector<2048x1xbf16> to vector<2048x64xbf16>
    %slice3A_91 = vector.extract_strided_slice %convert_element_type3A_5 {offsets = [0, 29], sizes = [2048, 1], strides = [1, 1]} : vector<2048x33xbf16> to vector<2048x1xbf16>
    %broadcast_in_dim3A_92 = vector.shape_cast %slice3A_91 : vector<2048x1xbf16> to vector<2048x1xbf16>
    %broadcast_in_dim3A_93 = vector.broadcast %broadcast_in_dim3A_92 : vector<2048x1xbf16> to vector<2048x64xbf16>
    %slice3A_94 = vector.extract_strided_slice %convert_element_type3A_5 {offsets = [0, 30], sizes = [2048, 1], strides = [1, 1]} : vector<2048x33xbf16> to vector<2048x1xbf16>
    %broadcast_in_dim3A_95 = vector.shape_cast %slice3A_94 : vector<2048x1xbf16> to vector<2048x1xbf16>
    %broadcast_in_dim3A_96 = vector.broadcast %broadcast_in_dim3A_95 : vector<2048x1xbf16> to vector<2048x64xbf16>
    %slice3A_97 = vector.extract_strided_slice %convert_element_type3A_5 {offsets = [0, 31], sizes = [2048, 1], strides = [1, 1]} : vector<2048x33xbf16> to vector<2048x1xbf16>
    %broadcast_in_dim3A_98 = vector.shape_cast %slice3A_97 : vector<2048x1xbf16> to vector<2048x1xbf16>
    %broadcast_in_dim3A_99 = vector.broadcast %broadcast_in_dim3A_98 : vector<2048x1xbf16> to vector<2048x64xbf16>
    %slice3A_100 = vector.extract_strided_slice %convert_element_type3A_5 {offsets = [0, 32], sizes = [2048, 1], strides = [1, 1]} : vector<2048x33xbf16> to vector<2048x1xbf16>
    %broadcast_in_dim3A_101 = vector.shape_cast %slice3A_100 : vector<2048x1xbf16> to vector<2048x1xbf16>
    %broadcast_in_dim3A_102 = vector.broadcast %broadcast_in_dim3A_101 : vector<2048x1xbf16> to vector<2048x64xbf16>
    %concatenate3A_103 = tpu.concatenate %broadcast_in_dim3A_6, %broadcast_in_dim3A_9, %broadcast_in_dim3A_12, %broadcast_in_dim3A_15, %broadcast_in_dim3A_18, %broadcast_in_dim3A_21, %broadcast_in_dim3A_24, %broadcast_in_dim3A_27, %broadcast_in_dim3A_30, %broadcast_in_dim3A_33, %broadcast_in_dim3A_36, %broadcast_in_dim3A_39, %broadcast_in_dim3A_42, %broadcast_in_dim3A_45, %broadcast_in_dim3A_48, %broadcast_in_dim3A_51, %broadcast_in_dim3A_54, %broadcast_in_dim3A_57, %broadcast_in_dim3A_60, %broadcast_in_dim3A_63, %broadcast_in_dim3A_66, %broadcast_in_dim3A_69, %broadcast_in_dim3A_72, %broadcast_in_dim3A_75, %broadcast_in_dim3A_78, %broadcast_in_dim3A_81, %broadcast_in_dim3A_84, %broadcast_in_dim3A_87, %broadcast_in_dim3A_90, %broadcast_in_dim3A_93, %broadcast_in_dim3A_96, %broadcast_in_dim3A_99, %broadcast_in_dim3A_102 in 1 : vector<2048x64xbf16>, vector<2048x64xbf16>, vector<2048x64xbf16>, vector<2048x64xbf16>, vector<2048x64xbf16>, vector<2048x64xbf16>, vector<2048x64xbf16>, vector<2048x64xbf16>, vector<2048x64xbf16>, vector<2048x64xbf16>, vector<2048x64xbf16>, vector<2048x64xbf16>, vector<2048x64xbf16>, vector<2048x64xbf16>, vector<2048x64xbf16>, vector<2048x64xbf16>, vector<2048x64xbf16>, vector<2048x64xbf16>, vector<2048x64xbf16>, vector<2048x64xbf16>, vector<2048x64xbf16>, vector<2048x64xbf16>, vector<2048x64xbf16>, vector<2048x64xbf16>, vector<2048x64xbf16>, vector<2048x64xbf16>, vector<2048x64xbf16>, vector<2048x64xbf16>, vector<2048x64xbf16>, vector<2048x64xbf16>, vector<2048x64xbf16>, vector<2048x64xbf16>, vector<2048x64xbf16> -> vector<2048x2112xbf16>
    %mul3A = arith.mulf %concatenate3A, %concatenate3A_103 : vector<2048x2112xbf16>
    %get3A_104 = arith.constant 0 : index
    %get3A_105 = arith.constant 0 : index
    %get3A_106 = vector.load %arg3[%get3A_104, %get3A_105] : memref<2112x64xbf16, #tpu.memory_space<vmem>>, vector<2112x64xbf16>
    %dot_general3A = arith.constant dense<0.000000e+00> : vector<2048x64xf32>
    %dot_general3A_107 = tpu.matmul %mul3A, %get3A_106, %dot_general3A {dimension_numbers = #tpu.dot_dimension_numbers<[1], [0], [0], [1], [0, 0, 1, 1], [], []>, transpose_lhs_hint = false} : vector<2048x2112xbf16>, vector<2112x64xbf16>, vector<2048x64xf32> -> vector<2048x64xf32>
    %swap3A = arith.constant 0 : index
    %swap3A_108 = arith.constant 0 : index
    %swap3A_109 = vector.load %arg4[%swap3A, %swap3A_108] : memref<2048x64xf32, #tpu.memory_space<vmem>>, vector<2048x64xf32>
    tpu.vector_store %arg4[%swap3A, %swap3A_108], %dot_general3A_107 {strides = array<i32>} : memref<2048x64xf32, #tpu.memory_space<vmem>>, vector<2048x64xf32>,
    return
  }
  func.func @transform_0(%arg0: i32) -> (i32, i32) {
    %c0_i32 = arith.constant 0 : i32
    %c0_i32_0 = arith.constant 0 : i32
    return %arg0, %c0_i32 : i32, i32
  }
  func.func @transform_1(%arg0: i32) -> (i32, i32) {
    %c0_i32 = arith.constant 0 : i32
    %c0_i32_0 = arith.constant 0 : i32
    return %arg0, %c0_i32 : i32, i32
  }
  func.func @transform_2(%arg0: i32) -> (i32, i32) {
    %c0_i32 = arith.constant 0 : i32
    %c0_i32_0 = arith.constant 0 : i32
    %c0_i32_1 = arith.constant 0 : i32
    return %c0_i32, %c0_i32_0 : i32, i32
  }
  func.func @transform_3(%arg0: i32) -> (i32, i32) {
    %c0_i32 = arith.constant 0 : i32
    %c0_i32_0 = arith.constant 0 : i32
    return %arg0, %c0_i32 : i32, i32
  }
}

module attributes {stable_mosaic.version = 14 : i64} {
  func.func @_gru_body(%arg0: i32, %arg1: memref<2048x64xf32, #tpu.memory_space<vmem>>, %arg2: memref<2048x64xf32, #tpu.memory_space<vmem>>, %arg3: memref<2048x64xf32, #tpu.memory_space<vmem>>, %arg4: memref<1x64xf32, #tpu.memory_space<vmem>>, %arg5: memref<64x192xf32, #tpu.memory_space<vmem>>, %arg6: memref<64x192xf32, #tpu.memory_space<vmem>>, %arg7: memref<1x192xf32, #tpu.memory_space<vmem>>, %arg8: memref<1x192xf32, #tpu.memory_space<vmem>>, %arg9: memref<1x64xf32, #tpu.memory_space<vmem>>, %arg10: memref<1x1xf32, #tpu.memory_space<vmem>>, %arg11: memref<2048x64xf32, #tpu.memory_space<vmem>>, %arg12: memref<2048x64xf32, #tpu.memory_space<vmem>>) attributes {dimension_semantics = [#tpu.dimension_semantics<arbitrary>], iteration_bounds = array<i64: 5>, scalar_prefetch = 0 : i64, scratch_operands = 0 : i64, tpu.core_type = #tpu.core_type<tc>, window_params = [{transform_indices = @transform_0, window_bounds = array<i64: 2048, 64>}, {transform_indices = @transform_1, window_bounds = array<i64: 2048, 64>}, {transform_indices = @transform_2, window_bounds = array<i64: 2048, 64>}, {pipeline_mode = #tpu.pipeline_mode<synchronous>, transform_indices = @transform_3, window_bounds = array<i64: 1, 64>}, {pipeline_mode = #tpu.pipeline_mode<synchronous>, transform_indices = @transform_4, window_bounds = array<i64: 64, 192>}, {pipeline_mode = #tpu.pipeline_mode<synchronous>, transform_indices = @transform_5, window_bounds = array<i64: 64, 192>}, {pipeline_mode = #tpu.pipeline_mode<synchronous>, transform_indices = @transform_6, window_bounds = array<i64: 1, 192>}, {pipeline_mode = #tpu.pipeline_mode<synchronous>, transform_indices = @transform_7, window_bounds = array<i64: 1, 192>}, {pipeline_mode = #tpu.pipeline_mode<synchronous>, transform_indices = @transform_8, window_bounds = array<i64: 1, 64>}, {pipeline_mode = #tpu.pipeline_mode<synchronous>, transform_indices = @transform_9, window_bounds = array<i64: 1, 1>}, {transform_indices = @transform_10, window_bounds = array<i64: 2048, 64>}, {transform_indices = @transform_11, window_bounds = array<i64: 2048, 64>}]} {
    %get3A = arith.constant 0 : index
    %get3A_0 = arith.constant 0 : index
    %get3A_1 = vector.load %arg1[%get3A, %get3A_0] : memref<2048x64xf32, #tpu.memory_space<vmem>>, vector<2048x64xf32>
    %get3A_2 = arith.constant 0 : index
    %get3A_3 = arith.constant 0 : index
    %get3A_4 = vector.load %arg2[%get3A_2, %get3A_3] : memref<2048x64xf32, #tpu.memory_space<vmem>>, vector<2048x64xf32>
    %add3A = arith.addf %get3A_1, %get3A_4 : vector<2048x64xf32>
    %get3A_5 = arith.constant 0 : index
    %get3A_6 = arith.constant 0 : index
    %get3A_7 = vector.load %arg4[%get3A_5, %get3A_6] : memref<1x64xf32, #tpu.memory_space<vmem>>, vector<1x64xf32>
    %add3A_8 = vector.broadcast %get3A_7 : vector<1x64xf32> to vector<2048x64xf32>
    %add3A_9 = arith.addf %add3A, %add3A_8 : vector<2048x64xf32>
    %max3A = arith.constant 0.000000e+00 : f32
    %max3A_10 = vector.broadcast %max3A : f32 to vector<2048x64xf32>
    %max3A_11 = arith.maximumf %add3A_9, %max3A_10 : vector<2048x64xf32>
    %get3A_12 = arith.constant 0 : index
    %get3A_13 = arith.constant 0 : index
    %get3A_14 = vector.load %arg3[%get3A_12, %get3A_13] : memref<2048x64xf32, #tpu.memory_space<vmem>>, vector<2048x64xf32>
    %get3A_15 = arith.constant 0 : index
    %get3A_16 = arith.constant 0 : index
    %get3A_17 = vector.load %arg5[%get3A_15, %get3A_16] : memref<64x192xf32, #tpu.memory_space<vmem>>, vector<64x192xf32>
    %dot_general3A = arith.constant dense<0.000000e+00> : vector<2048x192xf32>
    %dot_general3A_18 = tpu.matmul %max3A_11, %get3A_17, %dot_general3A {dimension_numbers = #tpu.dot_dimension_numbers<[1], [0], [0], [1], [0, 0, 1, 1], [], []>, transpose_lhs_hint = false} : vector<2048x64xf32>, vector<64x192xf32>, vector<2048x192xf32> -> vector<2048x192xf32>
    %get3A_19 = arith.constant 0 : index
    %get3A_20 = arith.constant 0 : index
    %get3A_21 = vector.load %arg7[%get3A_19, %get3A_20] : memref<1x192xf32, #tpu.memory_space<vmem>>, vector<1x192xf32>
    %add3A_22 = vector.broadcast %get3A_21 : vector<1x192xf32> to vector<2048x192xf32>
    %add3A_23 = arith.addf %dot_general3A_18, %add3A_22 : vector<2048x192xf32>
    %get3A_24 = arith.constant 0 : index
    %get3A_25 = arith.constant 0 : index
    %get3A_26 = vector.load %arg6[%get3A_24, %get3A_25] : memref<64x192xf32, #tpu.memory_space<vmem>>, vector<64x192xf32>
    %dot_general3A_27 = arith.constant dense<0.000000e+00> : vector<2048x192xf32>
    %dot_general3A_28 = tpu.matmul %get3A_14, %get3A_26, %dot_general3A_27 {dimension_numbers = #tpu.dot_dimension_numbers<[1], [0], [0], [1], [0, 0, 1, 1], [], []>, transpose_lhs_hint = false} : vector<2048x64xf32>, vector<64x192xf32>, vector<2048x192xf32> -> vector<2048x192xf32>
    %get3A_29 = arith.constant 0 : index
    %get3A_30 = arith.constant 0 : index
    %get3A_31 = vector.load %arg8[%get3A_29, %get3A_30] : memref<1x192xf32, #tpu.memory_space<vmem>>, vector<1x192xf32>
    %add3A_32 = vector.broadcast %get3A_31 : vector<1x192xf32> to vector<2048x192xf32>
    %add3A_33 = arith.addf %dot_general3A_28, %add3A_32 : vector<2048x192xf32>
    %slice3A = vector.extract_strided_slice %add3A_23 {offsets = [0, 0], sizes = [2048, 64], strides = [1, 1]} : vector<2048x192xf32> to vector<2048x64xf32>
    %slice3A_34 = vector.extract_strided_slice %add3A_33 {offsets = [0, 0], sizes = [2048, 64], strides = [1, 1]} : vector<2048x192xf32> to vector<2048x64xf32>
    %add3A_35 = arith.addf %slice3A, %slice3A_34 : vector<2048x64xf32>
    %logistic3A = arith.negf %add3A_35 : vector<2048x64xf32>
    %logistic3A_36 = math.exp %logistic3A : vector<2048x64xf32>
    %logistic3A_37 = arith.constant 1.000000e+00 : f32
    %logistic3A_38 = vector.broadcast %logistic3A_37 : f32 to vector<2048x64xf32>
    %logistic3A_39 = arith.addf %logistic3A_38, %logistic3A_36 : vector<2048x64xf32>
    %logistic3A_40 = arith.divf %logistic3A_38, %logistic3A_39 : vector<2048x64xf32>
    %slice3A_41 = vector.extract_strided_slice %add3A_23 {offsets = [0, 64], sizes = [2048, 64], strides = [1, 1]} : vector<2048x192xf32> to vector<2048x64xf32>
    %slice3A_42 = vector.extract_strided_slice %add3A_33 {offsets = [0, 64], sizes = [2048, 64], strides = [1, 1]} : vector<2048x192xf32> to vector<2048x64xf32>
    %add3A_43 = arith.addf %slice3A_41, %slice3A_42 : vector<2048x64xf32>
    %logistic3A_44 = arith.negf %add3A_43 : vector<2048x64xf32>
    %logistic3A_45 = math.exp %logistic3A_44 : vector<2048x64xf32>
    %logistic3A_46 = arith.constant 1.000000e+00 : f32
    %logistic3A_47 = vector.broadcast %logistic3A_46 : f32 to vector<2048x64xf32>
    %logistic3A_48 = arith.addf %logistic3A_47, %logistic3A_45 : vector<2048x64xf32>
    %logistic3A_49 = arith.divf %logistic3A_47, %logistic3A_48 : vector<2048x64xf32>
    %slice3A_50 = vector.extract_strided_slice %add3A_23 {offsets = [0, 128], sizes = [2048, 64], strides = [1, 1]} : vector<2048x192xf32> to vector<2048x64xf32>
    %slice3A_51 = vector.extract_strided_slice %add3A_33 {offsets = [0, 128], sizes = [2048, 64], strides = [1, 1]} : vector<2048x192xf32> to vector<2048x64xf32>
    %mul3A = arith.mulf %logistic3A_40, %slice3A_51 : vector<2048x64xf32>
    %add3A_52 = arith.addf %slice3A_50, %mul3A : vector<2048x64xf32>
    %tanh3A = math.tanh %add3A_52 : vector<2048x64xf32>
    %sub3A = arith.constant 1.000000e+00 : f32
    %sub3A_53 = vector.broadcast %sub3A : f32 to vector<2048x64xf32>
    %sub3A_54 = arith.subf %sub3A_53, %logistic3A_49 : vector<2048x64xf32>
    %mul3A_55 = arith.mulf %sub3A_54, %tanh3A : vector<2048x64xf32>
    %mul3A_56 = arith.mulf %logistic3A_49, %get3A_14 : vector<2048x64xf32>
    %add3A_57 = arith.addf %mul3A_55, %mul3A_56 : vector<2048x64xf32>
    %swap3A = arith.constant 0 : index
    %swap3A_58 = arith.constant 0 : index
    %swap3A_59 = vector.load %arg11[%swap3A, %swap3A_58] : memref<2048x64xf32, #tpu.memory_space<vmem>>, vector<2048x64xf32>
    tpu.vector_store %arg11[%swap3A, %swap3A_58], %add3A_57 {strides = array<i32>} : memref<2048x64xf32, #tpu.memory_space<vmem>>, vector<2048x64xf32>,
    %get3A_60 = arith.constant 0 : index
    %get3A_61 = arith.constant 0 : index
    %get3A_62 = vector.load %arg9[%get3A_60, %get3A_61] : memref<1x64xf32, #tpu.memory_space<vmem>>, vector<1x64xf32>
    %mul3A_63 = vector.broadcast %get3A_62 : vector<1x64xf32> to vector<2048x64xf32>
    %mul3A_64 = arith.mulf %add3A_57, %mul3A_63 : vector<2048x64xf32>
    %reduce_sum3A = arith.constant dense<0.000000e+00> : vector<2048xf32>
    %reduce_sum3A_65 = vector.multi_reduction <add>, %mul3A_64, %reduce_sum3A [1] : vector<2048x64xf32> to vector<2048xf32>
    %broadcast_in_dim3A = vector.shape_cast %reduce_sum3A_65 : vector<2048xf32> to vector<2048x1xf32>
    %get3A_66 = arith.constant 0 : index
    %get3A_67 = arith.constant 0 : index
    %get3A_68 = vector.load %arg10[%get3A_66, %get3A_67] : memref<1x1xf32, #tpu.memory_space<vmem>>, vector<1x1xf32>
    %add3A_69 = vector.broadcast %get3A_68 : vector<1x1xf32> to vector<2048x1xf32>
    %add3A_70 = arith.addf %broadcast_in_dim3A, %add3A_69 : vector<2048x1xf32>
    %logistic3A_71 = arith.negf %add3A_70 : vector<2048x1xf32>
    %logistic3A_72 = math.exp %logistic3A_71 : vector<2048x1xf32>
    %logistic3A_73 = arith.constant 1.000000e+00 : f32
    %logistic3A_74 = vector.broadcast %logistic3A_73 : f32 to vector<2048x1xf32>
    %logistic3A_75 = arith.addf %logistic3A_74, %logistic3A_72 : vector<2048x1xf32>
    %logistic3A_76 = arith.divf %logistic3A_74, %logistic3A_75 : vector<2048x1xf32>
    %mul3A_77 = vector.broadcast %logistic3A_76 : vector<2048x1xf32> to vector<2048x64xf32>
    %mul3A_78 = arith.mulf %add3A_57, %mul3A_77 : vector<2048x64xf32>
    %swap3A_79 = arith.constant 0 : index
    %swap3A_80 = arith.constant 0 : index
    %swap3A_81 = vector.load %arg12[%swap3A_79, %swap3A_80] : memref<2048x64xf32, #tpu.memory_space<vmem>>, vector<2048x64xf32>
    tpu.vector_store %arg12[%swap3A_79, %swap3A_80], %mul3A_78 {strides = array<i32>} : memref<2048x64xf32, #tpu.memory_space<vmem>>, vector<2048x64xf32>,
    return
  }
  func.func @transform_0(%arg0: i32) -> (i32, i32) {
    %c0_i32 = arith.constant 0 : i32
    %c0_i32_0 = arith.constant 0 : i32
    return %arg0, %c0_i32 : i32, i32
  }
  func.func @transform_1(%arg0: i32) -> (i32, i32) {
    %c0_i32 = arith.constant 0 : i32
    %c0_i32_0 = arith.constant 0 : i32
    return %arg0, %c0_i32 : i32, i32
  }
  func.func @transform_2(%arg0: i32) -> (i32, i32) {
    %c0_i32 = arith.constant 0 : i32
    %c0_i32_0 = arith.constant 0 : i32
    return %arg0, %c0_i32 : i32, i32
  }
  func.func @transform_3(%arg0: i32) -> (i32, i32) {
    %c0_i32 = arith.constant 0 : i32
    %c0_i32_0 = arith.constant 0 : i32
    %c0_i32_1 = arith.constant 0 : i32
    return %c0_i32, %c0_i32_0 : i32, i32
  }
  func.func @transform_4(%arg0: i32) -> (i32, i32) {
    %c0_i32 = arith.constant 0 : i32
    %c0_i32_0 = arith.constant 0 : i32
    %c0_i32_1 = arith.constant 0 : i32
    return %c0_i32, %c0_i32_0 : i32, i32
  }
  func.func @transform_5(%arg0: i32) -> (i32, i32) {
    %c0_i32 = arith.constant 0 : i32
    %c0_i32_0 = arith.constant 0 : i32
    %c0_i32_1 = arith.constant 0 : i32
    return %c0_i32, %c0_i32_0 : i32, i32
  }
  func.func @transform_6(%arg0: i32) -> (i32, i32) {
    %c0_i32 = arith.constant 0 : i32
    %c0_i32_0 = arith.constant 0 : i32
    %c0_i32_1 = arith.constant 0 : i32
    return %c0_i32, %c0_i32_0 : i32, i32
  }
  func.func @transform_7(%arg0: i32) -> (i32, i32) {
    %c0_i32 = arith.constant 0 : i32
    %c0_i32_0 = arith.constant 0 : i32
    %c0_i32_1 = arith.constant 0 : i32
    return %c0_i32, %c0_i32_0 : i32, i32
  }
  func.func @transform_8(%arg0: i32) -> (i32, i32) {
    %c0_i32 = arith.constant 0 : i32
    %c0_i32_0 = arith.constant 0 : i32
    %c0_i32_1 = arith.constant 0 : i32
    return %c0_i32, %c0_i32_0 : i32, i32
  }
  func.func @transform_9(%arg0: i32) -> (i32, i32) {
    %c0_i32 = arith.constant 0 : i32
    %c0_i32_0 = arith.constant 0 : i32
    %c0_i32_1 = arith.constant 0 : i32
    return %c0_i32, %c0_i32_0 : i32, i32
  }
  func.func @transform_10(%arg0: i32) -> (i32, i32) {
    %c0_i32 = arith.constant 0 : i32
    %c0_i32_0 = arith.constant 0 : i32
    return %arg0, %c0_i32 : i32, i32
  }
  func.func @transform_11(%arg0: i32) -> (i32, i32) {
    %c0_i32 = arith.constant 0 : i32
    %c0_i32_0 = arith.constant 0 : i32
    return %arg0, %c0_i32 : i32, i32
  }
}

module attributes {stable_mosaic.version = 14 : i64} {
  func.func @_gru_body(%arg0: i32, %arg1: memref<2048x64xf32, #tpu.memory_space<vmem>>, %arg2: memref<2048x64xf32, #tpu.memory_space<vmem>>, %arg3: memref<2048x64xf32, #tpu.memory_space<vmem>>, %arg4: memref<1x64xf32, #tpu.memory_space<vmem>>, %arg5: memref<64x192xf32, #tpu.memory_space<vmem>>, %arg6: memref<64x192xf32, #tpu.memory_space<vmem>>, %arg7: memref<1x192xf32, #tpu.memory_space<vmem>>, %arg8: memref<1x192xf32, #tpu.memory_space<vmem>>, %arg9: memref<1x64xf32, #tpu.memory_space<vmem>>, %arg10: memref<1x1xf32, #tpu.memory_space<vmem>>, %arg11: memref<2048x64xf32, #tpu.memory_space<vmem>>, %arg12: memref<2048x64xf32, #tpu.memory_space<vmem>>) attributes {dimension_semantics = [#tpu.dimension_semantics<arbitrary>], iteration_bounds = array<i64: 5>, scalar_prefetch = 0 : i64, scratch_operands = 0 : i64, tpu.core_type = #tpu.core_type<tc>, window_params = [{transform_indices = @transform_0, window_bounds = array<i64: 2048, 64>}, {transform_indices = @transform_1, window_bounds = array<i64: 2048, 64>}, {transform_indices = @transform_2, window_bounds = array<i64: 2048, 64>}, {pipeline_mode = #tpu.pipeline_mode<synchronous>, transform_indices = @transform_3, window_bounds = array<i64: 1, 64>}, {pipeline_mode = #tpu.pipeline_mode<synchronous>, transform_indices = @transform_4, window_bounds = array<i64: 64, 192>}, {pipeline_mode = #tpu.pipeline_mode<synchronous>, transform_indices = @transform_5, window_bounds = array<i64: 64, 192>}, {pipeline_mode = #tpu.pipeline_mode<synchronous>, transform_indices = @transform_6, window_bounds = array<i64: 1, 192>}, {pipeline_mode = #tpu.pipeline_mode<synchronous>, transform_indices = @transform_7, window_bounds = array<i64: 1, 192>}, {pipeline_mode = #tpu.pipeline_mode<synchronous>, transform_indices = @transform_8, window_bounds = array<i64: 1, 64>}, {pipeline_mode = #tpu.pipeline_mode<synchronous>, transform_indices = @transform_9, window_bounds = array<i64: 1, 1>}, {transform_indices = @transform_10, window_bounds = array<i64: 2048, 64>}, {transform_indices = @transform_11, window_bounds = array<i64: 2048, 64>}]} {
    %get3A = arith.constant 0 : index
    %get3A_0 = arith.constant 0 : index
    %get3A_1 = vector.load %arg1[%get3A, %get3A_0] : memref<2048x64xf32, #tpu.memory_space<vmem>>, vector<2048x64xf32>
    %get3A_2 = arith.constant 0 : index
    %get3A_3 = arith.constant 0 : index
    %get3A_4 = vector.load %arg2[%get3A_2, %get3A_3] : memref<2048x64xf32, #tpu.memory_space<vmem>>, vector<2048x64xf32>
    %add3A = arith.addf %get3A_1, %get3A_4 : vector<2048x64xf32>
    %get3A_5 = arith.constant 0 : index
    %get3A_6 = arith.constant 0 : index
    %get3A_7 = vector.load %arg4[%get3A_5, %get3A_6] : memref<1x64xf32, #tpu.memory_space<vmem>>, vector<1x64xf32>
    %add3A_8 = vector.broadcast %get3A_7 : vector<1x64xf32> to vector<2048x64xf32>
    %add3A_9 = arith.addf %add3A, %add3A_8 : vector<2048x64xf32>
    %max3A = arith.constant 0.000000e+00 : f32
    %max3A_10 = vector.broadcast %max3A : f32 to vector<2048x64xf32>
    %max3A_11 = arith.maximumf %add3A_9, %max3A_10 : vector<2048x64xf32>
    %get3A_12 = arith.constant 0 : index
    %get3A_13 = arith.constant 0 : index
    %get3A_14 = vector.load %arg3[%get3A_12, %get3A_13] : memref<2048x64xf32, #tpu.memory_space<vmem>>, vector<2048x64xf32>
    %get3A_15 = arith.constant 0 : index
    %get3A_16 = arith.constant 0 : index
    %get3A_17 = vector.load %arg5[%get3A_15, %get3A_16] : memref<64x192xf32, #tpu.memory_space<vmem>>, vector<64x192xf32>
    %dot_general3A = arith.constant dense<0.000000e+00> : vector<2048x192xf32>
    %dot_general3A_18 = tpu.matmul %max3A_11, %get3A_17, %dot_general3A {dimension_numbers = #tpu.dot_dimension_numbers<[1], [0], [0], [1], [0, 0, 1, 1], [], []>, transpose_lhs_hint = false} : vector<2048x64xf32>, vector<64x192xf32>, vector<2048x192xf32> -> vector<2048x192xf32>
    %get3A_19 = arith.constant 0 : index
    %get3A_20 = arith.constant 0 : index
    %get3A_21 = vector.load %arg7[%get3A_19, %get3A_20] : memref<1x192xf32, #tpu.memory_space<vmem>>, vector<1x192xf32>
    %add3A_22 = vector.broadcast %get3A_21 : vector<1x192xf32> to vector<2048x192xf32>
    %add3A_23 = arith.addf %dot_general3A_18, %add3A_22 : vector<2048x192xf32>
    %get3A_24 = arith.constant 0 : index
    %get3A_25 = arith.constant 0 : index
    %get3A_26 = vector.load %arg6[%get3A_24, %get3A_25] : memref<64x192xf32, #tpu.memory_space<vmem>>, vector<64x192xf32>
    %dot_general3A_27 = arith.constant dense<0.000000e+00> : vector<2048x192xf32>
    %dot_general3A_28 = tpu.matmul %get3A_14, %get3A_26, %dot_general3A_27 {dimension_numbers = #tpu.dot_dimension_numbers<[1], [0], [0], [1], [0, 0, 1, 1], [], []>, transpose_lhs_hint = false} : vector<2048x64xf32>, vector<64x192xf32>, vector<2048x192xf32> -> vector<2048x192xf32>
    %get3A_29 = arith.constant 0 : index
    %get3A_30 = arith.constant 0 : index
    %get3A_31 = vector.load %arg8[%get3A_29, %get3A_30] : memref<1x192xf32, #tpu.memory_space<vmem>>, vector<1x192xf32>
    %add3A_32 = vector.broadcast %get3A_31 : vector<1x192xf32> to vector<2048x192xf32>
    %add3A_33 = arith.addf %dot_general3A_28, %add3A_32 : vector<2048x192xf32>
    %slice3A = vector.extract_strided_slice %add3A_23 {offsets = [0, 0], sizes = [2048, 64], strides = [1, 1]} : vector<2048x192xf32> to vector<2048x64xf32>
    %slice3A_34 = vector.extract_strided_slice %add3A_33 {offsets = [0, 0], sizes = [2048, 64], strides = [1, 1]} : vector<2048x192xf32> to vector<2048x64xf32>
    %add3A_35 = arith.addf %slice3A, %slice3A_34 : vector<2048x64xf32>
    %logistic3A = arith.negf %add3A_35 : vector<2048x64xf32>
    %logistic3A_36 = math.exp %logistic3A : vector<2048x64xf32>
    %logistic3A_37 = arith.constant 1.000000e+00 : f32
    %logistic3A_38 = vector.broadcast %logistic3A_37 : f32 to vector<2048x64xf32>
    %logistic3A_39 = arith.addf %logistic3A_38, %logistic3A_36 : vector<2048x64xf32>
    %logistic3A_40 = arith.divf %logistic3A_38, %logistic3A_39 : vector<2048x64xf32>
    %slice3A_41 = vector.extract_strided_slice %add3A_23 {offsets = [0, 64], sizes = [2048, 64], strides = [1, 1]} : vector<2048x192xf32> to vector<2048x64xf32>
    %slice3A_42 = vector.extract_strided_slice %add3A_33 {offsets = [0, 64], sizes = [2048, 64], strides = [1, 1]} : vector<2048x192xf32> to vector<2048x64xf32>
    %add3A_43 = arith.addf %slice3A_41, %slice3A_42 : vector<2048x64xf32>
    %logistic3A_44 = arith.negf %add3A_43 : vector<2048x64xf32>
    %logistic3A_45 = math.exp %logistic3A_44 : vector<2048x64xf32>
    %logistic3A_46 = arith.constant 1.000000e+00 : f32
    %logistic3A_47 = vector.broadcast %logistic3A_46 : f32 to vector<2048x64xf32>
    %logistic3A_48 = arith.addf %logistic3A_47, %logistic3A_45 : vector<2048x64xf32>
    %logistic3A_49 = arith.divf %logistic3A_47, %logistic3A_48 : vector<2048x64xf32>
    %slice3A_50 = vector.extract_strided_slice %add3A_23 {offsets = [0, 128], sizes = [2048, 64], strides = [1, 1]} : vector<2048x192xf32> to vector<2048x64xf32>
    %slice3A_51 = vector.extract_strided_slice %add3A_33 {offsets = [0, 128], sizes = [2048, 64], strides = [1, 1]} : vector<2048x192xf32> to vector<2048x64xf32>
    %mul3A = arith.mulf %logistic3A_40, %slice3A_51 : vector<2048x64xf32>
    %add3A_52 = arith.addf %slice3A_50, %mul3A : vector<2048x64xf32>
    %tanh3A = math.tanh %add3A_52 : vector<2048x64xf32>
    %sub3A = arith.constant 1.000000e+00 : f32
    %sub3A_53 = vector.broadcast %sub3A : f32 to vector<2048x64xf32>
    %sub3A_54 = arith.subf %sub3A_53, %logistic3A_49 : vector<2048x64xf32>
    %mul3A_55 = arith.mulf %sub3A_54, %tanh3A : vector<2048x64xf32>
    %mul3A_56 = arith.mulf %logistic3A_49, %get3A_14 : vector<2048x64xf32>
    %add3A_57 = arith.addf %mul3A_55, %mul3A_56 : vector<2048x64xf32>
    %swap3A = arith.constant 0 : index
    %swap3A_58 = arith.constant 0 : index
    %swap3A_59 = vector.load %arg11[%swap3A, %swap3A_58] : memref<2048x64xf32, #tpu.memory_space<vmem>>, vector<2048x64xf32>
    tpu.vector_store %arg11[%swap3A, %swap3A_58], %add3A_57 {strides = array<i32>} : memref<2048x64xf32, #tpu.memory_space<vmem>>, vector<2048x64xf32>,
    %get3A_60 = arith.constant 0 : index
    %get3A_61 = arith.constant 0 : index
    %get3A_62 = vector.load %arg9[%get3A_60, %get3A_61] : memref<1x64xf32, #tpu.memory_space<vmem>>, vector<1x64xf32>
    %mul3A_63 = vector.broadcast %get3A_62 : vector<1x64xf32> to vector<2048x64xf32>
    %mul3A_64 = arith.mulf %add3A_57, %mul3A_63 : vector<2048x64xf32>
    %reduce_sum3A = arith.constant dense<0.000000e+00> : vector<2048xf32>
    %reduce_sum3A_65 = vector.multi_reduction <add>, %mul3A_64, %reduce_sum3A [1] : vector<2048x64xf32> to vector<2048xf32>
    %broadcast_in_dim3A = vector.shape_cast %reduce_sum3A_65 : vector<2048xf32> to vector<2048x1xf32>
    %get3A_66 = arith.constant 0 : index
    %get3A_67 = arith.constant 0 : index
    %get3A_68 = vector.load %arg10[%get3A_66, %get3A_67] : memref<1x1xf32, #tpu.memory_space<vmem>>, vector<1x1xf32>
    %add3A_69 = vector.broadcast %get3A_68 : vector<1x1xf32> to vector<2048x1xf32>
    %add3A_70 = arith.addf %broadcast_in_dim3A, %add3A_69 : vector<2048x1xf32>
    %logistic3A_71 = arith.negf %add3A_70 : vector<2048x1xf32>
    %logistic3A_72 = math.exp %logistic3A_71 : vector<2048x1xf32>
    %logistic3A_73 = arith.constant 1.000000e+00 : f32
    %logistic3A_74 = vector.broadcast %logistic3A_73 : f32 to vector<2048x1xf32>
    %logistic3A_75 = arith.addf %logistic3A_74, %logistic3A_72 : vector<2048x1xf32>
    %logistic3A_76 = arith.divf %logistic3A_74, %logistic3A_75 : vector<2048x1xf32>
    %mul3A_77 = vector.broadcast %logistic3A_76 : vector<2048x1xf32> to vector<2048x64xf32>
    %mul3A_78 = arith.mulf %add3A_57, %mul3A_77 : vector<2048x64xf32>
    %swap3A_79 = arith.constant 0 : index
    %swap3A_80 = arith.constant 0 : index
    %swap3A_81 = vector.load %arg12[%swap3A_79, %swap3A_80] : memref<2048x64xf32, #tpu.memory_space<vmem>>, vector<2048x64xf32>
    tpu.vector_store %arg12[%swap3A_79, %swap3A_80], %mul3A_78 {strides = array<i32>} : memref<2048x64xf32, #tpu.memory_space<vmem>>, vector<2048x64xf32>,
    return
  }
  func.func @transform_0(%arg0: i32) -> (i32, i32) {
    %c0_i32 = arith.constant 0 : i32
    %c0_i32_0 = arith.constant 0 : i32
    return %arg0, %c0_i32 : i32, i32
  }
  func.func @transform_1(%arg0: i32) -> (i32, i32) {
    %c0_i32 = arith.constant 0 : i32
    %c0_i32_0 = arith.constant 0 : i32
    return %arg0, %c0_i32 : i32, i32
  }
  func.func @transform_2(%arg0: i32) -> (i32, i32) {
    %c0_i32 = arith.constant 0 : i32
    %c0_i32_0 = arith.constant 0 : i32
    return %arg0, %c0_i32 : i32, i32
  }
  func.func @transform_3(%arg0: i32) -> (i32, i32) {
    %c0_i32 = arith.constant 0 : i32
    %c0_i32_0 = arith.constant 0 : i32
    %c0_i32_1 = arith.constant 0 : i32
    return %c0_i32, %c0_i32_0 : i32, i32
  }
  func.func @transform_4(%arg0: i32) -> (i32, i32) {
    %c0_i32 = arith.constant 0 : i32
    %c0_i32_0 = arith.constant 0 : i32
    %c0_i32_1 = arith.constant 0 : i32
    return %c0_i32, %c0_i32_0 : i32, i32
  }
  func.func @transform_5(%arg0: i32) -> (i32, i32) {
    %c0_i32 = arith.constant 0 : i32
    %c0_i32_0 = arith.constant 0 : i32
    %c0_i32_1 = arith.constant 0 : i32
    return %c0_i32, %c0_i32_0 : i32, i32
  }
  func.func @transform_6(%arg0: i32) -> (i32, i32) {
    %c0_i32 = arith.constant 0 : i32
    %c0_i32_0 = arith.constant 0 : i32
    %c0_i32_1 = arith.constant 0 : i32
    return %c0_i32, %c0_i32_0 : i32, i32
  }
  func.func @transform_7(%arg0: i32) -> (i32, i32) {
    %c0_i32 = arith.constant 0 : i32
    %c0_i32_0 = arith.constant 0 : i32
    %c0_i32_1 = arith.constant 0 : i32
    return %c0_i32, %c0_i32_0 : i32, i32
  }
  func.func @transform_8(%arg0: i32) -> (i32, i32) {
    %c0_i32 = arith.constant 0 : i32
    %c0_i32_0 = arith.constant 0 : i32
    %c0_i32_1 = arith.constant 0 : i32
    return %c0_i32, %c0_i32_0 : i32, i32
  }
  func.func @transform_9(%arg0: i32) -> (i32, i32) {
    %c0_i32 = arith.constant 0 : i32
    %c0_i32_0 = arith.constant 0 : i32
    %c0_i32_1 = arith.constant 0 : i32
    return %c0_i32, %c0_i32_0 : i32, i32
  }
  func.func @transform_10(%arg0: i32) -> (i32, i32) {
    %c0_i32 = arith.constant 0 : i32
    %c0_i32_0 = arith.constant 0 : i32
    return %arg0, %c0_i32 : i32, i32
  }
  func.func @transform_11(%arg0: i32) -> (i32, i32) {
    %c0_i32 = arith.constant 0 : i32
    %c0_i32_0 = arith.constant 0 : i32
    return %arg0, %c0_i32 : i32, i32
  }
}

module attributes {stable_mosaic.version = 14 : i64} {
  func.func @_fin_body(%arg0: i32, %arg1: memref<32x272x64xf32, #tpu.memory_space<vmem>>, %arg2: memref<32x272x64xf32, #tpu.memory_space<vmem>>, %arg3: memref<128x100xf32, #tpu.memory_space<vmem>>, %arg4: memref<1x100xf32, #tpu.memory_space<vmem>>, %arg5: memref<256x100xf32, #tpu.memory_space<vmem>>) attributes {dimension_semantics = [#tpu.dimension_semantics<arbitrary>], iteration_bounds = array<i64: 1>, scalar_prefetch = 0 : i64, scratch_operands = 0 : i64, tpu.core_type = #tpu.core_type<tc>, window_params = [{pipeline_mode = #tpu.pipeline_mode<synchronous>, transform_indices = @transform_0, window_bounds = array<i64: 32, 272, 64>}, {pipeline_mode = #tpu.pipeline_mode<synchronous>, transform_indices = @transform_1, window_bounds = array<i64: 32, 272, 64>}, {pipeline_mode = #tpu.pipeline_mode<synchronous>, transform_indices = @transform_2, window_bounds = array<i64: 128, 100>}, {pipeline_mode = #tpu.pipeline_mode<synchronous>, transform_indices = @transform_3, window_bounds = array<i64: 1, 100>}, {pipeline_mode = #tpu.pipeline_mode<synchronous>, transform_indices = @transform_4, window_bounds = array<i64: 256, 100>}]} {
    %get3A = arith.constant 0 : index
    %get3A_0 = arith.constant 0 : index
    %get3A_1 = arith.constant 0 : index
    %get3A_2 = vector.load %arg1[%get3A, %get3A_0, %get3A_1] : memref<32x272x64xf32, #tpu.memory_space<vmem>>, vector<32x272x64xf32>
    %reduce_sum3A = arith.constant dense<0.000000e+00> : vector<272x64xf32>
    %reduce_sum3A_3 = vector.multi_reduction <add>, %get3A_2, %reduce_sum3A [0] : vector<32x272x64xf32> to vector<272x64xf32>
    %get3A_4 = arith.constant 0 : index
    %get3A_5 = arith.constant 0 : index
    %get3A_6 = arith.constant 0 : index
    %get3A_7 = vector.load %arg2[%get3A_4, %get3A_5, %get3A_6] : memref<32x272x64xf32, #tpu.memory_space<vmem>>, vector<32x272x64xf32>
    %reduce_max3A = arith.constant dense<0xFF800000> : vector<272x64xf32>
    %reduce_max3A_8 = vector.multi_reduction <maximumf>, %get3A_7, %reduce_max3A [0] : vector<32x272x64xf32> to vector<272x64xf32>
    %slice3A = vector.extract_strided_slice %reduce_sum3A_3 {offsets = [0, 0], sizes = [256, 64], strides = [1, 1]} : vector<272x64xf32> to vector<256x64xf32>
    %slice3A_9 = vector.extract_strided_slice %reduce_max3A_8 {offsets = [0, 0], sizes = [256, 64], strides = [1, 1]} : vector<272x64xf32> to vector<256x64xf32>
    %concatenate3A = tpu.concatenate %slice3A, %slice3A_9 in 1 : vector<256x64xf32>, vector<256x64xf32> -> vector<256x128xf32>
    %get3A_10 = arith.constant 0 : index
    %get3A_11 = arith.constant 0 : index
    %get3A_12 = vector.load %arg3[%get3A_10, %get3A_11] : memref<128x100xf32, #tpu.memory_space<vmem>>, vector<128x100xf32>
    %dot_general3A = arith.constant dense<0.000000e+00> : vector<256x100xf32>
    %dot_general3A_13 = tpu.matmul %concatenate3A, %get3A_12, %dot_general3A {dimension_numbers = #tpu.dot_dimension_numbers<[1], [0], [0], [1], [0, 0, 1, 1], [], []>, transpose_lhs_hint = false} : vector<256x128xf32>, vector<128x100xf32>, vector<256x100xf32> -> vector<256x100xf32>
    %get3A_14 = arith.constant 0 : index
    %get3A_15 = arith.constant 0 : index
    %get3A_16 = vector.load %arg4[%get3A_14, %get3A_15] : memref<1x100xf32, #tpu.memory_space<vmem>>, vector<1x100xf32>
    %add3A = vector.broadcast %get3A_16 : vector<1x100xf32> to vector<256x100xf32>
    %add3A_17 = arith.addf %dot_general3A_13, %add3A : vector<256x100xf32>
    %swap3A = arith.constant 0 : index
    %swap3A_18 = arith.constant 0 : index
    %swap3A_19 = vector.load %arg5[%swap3A, %swap3A_18] : memref<256x100xf32, #tpu.memory_space<vmem>>, vector<256x100xf32>
    tpu.vector_store %arg5[%swap3A, %swap3A_18], %add3A_17 {strides = array<i32>} : memref<256x100xf32, #tpu.memory_space<vmem>>, vector<256x100xf32>,
    return
  }
  func.func @transform_0(%arg0: i32) -> (i32, i32, i32) {
    %c0_i32 = arith.constant 0 : i32
    %c0_i32_0 = arith.constant 0 : i32
    %c0_i32_1 = arith.constant 0 : i32
    %c0_i32_2 = arith.constant 0 : i32
    return %c0_i32, %c0_i32_0, %c0_i32_1 : i32, i32, i32
  }
  func.func @transform_1(%arg0: i32) -> (i32, i32, i32) {
    %c0_i32 = arith.constant 0 : i32
    %c0_i32_0 = arith.constant 0 : i32
    %c0_i32_1 = arith.constant 0 : i32
    %c0_i32_2 = arith.constant 0 : i32
    return %c0_i32, %c0_i32_0, %c0_i32_1 : i32, i32, i32
  }
  func.func @transform_2(%arg0: i32) -> (i32, i32) {
    %c0_i32 = arith.constant 0 : i32
    %c0_i32_0 = arith.constant 0 : i32
    %c0_i32_1 = arith.constant 0 : i32
    return %c0_i32, %c0_i32_0 : i32, i32
  }
  func.func @transform_3(%arg0: i32) -> (i32, i32) {
    %c0_i32 = arith.constant 0 : i32
    %c0_i32_0 = arith.constant 0 : i32
    %c0_i32_1 = arith.constant 0 : i32
    return %c0_i32, %c0_i32_0 : i32, i32
  }
  func.func @transform_4(%arg0: i32) -> (i32, i32) {
    %c0_i32 = arith.constant 0 : i32
    %c0_i32_0 = arith.constant 0 : i32
    %c0_i32_1 = arith.constant 0 : i32
    return %c0_i32, %c0_i32_0 : i32, i32
  }
}

</mosaic_0001>

<sc_bundles>
// kernel: kernel.17.cloned.1.call-start
scs
__scs_entry_jumppad:
0x0: {  	(pc) =	sbr.rel $0x88, $3  }
0x1: {  	(tag) =	ssettag $0x0;
	lr =	simm.s32 $0x1  }
0x2: {  	[smem:$0x3F8E] =	sst lr;
	_ =	strace $0xD0000000  }
0x3: {  	_ = 	snop  }
0x4: {  	_ = 	snop  }
0x5: {  	_ = 	snop  }
0x6: {  	_ = 	snop  }
0x7: {  	_ = 	snop  }
__scs_overlays_trampoline_lowered:
0x8: {  	[smem:$0x3F9D] =	sst s0  }
0x9: {  	[smem:$0x3F9E] =	sst s1  }
0xa: {  	[smem:$0x3F9F] =	sst s2  }
0xb: {  	[smem:$0x3FA0] =	sst s3  }
0xc: {  	[smem:$0x3FA1] =	sst s4  }
0xd: {  	[smem:$0x3FA2] =	sst s5  }
0xe: {  	[smem:$0x3FA3] =	sst s6  }
0xf: {  	[smem:$0x3FA4] =	sst s7  }
0x10: {  	[smem:$0x3FA5] =	sst s8  }
0x11: {  	[smem:$0x3FA6] =	sst s9;
	s0 =	simm.s32 @!p0 $0x0  }
0x12: {  	s1 =	sld [smem:$0x3F8C];
	s0 =	simm.s32 @p0 $0x1  }
0x13: {  	[smem:$0x3FA7] =	sst s0;
	s0 =	simm.s32 @!p1 $0x0  }
0x14: {  	s2 =	sld [smem:$0x3F8B];
	s0 =	simm.s32 @p1 $0x1  }
0x15: {  	[smem:$0x3FA8] =	sst s0;
	s0 =	simm.s32 @!p2 $0x0  }
0x16: {  	s3 =	sld [smem:$0x3FDB];
	s0 =	simm.s32 @p2 $0x1  }
0x17: {  	s4 =	simm.s32 $0x1BF5;
	[smem:$0x3FAA] =	sst s0  }
0x18: {  	s0 =	sld [smem:$0x3F8D];
	_ =	swait.ge [sflag:s4], $0x0  }
0x19: {  	s7 =	sld [smem:$0x3F8E]  }
0x1a: {  	s8 =	sadd.s32 $0xFFFFE003, lr  }
0x1b: {  	s9 =	sadd.s32 $0xFFFFFEF7, lr;
	s5 =	simm.s32 $0xFFFFFFFF;
	p2 =	slt.u32 s8, $0xFFFFF086  }
0x1c: {  	p1 =	slt.u32 s9, $0xF7A;
	s5 =	simm.s32 @!p2 $0x0  }
0x1d: {  	s5 =	simm.s32 @p1 $0x1;
	p0 =	seq.s32 s7, s2  }
0x1e: {  	s7 =	smul.u32 @!p0 $0xF7A, s2;
	p2 =	seq.s32 @!p0 s5, $0x0  }
0x1f: {  	s9 =	smul.u32 $0xF7A, s1;
	s8 =	simm.s32 @!p0 $0x1BF5;
	p2 =	por !p2, p0  }
0x20: {  	[sflag:s8] =	ssyncset.s32 @!p0 $0xFFFFF086;
	s6 =	sadd.s32 @!p0 s3, s7;
	s7 =	simm.s32 @!p0 $0x108  }
0x21: {  	s3 =	sadd.s32 s3, s9;
	s6 =	sadd.s32 @!p0 $0x88, s6;
	s7 =	simm.s32 @p2 $0x1082  }
0x22: {  	[simem:s7], [sflag:s8] =	dma.local @!p0 [hbm:s6], $0xF7A  }
0x23: {  	s9 =	sor.u32 $0xD0000000, s2;
	s6 =	simm.s32 $0x108;
	_ =	swait.ge @!p0 [sflag:s8], $0x0  }
0x24: {  	s3 =	sadd.s32 $0x88, s3;
	s6 =	simm.s32 @!p1 $0x1082;
	[sflag:s4] =	ssyncset.s32 $0xFFFFF086  }
0x25: {  	[simem:s6], [sflag:s4] =	dma.local [hbm:s3], $0xF7A  }
0x26: {  	[smem:$0x3F8E] =	sst s1;
	(tag) =	ssettag s2;
	_ =	strace s9  }
0x27: {  	s1 =	sld [smem:$0x3F9E]  }
0x28: {  	s2 =	sld [smem:$0x3F9F]  }
0x29: {  	s4 =	sld [smem:$0x3FA1]  }
0x2a: {  	p0 =	seq.s32 s5, $0x0;
	s5 =	sld [smem:$0x3FA2]  }
0x2b: {  	s6 =	sld [smem:$0x3FA3]  }
0x2c: {  	s7 =	sld [smem:$0x3FA4]  }
0x2d: {  	s3 =	simm.s32 $0x108;
	s8 =	sld [smem:$0x3FA5]  }
0x2e: {  	s3 =	simm.s32 @!p0 $0x1082;
	s9 =	sld [smem:$0x3FA6]  }
0x2f: {  	lr =	sadd.s32 s0, s3;
	s0 =	sld [smem:$0x3F9D]  }
0x30: {  	s3 =	sld [smem:$0x3FA0]  }
0x31: {  	[smem:$0x3FA9] =	sst s10  }
0x32: {  	s10 =	sld [smem:$0x3FA7];
	_ =	sdelay $0x3  }
0x33: {  	p0 =	seq.s32 s10, $0x1;
	s10 =	sld [smem:$0x3FA9];
	_ =	sdelay $0x3  }
0x34: {  	[smem:$0x3FA9] =	sst s10  }
0x35: {  	s10 =	sld [smem:$0x3FA8];
	_ =	sdelay $0x3  }
0x36: {  	p1 =	seq.s32 s10, $0x1;
	s10 =	sld [smem:$0x3FA9];
	_ =	sdelay $0x3  }
0x37: {  	[smem:$0x3FA9] =	sst s10  }
0x38: {  	s10 =	sld [smem:$0x3FAA]  }
0x39: {  	_ = 	snop;
	(pc) =	sbr.ind lr, $3  }
0x3a: {  	_ = 	snop  }
0x3b: {  	_ = 	snop  }
0x3c: {  	p2 =	seq.s32 s10, $0x1;
	s10 =	sld [smem:$0x3FA9]  }
0x3d: {  	_ =	shalt  }
0x3e: {  	_ =	shalt  }
0x3f: {  	_ =	shalt  }
0x40: {  	_ =	shalt  }
0x41: {  	_ =	shalt  }
0x42: {  	_ =	shalt  }
0x43: {  	_ =	shalt  }
0x44: {  	_ =	shalt  }
0x45: {  	_ =	shalt  }
0x46: {  	_ =	shalt  }
0x47: {  	_ =	shalt  }
0x48: {  	_ =	shalt  }
0x49: {  	_ =	shalt  }
0x4a: {  	_ =	shalt  }
0x4b: {  	_ =	shalt  }
0x4c: {  	_ =	shalt  }
0x4d: {  	_ =	shalt  }
0x4e: {  	_ =	shalt  }
0x4f: {  	_ =	shalt  }
0x50: {  	_ =	shalt  }
0x51: {  	_ =	shalt  }
0x52: {  	_ =	shalt  }
0x53: {  	_ =	shalt  }
0x54: {  	_ =	shalt  }
0x55: {  	_ =	shalt  }
0x56: {  	_ =	shalt  }
0x57: {  	_ =	shalt  }
0x58: {  	_ =	shalt  }
0x59: {  	_ =	shalt  }
0x5a: {  	_ =	shalt  }
0x5b: {  	_ =	shalt  }
0x5c: {  	_ =	shalt  }
0x5d: {  	_ =	shalt  }
0x5e: {  	_ =	shalt  }
0x5f: {  	_ =	shalt  }
0x60: {  	_ =	shalt  }
0x61: {  	_ =	shalt  }
0x62: {  	_ =	shalt  }
0x63: {  	_ =	shalt  }
0x64: {  	_ =	shalt  }
0x65: {  	_ =	shalt  }
0x66: {  	_ =	shalt  }
0x67: {  	_ =	shalt  }
0x68: {  	_ =	shalt  }
0x69: {  	_ =	shalt  }
0x6a: {  	_ =	shalt  }
0x6b: {  	_ =	shalt  }
0x6c: {  	_ =	shalt  }
0x6d: {  	_ =	shalt  }
0x6e: {  	_ =	shalt  }
0x6f: {  	_ =	shalt  }
0x70: {  	_ =	shalt  }
0x71: {  	_ =	shalt  }
0x72: {  	_ =	shalt  }
0x73: {  	_ =	shalt  }
0x74: {  	_ =	shalt  }
0x75: {  	_ =	shalt  }
0x76: {  	_ =	shalt  }
0x77: {  	_ =	shalt  }
0x78: {  	_ =	shalt  }
0x79: {  	_ =	shalt  }
0x7a: {  	_ =	shalt  }
0x7b: {  	_ =	shalt  }
0x7c: {  	_ =	shalt  }
0x7d: {  	_ =	shalt  }
0x7e: {  	_ =	shalt  }
0x7f: {  	_ =	shalt  }
0x80: {  	_ =	shalt  }
0x81: {  	_ =	shalt  }
0x82: {  	_ =	shalt  }
0x83: {  	_ =	shalt  }
0x84: {  	_ =	shalt  }
0x85: {  	_ =	shalt  }
0x86: {  	_ =	shalt  }
0x87: {  	_ =	shalt  }
.Lfunc_end0:
.L_simem_size_0:
called_computation_lowered:
.L_overlay_start_0:
0x88: {  	s2 =	sld [smem:$0x3FD9]  }
0x89: {  	s3 =	sld [smem:$0x3FFE];
	_ =	sdelay $0x1  }
0x8a: {  	s1 =	srdreg.scid  }
0x8b: {  	s0 =	sand.u32 $0x1, s1  }
0x8c: {  	s16 =	sshll.u32 s0, $0xA;
	s2 =	sadd.s32 s3, s2  }
0x8d: {  	s2 =	sadd.s32 s2, s16  }
0x8e: {  	[smem:$0x3FB5] =	sst s2  }
0x8f: {  	_ = 	snop  }
0x90: {  	(tm) =	ssettm $0x1  }
0x91: {  	s17 =	sld [smem:$0x3FFB];
	_ =	sdelay $0x3  }
0x92: {  	_ =	strace s17  }
0x93: {  	s2 =	sld [smem:$0x3FFC];
	_ =	sdelay $0x3  }
0x94: {  	_ =	strace s2  }
0x95: {  	s2 =	sld [smem:$0x3FFD];
	_ =	sdelay $0x3  }
0x96: {  	_ =	strace s2  }
0x97: {  	_ =	strace $0x8FFFFFFF  }
0x98: {  	s18 =	sld [smem:$0x3FDB];
	_ =	sdelay $0x1  }
0x99: {  	s19 =	simm.s32 $_scs_section_size  }
0x9a: {  	s4 =	simm.s32 $_size__tile_overlayer_lowered;
	s5 =	simm.s32 $_tile_overlayer_lowered  }
0x9b: {  	s22 =	simm.s32 $0x1BFF;
	s21 =	sshll.u32 s5, $0x1;
	s2 =	sadd.s32 s19, s18  }
0x9c: {  	s6 =	simm.s32 $0x0;
	s20 =	sshll.u32 s4, $0x1;
	s4 =	sadd.s32 s21, s2  }
0x9d: {  	[timem:s6], [sflag:s22] =	dma.local [hbm:s4], s20  }
0x9e: {  	_ =	swait.ge [sflag:s22], s20  }
0x9f: {  	s3 =	ssub.s32 $0x0, s20;
	[sflag:s22] =	ssyncset.done $0x0  }
0xa0: {  	[sflag:s22] =	ssyncadd.s32 s3;
	_ =	sdelay $0x1  }
0xa1: {  	s23 =	simm.s32 $0x1B8B  }
0xa2: {  	_ =	swait.ge [sflag:s23], $0x1  }
0xa3: {  	[sflag:s23] =	ssyncset.done $0x0  }
0xa4: {  	s25 =	simm.s32 $0x1B8E;
	s24 =	sld [smem:$0x3FFE];
	[sflag:s23] =	ssyncadd.s32 $0xFFFFFFFF  }
0xa5: {  	s26 =	simm.s32 $execute0_lowered;
	[smem:$0x3FD2] =	sst s25  }
0xa6: {  	s4 =	sshll.u32 s26, $0x1;
	_ =	strace $0x80000046;
	[dreg:$0x1] =	wrdreg $0xFFFFFFFF  }
0xa7: {  	s28 =	simm.s32 $_size_execute0_lowered;
	s2 =	sadd.s32 s2, s4;
	[dreg:$0x0] =	wrdreg $0x0  }
0xa8: {  	s4 =	sshll.u32 s28, $0x1;
	[dreg:$0x2] =	wrdreg s2  }
0xa9: {  	[dreg:$0x3] =	wrdreg s4  }
0xaa: {  	[dreg:$0x4] =	wrdreg $0xC0  }
0xab: {  	_ =	task [dreg:s6], $0x5FFFF  }
0xac: {  	[dreg:$0x1] =	wrdreg $0xFFFFFFFF  }
0xad: {  	[dreg:$0x0] =	wrdreg $0x60  }
0xae: {  	[dreg:$0x2] =	wrdreg s24  }
0xaf: {  	[dreg:$0x3] =	wrdreg $0x9  }
0xb0: {  	_ =	task.clear_ibuf [dreg:s6], $0x4FFFF;
	_ =	strace $0x90000046  }
0xb1: {  	s29 =	simm.s32 $0x9;
	_ =	strace $0x80000048  }
0xb2: {  	_ =	swait.ge [sflag:s29], $0x1  }
0xb3: {  	[sflag:s29] =	ssyncadd.s32 $0xFFFFFFFF  }
0xb4: {  	_ =	strace $0x90000048  }
0xb5: {  	_ =	sfence  }
0xb6: {  	s30 =	sld [smem:$0x0];
	_ =	sdelay $0x2  }
0xb7: {  	s31 =	sshll.u32 s1, $0xD;
	s1 =	sshrl.u32 s1, $0x2  }
0xb8: {  	s3 =	sand.u32 $0x4000, s31;
	s1 =	sadd.s32 s1, s30  }
0xb9: {  	s0 =	sor.u32 s3, s0;
	s1 =	sshll.u32 s1, $0x11  }
0xba: {  	s0 =	sor.u32 s1, s0  }
0xbb: {  	s0 =	sadd.s32 $0x8F2B, s0  }
0xbc: {  	[sflag:s0] =	ssyncadd.remote.s32 $0x1  }
0xbd: {  	_ =	sfence.sel $0xFFFF  }
0xbe: {  	[dreg:$0x0] =	wrdreg $0xFFFFFFFF;
	(pc) =	sbr.abs _section_cstart, $3  }
0xbf: {  	[dreg:$0x1] =	wrdreg $0xFFFFFFFF  }
0xc0: {  	_ =	task.clear_ibuf [dreg:s6], $0x2FFFF;
	_ =	strace $0x9FFFFFFF  }
0xc1: {  	(tm) =	ssettm $0x7FFFFFFF  }
tec
execute0_lowered:
.L_overlay_start_1:
0x0: {  	(tag) =	ssettag $0x1  }
0x1: {  	s1 =	srdreg.scid;
	s0 =	stileid.u32  }
0x2: {  	s16 =	sand.u32 $0x1, s1;
	s29 =	sshll.u32 s0, $0x1  }
0x3: {  	s17 =	rddreg [dreg:$0x0];
	s18 =	sor.u32 s16, s29  }
0x4: {  	s2 =	simm.s32 $0x0;
	s1 =	rddreg [dreg:$0x1];
	s3 =	sshll.u32 s18, $0x7  }
0x5: {  	[smem:$0x7FF] =	sst s2;
	s3 =	sadd.s32 s3, s17  }
0x6: {  	_ =	strace $0x80000047;
	s4 =	sadd.s32 $0x5000, s3;
	s3 =	simm.s32 $0x2  }
0x7: {  	[tilespmem:s2], [sflag:$0x2] =	stream.linear.gather [hbm4b:s4+s2], $0x400, $0x38;
	[tilespmem:$0xA400] =	vst v63  }
0x8: {  	_ =	swait.ge [sflag:s3], $0x400  }
0x9: {  	s6 =	simm.s32 $0x80;
	[sflag:s3] =	ssyncset.done $0x0  }
0xa: {  	s7 =	simm.s32 $0x400;
	s5 =	sadd.s32 $0x7E000, s17;
	[sflag:s3] =	ssyncadd.s32 $0xFFFFFC00  }
0xb: {  	[tilespmem:s7], [sflag:$0x1] =	stream.indirect.gather [hbm4b:s5+s6], $0x40, s2, s6, $0xb8;
	[tilespmem:$0xA400] =	vst v63  }
0xc: {  	s8 =	simm.s32 $0x2400  }
0xd: {  	[tilespmem:s8], [sflag:$0x1] =	stream.indirect.gather [hbm4b:s5+s6], $0x40, s6, s6, $0xb8;
	[tilespmem:$0xA400] =	vst v63  }
0xe: {  	s9 =	simm.s32 $0x100;
	s10 =	simm.s32 $0x4400  }
0xf: {  	[tilespmem:s10], [sflag:$0x1] =	stream.indirect.gather [hbm4b:s5+s6], $0x40, s9, s6, $0xb8;
	[tilespmem:$0xA400] =	vst v63  }
0x10: {  	s11 =	simm.s32 $0x180;
	s12 =	simm.s32 $0x6400  }
0x11: {  	[tilespmem:s12], [sflag:$0x1] =	stream.indirect.gather [hbm4b:s5+s6], $0x40, s11, s6, $0xb8;
	[tilespmem:$0xA400] =	vst v63  }
0x12: {  	s13 =	simm.s32 $0x200;
	s14 =	simm.s32 $0x8400;
	s15 =	simm.s32 $0x1  }
0x13: {  	[tilespmem:s14], [sflag:$0x1] =	stream.indirect.gather [hbm4b:s5+s6], $0x40, s13, s6, $0xb8;
	[tilespmem:$0xA400] =	vst v63  }
0x14: {  	_ =	swait.ge [sflag:s15], $0x2000  }
0x15: {  	[sflag:s15] =	ssyncset.done $0x0  }
0x16: {  	[sflag:s15] =	ssyncadd.s32 $0xFFFFE000  }
0x17: {  	_ =	swait.ge [sflag:s15], $0x2000  }
0x18: {  	[sflag:s15] =	ssyncset.done $0x0  }
0x19: {  	[sflag:s15] =	ssyncadd.s32 $0xFFFFE000  }
0x1a: {  	_ =	swait.ge [sflag:s15], $0x2000  }
0x1b: {  	[sflag:s15] =	ssyncset.done $0x0  }
0x1c: {  	s16 =	ssub.s32 $0x2, s16;
	[sflag:s15] =	ssyncadd.s32 $0xFFFFE000  }
0x1d: {  	s19 =	sshrl.u32 s16, $0x1;
	_ =	swait.ge [sflag:s15], $0x2000  }
0x1e: {  	s30 =	ssub.s32 s16, s19;
	[sflag:s15] =	ssyncset.done $0x0  }
0x1f: {  	s18 =	smul.u32 $0x1400, s18;
	s31 =	smax.u32 s30, $0x1;
	[sflag:s15] =	ssyncadd.s32 $0xFFFFE000  }
0x20: {  	p0 =	sne.s32 s31, $0x1;
	_ =	swait.ge [sflag:s15], $0x2000  }
.Ltmp0:
0x21: {  	s17 =	sadd.s32 s18, s17;
	[sflag:s15] =	ssyncset.done $0x0;
	(pc) =	sbr.rel @!p0 .LBB2_2-.Ltmp0, $4  }
0x22: {  	s16 =	sadd.s32 $0x92000, s17;
	[sflag:s15] =	ssyncadd.s32 $0xFFFFE000  }
0x23: {  	[hbm4b:s16+s2] =	stream.linear.scatter [tilespmem:s7], [sflag:$0x2], $0xA000, $0x38;
	[tilespmem:$0xA400] =	vst v63  }
0x24: {  	_ =	swait.ge [sflag:s3], $0xA000  }
0x25: {  	s17 =	sadd.s32 $0xFFFFFFFF, s31;
	[sflag:s3] =	ssyncset.done $0x0  }
.LBB2_1:
0x26: {  	p0 =	sne.s32 s17, $0x1;
	s17 =	sadd.s32 $0xFFFFFFFF, s17;
	[sflag:s3] =	ssyncadd.s32 $0xFFFF6000  }
0x27: {  	[tilespmem:s2], [sflag:$0x2] =	stream.linear.gather [hbm4b:s4+s2], $0x400, $0x38;
	[tilespmem:$0xA400] =	vst v63  }
0x28: {  	_ =	swait.ge [sflag:s3], $0x400  }
0x29: {  	[sflag:s3] =	ssyncset.done $0x0  }
0x2a: {  	[sflag:s3] =	ssyncadd.s32 $0xFFFFFC00  }
0x2b: {  	[tilespmem:s7], [sflag:$0x1] =	stream.indirect.gather [hbm4b:s5+s6], $0x40, s2, s6, $0xb8;
	[tilespmem:$0xA400] =	vst v63  }
0x2c: {  	_ = 	snop  }
0x2d: {  	[tilespmem:s8], [sflag:$0x1] =	stream.indirect.gather [hbm4b:s5+s6], $0x40, s6, s6, $0xb8;
	[tilespmem:$0xA400] =	vst v63  }
0x2e: {  	_ = 	snop  }
0x2f: {  	[tilespmem:s10], [sflag:$0x1] =	stream.indirect.gather [hbm4b:s5+s6], $0x40, s9, s6, $0xb8;
	[tilespmem:$0xA400] =	vst v63  }
0x30: {  	_ = 	snop  }
0x31: {  	[tilespmem:s12], [sflag:$0x1] =	stream.indirect.gather [hbm4b:s5+s6], $0x40, s11, s6, $0xb8;
	[tilespmem:$0xA400] =	vst v63  }
0x32: {  	_ = 	snop  }
0x33: {  	[tilespmem:s14], [sflag:$0x1] =	stream.indirect.gather [hbm4b:s5+s6], $0x40, s13, s6, $0xb8;
	[tilespmem:$0xA400] =	vst v63  }
0x34: {  	_ =	swait.ge [sflag:s15], $0x2000  }
0x35: {  	[sflag:s15] =	ssyncset.done $0x0  }
0x36: {  	[sflag:s15] =	ssyncadd.s32 $0xFFFFE000  }
0x37: {  	_ =	swait.ge [sflag:s15], $0x2000  }
0x38: {  	[sflag:s15] =	ssyncset.done $0x0  }
0x39: {  	[sflag:s15] =	ssyncadd.s32 $0xFFFFE000  }
0x3a: {  	_ =	swait.ge [sflag:s15], $0x2000  }
0x3b: {  	[sflag:s15] =	ssyncset.done $0x0  }
0x3c: {  	[sflag:s15] =	ssyncadd.s32 $0xFFFFE000  }
0x3d: {  	_ =	swait.ge [sflag:s15], $0x2000  }
0x3e: {  	[sflag:s15] =	ssyncset.done $0x0  }
0x3f: {  	[sflag:s15] =	ssyncadd.s32 $0xFFFFE000  }
0x40: {  	_ =	swait.ge [sflag:s15], $0x2000  }
.Ltmp1:
0x41: {  	[sflag:s15] =	ssyncset.done $0x0;
	(pc) =	sbr.rel @p0 .LBB2_1-.Ltmp1, $4  }
0x42: {  	[sflag:s15] =	ssyncadd.s32 $0xFFFFE000  }
0x43: {  	[hbm4b:s16+s2] =	stream.linear.scatter [tilespmem:s7], [sflag:$0x2], $0xA000, $0x38;
	[tilespmem:$0xA400] =	vst v63  }
0x44: {  	_ =	swait.ge [sflag:s3], $0xA000  }
0x45: {  	[sflag:s3] =	ssyncset.done $0x0  }
.LBB2_2:
0x46: {  	[sflag:s3] =	ssyncadd.s32 $0xFFFF6000  }
0x47: {  	_ =	sfence.sel $0x180000  }
0x48: {  	[bflag:$0x0] =	sbarrier.arrive $0xFFFF  }
0x49: {  	p0 =	sne.s32 s0, $0x0;
	_ =	strace $0x90000047  }
0x4a: {  	s0 =	sadd.s32 @!p0 $0x100000, s1;
	[bflag:$0x2] =	sbarrier.arrive $0xFFFF  }
0x4b: {  	[sflag:s0] =	ssyncadd.tile.s32 @!p0 $0x1;
	_ =	shalt  }
.Lfunc_end2:
_tile_overlayer_lowered:
.L_overlay_start_2:
0x4c: {  	(tag) =	ssettag $0x2  }
0x4d: {  	s0 =	rddreg [dreg:$0x0];
	s2 =	stileid.u32  }
0x4e: {  	s1 =	rddreg [dreg:$0x1];
	p0 =	sne.s32 s2, $0x0  }
0x4f: {  	s3 =	rddreg [dreg:$0x2];
	[bflag:$0x3] =	sbarrier.arrive $0xFFFF;
	s2 =	simm.s32 @!p0 $0x1C02  }
0x50: {  	[timem:s3], [sflag:s2] =	dma.local @!p0 [hbm:s0], s1  }
0x51: {  	s0 =	simm.s32 @!p0 $0x2  }
0x52: {  	_ =	swait.ge @!p0 [sflag:s0], s1  }
0x53: {  	s1 =	ssub.s32 @!p0 $0x0, s1;
	[sflag:s0] =	ssyncset.done @!p0 $0x0  }
0x54: {  	[sflag:s0] =	ssyncadd.s32 @!p0 s1  }
0x55: {  	[bflag:$0x3] =	sbarrier.arrive $0xFFFF  }
0x56: {  	_ =	shalt  }

// kernel: kernel.20.cloned.1.call-start
scs
__scs_entry_jumppad:
0x0: {  	(pc) =	sbr.rel $0x88, $3  }
0x1: {  	(tag) =	ssettag $0x0;
	lr =	simm.s32 $0x1  }
0x2: {  	[smem:$0x3F8E] =	sst lr;
	_ =	strace $0xD0000000  }
0x3: {  	_ = 	snop  }
0x4: {  	_ = 	snop  }
0x5: {  	_ = 	snop  }
0x6: {  	_ = 	snop  }
0x7: {  	_ = 	snop  }
__scs_overlays_trampoline_lowered:
0x8: {  	[smem:$0x3F9D] =	sst s0  }
0x9: {  	[smem:$0x3F9E] =	sst s1  }
0xa: {  	[smem:$0x3F9F] =	sst s2  }
0xb: {  	[smem:$0x3FA0] =	sst s3  }
0xc: {  	[smem:$0x3FA1] =	sst s4  }
0xd: {  	[smem:$0x3FA2] =	sst s5  }
0xe: {  	[smem:$0x3FA3] =	sst s6  }
0xf: {  	[smem:$0x3FA4] =	sst s7  }
0x10: {  	[smem:$0x3FA5] =	sst s8  }
0x11: {  	[smem:$0x3FA6] =	sst s9;
	s0 =	simm.s32 @!p0 $0x0  }
0x12: {  	s1 =	sld [smem:$0x3F8C];
	s0 =	simm.s32 @p0 $0x1  }
0x13: {  	[smem:$0x3FA7] =	sst s0;
	s0 =	simm.s32 @!p1 $0x0  }
0x14: {  	s2 =	sld [smem:$0x3F8B];
	s0 =	simm.s32 @p1 $0x1  }
0x15: {  	[smem:$0x3FA8] =	sst s0;
	s0 =	simm.s32 @!p2 $0x0  }
0x16: {  	s3 =	sld [smem:$0x3FDB];
	s0 =	simm.s32 @p2 $0x1  }
0x17: {  	s4 =	simm.s32 $0x1BF5;
	[smem:$0x3FAA] =	sst s0  }
0x18: {  	s0 =	sld [smem:$0x3F8D];
	_ =	swait.ge [sflag:s4], $0x0  }
0x19: {  	s7 =	sld [smem:$0x3F8E]  }
0x1a: {  	s8 =	sadd.s32 $0xFFFFE003, lr  }
0x1b: {  	s9 =	sadd.s32 $0xFFFFFEF7, lr;
	s5 =	simm.s32 $0xFFFFFFFF;
	p2 =	slt.u32 s8, $0xFFFFF086  }
0x1c: {  	p1 =	slt.u32 s9, $0xF7A;
	s5 =	simm.s32 @!p2 $0x0  }
0x1d: {  	s5 =	simm.s32 @p1 $0x1;
	p0 =	seq.s32 s7, s2  }
0x1e: {  	s7 =	smul.u32 @!p0 $0xF7A, s2;
	p2 =	seq.s32 @!p0 s5, $0x0  }
0x1f: {  	s9 =	smul.u32 $0xF7A, s1;
	s8 =	simm.s32 @!p0 $0x1BF5;
	p2 =	por !p2, p0  }
0x20: {  	[sflag:s8] =	ssyncset.s32 @!p0 $0xFFFFF086;
	s6 =	sadd.s32 @!p0 s3, s7;
	s7 =	simm.s32 @!p0 $0x108  }
0x21: {  	s3 =	sadd.s32 s3, s9;
	s6 =	sadd.s32 @!p0 $0x88, s6;
	s7 =	simm.s32 @p2 $0x1082  }
0x22: {  	[simem:s7], [sflag:s8] =	dma.local @!p0 [hbm:s6], $0xF7A  }
0x23: {  	s9 =	sor.u32 $0xD0000000, s2;
	s6 =	simm.s32 $0x108;
	_ =	swait.ge @!p0 [sflag:s8], $0x0  }
0x24: {  	s3 =	sadd.s32 $0x88, s3;
	s6 =	simm.s32 @!p1 $0x1082;
	[sflag:s4] =	ssyncset.s32 $0xFFFFF086  }
0x25: {  	[simem:s6], [sflag:s4] =	dma.local [hbm:s3], $0xF7A  }
0x26: {  	[smem:$0x3F8E] =	sst s1;
	(tag) =	ssettag s2;
	_ =	strace s9  }
0x27: {  	s1 =	sld [smem:$0x3F9E]  }
0x28: {  	s2 =	sld [smem:$0x3F9F]  }
0x29: {  	s4 =	sld [smem:$0x3FA1]  }
0x2a: {  	p0 =	seq.s32 s5, $0x0;
	s5 =	sld [smem:$0x3FA2]  }
0x2b: {  	s6 =	sld [smem:$0x3FA3]  }
0x2c: {  	s7 =	sld [smem:$0x3FA4]  }
0x2d: {  	s3 =	simm.s32 $0x108;
	s8 =	sld [smem:$0x3FA5]  }
0x2e: {  	s3 =	simm.s32 @!p0 $0x1082;
	s9 =	sld [smem:$0x3FA6]  }
0x2f: {  	lr =	sadd.s32 s0, s3;
	s0 =	sld [smem:$0x3F9D]  }
0x30: {  	s3 =	sld [smem:$0x3FA0]  }
0x31: {  	[smem:$0x3FA9] =	sst s10  }
0x32: {  	s10 =	sld [smem:$0x3FA7];
	_ =	sdelay $0x3  }
0x33: {  	p0 =	seq.s32 s10, $0x1;
	s10 =	sld [smem:$0x3FA9];
	_ =	sdelay $0x3  }
0x34: {  	[smem:$0x3FA9] =	sst s10  }
0x35: {  	s10 =	sld [smem:$0x3FA8];
	_ =	sdelay $0x3  }
0x36: {  	p1 =	seq.s32 s10, $0x1;
	s10 =	sld [smem:$0x3FA9];
	_ =	sdelay $0x3  }
0x37: {  	[smem:$0x3FA9] =	sst s10  }
0x38: {  	s10 =	sld [smem:$0x3FAA]  }
0x39: {  	_ = 	snop;
	(pc) =	sbr.ind lr, $3  }
0x3a: {  	_ = 	snop  }
0x3b: {  	_ = 	snop  }
0x3c: {  	p2 =	seq.s32 s10, $0x1;
	s10 =	sld [smem:$0x3FA9]  }
0x3d: {  	_ =	shalt  }
0x3e: {  	_ =	shalt  }
0x3f: {  	_ =	shalt  }
0x40: {  	_ =	shalt  }
0x41: {  	_ =	shalt  }
0x42: {  	_ =	shalt  }
0x43: {  	_ =	shalt  }
0x44: {  	_ =	shalt  }
0x45: {  	_ =	shalt  }
0x46: {  	_ =	shalt  }
0x47: {  	_ =	shalt  }
0x48: {  	_ =	shalt  }
0x49: {  	_ =	shalt  }
0x4a: {  	_ =	shalt  }
0x4b: {  	_ =	shalt  }
0x4c: {  	_ =	shalt  }
0x4d: {  	_ =	shalt  }
0x4e: {  	_ =	shalt  }
0x4f: {  	_ =	shalt  }
0x50: {  	_ =	shalt  }
0x51: {  	_ =	shalt  }
0x52: {  	_ =	shalt  }
0x53: {  	_ =	shalt  }
0x54: {  	_ =	shalt  }
0x55: {  	_ =	shalt  }
0x56: {  	_ =	shalt  }
0x57: {  	_ =	shalt  }
0x58: {  	_ =	shalt  }
0x59: {  	_ =	shalt  }
0x5a: {  	_ =	shalt  }
0x5b: {  	_ =	shalt  }
0x5c: {  	_ =	shalt  }
0x5d: {  	_ =	shalt  }
0x5e: {  	_ =	shalt  }
0x5f: {  	_ =	shalt  }
0x60: {  	_ =	shalt  }
0x61: {  	_ =	shalt  }
0x62: {  	_ =	shalt  }
0x63: {  	_ =	shalt  }
0x64: {  	_ =	shalt  }
0x65: {  	_ =	shalt  }
0x66: {  	_ =	shalt  }
0x67: {  	_ =	shalt  }
0x68: {  	_ =	shalt  }
0x69: {  	_ =	shalt  }
0x6a: {  	_ =	shalt  }
0x6b: {  	_ =	shalt  }
0x6c: {  	_ =	shalt  }
0x6d: {  	_ =	shalt  }
0x6e: {  	_ =	shalt  }
0x6f: {  	_ =	shalt  }
0x70: {  	_ =	shalt  }
0x71: {  	_ =	shalt  }
0x72: {  	_ =	shalt  }
0x73: {  	_ =	shalt  }
0x74: {  	_ =	shalt  }
0x75: {  	_ =	shalt  }
0x76: {  	_ =	shalt  }
0x77: {  	_ =	shalt  }
0x78: {  	_ =	shalt  }
0x79: {  	_ =	shalt  }
0x7a: {  	_ =	shalt  }
0x7b: {  	_ =	shalt  }
0x7c: {  	_ =	shalt  }
0x7d: {  	_ =	shalt  }
0x7e: {  	_ =	shalt  }
0x7f: {  	_ =	shalt  }
0x80: {  	_ =	shalt  }
0x81: {  	_ =	shalt  }
0x82: {  	_ =	shalt  }
0x83: {  	_ =	shalt  }
0x84: {  	_ =	shalt  }
0x85: {  	_ =	shalt  }
0x86: {  	_ =	shalt  }
0x87: {  	_ =	shalt  }
.Lfunc_end0:
.L_simem_size_0:
called_computation.1_lowered:
.L_overlay_start_0:
0x88: {  	s2 =	sld [smem:$0x3FD9]  }
0x89: {  	s3 =	sld [smem:$0x3FFE];
	_ =	sdelay $0x1  }
0x8a: {  	s1 =	srdreg.scid  }
0x8b: {  	s0 =	sand.u32 $0x1, s1  }
0x8c: {  	s16 =	sshll.u32 s0, $0xA;
	s2 =	sadd.s32 s3, s2  }
0x8d: {  	s2 =	sadd.s32 s2, s16  }
0x8e: {  	[smem:$0x3FB5] =	sst s2  }
0x8f: {  	_ = 	snop  }
0x90: {  	(tm) =	ssettm $0x1  }
0x91: {  	s17 =	sld [smem:$0x3FFB];
	_ =	sdelay $0x3  }
0x92: {  	_ =	strace s17  }
0x93: {  	s2 =	sld [smem:$0x3FFC];
	_ =	sdelay $0x3  }
0x94: {  	_ =	strace s2  }
0x95: {  	s2 =	sld [smem:$0x3FFD];
	_ =	sdelay $0x3  }
0x96: {  	_ =	strace s2  }
0x97: {  	_ =	strace $0x8FFFFFFF  }
0x98: {  	s18 =	sld [smem:$0x3FDB];
	_ =	sdelay $0x1  }
0x99: {  	s19 =	simm.s32 $_scs_section_size  }
0x9a: {  	s4 =	simm.s32 $_size__tile_overlayer_lowered;
	s5 =	simm.s32 $_tile_overlayer_lowered  }
0x9b: {  	s22 =	simm.s32 $0x1BFF;
	s21 =	sshll.u32 s5, $0x1;
	s2 =	sadd.s32 s19, s18  }
0x9c: {  	s6 =	simm.s32 $0x0;
	s20 =	sshll.u32 s4, $0x1;
	s4 =	sadd.s32 s21, s2  }
0x9d: {  	[timem:s6], [sflag:s22] =	dma.local [hbm:s4], s20  }
0x9e: {  	_ =	swait.ge [sflag:s22], s20  }
0x9f: {  	s3 =	ssub.s32 $0x0, s20;
	[sflag:s22] =	ssyncset.done $0x0  }
0xa0: {  	[sflag:s22] =	ssyncadd.s32 s3;
	_ =	sdelay $0x1  }
0xa1: {  	s23 =	simm.s32 $0x1B8B  }
0xa2: {  	_ =	swait.ge [sflag:s23], $0x1  }
0xa3: {  	[sflag:s23] =	ssyncset.done $0x0  }
0xa4: {  	s25 =	simm.s32 $0x1B8E;
	s24 =	sld [smem:$0x3FFE];
	[sflag:s23] =	ssyncadd.s32 $0xFFFFFFFF  }
0xa5: {  	s26 =	simm.s32 $execute0_lowered;
	[smem:$0x3FD2] =	sst s25  }
0xa6: {  	s4 =	sshll.u32 s26, $0x1;
	_ =	strace $0x80000049;
	[dreg:$0x1] =	wrdreg $0xFFFFFFFF  }
0xa7: {  	s28 =	simm.s32 $_size_execute0_lowered;
	s2 =	sadd.s32 s2, s4;
	[dreg:$0x0] =	wrdreg $0x0  }
0xa8: {  	s4 =	sshll.u32 s28, $0x1;
	[dreg:$0x2] =	wrdreg s2  }
0xa9: {  	[dreg:$0x3] =	wrdreg s4  }
0xaa: {  	[dreg:$0x4] =	wrdreg $0xC0  }
0xab: {  	_ =	task [dreg:s6], $0x5FFFF  }
0xac: {  	[dreg:$0x1] =	wrdreg $0xFFFFFFFF  }
0xad: {  	[dreg:$0x0] =	wrdreg $0x60  }
0xae: {  	[dreg:$0x2] =	wrdreg s24  }
0xaf: {  	[dreg:$0x3] =	wrdreg $0xA4000  }
0xb0: {  	[dreg:$0x4] =	wrdreg $0x9  }
0xb1: {  	_ =	task.clear_ibuf [dreg:s6], $0x5FFFF;
	_ =	strace $0x90000049  }
0xb2: {  	s29 =	simm.s32 $0x9;
	_ =	strace $0x8000004B  }
0xb3: {  	_ =	swait.ge [sflag:s29], $0x1  }
0xb4: {  	[sflag:s29] =	ssyncadd.s32 $0xFFFFFFFF  }
0xb5: {  	_ =	strace $0x9000004B  }
0xb6: {  	_ =	sfence  }
0xb7: {  	s30 =	sld [smem:$0x0];
	_ =	sdelay $0x2  }
0xb8: {  	s31 =	sshll.u32 s1, $0xD;
	s1 =	sshrl.u32 s1, $0x2  }
0xb9: {  	s3 =	sand.u32 $0x4000, s31;
	s1 =	sadd.s32 s1, s30  }
0xba: {  	s0 =	sor.u32 s3, s0;
	s1 =	sshll.u32 s1, $0x11  }
0xbb: {  	s0 =	sor.u32 s1, s0  }
0xbc: {  	s0 =	sadd.s32 $0x8F2B, s0  }
0xbd: {  	[sflag:s0] =	ssyncadd.remote.s32 $0x1  }
0xbe: {  	_ =	sfence.sel $0xFFFF  }
0xbf: {  	[dreg:$0x0] =	wrdreg $0xFFFFFFFF;
	(pc) =	sbr.abs _section_cstart, $3  }
0xc0: {  	[dreg:$0x1] =	wrdreg $0xFFFFFFFF  }
0xc1: {  	_ =	task.clear_ibuf [dreg:s6], $0x2FFFF;
	_ =	strace $0x9FFFFFFF  }
0xc2: {  	(tm) =	ssettm $0x7FFFFFFF  }
0xc3: {  	_ =	shalt  }
tec
execute0_lowered:
.L_overlay_start_1:
0x0: {  	(tag) =	ssettag $0x1  }
0x1: {  	s20 =	rddreg [dreg:$0x0]  }
0x2: {  	s2 =	rddreg [dreg:$0x1]  }
0x3: {  	s0 =	rddreg [dreg:$0x2]  }
0x4: {  	s1 =	stileid.u32;
	s4 =	srdreg.scid;
	s3 =	simm.s32 $0x0  }
0x5: {  	s5 =	smul.u32 $0xA000, s1;
	s21 =	sand.u32 $0x1, s4;
	s28 =	sshll.u32 s1, $0x1  }
0x6: {  	[smem:$0x7FF] =	sst s3;
	s30 =	sshll.u32 s1, $0x6;
	s10 =	sor.u32 s21, s28  }
0x7: {  	_ =	strace $0x8000004A;
	s29 =	sshrl.u32 s5, $0x3;
	s8 =	smul.u32 $0x1400, s10  }
0x8: {  	s6 =	sadd.s32 s5, s2;
	s5 =	sor.u32 $0x1C02, s30;
	s4 =	sadd.s32 s29, s20  }
0x9: {  	s7 =	sshrl.u32 s6, $0x3;
	s6 =	simm.s32 $0x2;
	s4 =	sadd.s32 $0xA6000, s4  }
0xa: {  	[spmem:s7], [sflag:s5] =	dma.local [hbm:s4], $0x1400  }
0xb: {  	_ =	swait.ge [sflag:s6], $0x1400  }
0xc: {  	s8 =	sadd.s32 s8, s20;
	[sflag:s6] =	ssyncset.done $0x0  }
0xd: {  	s9 =	simm.s32 $0x400;
	s8 =	sadd.s32 $0x7E000, s8;
	[sflag:s6] =	ssyncadd.s32 $0xFFFFEC00  }
0xe: {  	[tilespmem:s9], [sflag:$0x2] =	stream.linear.gather [hbm4b:s8+s3], $0xA000, $0x38;
	[tilespmem:$0x14400] =	vst v63  }
0xf: {  	s10 =	sshll.u32 s10, $0x7;
	_ =	swait.ge [sflag:s6], $0xA000  }
0x10: {  	s10 =	sadd.s32 s10, s20;
	[sflag:s6] =	ssyncset.done $0x0  }
0x11: {  	s10 =	sadd.s32 $0xBA000, s10;
	[sflag:s6] =	ssyncadd.s32 $0xFFFF6000  }
0x12: {  	[tilespmem:s3], [sflag:$0x2] =	stream.linear.gather [hbm4b:s10+s3], $0x400, $0x38;
	[tilespmem:$0x14400] =	vst v63  }
0x13: {  	_ =	swait.ge [sflag:s6], $0x400  }
0x14: {  	[sflag:s6] =	ssyncset.done $0x0  }
0x15: {  	[sflag:s6] =	ssyncadd.s32 $0xFFFFFC00  }
0x16: {  	s11 =	simm.s32 $0x80;
	[bflag:$0x0] =	sbarrier.arrive $0xFFFF  }
0x17: {  	[spmem:s2] =	stream.indirect.scatter.add.f32 [tilespmem:s9], [sflag:$0x1], $0x40, s3, s11, $0xb8;
	[tilespmem:$0x14400] =	vst v63  }
0x18: {  	s12 =	simm.s32 $0x2400  }
0x19: {  	[spmem:s2] =	stream.indirect.scatter.add.f32 [tilespmem:s12], [sflag:$0x1], $0x40, s11, s11, $0xb8;
	[tilespmem:$0x14400] =	vst v63  }
0x1a: {  	s13 =	simm.s32 $0x100;
	s14 =	simm.s32 $0x4400  }
0x1b: {  	[spmem:s2] =	stream.indirect.scatter.add.f32 [tilespmem:s14], [sflag:$0x1], $0x40, s13, s11, $0xb8;
	[tilespmem:$0x14400] =	vst v63  }
0x1c: {  	s15 =	simm.s32 $0x180;
	s16 =	simm.s32 $0x6400  }
0x1d: {  	[spmem:s2] =	stream.indirect.scatter.add.f32 [tilespmem:s16], [sflag:$0x1], $0x40, s15, s11, $0xb8;
	[tilespmem:$0x14400] =	vst v63  }
0x1e: {  	s17 =	simm.s32 $0x200;
	s18 =	simm.s32 $0x8400;
	s19 =	simm.s32 $0x1  }
0x1f: {  	[spmem:s2] =	stream.indirect.scatter.add.f32 [tilespmem:s18], [sflag:$0x1], $0x40, s17, s11, $0xb8;
	[tilespmem:$0x14400] =	vst v63  }
0x20: {  	_ =	swait.ge [sflag:s19], $0x2000  }
0x21: {  	[sflag:s19] =	ssyncset.done $0x0  }
0x22: {  	[sflag:s19] =	ssyncadd.s32 $0xFFFFE000  }
0x23: {  	_ =	swait.ge [sflag:s19], $0x2000  }
0x24: {  	[sflag:s19] =	ssyncset.done $0x0  }
0x25: {  	[sflag:s19] =	ssyncadd.s32 $0xFFFFE000  }
0x26: {  	_ =	swait.ge [sflag:s19], $0x2000  }
0x27: {  	[sflag:s19] =	ssyncset.done $0x0  }
0x28: {  	[sflag:s19] =	ssyncadd.s32 $0xFFFFE000  }
0x29: {  	s23 =	smul.u32 $0x14000, s21;
	s21 =	ssub.s32 $0x2, s21;
	_ =	swait.ge [sflag:s19], $0x2000  }
0x2a: {  	s31 =	sshrl.u32 s21, $0x1;
	[sflag:s19] =	ssyncset.done $0x0  }
0x2b: {  	s22 =	smul.u32 $0x1400, s1;
	s21 =	ssub.s32 s21, s31;
	[sflag:s19] =	ssyncadd.s32 $0xFFFFE000  }
0x2c: {  	s21 =	smax.u32 s21, $0x1;
	_ =	swait.ge [sflag:s19], $0x2000  }
0x2d: {  	s22 =	sadd.s32 s22, s23;
	p0 =	sne.s32 s21, $0x1;
	[sflag:s19] =	ssyncset.done $0x0  }
.Ltmp0:
0x2e: {  	s20 =	sadd.s32 s22, s20;
	[sflag:s19] =	ssyncadd.s32 $0xFFFFE000;
	(pc) =	sbr.rel @!p0 .LBB2_2-.Ltmp0, $4  }
0x2f: {  	s20 =	sadd.s32 $0xBB000, s20;
	[bflag:$0x0] =	sbarrier.arrive $0xFFFF  }
0x30: {  	[hbm:s20], [sflag:s5] =	dma.local [spmem:s7], $0x1400  }
0x31: {  	_ =	swait.ge [sflag:s6], $0x1400  }
0x32: {  	s21 =	sadd.s32 $0xFFFFFFFF, s21;
	[sflag:s6] =	ssyncset.done $0x0  }
.LBB2_1:
0x33: {  	p0 =	sne.s32 s21, $0x1;
	s21 =	sadd.s32 $0xFFFFFFFF, s21;
	[sflag:s6] =	ssyncadd.s32 $0xFFFFEC00  }
0x34: {  	[spmem:s7], [sflag:s5] =	dma.local [hbm:s4], $0x1400  }
0x35: {  	_ =	swait.ge [sflag:s6], $0x1400  }
0x36: {  	[sflag:s6] =	ssyncset.done $0x0  }
0x37: {  	[sflag:s6] =	ssyncadd.s32 $0xFFFFEC00  }
0x38: {  	[tilespmem:s9], [sflag:$0x2] =	stream.linear.gather [hbm4b:s8+s3], $0xA000, $0x38;
	[tilespmem:$0x14400] =	vst v63  }
0x39: {  	_ =	swait.ge [sflag:s6], $0xA000  }
0x3a: {  	[sflag:s6] =	ssyncset.done $0x0  }
0x3b: {  	[sflag:s6] =	ssyncadd.s32 $0xFFFF6000  }
0x3c: {  	[tilespmem:s3], [sflag:$0x2] =	stream.linear.gather [hbm4b:s10+s3], $0x400, $0x38;
	[tilespmem:$0x14400] =	vst v63  }
0x3d: {  	_ =	swait.ge [sflag:s6], $0x400  }
0x3e: {  	[sflag:s6] =	ssyncset.done $0x0  }
0x3f: {  	[sflag:s6] =	ssyncadd.s32 $0xFFFFFC00  }
0x40: {  	[bflag:$0x0] =	sbarrier.arrive $0xFFFF  }
0x41: {  	[spmem:s2] =	stream.indirect.scatter.add.f32 [tilespmem:s9], [sflag:$0x1], $0x40, s3, s11, $0xb8;
	[tilespmem:$0x14400] =	vst v63  }
0x42: {  	_ = 	snop  }
0x43: {  	[spmem:s2] =	stream.indirect.scatter.add.f32 [tilespmem:s12], [sflag:$0x1], $0x40, s11, s11, $0xb8;
	[tilespmem:$0x14400] =	vst v63  }
0x44: {  	_ = 	snop  }
0x45: {  	[spmem:s2] =	stream.indirect.scatter.add.f32 [tilespmem:s14], [sflag:$0x1], $0x40, s13, s11, $0xb8;
	[tilespmem:$0x14400] =	vst v63  }
0x46: {  	_ = 	snop  }
0x47: {  	[spmem:s2] =	stream.indirect.scatter.add.f32 [tilespmem:s16], [sflag:$0x1], $0x40, s15, s11, $0xb8;
	[tilespmem:$0x14400] =	vst v63  }
0x48: {  	_ = 	snop  }
0x49: {  	[spmem:s2] =	stream.indirect.scatter.add.f32 [tilespmem:s18], [sflag:$0x1], $0x40, s17, s11, $0xb8;
	[tilespmem:$0x14400] =	vst v63  }
0x4a: {  	_ =	swait.ge [sflag:s19], $0x2000  }
0x4b: {  	[sflag:s19] =	ssyncset.done $0x0  }
0x4c: {  	[sflag:s19] =	ssyncadd.s32 $0xFFFFE000  }
0x4d: {  	_ =	swait.ge [sflag:s19], $0x2000  }
0x4e: {  	[sflag:s19] =	ssyncset.done $0x0  }
0x4f: {  	[sflag:s19] =	ssyncadd.s32 $0xFFFFE000  }
0x50: {  	_ =	swait.ge [sflag:s19], $0x2000  }
0x51: {  	[sflag:s19] =	ssyncset.done $0x0  }
0x52: {  	[sflag:s19] =	ssyncadd.s32 $0xFFFFE000  }
0x53: {  	_ =	swait.ge [sflag:s19], $0x2000  }
0x54: {  	[sflag:s19] =	ssyncset.done $0x0  }
0x55: {  	[sflag:s19] =	ssyncadd.s32 $0xFFFFE000  }
0x56: {  	_ =	swait.ge [sflag:s19], $0x2000  }
0x57: {  	[sflag:s19] =	ssyncset.done $0x0  }
.Ltmp1:
0x58: {  	[sflag:s19] =	ssyncadd.s32 $0xFFFFE000;
	(pc) =	sbr.rel @p0 .LBB2_1-.Ltmp1, $4  }
0x59: {  	[bflag:$0x0] =	sbarrier.arrive $0xFFFF  }
0x5a: {  	[hbm:s20], [sflag:s5] =	dma.local [spmem:s7], $0x1400  }
0x5b: {  	_ =	swait.ge [sflag:s6], $0x1400  }
0x5c: {  	[sflag:s6] =	ssyncset.done $0x0  }
.LBB2_2:
0x5d: {  	[sflag:s6] =	ssyncadd.s32 $0xFFFFEC00  }
0x5e: {  	_ =	sfence.sel $0x180000  }
0x5f: {  	[bflag:$0x0] =	sbarrier.arrive $0xFFFF  }
0x60: {  	p0 =	sne.s32 s1, $0x0;
	_ =	strace $0x9000004A  }
0x61: {  	s0 =	sadd.s32 @!p0 $0x100000, s0;
	[bflag:$0x2] =	sbarrier.arrive $0xFFFF  }
0x62: {  	[sflag:s0] =	ssyncadd.tile.s32 @!p0 $0x1;
	_ =	shalt  }
.Lfunc_end2:
_tile_overlayer_lowered:
.L_overlay_start_2:
0x63: {  	(tag) =	ssettag $0x2  }
0x64: {  	s0 =	rddreg [dreg:$0x0];
	s2 =	stileid.u32  }
0x65: {  	s1 =	rddreg [dreg:$0x1];
	p0 =	sne.s32 s2, $0x0  }
0x66: {  	s3 =	rddreg [dreg:$0x2];
	[bflag:$0x3] =	sbarrier.arrive $0xFFFF;
	s2 =	simm.s32 @!p0 $0x1C02  }
0x67: {  	[timem:s3], [sflag:s2] =	dma.local @!p0 [hbm:s0], s1  }
0x68: {  	s0 =	simm.s32 @!p0 $0x2  }
0x69: {  	_ =	swait.ge @!p0 [sflag:s0], s1  }
0x6a: {  	s1 =	ssub.s32 @!p0 $0x0, s1;
	[sflag:s0] =	ssyncset.done @!p0 $0x0  }
0x6b: {  	[sflag:s0] =	ssyncadd.s32 @!p0 s1  }
0x6c: {  	[bflag:$0x3] =	sbarrier.arrive $0xFFFF  }
0x6d: {  	_ =	shalt  }

// kernel: kernel.23.cloned.1.call-start
scs
__scs_entry_jumppad:
0x0: {  	(pc) =	sbr.rel $0x88, $3  }
0x1: {  	(tag) =	ssettag $0x0;
	lr =	simm.s32 $0x1  }
0x2: {  	[smem:$0x3F8E] =	sst lr;
	_ =	strace $0xD0000000  }
0x3: {  	_ = 	snop  }
0x4: {  	_ = 	snop  }
0x5: {  	_ = 	snop  }
0x6: {  	_ = 	snop  }
0x7: {  	_ = 	snop  }
__scs_overlays_trampoline_lowered:
0x8: {  	[smem:$0x3F9D] =	sst s0  }
0x9: {  	[smem:$0x3F9E] =	sst s1  }
0xa: {  	[smem:$0x3F9F] =	sst s2  }
0xb: {  	[smem:$0x3FA0] =	sst s3  }
0xc: {  	[smem:$0x3FA1] =	sst s4  }
0xd: {  	[smem:$0x3FA2] =	sst s5  }
0xe: {  	[smem:$0x3FA3] =	sst s6  }
0xf: {  	[smem:$0x3FA4] =	sst s7  }
0x10: {  	[smem:$0x3FA5] =	sst s8  }
0x11: {  	[smem:$0x3FA6] =	sst s9;
	s0 =	simm.s32 @!p0 $0x0  }
0x12: {  	s1 =	sld [smem:$0x3F8C];
	s0 =	simm.s32 @p0 $0x1  }
0x13: {  	[smem:$0x3FA7] =	sst s0;
	s0 =	simm.s32 @!p1 $0x0  }
0x14: {  	s2 =	sld [smem:$0x3F8B];
	s0 =	simm.s32 @p1 $0x1  }
0x15: {  	[smem:$0x3FA8] =	sst s0;
	s0 =	simm.s32 @!p2 $0x0  }
0x16: {  	s3 =	sld [smem:$0x3FDB];
	s0 =	simm.s32 @p2 $0x1  }
0x17: {  	s4 =	simm.s32 $0x1BF5;
	[smem:$0x3FAA] =	sst s0  }
0x18: {  	s0 =	sld [smem:$0x3F8D];
	_ =	swait.ge [sflag:s4], $0x0  }
0x19: {  	s7 =	sld [smem:$0x3F8E]  }
0x1a: {  	s8 =	sadd.s32 $0xFFFFE003, lr  }
0x1b: {  	s9 =	sadd.s32 $0xFFFFFEF7, lr;
	s5 =	simm.s32 $0xFFFFFFFF;
	p2 =	slt.u32 s8, $0xFFFFF086  }
0x1c: {  	p1 =	slt.u32 s9, $0xF7A;
	s5 =	simm.s32 @!p2 $0x0  }
0x1d: {  	s5 =	simm.s32 @p1 $0x1;
	p0 =	seq.s32 s7, s2  }
0x1e: {  	s7 =	smul.u32 @!p0 $0xF7A, s2;
	p2 =	seq.s32 @!p0 s5, $0x0  }
0x1f: {  	s9 =	smul.u32 $0xF7A, s1;
	s8 =	simm.s32 @!p0 $0x1BF5;
	p2 =	por !p2, p0  }
0x20: {  	[sflag:s8] =	ssyncset.s32 @!p0 $0xFFFFF086;
	s6 =	sadd.s32 @!p0 s3, s7;
	s7 =	simm.s32 @!p0 $0x108  }
0x21: {  	s3 =	sadd.s32 s3, s9;
	s6 =	sadd.s32 @!p0 $0x88, s6;
	s7 =	simm.s32 @p2 $0x1082  }
0x22: {  	[simem:s7], [sflag:s8] =	dma.local @!p0 [hbm:s6], $0xF7A  }
0x23: {  	s9 =	sor.u32 $0xD0000000, s2;
	s6 =	simm.s32 $0x108;
	_ =	swait.ge @!p0 [sflag:s8], $0x0  }
0x24: {  	s3 =	sadd.s32 $0x88, s3;
	s6 =	simm.s32 @!p1 $0x1082;
	[sflag:s4] =	ssyncset.s32 $0xFFFFF086  }
0x25: {  	[simem:s6], [sflag:s4] =	dma.local [hbm:s3], $0xF7A  }
0x26: {  	[smem:$0x3F8E] =	sst s1;
	(tag) =	ssettag s2;
	_ =	strace s9  }
0x27: {  	s1 =	sld [smem:$0x3F9E]  }
0x28: {  	s2 =	sld [smem:$0x3F9F]  }
0x29: {  	s4 =	sld [smem:$0x3FA1]  }
0x2a: {  	p0 =	seq.s32 s5, $0x0;
	s5 =	sld [smem:$0x3FA2]  }
0x2b: {  	s6 =	sld [smem:$0x3FA3]  }
0x2c: {  	s7 =	sld [smem:$0x3FA4]  }
0x2d: {  	s3 =	simm.s32 $0x108;
	s8 =	sld [smem:$0x3FA5]  }
0x2e: {  	s3 =	simm.s32 @!p0 $0x1082;
	s9 =	sld [smem:$0x3FA6]  }
0x2f: {  	lr =	sadd.s32 s0, s3;
	s0 =	sld [smem:$0x3F9D]  }
0x30: {  	s3 =	sld [smem:$0x3FA0]  }
0x31: {  	[smem:$0x3FA9] =	sst s10  }
0x32: {  	s10 =	sld [smem:$0x3FA7];
	_ =	sdelay $0x3  }
0x33: {  	p0 =	seq.s32 s10, $0x1;
	s10 =	sld [smem:$0x3FA9];
	_ =	sdelay $0x3  }
0x34: {  	[smem:$0x3FA9] =	sst s10  }
0x35: {  	s10 =	sld [smem:$0x3FA8];
	_ =	sdelay $0x3  }
0x36: {  	p1 =	seq.s32 s10, $0x1;
	s10 =	sld [smem:$0x3FA9];
	_ =	sdelay $0x3  }
0x37: {  	[smem:$0x3FA9] =	sst s10  }
0x38: {  	s10 =	sld [smem:$0x3FAA]  }
0x39: {  	_ = 	snop;
	(pc) =	sbr.ind lr, $3  }
0x3a: {  	_ = 	snop  }
0x3b: {  	_ = 	snop  }
0x3c: {  	p2 =	seq.s32 s10, $0x1;
	s10 =	sld [smem:$0x3FA9]  }
0x3d: {  	_ =	shalt  }
0x3e: {  	_ =	shalt  }
0x3f: {  	_ =	shalt  }
0x40: {  	_ =	shalt  }
0x41: {  	_ =	shalt  }
0x42: {  	_ =	shalt  }
0x43: {  	_ =	shalt  }
0x44: {  	_ =	shalt  }
0x45: {  	_ =	shalt  }
0x46: {  	_ =	shalt  }
0x47: {  	_ =	shalt  }
0x48: {  	_ =	shalt  }
0x49: {  	_ =	shalt  }
0x4a: {  	_ =	shalt  }
0x4b: {  	_ =	shalt  }
0x4c: {  	_ =	shalt  }
0x4d: {  	_ =	shalt  }
0x4e: {  	_ =	shalt  }
0x4f: {  	_ =	shalt  }
0x50: {  	_ =	shalt  }
0x51: {  	_ =	shalt  }
0x52: {  	_ =	shalt  }
0x53: {  	_ =	shalt  }
0x54: {  	_ =	shalt  }
0x55: {  	_ =	shalt  }
0x56: {  	_ =	shalt  }
0x57: {  	_ =	shalt  }
0x58: {  	_ =	shalt  }
0x59: {  	_ =	shalt  }
0x5a: {  	_ =	shalt  }
0x5b: {  	_ =	shalt  }
0x5c: {  	_ =	shalt  }
0x5d: {  	_ =	shalt  }
0x5e: {  	_ =	shalt  }
0x5f: {  	_ =	shalt  }
0x60: {  	_ =	shalt  }
0x61: {  	_ =	shalt  }
0x62: {  	_ =	shalt  }
0x63: {  	_ =	shalt  }
0x64: {  	_ =	shalt  }
0x65: {  	_ =	shalt  }
0x66: {  	_ =	shalt  }
0x67: {  	_ =	shalt  }
0x68: {  	_ =	shalt  }
0x69: {  	_ =	shalt  }
0x6a: {  	_ =	shalt  }
0x6b: {  	_ =	shalt  }
0x6c: {  	_ =	shalt  }
0x6d: {  	_ =	shalt  }
0x6e: {  	_ =	shalt  }
0x6f: {  	_ =	shalt  }
0x70: {  	_ =	shalt  }
0x71: {  	_ =	shalt  }
0x72: {  	_ =	shalt  }
0x73: {  	_ =	shalt  }
0x74: {  	_ =	shalt  }
0x75: {  	_ =	shalt  }
0x76: {  	_ =	shalt  }
0x77: {  	_ =	shalt  }
0x78: {  	_ =	shalt  }
0x79: {  	_ =	shalt  }
0x7a: {  	_ =	shalt  }
0x7b: {  	_ =	shalt  }
0x7c: {  	_ =	shalt  }
0x7d: {  	_ =	shalt  }
0x7e: {  	_ =	shalt  }
0x7f: {  	_ =	shalt  }
0x80: {  	_ =	shalt  }
0x81: {  	_ =	shalt  }
0x82: {  	_ =	shalt  }
0x83: {  	_ =	shalt  }
0x84: {  	_ =	shalt  }
0x85: {  	_ =	shalt  }
0x86: {  	_ =	shalt  }
0x87: {  	_ =	shalt  }
.Lfunc_end0:
.L_simem_size_0:
called_computation.2_lowered:
.L_overlay_start_0:
0x88: {  	s2 =	sld [smem:$0x3FD9]  }
0x89: {  	s3 =	sld [smem:$0x3FFE];
	_ =	sdelay $0x1  }
0x8a: {  	s1 =	srdreg.scid  }
0x8b: {  	s0 =	sand.u32 $0x1, s1  }
0x8c: {  	s16 =	sshll.u32 s0, $0xA;
	s2 =	sadd.s32 s3, s2  }
0x8d: {  	s2 =	sadd.s32 s2, s16  }
0x8e: {  	[smem:$0x3FB5] =	sst s2  }
0x8f: {  	_ = 	snop  }
0x90: {  	(tm) =	ssettm $0x1  }
0x91: {  	s17 =	sld [smem:$0x3FFB];
	_ =	sdelay $0x3  }
0x92: {  	_ =	strace s17  }
0x93: {  	s2 =	sld [smem:$0x3FFC];
	_ =	sdelay $0x3  }
0x94: {  	_ =	strace s2  }
0x95: {  	s2 =	sld [smem:$0x3FFD];
	_ =	sdelay $0x3  }
0x96: {  	_ =	strace s2  }
0x97: {  	_ =	strace $0x8FFFFFFF  }
0x98: {  	s18 =	sld [smem:$0x3FDB];
	_ =	sdelay $0x1  }
0x99: {  	s19 =	simm.s32 $_scs_section_size  }
0x9a: {  	s4 =	simm.s32 $_size__tile_overlayer_lowered;
	s5 =	simm.s32 $_tile_overlayer_lowered  }
0x9b: {  	s22 =	simm.s32 $0x1BFF;
	s21 =	sshll.u32 s5, $0x1;
	s2 =	sadd.s32 s19, s18  }
0x9c: {  	s6 =	simm.s32 $0x0;
	s20 =	sshll.u32 s4, $0x1;
	s4 =	sadd.s32 s21, s2  }
0x9d: {  	[timem:s6], [sflag:s22] =	dma.local [hbm:s4], s20  }
0x9e: {  	_ =	swait.ge [sflag:s22], s20  }
0x9f: {  	s3 =	ssub.s32 $0x0, s20;
	[sflag:s22] =	ssyncset.done $0x0  }
0xa0: {  	[sflag:s22] =	ssyncadd.s32 s3;
	_ =	sdelay $0x1  }
0xa1: {  	s23 =	simm.s32 $0x1B8B  }
0xa2: {  	_ =	swait.ge [sflag:s23], $0x1  }
0xa3: {  	[sflag:s23] =	ssyncset.done $0x0  }
0xa4: {  	s25 =	simm.s32 $0x1B8E;
	s24 =	sld [smem:$0x3FFE];
	[sflag:s23] =	ssyncadd.s32 $0xFFFFFFFF  }
0xa5: {  	s26 =	simm.s32 $execute0_lowered;
	[smem:$0x3FD2] =	sst s25  }
0xa6: {  	s4 =	sshll.u32 s26, $0x1;
	_ =	strace $0x8000004C;
	[dreg:$0x1] =	wrdreg $0xFFFFFFFF  }
0xa7: {  	s28 =	simm.s32 $_size_execute0_lowered;
	s2 =	sadd.s32 s2, s4;
	[dreg:$0x0] =	wrdreg $0x0  }
0xa8: {  	s4 =	sshll.u32 s28, $0x1;
	[dreg:$0x2] =	wrdreg s2  }
0xa9: {  	[dreg:$0x3] =	wrdreg s4  }
0xaa: {  	[dreg:$0x4] =	wrdreg $0xC0  }
0xab: {  	_ =	task [dreg:s6], $0x5FFFF  }
0xac: {  	[dreg:$0x1] =	wrdreg $0xFFFFFFFF  }
0xad: {  	[dreg:$0x0] =	wrdreg $0x60  }
0xae: {  	[dreg:$0x2] =	wrdreg s24  }
0xaf: {  	[dreg:$0x3] =	wrdreg $0x9  }
0xb0: {  	_ =	task.clear_ibuf [dreg:s6], $0x4FFFF;
	_ =	strace $0x9000004C  }
0xb1: {  	s29 =	simm.s32 $0x9;
	_ =	strace $0x8000004E  }
0xb2: {  	_ =	swait.ge [sflag:s29], $0x1  }
0xb3: {  	[sflag:s29] =	ssyncadd.s32 $0xFFFFFFFF  }
0xb4: {  	_ =	strace $0x9000004E  }
0xb5: {  	_ =	sfence  }
0xb6: {  	s30 =	sld [smem:$0x0];
	_ =	sdelay $0x2  }
0xb7: {  	s31 =	sshll.u32 s1, $0xD;
	s1 =	sshrl.u32 s1, $0x2  }
0xb8: {  	s3 =	sand.u32 $0x4000, s31;
	s1 =	sadd.s32 s1, s30  }
0xb9: {  	s0 =	sor.u32 s3, s0;
	s1 =	sshll.u32 s1, $0x11  }
0xba: {  	s0 =	sor.u32 s1, s0  }
0xbb: {  	s0 =	sadd.s32 $0x8F2B, s0  }
0xbc: {  	[sflag:s0] =	ssyncadd.remote.s32 $0x1  }
0xbd: {  	_ =	sfence.sel $0xFFFF  }
0xbe: {  	[dreg:$0x0] =	wrdreg $0xFFFFFFFF;
	(pc) =	sbr.abs _section_cstart, $3  }
0xbf: {  	[dreg:$0x1] =	wrdreg $0xFFFFFFFF  }
0xc0: {  	_ =	task.clear_ibuf [dreg:s6], $0x2FFFF;
	_ =	strace $0x9FFFFFFF  }
0xc1: {  	(tm) =	ssettm $0x7FFFFFFF  }
tec
execute0_lowered:
.L_overlay_start_1:
0x0: {  	(tag) =	ssettag $0x1  }
0x1: {  	s1 =	srdreg.scid;
	s0 =	stileid.u32  }
0x2: {  	s16 =	sand.u32 $0x1, s1;
	s29 =	sshll.u32 s0, $0x1  }
0x3: {  	s17 =	rddreg [dreg:$0x0];
	s18 =	sor.u32 s16, s29  }
0x4: {  	s2 =	simm.s32 $0x0;
	s1 =	rddreg [dreg:$0x1];
	s3 =	sshll.u32 s18, $0x7  }
0x5: {  	[smem:$0x7FF] =	sst s2;
	s3 =	sadd.s32 s3, s17  }
0x6: {  	_ =	strace $0x8000004D;
	s4 =	sadd.s32 $0x5000, s3;
	s3 =	simm.s32 $0x2  }
0x7: {  	[tilespmem:s2], [sflag:$0x2] =	stream.linear.gather [hbm4b:s4+s2], $0x400, $0x38;
	[tilespmem:$0xA400] =	vst v63  }
0x8: {  	_ =	swait.ge [sflag:s3], $0x400  }
0x9: {  	s6 =	simm.s32 $0x80;
	[sflag:s3] =	ssyncset.done $0x0  }
0xa: {  	s7 =	simm.s32 $0x400;
	s5 =	sadd.s32 $0x7E000, s17;
	[sflag:s3] =	ssyncadd.s32 $0xFFFFFC00  }
0xb: {  	[tilespmem:s7], [sflag:$0x1] =	stream.indirect.gather [hbm4b:s5+s6], $0x40, s2, s6, $0xb8;
	[tilespmem:$0xA400] =	vst v63  }
0xc: {  	s8 =	simm.s32 $0x2400  }
0xd: {  	[tilespmem:s8], [sflag:$0x1] =	stream.indirect.gather [hbm4b:s5+s6], $0x40, s6, s6, $0xb8;
	[tilespmem:$0xA400] =	vst v63  }
0xe: {  	s9 =	simm.s32 $0x100;
	s10 =	simm.s32 $0x4400  }
0xf: {  	[tilespmem:s10], [sflag:$0x1] =	stream.indirect.gather [hbm4b:s5+s6], $0x40, s9, s6, $0xb8;
	[tilespmem:$0xA400] =	vst v63  }
0x10: {  	s11 =	simm.s32 $0x180;
	s12 =	simm.s32 $0x6400  }
0x11: {  	[tilespmem:s12], [sflag:$0x1] =	stream.indirect.gather [hbm4b:s5+s6], $0x40, s11, s6, $0xb8;
	[tilespmem:$0xA400] =	vst v63  }
0x12: {  	s13 =	simm.s32 $0x200;
	s14 =	simm.s32 $0x8400;
	s15 =	simm.s32 $0x1  }
0x13: {  	[tilespmem:s14], [sflag:$0x1] =	stream.indirect.gather [hbm4b:s5+s6], $0x40, s13, s6, $0xb8;
	[tilespmem:$0xA400] =	vst v63  }
0x14: {  	_ =	swait.ge [sflag:s15], $0x2000  }
0x15: {  	[sflag:s15] =	ssyncset.done $0x0  }
0x16: {  	[sflag:s15] =	ssyncadd.s32 $0xFFFFE000  }
0x17: {  	_ =	swait.ge [sflag:s15], $0x2000  }
0x18: {  	[sflag:s15] =	ssyncset.done $0x0  }
0x19: {  	[sflag:s15] =	ssyncadd.s32 $0xFFFFE000  }
0x1a: {  	_ =	swait.ge [sflag:s15], $0x2000  }
0x1b: {  	[sflag:s15] =	ssyncset.done $0x0  }
0x1c: {  	s16 =	ssub.s32 $0x2, s16;
	[sflag:s15] =	ssyncadd.s32 $0xFFFFE000  }
0x1d: {  	s19 =	sshrl.u32 s16, $0x1;
	_ =	swait.ge [sflag:s15], $0x2000  }
0x1e: {  	s30 =	ssub.s32 s16, s19;
	[sflag:s15] =	ssyncset.done $0x0  }
0x1f: {  	s18 =	smul.u32 $0x1400, s18;
	s31 =	smax.u32 s30, $0x1;
	[sflag:s15] =	ssyncadd.s32 $0xFFFFE000  }
0x20: {  	p0 =	sne.s32 s31, $0x1;
	_ =	swait.ge [sflag:s15], $0x2000  }
.Ltmp0:
0x21: {  	s17 =	sadd.s32 s18, s17;
	[sflag:s15] =	ssyncset.done $0x0;
	(pc) =	sbr.rel @!p0 .LBB2_2-.Ltmp0, $4  }
0x22: {  	s16 =	sadd.s32 $0xBB000, s17;
	[sflag:s15] =	ssyncadd.s32 $0xFFFFE000  }
0x23: {  	[hbm4b:s16+s2] =	stream.linear.scatter [tilespmem:s7], [sflag:$0x2], $0xA000, $0x38;
	[tilespmem:$0xA400] =	vst v63  }
0x24: {  	_ =	swait.ge [sflag:s3], $0xA000  }
0x25: {  	s17 =	sadd.s32 $0xFFFFFFFF, s31;
	[sflag:s3] =	ssyncset.done $0x0  }
.LBB2_1:
0x26: {  	p0 =	sne.s32 s17, $0x1;
	s17 =	sadd.s32 $0xFFFFFFFF, s17;
	[sflag:s3] =	ssyncadd.s32 $0xFFFF6000  }
0x27: {  	[tilespmem:s2], [sflag:$0x2] =	stream.linear.gather [hbm4b:s4+s2], $0x400, $0x38;
	[tilespmem:$0xA400] =	vst v63  }
0x28: {  	_ =	swait.ge [sflag:s3], $0x400  }
0x29: {  	[sflag:s3] =	ssyncset.done $0x0  }
0x2a: {  	[sflag:s3] =	ssyncadd.s32 $0xFFFFFC00  }
0x2b: {  	[tilespmem:s7], [sflag:$0x1] =	stream.indirect.gather [hbm4b:s5+s6], $0x40, s2, s6, $0xb8;
	[tilespmem:$0xA400] =	vst v63  }
0x2c: {  	_ = 	snop  }
0x2d: {  	[tilespmem:s8], [sflag:$0x1] =	stream.indirect.gather [hbm4b:s5+s6], $0x40, s6, s6, $0xb8;
	[tilespmem:$0xA400] =	vst v63  }
0x2e: {  	_ = 	snop  }
0x2f: {  	[tilespmem:s10], [sflag:$0x1] =	stream.indirect.gather [hbm4b:s5+s6], $0x40, s9, s6, $0xb8;
	[tilespmem:$0xA400] =	vst v63  }
0x30: {  	_ = 	snop  }
0x31: {  	[tilespmem:s12], [sflag:$0x1] =	stream.indirect.gather [hbm4b:s5+s6], $0x40, s11, s6, $0xb8;
	[tilespmem:$0xA400] =	vst v63  }
0x32: {  	_ = 	snop  }
0x33: {  	[tilespmem:s14], [sflag:$0x1] =	stream.indirect.gather [hbm4b:s5+s6], $0x40, s13, s6, $0xb8;
	[tilespmem:$0xA400] =	vst v63  }
0x34: {  	_ =	swait.ge [sflag:s15], $0x2000  }
0x35: {  	[sflag:s15] =	ssyncset.done $0x0  }
0x36: {  	[sflag:s15] =	ssyncadd.s32 $0xFFFFE000  }
0x37: {  	_ =	swait.ge [sflag:s15], $0x2000  }
0x38: {  	[sflag:s15] =	ssyncset.done $0x0  }
0x39: {  	[sflag:s15] =	ssyncadd.s32 $0xFFFFE000  }
0x3a: {  	_ =	swait.ge [sflag:s15], $0x2000  }
0x3b: {  	[sflag:s15] =	ssyncset.done $0x0  }
0x3c: {  	[sflag:s15] =	ssyncadd.s32 $0xFFFFE000  }
0x3d: {  	_ =	swait.ge [sflag:s15], $0x2000  }
0x3e: {  	[sflag:s15] =	ssyncset.done $0x0  }
0x3f: {  	[sflag:s15] =	ssyncadd.s32 $0xFFFFE000  }
0x40: {  	_ =	swait.ge [sflag:s15], $0x2000  }
.Ltmp1:
0x41: {  	[sflag:s15] =	ssyncset.done $0x0;
	(pc) =	sbr.rel @p0 .LBB2_1-.Ltmp1, $4  }
0x42: {  	[sflag:s15] =	ssyncadd.s32 $0xFFFFE000  }
0x43: {  	[hbm4b:s16+s2] =	stream.linear.scatter [tilespmem:s7], [sflag:$0x2], $0xA000, $0x38;
	[tilespmem:$0xA400] =	vst v63  }
0x44: {  	_ =	swait.ge [sflag:s3], $0xA000  }
0x45: {  	[sflag:s3] =	ssyncset.done $0x0  }
.LBB2_2:
0x46: {  	[sflag:s3] =	ssyncadd.s32 $0xFFFF6000  }
0x47: {  	_ =	sfence.sel $0x180000  }
0x48: {  	[bflag:$0x0] =	sbarrier.arrive $0xFFFF  }
0x49: {  	p0 =	sne.s32 s0, $0x0;
	_ =	strace $0x9000004D  }
0x4a: {  	s0 =	sadd.s32 @!p0 $0x100000, s1;
	[bflag:$0x2] =	sbarrier.arrive $0xFFFF  }
0x4b: {  	[sflag:s0] =	ssyncadd.tile.s32 @!p0 $0x1;
	_ =	shalt  }
.Lfunc_end2:
_tile_overlayer_lowered:
.L_overlay_start_2:
0x4c: {  	(tag) =	ssettag $0x2  }
0x4d: {  	s0 =	rddreg [dreg:$0x0];
	s2 =	stileid.u32  }
0x4e: {  	s1 =	rddreg [dreg:$0x1];
	p0 =	sne.s32 s2, $0x0  }
0x4f: {  	s3 =	rddreg [dreg:$0x2];
	[bflag:$0x3] =	sbarrier.arrive $0xFFFF;
	s2 =	simm.s32 @!p0 $0x1C02  }
0x50: {  	[timem:s3], [sflag:s2] =	dma.local @!p0 [hbm:s0], s1  }
0x51: {  	s0 =	simm.s32 @!p0 $0x2  }
0x52: {  	_ =	swait.ge @!p0 [sflag:s0], s1  }
0x53: {  	s1 =	ssub.s32 @!p0 $0x0, s1;
	[sflag:s0] =	ssyncset.done @!p0 $0x0  }
0x54: {  	[sflag:s0] =	ssyncadd.s32 @!p0 s1  }
0x55: {  	[bflag:$0x3] =	sbarrier.arrive $0xFFFF  }
0x56: {  	_ =	shalt  }

// kernel: kernel.26.cloned.1.call-start
scs
__scs_entry_jumppad:
0x0: {  	(pc) =	sbr.rel $0x88, $3  }
0x1: {  	(tag) =	ssettag $0x0;
	lr =	simm.s32 $0x1  }
0x2: {  	[smem:$0x3F8E] =	sst lr;
	_ =	strace $0xD0000000  }
0x3: {  	_ = 	snop  }
0x4: {  	_ = 	snop  }
0x5: {  	_ = 	snop  }
0x6: {  	_ = 	snop  }
0x7: {  	_ = 	snop  }
__scs_overlays_trampoline_lowered:
0x8: {  	[smem:$0x3F9D] =	sst s0  }
0x9: {  	[smem:$0x3F9E] =	sst s1  }
0xa: {  	[smem:$0x3F9F] =	sst s2  }
0xb: {  	[smem:$0x3FA0] =	sst s3  }
0xc: {  	[smem:$0x3FA1] =	sst s4  }
0xd: {  	[smem:$0x3FA2] =	sst s5  }
0xe: {  	[smem:$0x3FA3] =	sst s6  }
0xf: {  	[smem:$0x3FA4] =	sst s7  }
0x10: {  	[smem:$0x3FA5] =	sst s8  }
0x11: {  	[smem:$0x3FA6] =	sst s9;
	s0 =	simm.s32 @!p0 $0x0  }
0x12: {  	s1 =	sld [smem:$0x3F8C];
	s0 =	simm.s32 @p0 $0x1  }
0x13: {  	[smem:$0x3FA7] =	sst s0;
	s0 =	simm.s32 @!p1 $0x0  }
0x14: {  	s2 =	sld [smem:$0x3F8B];
	s0 =	simm.s32 @p1 $0x1  }
0x15: {  	[smem:$0x3FA8] =	sst s0;
	s0 =	simm.s32 @!p2 $0x0  }
0x16: {  	s3 =	sld [smem:$0x3FDB];
	s0 =	simm.s32 @p2 $0x1  }
0x17: {  	s4 =	simm.s32 $0x1BF5;
	[smem:$0x3FAA] =	sst s0  }
0x18: {  	s0 =	sld [smem:$0x3F8D];
	_ =	swait.ge [sflag:s4], $0x0  }
0x19: {  	s7 =	sld [smem:$0x3F8E]  }
0x1a: {  	s8 =	sadd.s32 $0xFFFFE003, lr  }
0x1b: {  	s9 =	sadd.s32 $0xFFFFFEF7, lr;
	s5 =	simm.s32 $0xFFFFFFFF;
	p2 =	slt.u32 s8, $0xFFFFF086  }
0x1c: {  	p1 =	slt.u32 s9, $0xF7A;
	s5 =	simm.s32 @!p2 $0x0  }
0x1d: {  	s5 =	simm.s32 @p1 $0x1;
	p0 =	seq.s32 s7, s2  }
0x1e: {  	s7 =	smul.u32 @!p0 $0xF7A, s2;
	p2 =	seq.s32 @!p0 s5, $0x0  }
0x1f: {  	s9 =	smul.u32 $0xF7A, s1;
	s8 =	simm.s32 @!p0 $0x1BF5;
	p2 =	por !p2, p0  }
0x20: {  	[sflag:s8] =	ssyncset.s32 @!p0 $0xFFFFF086;
	s6 =	sadd.s32 @!p0 s3, s7;
	s7 =	simm.s32 @!p0 $0x108  }
0x21: {  	s3 =	sadd.s32 s3, s9;
	s6 =	sadd.s32 @!p0 $0x88, s6;
	s7 =	simm.s32 @p2 $0x1082  }
0x22: {  	[simem:s7], [sflag:s8] =	dma.local @!p0 [hbm:s6], $0xF7A  }
0x23: {  	s9 =	sor.u32 $0xD0000000, s2;
	s6 =	simm.s32 $0x108;
	_ =	swait.ge @!p0 [sflag:s8], $0x0  }
0x24: {  	s3 =	sadd.s32 $0x88, s3;
	s6 =	simm.s32 @!p1 $0x1082;
	[sflag:s4] =	ssyncset.s32 $0xFFFFF086  }
0x25: {  	[simem:s6], [sflag:s4] =	dma.local [hbm:s3], $0xF7A  }
0x26: {  	[smem:$0x3F8E] =	sst s1;
	(tag) =	ssettag s2;
	_ =	strace s9  }
0x27: {  	s1 =	sld [smem:$0x3F9E]  }
0x28: {  	s2 =	sld [smem:$0x3F9F]  }
0x29: {  	s4 =	sld [smem:$0x3FA1]  }
0x2a: {  	p0 =	seq.s32 s5, $0x0;
	s5 =	sld [smem:$0x3FA2]  }
0x2b: {  	s6 =	sld [smem:$0x3FA3]  }
0x2c: {  	s7 =	sld [smem:$0x3FA4]  }
0x2d: {  	s3 =	simm.s32 $0x108;
	s8 =	sld [smem:$0x3FA5]  }
0x2e: {  	s3 =	simm.s32 @!p0 $0x1082;
	s9 =	sld [smem:$0x3FA6]  }
0x2f: {  	lr =	sadd.s32 s0, s3;
	s0 =	sld [smem:$0x3F9D]  }
0x30: {  	s3 =	sld [smem:$0x3FA0]  }
0x31: {  	[smem:$0x3FA9] =	sst s10  }
0x32: {  	s10 =	sld [smem:$0x3FA7];
	_ =	sdelay $0x3  }
0x33: {  	p0 =	seq.s32 s10, $0x1;
	s10 =	sld [smem:$0x3FA9];
	_ =	sdelay $0x3  }
0x34: {  	[smem:$0x3FA9] =	sst s10  }
0x35: {  	s10 =	sld [smem:$0x3FA8];
	_ =	sdelay $0x3  }
0x36: {  	p1 =	seq.s32 s10, $0x1;
	s10 =	sld [smem:$0x3FA9];
	_ =	sdelay $0x3  }
0x37: {  	[smem:$0x3FA9] =	sst s10  }
0x38: {  	s10 =	sld [smem:$0x3FAA]  }
0x39: {  	_ = 	snop;
	(pc) =	sbr.ind lr, $3  }
0x3a: {  	_ = 	snop  }
0x3b: {  	_ = 	snop  }
0x3c: {  	p2 =	seq.s32 s10, $0x1;
	s10 =	sld [smem:$0x3FA9]  }
0x3d: {  	_ =	shalt  }
0x3e: {  	_ =	shalt  }
0x3f: {  	_ =	shalt  }
0x40: {  	_ =	shalt  }
0x41: {  	_ =	shalt  }
0x42: {  	_ =	shalt  }
0x43: {  	_ =	shalt  }
0x44: {  	_ =	shalt  }
0x45: {  	_ =	shalt  }
0x46: {  	_ =	shalt  }
0x47: {  	_ =	shalt  }
0x48: {  	_ =	shalt  }
0x49: {  	_ =	shalt  }
0x4a: {  	_ =	shalt  }
0x4b: {  	_ =	shalt  }
0x4c: {  	_ =	shalt  }
0x4d: {  	_ =	shalt  }
0x4e: {  	_ =	shalt  }
0x4f: {  	_ =	shalt  }
0x50: {  	_ =	shalt  }
0x51: {  	_ =	shalt  }
0x52: {  	_ =	shalt  }
0x53: {  	_ =	shalt  }
0x54: {  	_ =	shalt  }
0x55: {  	_ =	shalt  }
0x56: {  	_ =	shalt  }
0x57: {  	_ =	shalt  }
0x58: {  	_ =	shalt  }
0x59: {  	_ =	shalt  }
0x5a: {  	_ =	shalt  }
0x5b: {  	_ =	shalt  }
0x5c: {  	_ =	shalt  }
0x5d: {  	_ =	shalt  }
0x5e: {  	_ =	shalt  }
0x5f: {  	_ =	shalt  }
0x60: {  	_ =	shalt  }
0x61: {  	_ =	shalt  }
0x62: {  	_ =	shalt  }
0x63: {  	_ =	shalt  }
0x64: {  	_ =	shalt  }
0x65: {  	_ =	shalt  }
0x66: {  	_ =	shalt  }
0x67: {  	_ =	shalt  }
0x68: {  	_ =	shalt  }
0x69: {  	_ =	shalt  }
0x6a: {  	_ =	shalt  }
0x6b: {  	_ =	shalt  }
0x6c: {  	_ =	shalt  }
0x6d: {  	_ =	shalt  }
0x6e: {  	_ =	shalt  }
0x6f: {  	_ =	shalt  }
0x70: {  	_ =	shalt  }
0x71: {  	_ =	shalt  }
0x72: {  	_ =	shalt  }
0x73: {  	_ =	shalt  }
0x74: {  	_ =	shalt  }
0x75: {  	_ =	shalt  }
0x76: {  	_ =	shalt  }
0x77: {  	_ =	shalt  }
0x78: {  	_ =	shalt  }
0x79: {  	_ =	shalt  }
0x7a: {  	_ =	shalt  }
0x7b: {  	_ =	shalt  }
0x7c: {  	_ =	shalt  }
0x7d: {  	_ =	shalt  }
0x7e: {  	_ =	shalt  }
0x7f: {  	_ =	shalt  }
0x80: {  	_ =	shalt  }
0x81: {  	_ =	shalt  }
0x82: {  	_ =	shalt  }
0x83: {  	_ =	shalt  }
0x84: {  	_ =	shalt  }
0x85: {  	_ =	shalt  }
0x86: {  	_ =	shalt  }
0x87: {  	_ =	shalt  }
.Lfunc_end0:
.L_simem_size_0:
called_computation.3_lowered:
.L_overlay_start_0:
0x88: {  	s2 =	sld [smem:$0x3FD9]  }
0x89: {  	s3 =	sld [smem:$0x3FFE];
	_ =	sdelay $0x1  }
0x8a: {  	s1 =	srdreg.scid  }
0x8b: {  	s0 =	sand.u32 $0x1, s1  }
0x8c: {  	s16 =	sshll.u32 s0, $0xA;
	s2 =	sadd.s32 s3, s2  }
0x8d: {  	s2 =	sadd.s32 s2, s16  }
0x8e: {  	[smem:$0x3FB5] =	sst s2  }
0x8f: {  	_ = 	snop  }
0x90: {  	(tm) =	ssettm $0x1  }
0x91: {  	s17 =	sld [smem:$0x3FFB];
	_ =	sdelay $0x3  }
0x92: {  	_ =	strace s17  }
0x93: {  	s2 =	sld [smem:$0x3FFC];
	_ =	sdelay $0x3  }
0x94: {  	_ =	strace s2  }
0x95: {  	s2 =	sld [smem:$0x3FFD];
	_ =	sdelay $0x3  }
0x96: {  	_ =	strace s2  }
0x97: {  	_ =	strace $0x8FFFFFFF  }
0x98: {  	s18 =	sld [smem:$0x3FDB];
	_ =	sdelay $0x1  }
0x99: {  	s19 =	simm.s32 $_scs_section_size  }
0x9a: {  	s4 =	simm.s32 $_size__tile_overlayer_lowered;
	s5 =	simm.s32 $_tile_overlayer_lowered  }
0x9b: {  	s22 =	simm.s32 $0x1BFF;
	s21 =	sshll.u32 s5, $0x1;
	s2 =	sadd.s32 s19, s18  }
0x9c: {  	s6 =	simm.s32 $0x0;
	s20 =	sshll.u32 s4, $0x1;
	s4 =	sadd.s32 s21, s2  }
0x9d: {  	[timem:s6], [sflag:s22] =	dma.local [hbm:s4], s20  }
0x9e: {  	_ =	swait.ge [sflag:s22], s20  }
0x9f: {  	s3 =	ssub.s32 $0x0, s20;
	[sflag:s22] =	ssyncset.done $0x0  }
0xa0: {  	[sflag:s22] =	ssyncadd.s32 s3;
	_ =	sdelay $0x1  }
0xa1: {  	s23 =	simm.s32 $0x1B8B  }
0xa2: {  	_ =	swait.ge [sflag:s23], $0x1  }
0xa3: {  	[sflag:s23] =	ssyncset.done $0x0  }
0xa4: {  	s25 =	simm.s32 $0x1B8E;
	s24 =	sld [smem:$0x3FFE];
	[sflag:s23] =	ssyncadd.s32 $0xFFFFFFFF  }
0xa5: {  	s26 =	simm.s32 $execute0_lowered;
	[smem:$0x3FD2] =	sst s25  }
0xa6: {  	s4 =	sshll.u32 s26, $0x1;
	_ =	strace $0x8000004F;
	[dreg:$0x1] =	wrdreg $0xFFFFFFFF  }
0xa7: {  	s28 =	simm.s32 $_size_execute0_lowered;
	s2 =	sadd.s32 s2, s4;
	[dreg:$0x0] =	wrdreg $0x0  }
0xa8: {  	s4 =	sshll.u32 s28, $0x1;
	[dreg:$0x2] =	wrdreg s2  }
0xa9: {  	[dreg:$0x3] =	wrdreg s4  }
0xaa: {  	[dreg:$0x4] =	wrdreg $0xC0  }
0xab: {  	_ =	task [dreg:s6], $0x5FFFF  }
0xac: {  	[dreg:$0x1] =	wrdreg $0xFFFFFFFF  }
0xad: {  	[dreg:$0x0] =	wrdreg $0x60  }
0xae: {  	[dreg:$0x2] =	wrdreg s24  }
0xaf: {  	[dreg:$0x3] =	wrdreg $0xA4000  }
0xb0: {  	[dreg:$0x4] =	wrdreg $0x9  }
0xb1: {  	_ =	task.clear_ibuf [dreg:s6], $0x5FFFF;
	_ =	strace $0x9000004F  }
0xb2: {  	s29 =	simm.s32 $0x9;
	_ =	strace $0x80000051  }
0xb3: {  	_ =	swait.ge [sflag:s29], $0x1  }
0xb4: {  	[sflag:s29] =	ssyncadd.s32 $0xFFFFFFFF  }
0xb5: {  	_ =	strace $0x90000051  }
0xb6: {  	_ =	sfence  }
0xb7: {  	s30 =	sld [smem:$0x0];
	_ =	sdelay $0x2  }
0xb8: {  	s31 =	sshll.u32 s1, $0xD;
	s1 =	sshrl.u32 s1, $0x2  }
0xb9: {  	s3 =	sand.u32 $0x4000, s31;
	s1 =	sadd.s32 s1, s30  }
0xba: {  	s0 =	sor.u32 s3, s0;
	s1 =	sshll.u32 s1, $0x11  }
0xbb: {  	s0 =	sor.u32 s1, s0  }
0xbc: {  	s0 =	sadd.s32 $0x8F2B, s0  }
0xbd: {  	[sflag:s0] =	ssyncadd.remote.s32 $0x1  }
0xbe: {  	_ =	sfence.sel $0xFFFF  }
0xbf: {  	[dreg:$0x0] =	wrdreg $0xFFFFFFFF;
	(pc) =	sbr.abs _section_cstart, $3  }
0xc0: {  	[dreg:$0x1] =	wrdreg $0xFFFFFFFF  }
0xc1: {  	_ =	task.clear_ibuf [dreg:s6], $0x2FFFF;
	_ =	strace $0x9FFFFFFF  }
0xc2: {  	(tm) =	ssettm $0x7FFFFFFF  }
0xc3: {  	_ =	shalt  }
tec
execute0_lowered:
.L_overlay_start_1:
0x0: {  	(tag) =	ssettag $0x1  }
0x1: {  	s20 =	rddreg [dreg:$0x0]  }
0x2: {  	s2 =	rddreg [dreg:$0x1]  }
0x3: {  	s0 =	rddreg [dreg:$0x2]  }
0x4: {  	s1 =	stileid.u32;
	s4 =	srdreg.scid;
	s3 =	simm.s32 $0x0  }
0x5: {  	s5 =	smul.u32 $0xA000, s1;
	s21 =	sand.u32 $0x1, s4;
	s28 =	sshll.u32 s1, $0x1  }
0x6: {  	[smem:$0x7FF] =	sst s3;
	s30 =	sshll.u32 s1, $0x6;
	s10 =	sor.u32 s21, s28  }
0x7: {  	_ =	strace $0x80000050;
	s29 =	sshrl.u32 s5, $0x3;
	s8 =	smul.u32 $0x1400, s10  }
0x8: {  	s6 =	sadd.s32 s5, s2;
	s5 =	sor.u32 $0x1C02, s30;
	s4 =	sadd.s32 s29, s20  }
0x9: {  	s7 =	sshrl.u32 s6, $0x3;
	s6 =	simm.s32 $0x2;
	s4 =	sadd.s32 $0xA6000, s4  }
0xa: {  	[spmem:s7], [sflag:s5] =	dma.local [hbm:s4], $0x1400  }
0xb: {  	_ =	swait.ge [sflag:s6], $0x1400  }
0xc: {  	s8 =	sadd.s32 s8, s20;
	[sflag:s6] =	ssyncset.done $0x0  }
0xd: {  	s9 =	simm.s32 $0x400;
	s8 =	sadd.s32 $0x7E000, s8;
	[sflag:s6] =	ssyncadd.s32 $0xFFFFEC00  }
0xe: {  	[tilespmem:s9], [sflag:$0x2] =	stream.linear.gather [hbm4b:s8+s3], $0xA000, $0x38;
	[tilespmem:$0x14400] =	vst v63  }
0xf: {  	s10 =	sshll.u32 s10, $0x7;
	_ =	swait.ge [sflag:s6], $0xA000  }
0x10: {  	s10 =	sadd.s32 s10, s20;
	[sflag:s6] =	ssyncset.done $0x0  }
0x11: {  	s10 =	sadd.s32 $0xBA000, s10;
	[sflag:s6] =	ssyncadd.s32 $0xFFFF6000  }
0x12: {  	[tilespmem:s3], [sflag:$0x2] =	stream.linear.gather [hbm4b:s10+s3], $0x400, $0x38;
	[tilespmem:$0x14400] =	vst v63  }
0x13: {  	_ =	swait.ge [sflag:s6], $0x400  }
0x14: {  	[sflag:s6] =	ssyncset.done $0x0  }
0x15: {  	[sflag:s6] =	ssyncadd.s32 $0xFFFFFC00  }
0x16: {  	s11 =	simm.s32 $0x80;
	[bflag:$0x0] =	sbarrier.arrive $0xFFFF  }
0x17: {  	[spmem:s2] =	stream.indirect.scatter.add.f32 [tilespmem:s9], [sflag:$0x1], $0x40, s3, s11, $0xb8;
	[tilespmem:$0x14400] =	vst v63  }
0x18: {  	s12 =	simm.s32 $0x2400  }
0x19: {  	[spmem:s2] =	stream.indirect.scatter.add.f32 [tilespmem:s12], [sflag:$0x1], $0x40, s11, s11, $0xb8;
	[tilespmem:$0x14400] =	vst v63  }
0x1a: {  	s13 =	simm.s32 $0x100;
	s14 =	simm.s32 $0x4400  }
0x1b: {  	[spmem:s2] =	stream.indirect.scatter.add.f32 [tilespmem:s14], [sflag:$0x1], $0x40, s13, s11, $0xb8;
	[tilespmem:$0x14400] =	vst v63  }
0x1c: {  	s15 =	simm.s32 $0x180;
	s16 =	simm.s32 $0x6400  }
0x1d: {  	[spmem:s2] =	stream.indirect.scatter.add.f32 [tilespmem:s16], [sflag:$0x1], $0x40, s15, s11, $0xb8;
	[tilespmem:$0x14400] =	vst v63  }
0x1e: {  	s17 =	simm.s32 $0x200;
	s18 =	simm.s32 $0x8400;
	s19 =	simm.s32 $0x1  }
0x1f: {  	[spmem:s2] =	stream.indirect.scatter.add.f32 [tilespmem:s18], [sflag:$0x1], $0x40, s17, s11, $0xb8;
	[tilespmem:$0x14400] =	vst v63  }
0x20: {  	_ =	swait.ge [sflag:s19], $0x2000  }
0x21: {  	[sflag:s19] =	ssyncset.done $0x0  }
0x22: {  	[sflag:s19] =	ssyncadd.s32 $0xFFFFE000  }
0x23: {  	_ =	swait.ge [sflag:s19], $0x2000  }
0x24: {  	[sflag:s19] =	ssyncset.done $0x0  }
0x25: {  	[sflag:s19] =	ssyncadd.s32 $0xFFFFE000  }
0x26: {  	_ =	swait.ge [sflag:s19], $0x2000  }
0x27: {  	[sflag:s19] =	ssyncset.done $0x0  }
0x28: {  	[sflag:s19] =	ssyncadd.s32 $0xFFFFE000  }
0x29: {  	s23 =	smul.u32 $0x14000, s21;
	s21 =	ssub.s32 $0x2, s21;
	_ =	swait.ge [sflag:s19], $0x2000  }
0x2a: {  	s31 =	sshrl.u32 s21, $0x1;
	[sflag:s19] =	ssyncset.done $0x0  }
0x2b: {  	s22 =	smul.u32 $0x1400, s1;
	s21 =	ssub.s32 s21, s31;
	[sflag:s19] =	ssyncadd.s32 $0xFFFFE000  }
0x2c: {  	s21 =	smax.u32 s21, $0x1;
	_ =	swait.ge [sflag:s19], $0x2000  }
0x2d: {  	s22 =	sadd.s32 s22, s23;
	p0 =	sne.s32 s21, $0x1;
	[sflag:s19] =	ssyncset.done $0x0  }
.Ltmp0:
0x2e: {  	s20 =	sadd.s32 s22, s20;
	[sflag:s19] =	ssyncadd.s32 $0xFFFFE000;
	(pc) =	sbr.rel @!p0 .LBB2_2-.Ltmp0, $4  }
0x2f: {  	s20 =	sadd.s32 $0xBB000, s20;
	[bflag:$0x0] =	sbarrier.arrive $0xFFFF  }
0x30: {  	[hbm:s20], [sflag:s5] =	dma.local [spmem:s7], $0x1400  }
0x31: {  	_ =	swait.ge [sflag:s6], $0x1400  }
0x32: {  	s21 =	sadd.s32 $0xFFFFFFFF, s21;
	[sflag:s6] =	ssyncset.done $0x0  }
.LBB2_1:
0x33: {  	p0 =	sne.s32 s21, $0x1;
	s21 =	sadd.s32 $0xFFFFFFFF, s21;
	[sflag:s6] =	ssyncadd.s32 $0xFFFFEC00  }
0x34: {  	[spmem:s7], [sflag:s5] =	dma.local [hbm:s4], $0x1400  }
0x35: {  	_ =	swait.ge [sflag:s6], $0x1400  }
0x36: {  	[sflag:s6] =	ssyncset.done $0x0  }
0x37: {  	[sflag:s6] =	ssyncadd.s32 $0xFFFFEC00  }
0x38: {  	[tilespmem:s9], [sflag:$0x2] =	stream.linear.gather [hbm4b:s8+s3], $0xA000, $0x38;
	[tilespmem:$0x14400] =	vst v63  }
0x39: {  	_ =	swait.ge [sflag:s6], $0xA000  }
0x3a: {  	[sflag:s6] =	ssyncset.done $0x0  }
0x3b: {  	[sflag:s6] =	ssyncadd.s32 $0xFFFF6000  }
0x3c: {  	[tilespmem:s3], [sflag:$0x2] =	stream.linear.gather [hbm4b:s10+s3], $0x400, $0x38;
	[tilespmem:$0x14400] =	vst v63  }
0x3d: {  	_ =	swait.ge [sflag:s6], $0x400  }
0x3e: {  	[sflag:s6] =	ssyncset.done $0x0  }
0x3f: {  	[sflag:s6] =	ssyncadd.s32 $0xFFFFFC00  }
0x40: {  	[bflag:$0x0] =	sbarrier.arrive $0xFFFF  }
0x41: {  	[spmem:s2] =	stream.indirect.scatter.add.f32 [tilespmem:s9], [sflag:$0x1], $0x40, s3, s11, $0xb8;
	[tilespmem:$0x14400] =	vst v63  }
0x42: {  	_ = 	snop  }
0x43: {  	[spmem:s2] =	stream.indirect.scatter.add.f32 [tilespmem:s12], [sflag:$0x1], $0x40, s11, s11, $0xb8;
	[tilespmem:$0x14400] =	vst v63  }
0x44: {  	_ = 	snop  }
0x45: {  	[spmem:s2] =	stream.indirect.scatter.add.f32 [tilespmem:s14], [sflag:$0x1], $0x40, s13, s11, $0xb8;
	[tilespmem:$0x14400] =	vst v63  }
0x46: {  	_ = 	snop  }
0x47: {  	[spmem:s2] =	stream.indirect.scatter.add.f32 [tilespmem:s16], [sflag:$0x1], $0x40, s15, s11, $0xb8;
	[tilespmem:$0x14400] =	vst v63  }
0x48: {  	_ = 	snop  }
0x49: {  	[spmem:s2] =	stream.indirect.scatter.add.f32 [tilespmem:s18], [sflag:$0x1], $0x40, s17, s11, $0xb8;
	[tilespmem:$0x14400] =	vst v63  }
0x4a: {  	_ =	swait.ge [sflag:s19], $0x2000  }
0x4b: {  	[sflag:s19] =	ssyncset.done $0x0  }
0x4c: {  	[sflag:s19] =	ssyncadd.s32 $0xFFFFE000  }
0x4d: {  	_ =	swait.ge [sflag:s19], $0x2000  }
0x4e: {  	[sflag:s19] =	ssyncset.done $0x0  }
0x4f: {  	[sflag:s19] =	ssyncadd.s32 $0xFFFFE000  }
0x50: {  	_ =	swait.ge [sflag:s19], $0x2000  }
0x51: {  	[sflag:s19] =	ssyncset.done $0x0  }
0x52: {  	[sflag:s19] =	ssyncadd.s32 $0xFFFFE000  }
0x53: {  	_ =	swait.ge [sflag:s19], $0x2000  }
0x54: {  	[sflag:s19] =	ssyncset.done $0x0  }
0x55: {  	[sflag:s19] =	ssyncadd.s32 $0xFFFFE000  }
0x56: {  	_ =	swait.ge [sflag:s19], $0x2000  }
0x57: {  	[sflag:s19] =	ssyncset.done $0x0  }
.Ltmp1:
0x58: {  	[sflag:s19] =	ssyncadd.s32 $0xFFFFE000;
	(pc) =	sbr.rel @p0 .LBB2_1-.Ltmp1, $4  }
0x59: {  	[bflag:$0x0] =	sbarrier.arrive $0xFFFF  }
0x5a: {  	[hbm:s20], [sflag:s5] =	dma.local [spmem:s7], $0x1400  }
0x5b: {  	_ =	swait.ge [sflag:s6], $0x1400  }
0x5c: {  	[sflag:s6] =	ssyncset.done $0x0  }
.LBB2_2:
0x5d: {  	[sflag:s6] =	ssyncadd.s32 $0xFFFFEC00  }
0x5e: {  	_ =	sfence.sel $0x180000  }
0x5f: {  	[bflag:$0x0] =	sbarrier.arrive $0xFFFF  }
0x60: {  	p0 =	sne.s32 s1, $0x0;
	_ =	strace $0x90000050  }
0x61: {  	s0 =	sadd.s32 @!p0 $0x100000, s0;
	[bflag:$0x2] =	sbarrier.arrive $0xFFFF  }
0x62: {  	[sflag:s0] =	ssyncadd.tile.s32 @!p0 $0x1;
	_ =	shalt  }
.Lfunc_end2:
_tile_overlayer_lowered:
.L_overlay_start_2:
0x63: {  	(tag) =	ssettag $0x2  }
0x64: {  	s0 =	rddreg [dreg:$0x0];
	s2 =	stileid.u32  }
0x65: {  	s1 =	rddreg [dreg:$0x1];
	p0 =	sne.s32 s2, $0x0  }
0x66: {  	s3 =	rddreg [dreg:$0x2];
	[bflag:$0x3] =	sbarrier.arrive $0xFFFF;
	s2 =	simm.s32 @!p0 $0x1C02  }
0x67: {  	[timem:s3], [sflag:s2] =	dma.local @!p0 [hbm:s0], s1  }
0x68: {  	s0 =	simm.s32 @!p0 $0x2  }
0x69: {  	_ =	swait.ge @!p0 [sflag:s0], s1  }
0x6a: {  	s1 =	ssub.s32 @!p0 $0x0, s1;
	[sflag:s0] =	ssyncset.done @!p0 $0x0  }
0x6b: {  	[sflag:s0] =	ssyncadd.s32 @!p0 s1  }
0x6c: {  	[bflag:$0x3] =	sbarrier.arrive $0xFFFF  }
0x6d: {  	_ =	shalt  }

// kernel: kernel.29.cloned.1.call-start
scs
__scs_entry_jumppad:
0x0: {  	(pc) =	sbr.rel $0x88, $3  }
0x1: {  	(tag) =	ssettag $0x0;
	lr =	simm.s32 $0x1  }
0x2: {  	[smem:$0x3F8E] =	sst lr;
	_ =	strace $0xD0000000  }
0x3: {  	_ = 	snop  }
0x4: {  	_ = 	snop  }
0x5: {  	_ = 	snop  }
0x6: {  	_ = 	snop  }
0x7: {  	_ = 	snop  }
__scs_overlays_trampoline_lowered:
0x8: {  	[smem:$0x3F9D] =	sst s0  }
0x9: {  	[smem:$0x3F9E] =	sst s1  }
0xa: {  	[smem:$0x3F9F] =	sst s2  }
0xb: {  	[smem:$0x3FA0] =	sst s3  }
0xc: {  	[smem:$0x3FA1] =	sst s4  }
0xd: {  	[smem:$0x3FA2] =	sst s5  }
0xe: {  	[smem:$0x3FA3] =	sst s6  }
0xf: {  	[smem:$0x3FA4] =	sst s7  }
0x10: {  	[smem:$0x3FA5] =	sst s8  }
0x11: {  	[smem:$0x3FA6] =	sst s9;
	s0 =	simm.s32 @!p0 $0x0  }
0x12: {  	s1 =	sld [smem:$0x3F8C];
	s0 =	simm.s32 @p0 $0x1  }
0x13: {  	[smem:$0x3FA7] =	sst s0;
	s0 =	simm.s32 @!p1 $0x0  }
0x14: {  	s2 =	sld [smem:$0x3F8B];
	s0 =	simm.s32 @p1 $0x1  }
0x15: {  	[smem:$0x3FA8] =	sst s0;
	s0 =	simm.s32 @!p2 $0x0  }
0x16: {  	s3 =	sld [smem:$0x3FDB];
	s0 =	simm.s32 @p2 $0x1  }
0x17: {  	s4 =	simm.s32 $0x1BF5;
	[smem:$0x3FAA] =	sst s0  }
0x18: {  	s0 =	sld [smem:$0x3F8D];
	_ =	swait.ge [sflag:s4], $0x0  }
0x19: {  	s7 =	sld [smem:$0x3F8E]  }
0x1a: {  	s8 =	sadd.s32 $0xFFFFE003, lr  }
0x1b: {  	s9 =	sadd.s32 $0xFFFFFEF7, lr;
	s5 =	simm.s32 $0xFFFFFFFF;
	p2 =	slt.u32 s8, $0xFFFFF086  }
0x1c: {  	p1 =	slt.u32 s9, $0xF7A;
	s5 =	simm.s32 @!p2 $0x0  }
0x1d: {  	s5 =	simm.s32 @p1 $0x1;
	p0 =	seq.s32 s7, s2  }
0x1e: {  	s7 =	smul.u32 @!p0 $0xF7A, s2;
	p2 =	seq.s32 @!p0 s5, $0x0  }
0x1f: {  	s9 =	smul.u32 $0xF7A, s1;
	s8 =	simm.s32 @!p0 $0x1BF5;
	p2 =	por !p2, p0  }
0x20: {  	[sflag:s8] =	ssyncset.s32 @!p0 $0xFFFFF086;
	s6 =	sadd.s32 @!p0 s3, s7;
	s7 =	simm.s32 @!p0 $0x108  }
0x21: {  	s3 =	sadd.s32 s3, s9;
	s6 =	sadd.s32 @!p0 $0x88, s6;
	s7 =	simm.s32 @p2 $0x1082  }
0x22: {  	[simem:s7], [sflag:s8] =	dma.local @!p0 [hbm:s6], $0xF7A  }
0x23: {  	s9 =	sor.u32 $0xD0000000, s2;
	s6 =	simm.s32 $0x108;
	_ =	swait.ge @!p0 [sflag:s8], $0x0  }
0x24: {  	s3 =	sadd.s32 $0x88, s3;
	s6 =	simm.s32 @!p1 $0x1082;
	[sflag:s4] =	ssyncset.s32 $0xFFFFF086  }
0x25: {  	[simem:s6], [sflag:s4] =	dma.local [hbm:s3], $0xF7A  }
0x26: {  	[smem:$0x3F8E] =	sst s1;
	(tag) =	ssettag s2;
	_ =	strace s9  }
0x27: {  	s1 =	sld [smem:$0x3F9E]  }
0x28: {  	s2 =	sld [smem:$0x3F9F]  }
0x29: {  	s4 =	sld [smem:$0x3FA1]  }
0x2a: {  	p0 =	seq.s32 s5, $0x0;
	s5 =	sld [smem:$0x3FA2]  }
0x2b: {  	s6 =	sld [smem:$0x3FA3]  }
0x2c: {  	s7 =	sld [smem:$0x3FA4]  }
0x2d: {  	s3 =	simm.s32 $0x108;
	s8 =	sld [smem:$0x3FA5]  }
0x2e: {  	s3 =	simm.s32 @!p0 $0x1082;
	s9 =	sld [smem:$0x3FA6]  }
0x2f: {  	lr =	sadd.s32 s0, s3;
	s0 =	sld [smem:$0x3F9D]  }
0x30: {  	s3 =	sld [smem:$0x3FA0]  }
0x31: {  	[smem:$0x3FA9] =	sst s10  }
0x32: {  	s10 =	sld [smem:$0x3FA7];
	_ =	sdelay $0x3  }
0x33: {  	p0 =	seq.s32 s10, $0x1;
	s10 =	sld [smem:$0x3FA9];
	_ =	sdelay $0x3  }
0x34: {  	[smem:$0x3FA9] =	sst s10  }
0x35: {  	s10 =	sld [smem:$0x3FA8];
	_ =	sdelay $0x3  }
0x36: {  	p1 =	seq.s32 s10, $0x1;
	s10 =	sld [smem:$0x3FA9];
	_ =	sdelay $0x3  }
0x37: {  	[smem:$0x3FA9] =	sst s10  }
0x38: {  	s10 =	sld [smem:$0x3FAA]  }
0x39: {  	_ = 	snop;
	(pc) =	sbr.ind lr, $3  }
0x3a: {  	_ = 	snop  }
0x3b: {  	_ = 	snop  }
0x3c: {  	p2 =	seq.s32 s10, $0x1;
	s10 =	sld [smem:$0x3FA9]  }
0x3d: {  	_ =	shalt  }
0x3e: {  	_ =	shalt  }
0x3f: {  	_ =	shalt  }
0x40: {  	_ =	shalt  }
0x41: {  	_ =	shalt  }
0x42: {  	_ =	shalt  }
0x43: {  	_ =	shalt  }
0x44: {  	_ =	shalt  }
0x45: {  	_ =	shalt  }
0x46: {  	_ =	shalt  }
0x47: {  	_ =	shalt  }
0x48: {  	_ =	shalt  }
0x49: {  	_ =	shalt  }
0x4a: {  	_ =	shalt  }
0x4b: {  	_ =	shalt  }
0x4c: {  	_ =	shalt  }
0x4d: {  	_ =	shalt  }
0x4e: {  	_ =	shalt  }
0x4f: {  	_ =	shalt  }
0x50: {  	_ =	shalt  }
0x51: {  	_ =	shalt  }
0x52: {  	_ =	shalt  }
0x53: {  	_ =	shalt  }
0x54: {  	_ =	shalt  }
0x55: {  	_ =	shalt  }
0x56: {  	_ =	shalt  }
0x57: {  	_ =	shalt  }
0x58: {  	_ =	shalt  }
0x59: {  	_ =	shalt  }
0x5a: {  	_ =	shalt  }
0x5b: {  	_ =	shalt  }
0x5c: {  	_ =	shalt  }
0x5d: {  	_ =	shalt  }
0x5e: {  	_ =	shalt  }
0x5f: {  	_ =	shalt  }
0x60: {  	_ =	shalt  }
0x61: {  	_ =	shalt  }
0x62: {  	_ =	shalt  }
0x63: {  	_ =	shalt  }
0x64: {  	_ =	shalt  }
0x65: {  	_ =	shalt  }
0x66: {  	_ =	shalt  }
0x67: {  	_ =	shalt  }
0x68: {  	_ =	shalt  }
0x69: {  	_ =	shalt  }
0x6a: {  	_ =	shalt  }
0x6b: {  	_ =	shalt  }
0x6c: {  	_ =	shalt  }
0x6d: {  	_ =	shalt  }
0x6e: {  	_ =	shalt  }
0x6f: {  	_ =	shalt  }
0x70: {  	_ =	shalt  }
0x71: {  	_ =	shalt  }
0x72: {  	_ =	shalt  }
0x73: {  	_ =	shalt  }
0x74: {  	_ =	shalt  }
0x75: {  	_ =	shalt  }
0x76: {  	_ =	shalt  }
0x77: {  	_ =	shalt  }
0x78: {  	_ =	shalt  }
0x79: {  	_ =	shalt  }
0x7a: {  	_ =	shalt  }
0x7b: {  	_ =	shalt  }
0x7c: {  	_ =	shalt  }
0x7d: {  	_ =	shalt  }
0x7e: {  	_ =	shalt  }
0x7f: {  	_ =	shalt  }
0x80: {  	_ =	shalt  }
0x81: {  	_ =	shalt  }
0x82: {  	_ =	shalt  }
0x83: {  	_ =	shalt  }
0x84: {  	_ =	shalt  }
0x85: {  	_ =	shalt  }
0x86: {  	_ =	shalt  }
0x87: {  	_ =	shalt  }
.Lfunc_end0:
.L_simem_size_0:
called_computation.4_lowered:
.L_overlay_start_0:
0x88: {  	s2 =	sld [smem:$0x3FD9]  }
0x89: {  	s3 =	sld [smem:$0x3FFE];
	_ =	sdelay $0x1  }
0x8a: {  	s1 =	srdreg.scid  }
0x8b: {  	s0 =	sand.u32 $0x1, s1  }
0x8c: {  	s16 =	sshll.u32 s0, $0xA;
	s2 =	sadd.s32 s3, s2  }
0x8d: {  	s2 =	sadd.s32 s2, s16  }
0x8e: {  	[smem:$0x3FB5] =	sst s2  }
0x8f: {  	_ = 	snop  }
0x90: {  	(tm) =	ssettm $0x1  }
0x91: {  	s17 =	sld [smem:$0x3FFB];
	_ =	sdelay $0x3  }
0x92: {  	_ =	strace s17  }
0x93: {  	s2 =	sld [smem:$0x3FFC];
	_ =	sdelay $0x3  }
0x94: {  	_ =	strace s2  }
0x95: {  	s2 =	sld [smem:$0x3FFD];
	_ =	sdelay $0x3  }
0x96: {  	_ =	strace s2  }
0x97: {  	_ =	strace $0x8FFFFFFF  }
0x98: {  	s18 =	sld [smem:$0x3FDB];
	_ =	sdelay $0x1  }
0x99: {  	s19 =	simm.s32 $_scs_section_size  }
0x9a: {  	s4 =	simm.s32 $_size__tile_overlayer_lowered;
	s5 =	simm.s32 $_tile_overlayer_lowered  }
0x9b: {  	s22 =	simm.s32 $0x1BFF;
	s21 =	sshll.u32 s5, $0x1;
	s2 =	sadd.s32 s19, s18  }
0x9c: {  	s6 =	simm.s32 $0x0;
	s20 =	sshll.u32 s4, $0x1;
	s4 =	sadd.s32 s21, s2  }
0x9d: {  	[timem:s6], [sflag:s22] =	dma.local [hbm:s4], s20  }
0x9e: {  	_ =	swait.ge [sflag:s22], s20  }
0x9f: {  	s3 =	ssub.s32 $0x0, s20;
	[sflag:s22] =	ssyncset.done $0x0  }
0xa0: {  	[sflag:s22] =	ssyncadd.s32 s3;
	_ =	sdelay $0x1  }
0xa1: {  	s23 =	simm.s32 $0x1B8B  }
0xa2: {  	_ =	swait.ge [sflag:s23], $0x1  }
0xa3: {  	[sflag:s23] =	ssyncset.done $0x0  }
0xa4: {  	s25 =	simm.s32 $0x1B8E;
	s24 =	sld [smem:$0x3FFE];
	[sflag:s23] =	ssyncadd.s32 $0xFFFFFFFF  }
0xa5: {  	s26 =	simm.s32 $execute0_lowered;
	[smem:$0x3FD2] =	sst s25  }
0xa6: {  	s4 =	sshll.u32 s26, $0x1;
	_ =	strace $0x80000052;
	[dreg:$0x1] =	wrdreg $0xFFFFFFFF  }
0xa7: {  	s28 =	simm.s32 $_size_execute0_lowered;
	s2 =	sadd.s32 s2, s4;
	[dreg:$0x0] =	wrdreg $0x0  }
0xa8: {  	s4 =	sshll.u32 s28, $0x1;
	[dreg:$0x2] =	wrdreg s2  }
0xa9: {  	[dreg:$0x3] =	wrdreg s4  }
0xaa: {  	[dreg:$0x4] =	wrdreg $0xC0  }
0xab: {  	_ =	task [dreg:s6], $0x5FFFF  }
0xac: {  	[dreg:$0x1] =	wrdreg $0xFFFFFFFF  }
0xad: {  	[dreg:$0x0] =	wrdreg $0x60  }
0xae: {  	[dreg:$0x2] =	wrdreg s24  }
0xaf: {  	[dreg:$0x3] =	wrdreg $0x9  }
0xb0: {  	_ =	task.clear_ibuf [dreg:s6], $0x4FFFF;
	_ =	strace $0x90000052  }
0xb1: {  	s29 =	simm.s32 $0x9;
	_ =	strace $0x80000054  }
0xb2: {  	_ =	swait.ge [sflag:s29], $0x1  }
0xb3: {  	[sflag:s29] =	ssyncadd.s32 $0xFFFFFFFF  }
0xb4: {  	_ =	strace $0x90000054  }
0xb5: {  	_ =	sfence  }
0xb6: {  	s30 =	sld [smem:$0x0];
	_ =	sdelay $0x2  }
0xb7: {  	s31 =	sshll.u32 s1, $0xD;
	s1 =	sshrl.u32 s1, $0x2  }
0xb8: {  	s3 =	sand.u32 $0x4000, s31;
	s1 =	sadd.s32 s1, s30  }
0xb9: {  	s0 =	sor.u32 s3, s0;
	s1 =	sshll.u32 s1, $0x11  }
0xba: {  	s0 =	sor.u32 s1, s0  }
0xbb: {  	s0 =	sadd.s32 $0x8F2B, s0  }
0xbc: {  	[sflag:s0] =	ssyncadd.remote.s32 $0x1  }
0xbd: {  	_ =	sfence.sel $0xFFFF  }
0xbe: {  	[dreg:$0x0] =	wrdreg $0xFFFFFFFF;
	(pc) =	sbr.abs _section_cstart, $3  }
0xbf: {  	[dreg:$0x1] =	wrdreg $0xFFFFFFFF  }
0xc0: {  	_ =	task.clear_ibuf [dreg:s6], $0x2FFFF;
	_ =	strace $0x9FFFFFFF  }
0xc1: {  	(tm) =	ssettm $0x7FFFFFFF  }
tec
execute0_lowered:
.L_overlay_start_1:
0x0: {  	(tag) =	ssettag $0x1  }
0x1: {  	s1 =	srdreg.scid;
	s0 =	stileid.u32  }
0x2: {  	s16 =	sand.u32 $0x1, s1;
	s29 =	sshll.u32 s0, $0x1  }
0x3: {  	s17 =	rddreg [dreg:$0x0];
	s18 =	sor.u32 s16, s29  }
0x4: {  	s2 =	simm.s32 $0x0;
	s1 =	rddreg [dreg:$0x1];
	s3 =	sshll.u32 s18, $0x7  }
0x5: {  	[smem:$0x7FF] =	sst s2;
	s3 =	sadd.s32 s3, s17  }
0x6: {  	_ =	strace $0x80000053;
	s4 =	sadd.s32 $0x5000, s3;
	s3 =	simm.s32 $0x2  }
0x7: {  	[tilespmem:s2], [sflag:$0x2] =	stream.linear.gather [hbm4b:s4+s2], $0x400, $0x38;
	[tilespmem:$0xA400] =	vst v63  }
0x8: {  	_ =	swait.ge [sflag:s3], $0x400  }
0x9: {  	s6 =	simm.s32 $0x80;
	[sflag:s3] =	ssyncset.done $0x0  }
0xa: {  	s7 =	simm.s32 $0x400;
	s5 =	sadd.s32 $0x7E000, s17;
	[sflag:s3] =	ssyncadd.s32 $0xFFFFFC00  }
0xb: {  	[tilespmem:s7], [sflag:$0x1] =	stream.indirect.gather [hbm4b:s5+s6], $0x40, s2, s6, $0xb8;
	[tilespmem:$0xA400] =	vst v63  }
0xc: {  	s8 =	simm.s32 $0x2400  }
0xd: {  	[tilespmem:s8], [sflag:$0x1] =	stream.indirect.gather [hbm4b:s5+s6], $0x40, s6, s6, $0xb8;
	[tilespmem:$0xA400] =	vst v63  }
0xe: {  	s9 =	simm.s32 $0x100;
	s10 =	simm.s32 $0x4400  }
0xf: {  	[tilespmem:s10], [sflag:$0x1] =	stream.indirect.gather [hbm4b:s5+s6], $0x40, s9, s6, $0xb8;
	[tilespmem:$0xA400] =	vst v63  }
0x10: {  	s11 =	simm.s32 $0x180;
	s12 =	simm.s32 $0x6400  }
0x11: {  	[tilespmem:s12], [sflag:$0x1] =	stream.indirect.gather [hbm4b:s5+s6], $0x40, s11, s6, $0xb8;
	[tilespmem:$0xA400] =	vst v63  }
0x12: {  	s13 =	simm.s32 $0x200;
	s14 =	simm.s32 $0x8400;
	s15 =	simm.s32 $0x1  }
0x13: {  	[tilespmem:s14], [sflag:$0x1] =	stream.indirect.gather [hbm4b:s5+s6], $0x40, s13, s6, $0xb8;
	[tilespmem:$0xA400] =	vst v63  }
0x14: {  	_ =	swait.ge [sflag:s15], $0x2000  }
0x15: {  	[sflag:s15] =	ssyncset.done $0x0  }
0x16: {  	[sflag:s15] =	ssyncadd.s32 $0xFFFFE000  }
0x17: {  	_ =	swait.ge [sflag:s15], $0x2000  }
0x18: {  	[sflag:s15] =	ssyncset.done $0x0  }
0x19: {  	[sflag:s15] =	ssyncadd.s32 $0xFFFFE000  }
0x1a: {  	_ =	swait.ge [sflag:s15], $0x2000  }
0x1b: {  	[sflag:s15] =	ssyncset.done $0x0  }
0x1c: {  	s16 =	ssub.s32 $0x2, s16;
	[sflag:s15] =	ssyncadd.s32 $0xFFFFE000  }
0x1d: {  	s19 =	sshrl.u32 s16, $0x1;
	_ =	swait.ge [sflag:s15], $0x2000  }
0x1e: {  	s30 =	ssub.s32 s16, s19;
	[sflag:s15] =	ssyncset.done $0x0  }
0x1f: {  	s18 =	smul.u32 $0x1400, s18;
	s31 =	smax.u32 s30, $0x1;
	[sflag:s15] =	ssyncadd.s32 $0xFFFFE000  }
0x20: {  	p0 =	sne.s32 s31, $0x1;
	_ =	swait.ge [sflag:s15], $0x2000  }
.Ltmp0:
0x21: {  	s17 =	sadd.s32 s18, s17;
	[sflag:s15] =	ssyncset.done $0x0;
	(pc) =	sbr.rel @!p0 .LBB2_2-.Ltmp0, $4  }
0x22: {  	s16 =	sadd.s32 $0xBB000, s17;
	[sflag:s15] =	ssyncadd.s32 $0xFFFFE000  }
0x23: {  	[hbm4b:s16+s2] =	stream.linear.scatter [tilespmem:s7], [sflag:$0x2], $0xA000, $0x38;
	[tilespmem:$0xA400] =	vst v63  }
0x24: {  	_ =	swait.ge [sflag:s3], $0xA000  }
0x25: {  	s17 =	sadd.s32 $0xFFFFFFFF, s31;
	[sflag:s3] =	ssyncset.done $0x0  }
.LBB2_1:
0x26: {  	p0 =	sne.s32 s17, $0x1;
	s17 =	sadd.s32 $0xFFFFFFFF, s17;
	[sflag:s3] =	ssyncadd.s32 $0xFFFF6000  }
0x27: {  	[tilespmem:s2], [sflag:$0x2] =	stream.linear.gather [hbm4b:s4+s2], $0x400, $0x38;
	[tilespmem:$0xA400] =	vst v63  }
0x28: {  	_ =	swait.ge [sflag:s3], $0x400  }
0x29: {  	[sflag:s3] =	ssyncset.done $0x0  }
0x2a: {  	[sflag:s3] =	ssyncadd.s32 $0xFFFFFC00  }
0x2b: {  	[tilespmem:s7], [sflag:$0x1] =	stream.indirect.gather [hbm4b:s5+s6], $0x40, s2, s6, $0xb8;
	[tilespmem:$0xA400] =	vst v63  }
0x2c: {  	_ = 	snop  }
0x2d: {  	[tilespmem:s8], [sflag:$0x1] =	stream.indirect.gather [hbm4b:s5+s6], $0x40, s6, s6, $0xb8;
	[tilespmem:$0xA400] =	vst v63  }
0x2e: {  	_ = 	snop  }
0x2f: {  	[tilespmem:s10], [sflag:$0x1] =	stream.indirect.gather [hbm4b:s5+s6], $0x40, s9, s6, $0xb8;
	[tilespmem:$0xA400] =	vst v63  }
0x30: {  	_ = 	snop  }
0x31: {  	[tilespmem:s12], [sflag:$0x1] =	stream.indirect.gather [hbm4b:s5+s6], $0x40, s11, s6, $0xb8;
	[tilespmem:$0xA400] =	vst v63  }
0x32: {  	_ = 	snop  }
0x33: {  	[tilespmem:s14], [sflag:$0x1] =	stream.indirect.gather [hbm4b:s5+s6], $0x40, s13, s6, $0xb8;
	[tilespmem:$0xA400] =	vst v63  }
0x34: {  	_ =	swait.ge [sflag:s15], $0x2000  }
0x35: {  	[sflag:s15] =	ssyncset.done $0x0  }
0x36: {  	[sflag:s15] =	ssyncadd.s32 $0xFFFFE000  }
0x37: {  	_ =	swait.ge [sflag:s15], $0x2000  }
0x38: {  	[sflag:s15] =	ssyncset.done $0x0  }
0x39: {  	[sflag:s15] =	ssyncadd.s32 $0xFFFFE000  }
0x3a: {  	_ =	swait.ge [sflag:s15], $0x2000  }
0x3b: {  	[sflag:s15] =	ssyncset.done $0x0  }
0x3c: {  	[sflag:s15] =	ssyncadd.s32 $0xFFFFE000  }
0x3d: {  	_ =	swait.ge [sflag:s15], $0x2000  }
0x3e: {  	[sflag:s15] =	ssyncset.done $0x0  }
0x3f: {  	[sflag:s15] =	ssyncadd.s32 $0xFFFFE000  }
0x40: {  	_ =	swait.ge [sflag:s15], $0x2000  }
.Ltmp1:
0x41: {  	[sflag:s15] =	ssyncset.done $0x0;
	(pc) =	sbr.rel @p0 .LBB2_1-.Ltmp1, $4  }
0x42: {  	[sflag:s15] =	ssyncadd.s32 $0xFFFFE000  }
0x43: {  	[hbm4b:s16+s2] =	stream.linear.scatter [tilespmem:s7], [sflag:$0x2], $0xA000, $0x38;
	[tilespmem:$0xA400] =	vst v63  }
0x44: {  	_ =	swait.ge [sflag:s3], $0xA000  }
0x45: {  	[sflag:s3] =	ssyncset.done $0x0  }
.LBB2_2:
0x46: {  	[sflag:s3] =	ssyncadd.s32 $0xFFFF6000  }
0x47: {  	_ =	sfence.sel $0x180000  }
0x48: {  	[bflag:$0x0] =	sbarrier.arrive $0xFFFF  }
0x49: {  	p0 =	sne.s32 s0, $0x0;
	_ =	strace $0x90000053  }
0x4a: {  	s0 =	sadd.s32 @!p0 $0x100000, s1;
	[bflag:$0x2] =	sbarrier.arrive $0xFFFF  }
0x4b: {  	[sflag:s0] =	ssyncadd.tile.s32 @!p0 $0x1;
	_ =	shalt  }
.Lfunc_end2:
_tile_overlayer_lowered:
.L_overlay_start_2:
0x4c: {  	(tag) =	ssettag $0x2  }
0x4d: {  	s0 =	rddreg [dreg:$0x0];
	s2 =	stileid.u32  }
0x4e: {  	s1 =	rddreg [dreg:$0x1];
	p0 =	sne.s32 s2, $0x0  }
0x4f: {  	s3 =	rddreg [dreg:$0x2];
	[bflag:$0x3] =	sbarrier.arrive $0xFFFF;
	s2 =	simm.s32 @!p0 $0x1C02  }
0x50: {  	[timem:s3], [sflag:s2] =	dma.local @!p0 [hbm:s0], s1  }
0x51: {  	s0 =	simm.s32 @!p0 $0x2  }
0x52: {  	_ =	swait.ge @!p0 [sflag:s0], s1  }
0x53: {  	s1 =	ssub.s32 @!p0 $0x0, s1;
	[sflag:s0] =	ssyncset.done @!p0 $0x0  }
0x54: {  	[sflag:s0] =	ssyncadd.s32 @!p0 s1  }
0x55: {  	[bflag:$0x3] =	sbarrier.arrive $0xFFFF  }
0x56: {  	_ =	shalt  }

// kernel: kernel.32.cloned.1.call-start
scs
__scs_entry_jumppad:
0x0: {  	(pc) =	sbr.rel $0x88, $3  }
0x1: {  	(tag) =	ssettag $0x0;
	lr =	simm.s32 $0x1  }
0x2: {  	[smem:$0x3F8E] =	sst lr;
	_ =	strace $0xD0000000  }
0x3: {  	_ = 	snop  }
0x4: {  	_ = 	snop  }
0x5: {  	_ = 	snop  }
0x6: {  	_ = 	snop  }
0x7: {  	_ = 	snop  }
__scs_overlays_trampoline_lowered:
0x8: {  	[smem:$0x3F9D] =	sst s0  }
0x9: {  	[smem:$0x3F9E] =	sst s1  }
0xa: {  	[smem:$0x3F9F] =	sst s2  }
0xb: {  	[smem:$0x3FA0] =	sst s3  }
0xc: {  	[smem:$0x3FA1] =	sst s4  }
0xd: {  	[smem:$0x3FA2] =	sst s5  }
0xe: {  	[smem:$0x3FA3] =	sst s6  }
0xf: {  	[smem:$0x3FA4] =	sst s7  }
0x10: {  	[smem:$0x3FA5] =	sst s8  }
0x11: {  	[smem:$0x3FA6] =	sst s9;
	s0 =	simm.s32 @!p0 $0x0  }
0x12: {  	s1 =	sld [smem:$0x3F8C];
	s0 =	simm.s32 @p0 $0x1  }
0x13: {  	[smem:$0x3FA7] =	sst s0;
	s0 =	simm.s32 @!p1 $0x0  }
0x14: {  	s2 =	sld [smem:$0x3F8B];
	s0 =	simm.s32 @p1 $0x1  }
0x15: {  	[smem:$0x3FA8] =	sst s0;
	s0 =	simm.s32 @!p2 $0x0  }
0x16: {  	s3 =	sld [smem:$0x3FDB];
	s0 =	simm.s32 @p2 $0x1  }
0x17: {  	s4 =	simm.s32 $0x1BF5;
	[smem:$0x3FAA] =	sst s0  }
0x18: {  	s0 =	sld [smem:$0x3F8D];
	_ =	swait.ge [sflag:s4], $0x0  }
0x19: {  	s7 =	sld [smem:$0x3F8E]  }
0x1a: {  	s8 =	sadd.s32 $0xFFFFE003, lr  }
0x1b: {  	s9 =	sadd.s32 $0xFFFFFEF7, lr;
	s5 =	simm.s32 $0xFFFFFFFF;
	p2 =	slt.u32 s8, $0xFFFFF086  }
0x1c: {  	p1 =	slt.u32 s9, $0xF7A;
	s5 =	simm.s32 @!p2 $0x0  }
0x1d: {  	s5 =	simm.s32 @p1 $0x1;
	p0 =	seq.s32 s7, s2  }
0x1e: {  	s7 =	smul.u32 @!p0 $0xF7A, s2;
	p2 =	seq.s32 @!p0 s5, $0x0  }
0x1f: {  	s9 =	smul.u32 $0xF7A, s1;
	s8 =	simm.s32 @!p0 $0x1BF5;
	p2 =	por !p2, p0  }
0x20: {  	[sflag:s8] =	ssyncset.s32 @!p0 $0xFFFFF086;
	s6 =	sadd.s32 @!p0 s3, s7;
	s7 =	simm.s32 @!p0 $0x108  }
0x21: {  	s3 =	sadd.s32 s3, s9;
	s6 =	sadd.s32 @!p0 $0x88, s6;
	s7 =	simm.s32 @p2 $0x1082  }
0x22: {  	[simem:s7], [sflag:s8] =	dma.local @!p0 [hbm:s6], $0xF7A  }
0x23: {  	s9 =	sor.u32 $0xD0000000, s2;
	s6 =	simm.s32 $0x108;
	_ =	swait.ge @!p0 [sflag:s8], $0x0  }
0x24: {  	s3 =	sadd.s32 $0x88, s3;
	s6 =	simm.s32 @!p1 $0x1082;
	[sflag:s4] =	ssyncset.s32 $0xFFFFF086  }
0x25: {  	[simem:s6], [sflag:s4] =	dma.local [hbm:s3], $0xF7A  }
0x26: {  	[smem:$0x3F8E] =	sst s1;
	(tag) =	ssettag s2;
	_ =	strace s9  }
0x27: {  	s1 =	sld [smem:$0x3F9E]  }
0x28: {  	s2 =	sld [smem:$0x3F9F]  }
0x29: {  	s4 =	sld [smem:$0x3FA1]  }
0x2a: {  	p0 =	seq.s32 s5, $0x0;
	s5 =	sld [smem:$0x3FA2]  }
0x2b: {  	s6 =	sld [smem:$0x3FA3]  }
0x2c: {  	s7 =	sld [smem:$0x3FA4]  }
0x2d: {  	s3 =	simm.s32 $0x108;
	s8 =	sld [smem:$0x3FA5]  }
0x2e: {  	s3 =	simm.s32 @!p0 $0x1082;
	s9 =	sld [smem:$0x3FA6]  }
0x2f: {  	lr =	sadd.s32 s0, s3;
	s0 =	sld [smem:$0x3F9D]  }
0x30: {  	s3 =	sld [smem:$0x3FA0]  }
0x31: {  	[smem:$0x3FA9] =	sst s10  }
0x32: {  	s10 =	sld [smem:$0x3FA7];
	_ =	sdelay $0x3  }
0x33: {  	p0 =	seq.s32 s10, $0x1;
	s10 =	sld [smem:$0x3FA9];
	_ =	sdelay $0x3  }
0x34: {  	[smem:$0x3FA9] =	sst s10  }
0x35: {  	s10 =	sld [smem:$0x3FA8];
	_ =	sdelay $0x3  }
0x36: {  	p1 =	seq.s32 s10, $0x1;
	s10 =	sld [smem:$0x3FA9];
	_ =	sdelay $0x3  }
0x37: {  	[smem:$0x3FA9] =	sst s10  }
0x38: {  	s10 =	sld [smem:$0x3FAA]  }
0x39: {  	_ = 	snop;
	(pc) =	sbr.ind lr, $3  }
0x3a: {  	_ = 	snop  }
0x3b: {  	_ = 	snop  }
0x3c: {  	p2 =	seq.s32 s10, $0x1;
	s10 =	sld [smem:$0x3FA9]  }
0x3d: {  	_ =	shalt  }
0x3e: {  	_ =	shalt  }
0x3f: {  	_ =	shalt  }
0x40: {  	_ =	shalt  }
0x41: {  	_ =	shalt  }
0x42: {  	_ =	shalt  }
0x43: {  	_ =	shalt  }
0x44: {  	_ =	shalt  }
0x45: {  	_ =	shalt  }
0x46: {  	_ =	shalt  }
0x47: {  	_ =	shalt  }
0x48: {  	_ =	shalt  }
0x49: {  	_ =	shalt  }
0x4a: {  	_ =	shalt  }
0x4b: {  	_ =	shalt  }
0x4c: {  	_ =	shalt  }
0x4d: {  	_ =	shalt  }
0x4e: {  	_ =	shalt  }
0x4f: {  	_ =	shalt  }
0x50: {  	_ =	shalt  }
0x51: {  	_ =	shalt  }
0x52: {  	_ =	shalt  }
0x53: {  	_ =	shalt  }
0x54: {  	_ =	shalt  }
0x55: {  	_ =	shalt  }
0x56: {  	_ =	shalt  }
0x57: {  	_ =	shalt  }
0x58: {  	_ =	shalt  }
0x59: {  	_ =	shalt  }
0x5a: {  	_ =	shalt  }
0x5b: {  	_ =	shalt  }
0x5c: {  	_ =	shalt  }
0x5d: {  	_ =	shalt  }
0x5e: {  	_ =	shalt  }
0x5f: {  	_ =	shalt  }
0x60: {  	_ =	shalt  }
0x61: {  	_ =	shalt  }
0x62: {  	_ =	shalt  }
0x63: {  	_ =	shalt  }
0x64: {  	_ =	shalt  }
0x65: {  	_ =	shalt  }
0x66: {  	_ =	shalt  }
0x67: {  	_ =	shalt  }
0x68: {  	_ =	shalt  }
0x69: {  	_ =	shalt  }
0x6a: {  	_ =	shalt  }
0x6b: {  	_ =	shalt  }
0x6c: {  	_ =	shalt  }
0x6d: {  	_ =	shalt  }
0x6e: {  	_ =	shalt  }
0x6f: {  	_ =	shalt  }
0x70: {  	_ =	shalt  }
0x71: {  	_ =	shalt  }
0x72: {  	_ =	shalt  }
0x73: {  	_ =	shalt  }
0x74: {  	_ =	shalt  }
0x75: {  	_ =	shalt  }
0x76: {  	_ =	shalt  }
0x77: {  	_ =	shalt  }
0x78: {  	_ =	shalt  }
0x79: {  	_ =	shalt  }
0x7a: {  	_ =	shalt  }
0x7b: {  	_ =	shalt  }
0x7c: {  	_ =	shalt  }
0x7d: {  	_ =	shalt  }
0x7e: {  	_ =	shalt  }
0x7f: {  	_ =	shalt  }
0x80: {  	_ =	shalt  }
0x81: {  	_ =	shalt  }
0x82: {  	_ =	shalt  }
0x83: {  	_ =	shalt  }
0x84: {  	_ =	shalt  }
0x85: {  	_ =	shalt  }
0x86: {  	_ =	shalt  }
0x87: {  	_ =	shalt  }
.Lfunc_end0:
.L_simem_size_0:
called_computation.5_lowered:
.L_overlay_start_0:
0x88: {  	s2 =	sld [smem:$0x3FD9]  }
0x89: {  	s3 =	sld [smem:$0x3FFE];
	_ =	sdelay $0x1  }
0x8a: {  	s1 =	srdreg.scid  }
0x8b: {  	s0 =	sand.u32 $0x1, s1  }
0x8c: {  	s16 =	sshll.u32 s0, $0xA;
	s2 =	sadd.s32 s3, s2  }
0x8d: {  	s2 =	sadd.s32 s2, s16  }
0x8e: {  	[smem:$0x3FB5] =	sst s2  }
0x8f: {  	_ = 	snop  }
0x90: {  	(tm) =	ssettm $0x1  }
0x91: {  	s17 =	sld [smem:$0x3FFB];
	_ =	sdelay $0x3  }
0x92: {  	_ =	strace s17  }
0x93: {  	s2 =	sld [smem:$0x3FFC];
	_ =	sdelay $0x3  }
0x94: {  	_ =	strace s2  }
0x95: {  	s2 =	sld [smem:$0x3FFD];
	_ =	sdelay $0x3  }
0x96: {  	_ =	strace s2  }
0x97: {  	_ =	strace $0x8FFFFFFF  }
0x98: {  	s18 =	sld [smem:$0x3FDB];
	_ =	sdelay $0x1  }
0x99: {  	s19 =	simm.s32 $_scs_section_size  }
0x9a: {  	s4 =	simm.s32 $_size__tile_overlayer_lowered;
	s5 =	simm.s32 $_tile_overlayer_lowered  }
0x9b: {  	s22 =	simm.s32 $0x1BFF;
	s21 =	sshll.u32 s5, $0x1;
	s2 =	sadd.s32 s19, s18  }
0x9c: {  	s6 =	simm.s32 $0x0;
	s20 =	sshll.u32 s4, $0x1;
	s4 =	sadd.s32 s21, s2  }
0x9d: {  	[timem:s6], [sflag:s22] =	dma.local [hbm:s4], s20  }
0x9e: {  	_ =	swait.ge [sflag:s22], s20  }
0x9f: {  	s3 =	ssub.s32 $0x0, s20;
	[sflag:s22] =	ssyncset.done $0x0  }
0xa0: {  	[sflag:s22] =	ssyncadd.s32 s3;
	_ =	sdelay $0x1  }
0xa1: {  	s23 =	simm.s32 $0x1B8B  }
0xa2: {  	_ =	swait.ge [sflag:s23], $0x1  }
0xa3: {  	[sflag:s23] =	ssyncset.done $0x0  }
0xa4: {  	s25 =	simm.s32 $0x1B8E;
	s24 =	sld [smem:$0x3FFE];
	[sflag:s23] =	ssyncadd.s32 $0xFFFFFFFF  }
0xa5: {  	s26 =	simm.s32 $execute0_lowered;
	[smem:$0x3FD2] =	sst s25  }
0xa6: {  	s4 =	sshll.u32 s26, $0x1;
	_ =	strace $0x80000055;
	[dreg:$0x1] =	wrdreg $0xFFFFFFFF  }
0xa7: {  	s28 =	simm.s32 $_size_execute0_lowered;
	s2 =	sadd.s32 s2, s4;
	[dreg:$0x0] =	wrdreg $0x0  }
0xa8: {  	s4 =	sshll.u32 s28, $0x1;
	[dreg:$0x2] =	wrdreg s2  }
0xa9: {  	[dreg:$0x3] =	wrdreg s4  }
0xaa: {  	[dreg:$0x4] =	wrdreg $0xC0  }
0xab: {  	_ =	task [dreg:s6], $0x5FFFF  }
0xac: {  	[dreg:$0x1] =	wrdreg $0xFFFFFFFF  }
0xad: {  	[dreg:$0x0] =	wrdreg $0x60  }
0xae: {  	[dreg:$0x2] =	wrdreg s24  }
0xaf: {  	[dreg:$0x3] =	wrdreg $0xA4000  }
0xb0: {  	[dreg:$0x4] =	wrdreg $0x9  }
0xb1: {  	_ =	task.clear_ibuf [dreg:s6], $0x5FFFF;
	_ =	strace $0x90000055  }
0xb2: {  	s29 =	simm.s32 $0x9;
	_ =	strace $0x80000057  }
0xb3: {  	_ =	swait.ge [sflag:s29], $0x1  }
0xb4: {  	[sflag:s29] =	ssyncadd.s32 $0xFFFFFFFF  }
0xb5: {  	_ =	strace $0x90000057  }
0xb6: {  	_ =	sfence  }
0xb7: {  	s30 =	sld [smem:$0x0];
	_ =	sdelay $0x2  }
0xb8: {  	s31 =	sshll.u32 s1, $0xD;
	s1 =	sshrl.u32 s1, $0x2  }
0xb9: {  	s3 =	sand.u32 $0x4000, s31;
	s1 =	sadd.s32 s1, s30  }
0xba: {  	s0 =	sor.u32 s3, s0;
	s1 =	sshll.u32 s1, $0x11  }
0xbb: {  	s0 =	sor.u32 s1, s0  }
0xbc: {  	s0 =	sadd.s32 $0x8F2B, s0  }
0xbd: {  	[sflag:s0] =	ssyncadd.remote.s32 $0x1  }
0xbe: {  	_ =	sfence.sel $0xFFFF  }
0xbf: {  	[dreg:$0x0] =	wrdreg $0xFFFFFFFF;
	(pc) =	sbr.abs _section_cstart, $3  }
0xc0: {  	[dreg:$0x1] =	wrdreg $0xFFFFFFFF  }
0xc1: {  	_ =	task.clear_ibuf [dreg:s6], $0x2FFFF;
	_ =	strace $0x9FFFFFFF  }
0xc2: {  	(tm) =	ssettm $0x7FFFFFFF  }
0xc3: {  	_ =	shalt  }
tec
execute0_lowered:
.L_overlay_start_1:
0x0: {  	(tag) =	ssettag $0x1  }
0x1: {  	s20 =	rddreg [dreg:$0x0]  }
0x2: {  	s2 =	rddreg [dreg:$0x1]  }
0x3: {  	s0 =	rddreg [dreg:$0x2]  }
0x4: {  	s1 =	stileid.u32;
	s4 =	srdreg.scid;
	s3 =	simm.s32 $0x0  }
0x5: {  	s5 =	smul.u32 $0xA000, s1;
	s21 =	sand.u32 $0x1, s4;
	s28 =	sshll.u32 s1, $0x1  }
0x6: {  	[smem:$0x7FF] =	sst s3;
	s30 =	sshll.u32 s1, $0x6;
	s10 =	sor.u32 s21, s28  }
0x7: {  	_ =	strace $0x80000056;
	s29 =	sshrl.u32 s5, $0x3;
	s8 =	smul.u32 $0x1400, s10  }
0x8: {  	s6 =	sadd.s32 s5, s2;
	s5 =	sor.u32 $0x1C02, s30;
	s4 =	sadd.s32 s29, s20  }
0x9: {  	s7 =	sshrl.u32 s6, $0x3;
	s6 =	simm.s32 $0x2;
	s4 =	sadd.s32 $0xA6000, s4  }
0xa: {  	[spmem:s7], [sflag:s5] =	dma.local [hbm:s4], $0x1400  }
0xb: {  	_ =	swait.ge [sflag:s6], $0x1400  }
0xc: {  	s8 =	sadd.s32 s8, s20;
	[sflag:s6] =	ssyncset.done $0x0  }
0xd: {  	s9 =	simm.s32 $0x400;
	s8 =	sadd.s32 $0x7E000, s8;
	[sflag:s6] =	ssyncadd.s32 $0xFFFFEC00  }
0xe: {  	[tilespmem:s9], [sflag:$0x2] =	stream.linear.gather [hbm4b:s8+s3], $0xA000, $0x38;
	[tilespmem:$0x14400] =	vst v63  }
0xf: {  	s10 =	sshll.u32 s10, $0x7;
	_ =	swait.ge [sflag:s6], $0xA000  }
0x10: {  	s10 =	sadd.s32 s10, s20;
	[sflag:s6] =	ssyncset.done $0x0  }
0x11: {  	s10 =	sadd.s32 $0xBA000, s10;
	[sflag:s6] =	ssyncadd.s32 $0xFFFF6000  }
0x12: {  	[tilespmem:s3], [sflag:$0x2] =	stream.linear.gather [hbm4b:s10+s3], $0x400, $0x38;
	[tilespmem:$0x14400] =	vst v63  }
0x13: {  	_ =	swait.ge [sflag:s6], $0x400  }
0x14: {  	[sflag:s6] =	ssyncset.done $0x0  }
0x15: {  	[sflag:s6] =	ssyncadd.s32 $0xFFFFFC00  }
0x16: {  	s11 =	simm.s32 $0x80;
	[bflag:$0x0] =	sbarrier.arrive $0xFFFF  }
0x17: {  	[spmem:s2] =	stream.indirect.scatter.add.f32 [tilespmem:s9], [sflag:$0x1], $0x40, s3, s11, $0xb8;
	[tilespmem:$0x14400] =	vst v63  }
0x18: {  	s12 =	simm.s32 $0x2400  }
0x19: {  	[spmem:s2] =	stream.indirect.scatter.add.f32 [tilespmem:s12], [sflag:$0x1], $0x40, s11, s11, $0xb8;
	[tilespmem:$0x14400] =	vst v63  }
0x1a: {  	s13 =	simm.s32 $0x100;
	s14 =	simm.s32 $0x4400  }
0x1b: {  	[spmem:s2] =	stream.indirect.scatter.add.f32 [tilespmem:s14], [sflag:$0x1], $0x40, s13, s11, $0xb8;
	[tilespmem:$0x14400] =	vst v63  }
0x1c: {  	s15 =	simm.s32 $0x180;
	s16 =	simm.s32 $0x6400  }
0x1d: {  	[spmem:s2] =	stream.indirect.scatter.add.f32 [tilespmem:s16], [sflag:$0x1], $0x40, s15, s11, $0xb8;
	[tilespmem:$0x14400] =	vst v63  }
0x1e: {  	s17 =	simm.s32 $0x200;
	s18 =	simm.s32 $0x8400;
	s19 =	simm.s32 $0x1  }
0x1f: {  	[spmem:s2] =	stream.indirect.scatter.add.f32 [tilespmem:s18], [sflag:$0x1], $0x40, s17, s11, $0xb8;
	[tilespmem:$0x14400] =	vst v63  }
0x20: {  	_ =	swait.ge [sflag:s19], $0x2000  }
0x21: {  	[sflag:s19] =	ssyncset.done $0x0  }
0x22: {  	[sflag:s19] =	ssyncadd.s32 $0xFFFFE000  }
0x23: {  	_ =	swait.ge [sflag:s19], $0x2000  }
0x24: {  	[sflag:s19] =	ssyncset.done $0x0  }
0x25: {  	[sflag:s19] =	ssyncadd.s32 $0xFFFFE000  }
0x26: {  	_ =	swait.ge [sflag:s19], $0x2000  }
0x27: {  	[sflag:s19] =	ssyncset.done $0x0  }
0x28: {  	[sflag:s19] =	ssyncadd.s32 $0xFFFFE000  }
0x29: {  	s23 =	smul.u32 $0x14000, s21;
	s21 =	ssub.s32 $0x2, s21;
	_ =	swait.ge [sflag:s19], $0x2000  }
0x2a: {  	s31 =	sshrl.u32 s21, $0x1;
	[sflag:s19] =	ssyncset.done $0x0  }
0x2b: {  	s22 =	smul.u32 $0x1400, s1;
	s21 =	ssub.s32 s21, s31;
	[sflag:s19] =	ssyncadd.s32 $0xFFFFE000  }
0x2c: {  	s21 =	smax.u32 s21, $0x1;
	_ =	swait.ge [sflag:s19], $0x2000  }
0x2d: {  	s22 =	sadd.s32 s22, s23;
	p0 =	sne.s32 s21, $0x1;
	[sflag:s19] =	ssyncset.done $0x0  }
.Ltmp0:
0x2e: {  	s20 =	sadd.s32 s22, s20;
	[sflag:s19] =	ssyncadd.s32 $0xFFFFE000;
	(pc) =	sbr.rel @!p0 .LBB2_2-.Ltmp0, $4  }
0x2f: {  	s20 =	sadd.s32 $0x5000, s20;
	[bflag:$0x0] =	sbarrier.arrive $0xFFFF  }
0x30: {  	[hbm:s20], [sflag:s5] =	dma.local [spmem:s7], $0x1400  }
0x31: {  	_ =	swait.ge [sflag:s6], $0x1400  }
0x32: {  	s21 =	sadd.s32 $0xFFFFFFFF, s21;
	[sflag:s6] =	ssyncset.done $0x0  }
.LBB2_1:
0x33: {  	p0 =	sne.s32 s21, $0x1;
	s21 =	sadd.s32 $0xFFFFFFFF, s21;
	[sflag:s6] =	ssyncadd.s32 $0xFFFFEC00  }
0x34: {  	[spmem:s7], [sflag:s5] =	dma.local [hbm:s4], $0x1400  }
0x35: {  	_ =	swait.ge [sflag:s6], $0x1400  }
0x36: {  	[sflag:s6] =	ssyncset.done $0x0  }
0x37: {  	[sflag:s6] =	ssyncadd.s32 $0xFFFFEC00  }
0x38: {  	[tilespmem:s9], [sflag:$0x2] =	stream.linear.gather [hbm4b:s8+s3], $0xA000, $0x38;
	[tilespmem:$0x14400] =	vst v63  }
0x39: {  	_ =	swait.ge [sflag:s6], $0xA000  }
0x3a: {  	[sflag:s6] =	ssyncset.done $0x0  }
0x3b: {  	[sflag:s6] =	ssyncadd.s32 $0xFFFF6000  }
0x3c: {  	[tilespmem:s3], [sflag:$0x2] =	stream.linear.gather [hbm4b:s10+s3], $0x400, $0x38;
	[tilespmem:$0x14400] =	vst v63  }
0x3d: {  	_ =	swait.ge [sflag:s6], $0x400  }
0x3e: {  	[sflag:s6] =	ssyncset.done $0x0  }
0x3f: {  	[sflag:s6] =	ssyncadd.s32 $0xFFFFFC00  }
0x40: {  	[bflag:$0x0] =	sbarrier.arrive $0xFFFF  }
0x41: {  	[spmem:s2] =	stream.indirect.scatter.add.f32 [tilespmem:s9], [sflag:$0x1], $0x40, s3, s11, $0xb8;
	[tilespmem:$0x14400] =	vst v63  }
0x42: {  	_ = 	snop  }
0x43: {  	[spmem:s2] =	stream.indirect.scatter.add.f32 [tilespmem:s12], [sflag:$0x1], $0x40, s11, s11, $0xb8;
	[tilespmem:$0x14400] =	vst v63  }
0x44: {  	_ = 	snop  }
0x45: {  	[spmem:s2] =	stream.indirect.scatter.add.f32 [tilespmem:s14], [sflag:$0x1], $0x40, s13, s11, $0xb8;
	[tilespmem:$0x14400] =	vst v63  }
0x46: {  	_ = 	snop  }
0x47: {  	[spmem:s2] =	stream.indirect.scatter.add.f32 [tilespmem:s16], [sflag:$0x1], $0x40, s15, s11, $0xb8;
	[tilespmem:$0x14400] =	vst v63  }
0x48: {  	_ = 	snop  }
0x49: {  	[spmem:s2] =	stream.indirect.scatter.add.f32 [tilespmem:s18], [sflag:$0x1], $0x40, s17, s11, $0xb8;
	[tilespmem:$0x14400] =	vst v63  }
0x4a: {  	_ =	swait.ge [sflag:s19], $0x2000  }
0x4b: {  	[sflag:s19] =	ssyncset.done $0x0  }
0x4c: {  	[sflag:s19] =	ssyncadd.s32 $0xFFFFE000  }
0x4d: {  	_ =	swait.ge [sflag:s19], $0x2000  }
0x4e: {  	[sflag:s19] =	ssyncset.done $0x0  }
0x4f: {  	[sflag:s19] =	ssyncadd.s32 $0xFFFFE000  }
0x50: {  	_ =	swait.ge [sflag:s19], $0x2000  }
0x51: {  	[sflag:s19] =	ssyncset.done $0x0  }
0x52: {  	[sflag:s19] =	ssyncadd.s32 $0xFFFFE000  }
0x53: {  	_ =	swait.ge [sflag:s19], $0x2000  }
0x54: {  	[sflag:s19] =	ssyncset.done $0x0  }
0x55: {  	[sflag:s19] =	ssyncadd.s32 $0xFFFFE000  }
0x56: {  	_ =	swait.ge [sflag:s19], $0x2000  }
0x57: {  	[sflag:s19] =	ssyncset.done $0x0  }
.Ltmp1:
0x58: {  	[sflag:s19] =	ssyncadd.s32 $0xFFFFE000;
	(pc) =	sbr.rel @p0 .LBB2_1-.Ltmp1, $4  }
0x59: {  	[bflag:$0x0] =	sbarrier.arrive $0xFFFF  }
0x5a: {  	[hbm:s20], [sflag:s5] =	dma.local [spmem:s7], $0x1400  }
0x5b: {  	_ =	swait.ge [sflag:s6], $0x1400  }
0x5c: {  	[sflag:s6] =	ssyncset.done $0x0  }
.LBB2_2:
0x5d: {  	[sflag:s6] =	ssyncadd.s32 $0xFFFFEC00  }
0x5e: {  	_ =	sfence.sel $0x180000  }
0x5f: {  	[bflag:$0x0] =	sbarrier.arrive $0xFFFF  }
0x60: {  	p0 =	sne.s32 s1, $0x0;
	_ =	strace $0x90000056  }
0x61: {  	s0 =	sadd.s32 @!p0 $0x100000, s0;
	[bflag:$0x2] =	sbarrier.arrive $0xFFFF  }
0x62: {  	[sflag:s0] =	ssyncadd.tile.s32 @!p0 $0x1;
	_ =	shalt  }
.Lfunc_end2:
_tile_overlayer_lowered:
.L_overlay_start_2:
0x63: {  	(tag) =	ssettag $0x2  }
0x64: {  	s0 =	rddreg [dreg:$0x0];
	s2 =	stileid.u32  }
0x65: {  	s1 =	rddreg [dreg:$0x1];
	p0 =	sne.s32 s2, $0x0  }
0x66: {  	s3 =	rddreg [dreg:$0x2];
	[bflag:$0x3] =	sbarrier.arrive $0xFFFF;
	s2 =	simm.s32 @!p0 $0x1C02  }
0x67: {  	[timem:s3], [sflag:s2] =	dma.local @!p0 [hbm:s0], s1  }
0x68: {  	s0 =	simm.s32 @!p0 $0x2  }
0x69: {  	_ =	swait.ge @!p0 [sflag:s0], s1  }
0x6a: {  	s1 =	ssub.s32 @!p0 $0x0, s1;
	[sflag:s0] =	ssyncset.done @!p0 $0x0  }
0x6b: {  	[sflag:s0] =	ssyncadd.s32 @!p0 s1  }
0x6c: {  	[bflag:$0x3] =	sbarrier.arrive $0xFFFF  }
0x6d: {  	_ =	shalt  }

// kernel: kernel.35.cloned.1.call-start
scs
__scs_entry_jumppad:
0x0: {  	(pc) =	sbr.rel $0x88, $3  }
0x1: {  	(tag) =	ssettag $0x0;
	lr =	simm.s32 $0x1  }
0x2: {  	[smem:$0x3F8E] =	sst lr;
	_ =	strace $0xD0000000  }
0x3: {  	_ = 	snop  }
0x4: {  	_ = 	snop  }
0x5: {  	_ = 	snop  }
0x6: {  	_ = 	snop  }
0x7: {  	_ = 	snop  }
__scs_overlays_trampoline_lowered:
0x8: {  	[smem:$0x3F9D] =	sst s0  }
0x9: {  	[smem:$0x3F9E] =	sst s1  }
0xa: {  	[smem:$0x3F9F] =	sst s2  }
0xb: {  	[smem:$0x3FA0] =	sst s3  }
0xc: {  	[smem:$0x3FA1] =	sst s4  }
0xd: {  	[smem:$0x3FA2] =	sst s5  }
0xe: {  	[smem:$0x3FA3] =	sst s6  }
0xf: {  	[smem:$0x3FA4] =	sst s7  }
0x10: {  	[smem:$0x3FA5] =	sst s8  }
0x11: {  	[smem:$0x3FA6] =	sst s9;
	s0 =	simm.s32 @!p0 $0x0  }
0x12: {  	s1 =	sld [smem:$0x3F8C];
	s0 =	simm.s32 @p0 $0x1  }
0x13: {  	[smem:$0x3FA7] =	sst s0;
	s0 =	simm.s32 @!p1 $0x0  }
0x14: {  	s2 =	sld [smem:$0x3F8B];
	s0 =	simm.s32 @p1 $0x1  }
0x15: {  	[smem:$0x3FA8] =	sst s0;
	s0 =	simm.s32 @!p2 $0x0  }
0x16: {  	s3 =	sld [smem:$0x3FDB];
	s0 =	simm.s32 @p2 $0x1  }
0x17: {  	s4 =	simm.s32 $0x1BF5;
	[smem:$0x3FAA] =	sst s0  }
0x18: {  	s0 =	sld [smem:$0x3F8D];
	_ =	swait.ge [sflag:s4], $0x0  }
0x19: {  	s7 =	sld [smem:$0x3F8E]  }
0x1a: {  	s8 =	sadd.s32 $0xFFFFE003, lr  }
0x1b: {  	s9 =	sadd.s32 $0xFFFFFEF7, lr;
	s5 =	simm.s32 $0xFFFFFFFF;
	p2 =	slt.u32 s8, $0xFFFFF086  }
0x1c: {  	p1 =	slt.u32 s9, $0xF7A;
	s5 =	simm.s32 @!p2 $0x0  }
0x1d: {  	s5 =	simm.s32 @p1 $0x1;
	p0 =	seq.s32 s7, s2  }
0x1e: {  	s7 =	smul.u32 @!p0 $0xF7A, s2;
	p2 =	seq.s32 @!p0 s5, $0x0  }
0x1f: {  	s9 =	smul.u32 $0xF7A, s1;
	s8 =	simm.s32 @!p0 $0x1BF5;
	p2 =	por !p2, p0  }
0x20: {  	[sflag:s8] =	ssyncset.s32 @!p0 $0xFFFFF086;
	s6 =	sadd.s32 @!p0 s3, s7;
	s7 =	simm.s32 @!p0 $0x108  }
0x21: {  	s3 =	sadd.s32 s3, s9;
	s6 =	sadd.s32 @!p0 $0x88, s6;
	s7 =	simm.s32 @p2 $0x1082  }
0x22: {  	[simem:s7], [sflag:s8] =	dma.local @!p0 [hbm:s6], $0xF7A  }
0x23: {  	s9 =	sor.u32 $0xD0000000, s2;
	s6 =	simm.s32 $0x108;
	_ =	swait.ge @!p0 [sflag:s8], $0x0  }
0x24: {  	s3 =	sadd.s32 $0x88, s3;
	s6 =	simm.s32 @!p1 $0x1082;
	[sflag:s4] =	ssyncset.s32 $0xFFFFF086  }
0x25: {  	[simem:s6], [sflag:s4] =	dma.local [hbm:s3], $0xF7A  }
0x26: {  	[smem:$0x3F8E] =	sst s1;
	(tag) =	ssettag s2;
	_ =	strace s9  }
0x27: {  	s1 =	sld [smem:$0x3F9E]  }
0x28: {  	s2 =	sld [smem:$0x3F9F]  }
0x29: {  	s4 =	sld [smem:$0x3FA1]  }
0x2a: {  	p0 =	seq.s32 s5, $0x0;
	s5 =	sld [smem:$0x3FA2]  }
0x2b: {  	s6 =	sld [smem:$0x3FA3]  }
0x2c: {  	s7 =	sld [smem:$0x3FA4]  }
0x2d: {  	s3 =	simm.s32 $0x108;
	s8 =	sld [smem:$0x3FA5]  }
0x2e: {  	s3 =	simm.s32 @!p0 $0x1082;
	s9 =	sld [smem:$0x3FA6]  }
0x2f: {  	lr =	sadd.s32 s0, s3;
	s0 =	sld [smem:$0x3F9D]  }
0x30: {  	s3 =	sld [smem:$0x3FA0]  }
0x31: {  	[smem:$0x3FA9] =	sst s10  }
0x32: {  	s10 =	sld [smem:$0x3FA7];
	_ =	sdelay $0x3  }
0x33: {  	p0 =	seq.s32 s10, $0x1;
	s10 =	sld [smem:$0x3FA9];
	_ =	sdelay $0x3  }
0x34: {  	[smem:$0x3FA9] =	sst s10  }
0x35: {  	s10 =	sld [smem:$0x3FA8];
	_ =	sdelay $0x3  }
0x36: {  	p1 =	seq.s32 s10, $0x1;
	s10 =	sld [smem:$0x3FA9];
	_ =	sdelay $0x3  }
0x37: {  	[smem:$0x3FA9] =	sst s10  }
0x38: {  	s10 =	sld [smem:$0x3FAA]  }
0x39: {  	_ = 	snop;
	(pc) =	sbr.ind lr, $3  }
0x3a: {  	_ = 	snop  }
0x3b: {  	_ = 	snop  }
0x3c: {  	p2 =	seq.s32 s10, $0x1;
	s10 =	sld [smem:$0x3FA9]  }
0x3d: {  	_ =	shalt  }
0x3e: {  	_ =	shalt  }
0x3f: {  	_ =	shalt  }
0x40: {  	_ =	shalt  }
0x41: {  	_ =	shalt  }
0x42: {  	_ =	shalt  }
0x43: {  	_ =	shalt  }
0x44: {  	_ =	shalt  }
0x45: {  	_ =	shalt  }
0x46: {  	_ =	shalt  }
0x47: {  	_ =	shalt  }
0x48: {  	_ =	shalt  }
0x49: {  	_ =	shalt  }
0x4a: {  	_ =	shalt  }
0x4b: {  	_ =	shalt  }
0x4c: {  	_ =	shalt  }
0x4d: {  	_ =	shalt  }
0x4e: {  	_ =	shalt  }
0x4f: {  	_ =	shalt  }
0x50: {  	_ =	shalt  }
0x51: {  	_ =	shalt  }
0x52: {  	_ =	shalt  }
0x53: {  	_ =	shalt  }
0x54: {  	_ =	shalt  }
0x55: {  	_ =	shalt  }
0x56: {  	_ =	shalt  }
0x57: {  	_ =	shalt  }
0x58: {  	_ =	shalt  }
0x59: {  	_ =	shalt  }
0x5a: {  	_ =	shalt  }
0x5b: {  	_ =	shalt  }
0x5c: {  	_ =	shalt  }
0x5d: {  	_ =	shalt  }
0x5e: {  	_ =	shalt  }
0x5f: {  	_ =	shalt  }
0x60: {  	_ =	shalt  }
0x61: {  	_ =	shalt  }
0x62: {  	_ =	shalt  }
0x63: {  	_ =	shalt  }
0x64: {  	_ =	shalt  }
0x65: {  	_ =	shalt  }
0x66: {  	_ =	shalt  }
0x67: {  	_ =	shalt  }
0x68: {  	_ =	shalt  }
0x69: {  	_ =	shalt  }
0x6a: {  	_ =	shalt  }
0x6b: {  	_ =	shalt  }
0x6c: {  	_ =	shalt  }
0x6d: {  	_ =	shalt  }
0x6e: {  	_ =	shalt  }
0x6f: {  	_ =	shalt  }
0x70: {  	_ =	shalt  }
0x71: {  	_ =	shalt  }
0x72: {  	_ =	shalt  }
0x73: {  	_ =	shalt  }
0x74: {  	_ =	shalt  }
0x75: {  	_ =	shalt  }
0x76: {  	_ =	shalt  }
0x77: {  	_ =	shalt  }
0x78: {  	_ =	shalt  }
0x79: {  	_ =	shalt  }
0x7a: {  	_ =	shalt  }
0x7b: {  	_ =	shalt  }
0x7c: {  	_ =	shalt  }
0x7d: {  	_ =	shalt  }
0x7e: {  	_ =	shalt  }
0x7f: {  	_ =	shalt  }
0x80: {  	_ =	shalt  }
0x81: {  	_ =	shalt  }
0x82: {  	_ =	shalt  }
0x83: {  	_ =	shalt  }
0x84: {  	_ =	shalt  }
0x85: {  	_ =	shalt  }
0x86: {  	_ =	shalt  }
0x87: {  	_ =	shalt  }
.Lfunc_end0:
.L_simem_size_0:
called_computation.6_lowered:
.L_overlay_start_0:
0x88: {  	s2 =	sld [smem:$0x3FD9]  }
0x89: {  	s3 =	sld [smem:$0x3FFE];
	_ =	sdelay $0x1  }
0x8a: {  	s1 =	srdreg.scid  }
0x8b: {  	s0 =	sand.u32 $0x1, s1  }
0x8c: {  	s17 =	sshll.u32 s0, $0xA;
	s2 =	sadd.s32 s3, s2  }
0x8d: {  	s2 =	sadd.s32 s2, s17  }
0x8e: {  	[smem:$0x3FB5] =	sst s2  }
0x8f: {  	_ = 	snop  }
0x90: {  	s2 =	sld [smem:$0x3FD0];
	(tm) =	ssettm $0x1  }
0x91: {  	s18 =	sld [smem:$0x3FFB];
	_ =	sdelay $0x3  }
0x92: {  	_ =	strace s18  }
0x93: {  	s3 =	sld [smem:$0x3FFC];
	_ =	sdelay $0x3  }
0x94: {  	_ =	strace s3  }
0x95: {  	s3 =	sld [smem:$0x3FFD];
	_ =	sdelay $0x3  }
0x96: {  	_ =	strace s3  }
0x97: {  	_ =	strace $0x8FFFFFFF  }
0x98: {  	s19 =	sld [smem:$0x3FDB];
	_ =	sdelay $0x1  }
0x99: {  	s4 =	simm.s32 $_scs_section_size  }
0x9a: {  	s5 =	simm.s32 $_size__tile_overlayer_lowered;
	s6 =	simm.s32 $_tile_overlayer_lowered  }
0x9b: {  	s22 =	simm.s32 $0x1BFF;
	s21 =	sshll.u32 s6, $0x1;
	s3 =	sadd.s32 s4, s19  }
0x9c: {  	s7 =	simm.s32 $0x0;
	s20 =	sshll.u32 s5, $0x1;
	s5 =	sadd.s32 s21, s3  }
0x9d: {  	[timem:s7], [sflag:s22] =	dma.local [hbm:s5], s20  }
0x9e: {  	_ =	swait.ge [sflag:s22], s20  }
0x9f: {  	s4 =	ssub.s32 $0x0, s20;
	[sflag:s22] =	ssyncset.done $0x0  }
0xa0: {  	[sflag:s22] =	ssyncadd.s32 s4;
	_ =	sdelay $0x1  }
0xa1: {  	s23 =	simm.s32 $0x1B8B  }
0xa2: {  	_ =	swait.ge [sflag:s23], $0x1  }
0xa3: {  	[sflag:s23] =	ssyncset.done $0x0  }
0xa4: {  	s25 =	simm.s32 $0x1B8E;
	s24 =	sld [smem:$0x3FFE];
	[sflag:s23] =	ssyncadd.s32 $0xFFFFFFFF  }
0xa5: {  	s26 =	simm.s32 $execute0_lowered;
	[smem:$0x3FD2] =	sst s25  }
0xa6: {  	s5 =	sshll.u32 s26, $0x1;
	_ =	strace $0x80000058;
	[dreg:$0x1] =	wrdreg $0xFFFFFFFF  }
0xa7: {  	s28 =	simm.s32 $_size_execute0_lowered;
	s3 =	sadd.s32 s3, s5;
	[dreg:$0x0] =	wrdreg $0x0  }
0xa8: {  	s5 =	sshll.u32 s28, $0x1;
	[dreg:$0x2] =	wrdreg s3  }
0xa9: {  	[dreg:$0x3] =	wrdreg s5  }
0xaa: {  	[dreg:$0x4] =	wrdreg $0xC0  }
0xab: {  	_ =	task [dreg:s7], $0x5FFFF  }
0xac: {  	[dreg:$0x1] =	wrdreg $0xFFFFFFFF  }
0xad: {  	[dreg:$0x0] =	wrdreg $0x60  }
0xae: {  	[dreg:$0x2] =	wrdreg s24  }
0xaf: {  	[dreg:$0x3] =	wrdreg s2  }
0xb0: {  	[dreg:$0x4] =	wrdreg $0x9  }
0xb1: {  	_ =	task.clear_ibuf [dreg:s7], $0x5FFFF;
	_ =	strace $0x90000058  }
0xb2: {  	s29 =	simm.s32 $0x9;
	_ =	strace $0x8000005A  }
0xb3: {  	_ =	swait.ge [sflag:s29], $0x1  }
0xb4: {  	[sflag:s29] =	ssyncadd.s32 $0xFFFFFFFF  }
0xb5: {  	_ =	strace $0x9000005A  }
0xb6: {  	_ =	sfence  }
0xb7: {  	s30 =	sld [smem:$0x0];
	_ =	sdelay $0x2  }
0xb8: {  	s31 =	sshll.u32 s1, $0xD;
	s1 =	sshrl.u32 s1, $0x2  }
0xb9: {  	s3 =	sand.u32 $0x4000, s31;
	s1 =	sadd.s32 s1, s30  }
0xba: {  	s0 =	sor.u32 s3, s0;
	s1 =	sshll.u32 s1, $0x11  }
0xbb: {  	s0 =	sor.u32 s1, s0  }
0xbc: {  	s0 =	sadd.s32 $0x8F2B, s0  }
0xbd: {  	[sflag:s0] =	ssyncadd.remote.s32 $0x1  }
0xbe: {  	_ =	sfence.sel $0xFFFF  }
0xbf: {  	[dreg:$0x0] =	wrdreg $0xFFFFFFFF;
	(pc) =	sbr.abs _section_cstart, $3  }
0xc0: {  	[dreg:$0x1] =	wrdreg $0xFFFFFFFF  }
0xc1: {  	_ =	task.clear_ibuf [dreg:s7], $0x2FFFF;
	_ =	strace $0x9FFFFFFF  }
0xc2: {  	(tm) =	ssettm $0x7FFFFFFF  }
0xc3: {  	_ =	shalt  }
tec
execute0_lowered:
.L_overlay_start_1:
0x0: {  	(tag) =	ssettag $0x1  }
0x1: {  	s1 =	srdreg.scid  }
0x2: {  	s0 =	stileid.u32;
	s5 =	rddreg [dreg:$0x0]  }
0x3: {  	s2 =	rddreg [dreg:$0x1];
	s3 =	simm.s32 $0x0;
	s12 =	simm.s32 $0x5000  }
0x4: {  	s13 =	simm.s32 $0xA000;
	s4 =	sand.u32 $0x1, s1;
	s31 =	sshll.u32 s0, $0x1  }
0x5: {  	s14 =	simm.s32 $0xB400;
	s15 =	simm.s32 $0xF800;
	s6 =	sor.u32 s4, s31  }
0x6: {  	s16 =	simm.s32 $0x0;
	s1 =	rddreg [dreg:$0x2];
	s7 =	smul.u32 $0xA00, s6  }
0x7: {  	[smem:$0x7FF] =	sst s3;
	s9 =	ssub.s32 $0x2, s4;
	s8 =	smul.u32 $0x280, s6  }
0x8: {  	_ =	strace $0x80000059;
	s6 =	smul.u32 $0x880, s6;
	s10 =	sshrl.u32 s9, $0x1  }
0x9: {  	s4 =	sadd.s32 $0x32000, s5;
	s10 =	ssub.s32 s9, s10;
	s7 =	sadd.s32 s7, s5  }
0xa: {  	s8 =	sadd.s32 s8, s5;
	s11 =	sadd.s32 s6, s5;
	s10 =	smax.u32 s10, $0x1  }
0xb: {  	v0 =	vlaneseq.u32;
	s5 =	sadd.s32 $0x19000, s7;
	s6 =	sadd.s32 $0x5000, s7;
	s7 =	sadd.s32 $0x2D000, s8  }
0xc: {  	v1 =	vor.u32 $0x10, v0;
	v2 =	vor.u32 $0x20, v0;
	v3 =	vor.u32 $0x30, v0;
	s8 =	sadd.s32 $0x43A00, s11;
	s9 =	sadd.s32 $0x32A00, s11;
	s11 =	simm.s32 $0x1  }
.LBB2_1:
0xd: {  	[tilespmem:s3], [sflag:$0x1] =	stream.linear.gather [hbm4b:s5+s3], $0x5000, $0x38;
	[tilespmem:$0x13C00] =	vst v63  }
0xe: {  	_ =	swait.ge [sflag:s11], $0x5000  }
0xf: {  	[sflag:s11] =	ssyncset.done $0x0  }
0x10: {  	[sflag:s11] =	ssyncadd.s32 $0xFFFFB000  }
0x11: {  	[tilespmem:s12], [sflag:$0x1] =	stream.linear.gather [hbm4b:s6+s3], $0x5000, $0x38;
	[tilespmem:$0x13C00] =	vst v63  }
0x12: {  	_ =	swait.ge [sflag:s11], $0x5000  }
0x13: {  	[sflag:s11] =	ssyncset.done $0x0  }
0x14: {  	[sflag:s11] =	ssyncadd.s32 $0xFFFFB000  }
0x15: {  	[tilespmem:s13], [sflag:$0x1] =	stream.linear.gather [hbm4b:s7+s3], $0x1400, $0x38;
	[tilespmem:$0x13C00] =	vst v63  }
0x16: {  	_ =	swait.ge [sflag:s11], $0x1400  }
0x17: {  	[sflag:s11] =	ssyncset.done $0x0  }
0x18: {  	[sflag:s11] =	ssyncadd.s32 $0xFFFFEC00  }
0x19: {  	[tilespmem:s14], [sflag:$0x1] =	stream.linear.gather [hbm4b:s2+s3], $0x4400, $0x38;
	[tilespmem:$0x13C00] =	vst v63  }
0x1a: {  	_ =	swait.ge [sflag:s11], $0x4400  }
0x1b: {  	s17 =	sand.u32 $0x7, s3;
	[sflag:s11] =	ssyncset.done $0x0  }
0x1c: {  	s17 =	smul.u32 $0x28, s17;
	[sflag:s11] =	ssyncadd.s32 $0xFFFFBC00  }
0x1d: {  	[tilespmem:s15], [sflag:$0x1] =	stream.linear.gather [hbm4b:s4+s3], $0x4400, $0x38;
	[tilespmem:$0x13C00] =	vst v63  }
0x1e: {  	s17 =	sadd.s32 $0x0, s17;
	_ =	swait.ge [sflag:s11], $0x4400  }
0x1f: {  	s17 =	sshll.u32 s17, $0x6;
	[sflag:s11] =	ssyncset.done $0x0  }
0x20: {  	s18 =	sshrl.u32 s17, $0x2;
	[sflag:s11] =	ssyncadd.s32 $0xFFFFBC00  }
0x21: {  	v4 =	vld [tilespmem:s18+$0xA000];
	_ =	sdelay $0x4  }
0x22: {  	v4 =	vshll.u32 v4, $0x6  }
0x23: {  	v5 =	vor.u32 v0, v4;
	_ =	sdelay $0x3  }
0x24: {  	v7 =	vld [tilespmem:s17+$0x0]  }
0x25: {  	v6 =	vld.idx.msk [tilespmem:v5+s15+$0x0], $0xffff;
	_ =	sdelay $0x4  }
0x26: {  	v6 =	vmax.f32 v6, v7  }
0x27: {  	[tilespmem:v5+s15+$0x0] =	vst.idx.msk $0xffff, v6  }
0x28: {  	v6 =	vld.idx.msk [tilespmem:v5+s14+$0x0], $0xffff  }
0x29: {  	v7 =	vld [tilespmem:s17+$0x5000];
	_ =	sdelay $0x2  }
0x2a: {  	v8 =	vor.u32 v1, v4;
	_ =	sdelay $0x1  }
0x2b: {  	v6 =	vadd.f32 v6, v7;
	_ =	sdelay $0x1  }
0x2c: {  	[tilespmem:v5+s14+$0x0] =	vst.idx.msk $0xffff, v6  }
0x2d: {  	v5 =	vld.idx.msk [tilespmem:v8+s15+$0x0], $0xffff  }
0x2e: {  	v6 =	vld [tilespmem:s17+$0x10];
	_ =	sdelay $0x4  }
0x2f: {  	v5 =	vmax.f32 v5, v6  }
0x30: {  	[tilespmem:v8+s15+$0x0] =	vst.idx.msk $0xffff, v5  }
0x31: {  	v5 =	vld.idx.msk [tilespmem:v8+s14+$0x0], $0xffff  }
0x32: {  	v6 =	vld [tilespmem:s17+$0x5010];
	_ =	sdelay $0x2  }
0x33: {  	v7 =	vor.u32 v2, v4;
	_ =	sdelay $0x1  }
0x34: {  	v5 =	vadd.f32 v5, v6;
	_ =	sdelay $0x1  }
0x35: {  	[tilespmem:v8+s14+$0x0] =	vst.idx.msk $0xffff, v5  }
0x36: {  	v5 =	vld.idx.msk [tilespmem:v7+s15+$0x0], $0xffff  }
0x37: {  	v6 =	vld [tilespmem:s17+$0x20];
	_ =	sdelay $0x4  }
0x38: {  	v5 =	vmax.f32 v5, v6  }
0x39: {  	[tilespmem:v7+s15+$0x0] =	vst.idx.msk $0xffff, v5  }
0x3a: {  	v5 =	vld.idx.msk [tilespmem:v7+s14+$0x0], $0xffff  }
0x3b: {  	v6 =	vld [tilespmem:s17+$0x5020];
	_ =	sdelay $0x2  }
0x3c: {  	v4 =	vor.u32 v3, v4;
	_ =	sdelay $0x1  }
0x3d: {  	v5 =	vadd.f32 v5, v6;
	_ =	sdelay $0x1  }
0x3e: {  	[tilespmem:v7+s14+$0x0] =	vst.idx.msk $0xffff, v5  }
0x3f: {  	v5 =	vld.idx.msk [tilespmem:v4+s15+$0x0], $0xffff  }
0x40: {  	v6 =	vld [tilespmem:s17+$0x30];
	_ =	sdelay $0x4  }
0x41: {  	v5 =	vmax.f32 v5, v6  }
0x42: {  	[tilespmem:v4+s15+$0x0] =	vst.idx.msk $0xffff, v5  }
0x43: {  	v5 =	vld.idx.msk [tilespmem:v4+s14+$0x0], $0xffff  }
0x44: {  	s30 =	simm.s32 $0x1;
	v6 =	vld [tilespmem:s17+$0x5030]  }
0x45: {  	s31 =	sand.u32 $0x7, s30  }
0x46: {  	s17 =	smul.u32 $0x28, s31;
	_ =	sdelay $0x1  }
0x47: {  	s17 =	sadd.s32 $0x0, s17  }
0x48: {  	s18 =	simm.s32 $0x2;
	s17 =	sshll.u32 s17, $0x6;
	v5 =	vadd.f32 v5, v6  }
.LBB2_2:
0x49: {  	p0 =	sne.s32 s18, $0x13F  }
0x4a: {  	s20 =	sshrl.u32 s17, $0x2;
	[tilespmem:v4+s14+$0x0] =	vst.idx.msk $0xffff, v5;
	s19 =	smov.u32 s18;
	s18 =	sadd.s32 $0x1, s18  }
0x4b: {  	v4 =	vld [tilespmem:s20+$0xA000];
	_ =	sdelay $0x4  }
0x4c: {  	v4 =	vshll.u32 v4, $0x6  }
0x4d: {  	v5 =	vor.u32 v0, v4;
	_ =	sdelay $0x4  }
0x4e: {  	v6 =	vld.idx.msk [tilespmem:v5+s15+$0x0], $0xffff  }
0x4f: {  	v7 =	vld [tilespmem:s17+$0x0];
	_ =	sdelay $0x4  }
0x50: {  	v6 =	vmax.f32 v6, v7  }
0x51: {  	[tilespmem:v5+s15+$0x0] =	vst.idx.msk $0xffff, v6  }
0x52: {  	v6 =	vld.idx.msk [tilespmem:v5+s14+$0x0], $0xffff  }
0x53: {  	v7 =	vld [tilespmem:s17+$0x5000];
	_ =	sdelay $0x2  }
0x54: {  	v8 =	vor.u32 v1, v4;
	_ =	sdelay $0x1  }
0x55: {  	v6 =	vadd.f32 v6, v7;
	_ =	sdelay $0x1  }
0x56: {  	[tilespmem:v5+s14+$0x0] =	vst.idx.msk $0xffff, v6  }
0x57: {  	v5 =	vld.idx.msk [tilespmem:v8+s15+$0x0], $0xffff  }
0x58: {  	v6 =	vld [tilespmem:s17+$0x10];
	_ =	sdelay $0x4  }
0x59: {  	v5 =	vmax.f32 v5, v6  }
0x5a: {  	[tilespmem:v8+s15+$0x0] =	vst.idx.msk $0xffff, v5  }
0x5b: {  	v5 =	vld.idx.msk [tilespmem:v8+s14+$0x0], $0xffff  }
0x5c: {  	v6 =	vld [tilespmem:s17+$0x5010];
	_ =	sdelay $0x2  }
0x5d: {  	v7 =	vor.u32 v2, v4;
	_ =	sdelay $0x1  }
0x5e: {  	v5 =	vadd.f32 v5, v6;
	_ =	sdelay $0x1  }
0x5f: {  	[tilespmem:v8+s14+$0x0] =	vst.idx.msk $0xffff, v5  }
0x60: {  	v5 =	vld.idx.msk [tilespmem:v7+s15+$0x0], $0xffff  }
0x61: {  	v6 =	vld [tilespmem:s17+$0x20];
	_ =	sdelay $0x4  }
0x62: {  	v5 =	vmax.f32 v5, v6  }
0x63: {  	[tilespmem:v7+s15+$0x0] =	vst.idx.msk $0xffff, v5  }
0x64: {  	v5 =	vld.idx.msk [tilespmem:v7+s14+$0x0], $0xffff  }
0x65: {  	v6 =	vld [tilespmem:s17+$0x5020];
	_ =	sdelay $0x2  }
0x66: {  	v4 =	vor.u32 v3, v4;
	_ =	sdelay $0x1  }
0x67: {  	v5 =	vadd.f32 v5, v6;
	_ =	sdelay $0x1  }
0x68: {  	[tilespmem:v7+s14+$0x0] =	vst.idx.msk $0xffff, v5  }
0x69: {  	v5 =	vld.idx.msk [tilespmem:v4+s15+$0x0], $0xffff  }
0x6a: {  	v6 =	vld [tilespmem:s17+$0x30];
	_ =	sdelay $0x4  }
0x6b: {  	v5 =	vmax.f32 v5, v6  }
0x6c: {  	[tilespmem:v4+s15+$0x0] =	vst.idx.msk $0xffff, v5  }
0x6d: {  	v5 =	vld.idx.msk [tilespmem:v4+s14+$0x0], $0xffff  }
0x6e: {  	v6 =	vld [tilespmem:s17+$0x5030];
	_ =	sdelay $0x1  }
.Ltmp0:
0x6f: {  	s17 =	sand.u32 $0x7, s19;
	(pc) =	sbr.rel @p0 .LBB2_2-.Ltmp0, $4  }
0x70: {  	s17 =	smul.u32 $0x28, s17  }
0x71: {  	s19 =	sshrl.u32 s19, $0x3  }
0x72: {  	s17 =	sadd.s32 s19, s17;
	v5 =	vadd.f32 v5, v6  }
0x73: {  	s17 =	sshll.u32 s17, $0x6  }
0x74: {  	_ =	sdelay $0x3  }
0x75: {  	s18 =	sshrl.u32 s17, $0x2;
	[tilespmem:v4+s14+$0x0] =	vst.idx.msk $0xffff, v5  }
0x76: {  	v4 =	vld [tilespmem:s18+$0xA000];
	_ =	sdelay $0x4  }
0x77: {  	v4 =	vshll.u32 v4, $0x6  }
0x78: {  	v5 =	vor.u32 v0, v4;
	_ =	sdelay $0x3  }
0x79: {  	v7 =	vld [tilespmem:s17+$0x0]  }
0x7a: {  	v6 =	vld.idx.msk [tilespmem:v5+s15+$0x0], $0xffff;
	_ =	sdelay $0x4  }
0x7b: {  	v6 =	vmax.f32 v6, v7  }
0x7c: {  	[tilespmem:v5+s15+$0x0] =	vst.idx.msk $0xffff, v6  }
0x7d: {  	v6 =	vld.idx.msk [tilespmem:v5+s14+$0x0], $0xffff  }
0x7e: {  	v57 =	vld [tilespmem:s17+$0x5000];
	_ =	sdelay $0x2  }
0x7f: {  	v8 =	vor.u32 v1, v4;
	_ =	sdelay $0x1  }
0x80: {  	v6 =	vadd.f32 v6, v57;
	_ =	sdelay $0x1  }
0x81: {  	[tilespmem:v5+s14+$0x0] =	vst.idx.msk $0xffff, v6  }
0x82: {  	v5 =	vld.idx.msk [tilespmem:v8+s15+$0x0], $0xffff  }
0x83: {  	v6 =	vld [tilespmem:s17+$0x10];
	_ =	sdelay $0x4  }
0x84: {  	v5 =	vmax.f32 v5, v6  }
0x85: {  	[tilespmem:v8+s15+$0x0] =	vst.idx.msk $0xffff, v5  }
0x86: {  	v5 =	vld.idx.msk [tilespmem:v8+s14+$0x0], $0xffff  }
0x87: {  	v58 =	vld [tilespmem:s17+$0x5010];
	_ =	sdelay $0x2  }
0x88: {  	v59 =	vor.u32 v2, v4;
	_ =	sdelay $0x1  }
0x89: {  	v5 =	vadd.f32 v5, v58;
	_ =	sdelay $0x1  }
0x8a: {  	[tilespmem:v8+s14+$0x0] =	vst.idx.msk $0xffff, v5  }
0x8b: {  	v5 =	vld.idx.msk [tilespmem:v59+s15+$0x0], $0xffff  }
0x8c: {  	v60 =	vld [tilespmem:s17+$0x20];
	_ =	sdelay $0x4  }
0x8d: {  	v5 =	vmax.f32 v5, v60  }
0x8e: {  	[tilespmem:v59+s15+$0x0] =	vst.idx.msk $0xffff, v5  }
0x8f: {  	v5 =	vld.idx.msk [tilespmem:v59+s14+$0x0], $0xffff  }
0x90: {  	v61 =	vld [tilespmem:s17+$0x5020];
	_ =	sdelay $0x2  }
0x91: {  	v4 =	vor.u32 v3, v4;
	_ =	sdelay $0x1  }
0x92: {  	v5 =	vadd.f32 v5, v61;
	_ =	sdelay $0x1  }
0x93: {  	[tilespmem:v59+s14+$0x0] =	vst.idx.msk $0xffff, v5  }
0x94: {  	v5 =	vld.idx.msk [tilespmem:v4+s15+$0x0], $0xffff  }
0x95: {  	v62 =	vld [tilespmem:s17+$0x30];
	_ =	sdelay $0x4  }
0x96: {  	v5 =	vmax.f32 v5, v62  }
0x97: {  	[tilespmem:v4+s15+$0x0] =	vst.idx.msk $0xffff, v5  }
0x98: {  	v5 =	vld.idx.msk [tilespmem:v4+s14+$0x0], $0xffff  }
0x99: {  	v63 =	vld [tilespmem:s17+$0x5030];
	_ =	sdelay $0x4  }
0x9a: {  	v5 =	vadd.f32 v5, v63;
	_ =	sdelay $0x1  }
0x9b: {  	[tilespmem:v4+s14+$0x0] =	vst.idx.msk $0xffff, v5  }
0x9c: {  	[hbm4b:s8+s3] =	stream.linear.scatter [tilespmem:s14], [sflag:$0x1], $0x4400, $0x38;
	[tilespmem:$0x13C00] =	vst v63  }
0x9d: {  	s16 =	sadd.s32 $0x1, s16;
	_ =	swait.ge [sflag:s11], $0x4400  }
0x9e: {  	p0 =	sne.s32 s16, s10;
	[sflag:s11] =	ssyncset.done $0x0  }
.Ltmp1:
0x9f: {  	[sflag:s11] =	ssyncadd.s32 $0xFFFFBC00;
	(pc) =	sbr.rel @p0 .LBB2_1-.Ltmp1, $4  }
0xa0: {  	[hbm4b:s9+s3] =	stream.linear.scatter [tilespmem:s15], [sflag:$0x1], $0x4400, $0x38;
	[tilespmem:$0x13C00] =	vst v63  }
0xa1: {  	_ =	swait.ge [sflag:s11], $0x4400  }
0xa2: {  	[sflag:s11] =	ssyncset.done $0x0  }
0xa3: {  	[sflag:s11] =	ssyncadd.s32 $0xFFFFBC00  }
0xa4: {  	_ =	sfence.sel $0x180000  }
0xa5: {  	[bflag:$0x0] =	sbarrier.arrive $0xFFFF  }
0xa6: {  	p0 =	sne.s32 s0, $0x0;
	_ =	strace $0x90000059  }
0xa7: {  	s0 =	sadd.s32 @!p0 $0x100000, s1;
	[bflag:$0x2] =	sbarrier.arrive $0xFFFF  }
0xa8: {  	[sflag:s0] =	ssyncadd.tile.s32 @!p0 $0x1;
	_ =	shalt  }
.Lfunc_end2:
_tile_overlayer_lowered:
.L_overlay_start_2:
0xa9: {  	(tag) =	ssettag $0x2  }
0xaa: {  	s0 =	rddreg [dreg:$0x0];
	s2 =	stileid.u32  }
0xab: {  	s1 =	rddreg [dreg:$0x1];
	p0 =	sne.s32 s2, $0x0  }
0xac: {  	s3 =	rddreg [dreg:$0x2];
	[bflag:$0x3] =	sbarrier.arrive $0xFFFF;
	s2 =	simm.s32 @!p0 $0x1C01  }
0xad: {  	[timem:s3], [sflag:s2] =	dma.local @!p0 [hbm:s0], s1  }
0xae: {  	s0 =	simm.s32 @!p0 $0x1  }
0xaf: {  	_ =	swait.ge @!p0 [sflag:s0], s1  }
0xb0: {  	s1 =	ssub.s32 @!p0 $0x0, s1;
	[sflag:s0] =	ssyncset.done @!p0 $0x0  }
0xb1: {  	[sflag:s0] =	ssyncadd.s32 @!p0 s1  }
0xb2: {  	[bflag:$0x3] =	sbarrier.arrive $0xFFFF  }
0xb3: {  	_ =	shalt  }

</sc_bundles>
